<compile_context>
chip_gen: v7x
topology: tpu7x:2x2x1
jax: 0.10.2.dev20260603
libtpu: 0.0.44.dev20260713+nightly
codegen_flags: <defaults>
</compile_context>

<pallas_src>
import functools
import math

import jax
import jax.numpy as jnp
from jax import lax
from jax.experimental import pallas as pl
from jax.experimental.pallas import tpu as pltpu
from jax.experimental.pallas import tpu_sc as plsc

H = 4
N = 1024
E = 2048
L = 8192
DN = 128
DE = 16

NT = 16
EN_T = E // NT
LN_T = L // NT
NROW_T = N // NT
EROW_T = E // NT
CH = 128

f32 = jnp.float32
i32 = jnp.int32



def _mlp_body(xn, xe,
              wnk1, bnk1, wnk2, bnk2, wnv1, bnv1, wnv2, bnv2,
              wek1, bek1, wek2, bek2, wev1, bev1, wev2, bev2,
              na_out, nv_out, ea_out, ev_out):
    def dot(a, b):
        return lax.dot_general(a, b, (((1,), (1,)), ((), ())),
                               preferred_element_type=f32)

    def relu(v):
        return jnp.maximum(v, 0.0)

    x_n = xn[...]
    x_e = xe[...]
    nk = relu(dot(relu(dot(x_n, wnk1[...]) + bnk1[...]), wnk2[...]) + bnk2[...])
    ek = relu(dot(relu(dot(x_e, wek1[...]) + bek1[...]), wek2[...]) + bek2[...])
    nv_out[...] = relu(dot(relu(dot(x_n, wnv1[...]) + bnv1[...]), wnv2[...]) + bnv2[...])
    ev_out[...] = relu(dot(relu(dot(x_e, wev1[...]) + bev1[...]), wev2[...]) + bev2[...])

    inv_sn = 1.0 / math.sqrt(DN)
    inv_se = 1.0 / math.sqrt(DE)
    bn = N // H
    be = E // H
    for h in range(H):
        blk = nk[h * bn:(h + 1) * bn, :] * inv_sn
        p = jnp.exp(blk - jnp.max(blk))
        na_out[h * bn:(h + 1) * bn, :] = p / jnp.sum(p)
        blk = ek[h * be:(h + 1) * be, :] * inv_se
        p = jnp.exp(blk - jnp.max(blk))
        ea_out[h * be:(h + 1) * be, :] = p / jnp.sum(p)


def _mlp_call(xn, xe, *weights):
    return pl.pallas_call(
        _mlp_body,
        out_shape=(
            jax.ShapeDtypeStruct((N, H), f32),
            jax.ShapeDtypeStruct((N, H * DN), f32),
            jax.ShapeDtypeStruct((E, H), f32),
            jax.ShapeDtypeStruct((E, H * DE), f32),
        ),
    )(xn, xe, *weights)



_GATHER_DNUMS = lax.GatherDimensionNumbers(
    offset_dims=(), collapsed_slice_dims=(0,), start_index_map=(0,))


def _splat(vec16, j):
    idx = jnp.full((16, 1), j, i32)
    return lax.gather(vec16, idx, _GATHER_DNUMS, slice_sizes=(1,),
                      mode=lax.GatherScatterMode.PROMISE_IN_BOUNDS)


def _win_body(gs, gd, ls, ld, tn_out, te_out, keyb, idb, ab, bb, lsb, ldb,
              kb2, ib2, sem):
    cid = lax.axis_index("c")
    sid = lax.axis_index("s")

    wid = cid * NT + sid
    lw = L // NT
    base = wid * lw
    cp1 = pltpu.async_copy(ls.at[pl.ds(base, lw)], lsb, sem)
    cp2 = pltpu.async_copy(ld.at[pl.ds(base, lw)], ldb, sem)
    cp1.wait(); cp2.wait()

    def body(j, _):
        off = j * 16
        c = j // (CH // 16)
        loff = off - c * CH
        kb2[c, pl.ds(loff, 16)] = (lsb[pl.ds(off, 16)] * E
                                   + ldb[pl.ds(off, 16)])
        ib2[c, pl.ds(loff, 16)] = lax.iota(i32, 16) + (base + off)
        return 0
    lax.fori_loop(0, lw // 16, body, 0)
    scs = [pltpu.async_copy(ib2.at[c], te_out.at[kb2.at[c]], sem)
           for c in range(lw // CH)]

    @pl.when(cid == 0)
    def _():
        gb = sid * EN_T
        pltpu.sync_copy(gs.at[pl.ds(gb, CH)], ab)
        pltpu.sync_copy(gd.at[pl.ds(gb, CH)], bb)

        def gbody(j, _):
            off = j * 16
            keyb[pl.ds(off, 16)] = ab[pl.ds(off, 16)] * N + bb[pl.ds(off, 16)]
            idb[pl.ds(off, 16)] = lax.iota(i32, 16) + (gb + off)
            return 0
        lax.fori_loop(0, CH // 16, gbody, 0)
        pltpu.sync_copy(idb, tn_out.at[keyb])

    for d in scs:
        d.wait()


def _win_call(gs, gd, ls, ld):
    mesh = plsc.VectorSubcoreMesh(core_axis_name="c", subcore_axis_name="s",
                                  num_cores=1)
    fn = pl.kernel(
        _win_body,
        out_type=(
            jax.ShapeDtypeStruct((N * N,), i32),
            jax.ShapeDtypeStruct((E * E,), i32),
        ),
        mesh=mesh,
        scratch_types=[
            pltpu.VMEM((CH,), i32),
            pltpu.VMEM((CH,), i32),
            pltpu.VMEM((CH,), i32),
            pltpu.VMEM((CH,), i32),
            pltpu.VMEM((L // NT,), i32),
            pltpu.VMEM((L // NT,), i32),
            pltpu.VMEM((L // NT // CH, CH), i32),
            pltpu.VMEM((L // NT // CH, CH), i32),
            pltpu.SemaphoreType.DMA,
        ],
    )
    return fn(gs, gd, ls, ld)


def _agg_body(gs, gd, ls, ld, tn, te, naf, eaf, nv2, ev2,
              node_out, edge_out,
              s_node, s_edge,
              mbuf, bigbuf,
              srcb, dstb, keyb, idb, winb, wb, eab,
              idx4, sidx,
              lsb, ldb, keyb4, winb4, idx44, sidx4,
              navb, nafb, gdb, outb, sem):
    cid = lax.axis_index("c")
    sid = lax.axis_index("s")

    def zero_mbuf(nrows):
        def zrow(r, _):
            for k in range(128 // 16):
                mbuf[r, pl.ds(k * 16, 16)] = jnp.zeros((16,), f32)
            return 0
        lax.fori_loop(0, nrows, zrow, 0)

    @pl.when(cid == 0)
    def _():
        zero_mbuf(NROW_T)
        pltpu.sync_copy(mbuf.at[pl.ds(0, NROW_T)],
                        s_node.at[pl.ds(sid * NROW_T, NROW_T)])

        base = sid * EN_T
        pltpu.sync_copy(gs.at[pl.ds(base, EN_T)], srcb)
        pltpu.sync_copy(gd.at[pl.ds(base, EN_T)], dstb)
        for h in range(H):
            pltpu.sync_copy(eaf.at[pl.ds(h * E + base, EN_T)],
                            eab.at[pl.ds(h * EN_T, EN_T)])

        def kf(j, _):
            off = j * 16
            keyb[pl.ds(off, 16)] = (srcb[pl.ds(off, 16)] * N
                                    + dstb[pl.ds(off, 16)])
            return 0
        lax.fori_loop(0, EN_T // 16, kf, 0)
        plsc.subcore_barrier()
        pltpu.sync_copy(tn.at[keyb], winb)

        def wrow(j, _):
            off = j * 16
            ids = lax.iota(i32, 16) + (base + off)
            kept = jnp.where(winb[pl.ds(off, 16)] == ids, 1.0, 0.0).astype(f32)
            for h in range(H):
                wb[pl.ds(h * EN_T + off, 16)] = eab[pl.ds(h * EN_T + off, 16)] * kept
            return 0
        lax.fori_loop(0, EN_T // 16, wrow, 0)

        def sf(j, _):
            off = j * 16
            d16 = dstb[pl.ds(off, 16)]
            for h in range(H):
                idx4[h, pl.ds(off, 16)] = d16 + h * N
            return 0
        lax.fori_loop(0, EN_T // 16, sf, 0)
        for r in range(2):
            cps = [pltpu.async_copy(nv2.at[idx4.at[2 * r + t]],
                                    bigbuf.at[pl.ds(t * EN_T, EN_T)], sem)
                   for t in range(2)]
            for c in cps:
                c.wait()

            def msg(j, _):
                jhi = (j // 16) * 16
                jlo = j - jhi
                ws = [_splat(wb[pl.ds((2 * r + t) * EN_T + jhi, 16)], jlo)
                      for t in range(2)]
                for k in range(DN // 16):
                    acc = (ws[0] * bigbuf[j, pl.ds(k * 16, 16)]
                           + ws[1] * bigbuf[EN_T + j, pl.ds(k * 16, 16)])
                    if r:
                        acc = acc + mbuf[j, pl.ds(k * 16, 16)]
                    mbuf[j, pl.ds(k * 16, 16)] = acc
                return 0
            lax.fori_loop(0, EN_T, msg, 0, unroll=4)

        def cpidx(j, _):
            off = j * 16
            sidx[pl.ds(off, 16)] = srcb[pl.ds(off, 16)]
            return 0
        lax.fori_loop(0, EN_T // 16, cpidx, 0)
        pltpu.sync_copy(mbuf, s_node.at[sidx], add=True)

        plsc.subcore_barrier()
        pltpu.sync_copy(s_node.at[pl.ds(sid * NROW_T, NROW_T)],
                        node_out.at[pl.ds(sid * NROW_T, NROW_T)])

    @pl.when(cid == 1)
    def _():
        zero_mbuf(EROW_T)
        pltpu.sync_copy(mbuf, s_edge.at[pl.ds(sid * EROW_T, EROW_T)])

        base = sid * LN_T
        pltpu.sync_copy(ls.at[pl.ds(base, LN_T)], lsb)
        pltpu.sync_copy(ld.at[pl.ds(base, LN_T)], ldb)
        pltpu.sync_copy(naf, nafb)
        plsc.subcore_barrier()

        NC_ = LN_T // CH
        def kf(j, _):
            off = j * 16
            c = j // (CH // 16)
            loff = off - c * CH
            keyb4[c, pl.ds(loff, 16)] = (lsb[pl.ds(off, 16)] * E
                                         + ldb[pl.ds(off, 16)])
            sidx4[c, pl.ds(loff, 16)] = lsb[pl.ds(off, 16)]
            return 0
        lax.fori_loop(0, LN_T // 16, kf, 0)
        cps = [pltpu.async_copy(te.at[keyb4.at[c]], winb4.at[c], sem)
               for c in range(NC_)]
        for c in cps:
            c.wait()

        def sf(j, _):
            off = j * 16
            c = j // (CH // 16)
            loff = off - c * CH
            ids = lax.iota(i32, 16) + (base + off)
            idx44[c, pl.ds(loff, 16)] = jnp.where(
                winb4[c, pl.ds(loff, 16)] == ids,
                ldb[pl.ds(off, 16)],
                jnp.full((16,), E, i32))
            return 0
        lax.fori_loop(0, LN_T // 16, sf, 0)
        for r in range(NC_ // 2):
            cps = [pltpu.async_copy(ev2.at[idx44.at[2 * r + t]],
                                    bigbuf.at[pl.ds(t * CH, CH)], sem)
                   for t in range(2)]
            for c in cps:
                c.wait()
            cps = [pltpu.async_copy(bigbuf.at[pl.ds(t * CH, CH)],
                                    s_edge.at[sidx4.at[2 * r + t]], sem,
                                    add=True)
                   for t in range(2)]
            for c in cps:
                c.wait()

        plsc.subcore_barrier()

        rbase = sid * EROW_T
        pltpu.sync_copy(s_edge.at[pl.ds(rbase, EROW_T)],
                        bigbuf.at[pl.ds(CH, EROW_T)])
        pltpu.sync_copy(gd.at[pl.ds(rbase, EROW_T)], gdb)
        def shift(j2, _):
            g16 = gdb[pl.ds(j2 * 16, 16)]
            for h in range(H):
                navb[pl.ds(h * EROW_T + j2 * 16, 16)] = plsc.load_gather(
                    nafb, [g16 + h * N])
            return 0
        lax.fori_loop(0, EROW_T // 16, shift, 0)

        def orow(i, _):
            ihi = (i // 16) * 16
            ilo = i - ihi
            acc = jnp.zeros((16,), f32)
            for h in range(H):
                nas = _splat(navb[pl.ds(h * EROW_T + ihi, 16)], ilo)
                acc = acc + nas * bigbuf[CH + i, pl.ds(h * DE, 16)]
            outb[i, :] = acc
            return 0
        lax.fori_loop(0, EROW_T, orow, 0, unroll=4)
        pltpu.sync_copy(outb, edge_out.at[pl.ds(rbase, EROW_T)])


def _agg_scratch():
    return [
            pltpu.VMEM_SHARED((N, DN), f32),
            pltpu.VMEM_SHARED((E, 128), f32),
            pltpu.VMEM((128, 128), f32),
            pltpu.VMEM((2 * CH, 128), f32),
            pltpu.VMEM((EN_T,), i32),
            pltpu.VMEM((EN_T,), i32),
            pltpu.VMEM((CH,), i32),
            pltpu.VMEM((CH,), i32),
            pltpu.VMEM((CH,), i32),
            pltpu.VMEM((H * EN_T,), f32),
            pltpu.VMEM((H * EN_T,), f32),
            pltpu.VMEM((H, CH), i32),
            pltpu.VMEM((CH,), i32),
            pltpu.VMEM((LN_T,), i32),
            pltpu.VMEM((LN_T,), i32),
            pltpu.VMEM((LN_T // CH, CH), i32),
            pltpu.VMEM((LN_T // CH, CH), i32),
            pltpu.VMEM((LN_T // CH, CH), i32),
            pltpu.VMEM((LN_T // CH, CH), i32),
            pltpu.VMEM((H * EROW_T,), f32),
            pltpu.VMEM((H * N,), f32),
            pltpu.VMEM((EROW_T,), i32),
            pltpu.VMEM((EROW_T, DE), f32),
            pltpu.SemaphoreType.DMA,
        ]


def _agg_call(gs, gd, ls, ld, tn, te, naf, eaf, nv2, ev2):
    mesh = plsc.VectorSubcoreMesh(core_axis_name="c", subcore_axis_name="s")
    fn = pl.kernel(
        _agg_body,
        out_type=(
            jax.ShapeDtypeStruct((N, DN), f32),
            jax.ShapeDtypeStruct((E, DE), f32),
        ),
        mesh=mesh,
        scratch_types=_agg_scratch(),
        compiler_params=pltpu.CompilerParams(needs_layout_passes=False),
    )
    return fn(gs, gd, ls, ld, tn, te, naf, eaf, nv2, ev2)



def kernel(node_inputs, edge_inputs, g_edge_index, lg_edge_index,
           Wnk1, bnk1, Wnk2, bnk2, Wnv1, bnv1, Wnv2, bnv2,
           Wek1, bek1, Wek2, bek2, Wev1, bev1, Wev2, bev2):
    weights = [Wnk1, bnk1.reshape(1, -1), Wnk2, bnk2.reshape(1, -1),
               Wnv1, bnv1.reshape(1, -1), Wnv2, bnv2.reshape(1, -1),
               Wek1, bek1.reshape(1, -1), Wek2, bek2.reshape(1, -1),
               Wev1, bev1.reshape(1, -1), Wev2, bev2.reshape(1, -1)]
    na2d, nv, ea2d, ev = _mlp_call(node_inputs, edge_inputs, *weights)

    gs = g_edge_index[0].astype(i32)
    gd = g_edge_index[1].astype(i32)
    ls = lg_edge_index[0].astype(i32)
    ld = lg_edge_index[1].astype(i32)

    ev2 = ev.reshape(H * E, DE)
    evcat = jnp.concatenate(
        [ev2[h * E:(h + 1) * E] for h in range(H)]
        + [jnp.zeros((E, 128 - H * DE), f32)], axis=1)
    evcat = jnp.concatenate([evcat, jnp.zeros((8, 128), f32)], axis=0)
    tn, te = _win_call(gs, gd, ls, ld)
    node_out, edge_out = _agg_call(
        gs, gd, ls, ld, tn, te,
        na2d.reshape(-1), ea2d.reshape(-1),
        nv.reshape(H * N, DN), evcat)
    return node_out, edge_out

# --- scband reference (transcript-rebuilt; emitter-appended) ---
"""Pipeline reference for scband-mutual-multi-attention-head-90357521973746 (READ-ONLY COPY).

The authoritative reference and input builder live on the scoring server;
editing this copy changes nothing except your own understanding.
"""

import math
import jax, jax.numpy as jnp
import numpy as np

H = 4
N = 1024
E = 2048
L = 8192
DN = 128
DE = 16
PF = 4


def _lin_relu(x, W, b):
    return jax.nn.relu(x @ W.T + b)


def setup_inputs(seed: int = 0) -> dict:
    key = jax.random.key(seed)
    ks = jax.random.split(key, 24)
    inp = {}
    inp["node_inputs"] = jax.random.normal(ks[0], (N, DN), dtype=jnp.float32)
    inp["edge_inputs"] = jax.random.normal(ks[1], (E, DE), dtype=jnp.float32)
    inp["g_edge_index"] = jax.random.randint(ks[2], (2, E), 0, N, dtype=jnp.int64 if jax.config.jax_enable_x64 else jnp.int32)
    inp["lg_edge_index"] = jax.random.randint(ks[3], (2, L), 0, E, dtype=jnp.int64 if jax.config.jax_enable_x64 else jnp.int32)
    s = 0.02
    # node key MLP: DN -> H*PF -> H
    inp["Wnk1"] = jax.random.normal(ks[4], (H * PF, DN)) * s
    inp["bnk1"] = jnp.zeros((H * PF,), jnp.float32)
    inp["Wnk2"] = jax.random.normal(ks[5], (H, H * PF)) * s
    inp["bnk2"] = jnp.zeros((H,), jnp.float32)
    # node value MLP: DN -> H*DN*PF -> H*DN
    inp["Wnv1"] = jax.random.normal(ks[6], (H * DN * PF, DN)) * s
    inp["bnv1"] = jnp.zeros((H * DN * PF,), jnp.float32)
    inp["Wnv2"] = jax.random.normal(ks[7], (H * DN, H * DN * PF)) * s
    inp["bnv2"] = jnp.zeros((H * DN,), jnp.float32)
    # edge key MLP: DE -> H*PF -> H
    inp["Wek1"] = jax.random.normal(ks[8], (H * PF, DE)) * s
    inp["bek1"] = jnp.zeros((H * PF,), jnp.float32)
    inp["Wek2"] = jax.random.normal(ks[9], (H, H * PF)) * s
    inp["bek2"] = jnp.zeros((H,), jnp.float32)
    # edge value MLP: DE -> H*DE*PF -> H*DE
    inp["Wev1"] = jax.random.normal(ks[10], (H * DE * PF, DE)) * s
    inp["bev1"] = jnp.zeros((H * DE * PF,), jnp.float32)
    inp["Wev2"] = jax.random.normal(ks[11], (H * DE, H * DE * PF)) * s
    inp["bev2"] = jnp.zeros((H * DE,), jnp.float32)
    return inp


def reference(node_inputs, edge_inputs, g_edge_index, lg_edge_index,
              Wnk1, bnk1, Wnk2, bnk2, Wnv1, bnv1, Wnv2, bnv2,
              Wek1, bek1, Wek2, bek2, Wev1, bev1, Wev2, bev2):
    # projections (two-layer relu MLPs, faithful to LinearLayer)
    node_key = _lin_relu(_lin_relu(node_inputs, Wnk1, bnk1), Wnk2, bnk2)  # [N, H]
    node_key = node_key.reshape(H, -1, 1)  # torch .view(H, -1, 1)
    node_value = _lin_relu(_lin_relu(node_inputs, Wnv1, bnv1), Wnv2, bnv2)  # [N, H*DN]
    node_value = node_value.reshape(H, -1, DN)
    edge_key = _lin_relu(_lin_relu(edge_inputs, Wek1, bek1), Wek2, bek2)  # [E, H]
    edge_key = edge_key.reshape(H, -1, 1)
    edge_value = _lin_relu(_lin_relu(edge_inputs, Wev1, bev1), Wev2, bev2)  # [E, H*DE]
    edge_value = edge_value.reshape(H, -1, DE)
    # self attention: softmax over node/edge axis
    node_self_attention = jax.nn.softmax(node_key / math.sqrt(DN), axis=1)  # [H, N, 1]
    edge_self_attention = jax.nn.softmax(edge_key / math.sqrt(DE), axis=1)  # [H, E, 1]
    g_src = g_edge_index[0]
    g_dst = g_edge_index[1]
    lg_src = lg_edge_index[0]
    lg_dst = lg_edge_index[1]
    # node attention projection: scatter edge scores into dense [H, N, N]
    node_proj = jnp.zeros((H, N, N), jnp.float32).at[:, g_src, g_dst].set(edge_self_attention[:, :, 0])
    # edge attention projection: scatter node scores (via connecting g node) into dense [H, E, E]
    conn = g_dst[lg_src]
    edge_proj = jnp.zeros((H, E, E), jnp.float32).at[:, lg_src, lg_dst].set(node_self_attention[:, conn, 0])
    # message passing (aggregation 'sum'): dense attn matmul with values
    node_mp = node_proj @ node_value  # [H, N, DN]
    edge_mp = edge_proj @ edge_value  # [H, E, DE]
    # dropout is identity at eval; head pooling 'sum'
    node_out = node_mp.sum(axis=-3)  # [N, DN]
    edge_out = edge_mp.sum(axis=-3)  # [E, DE]
    return (node_out, edge_out)

if __name__ == "__main__":
    import jax
    _d = setup_inputs()
    print(jax.jit(kernel)(*tuple(_d.values())))

</pallas_src>

<mosaic_0001>
#map = affine_map<(d0, d1) -> (0)>
module attributes {stable_mosaic.version = 14 : i64} {
  func.func @_win_body(%arg0: i32, %arg1: i32, %arg2: memref<2048xi32, #tpu.memory_space<hbm>>, %arg3: memref<2048xi32, #tpu.memory_space<hbm>>, %arg4: memref<8192xi32, #tpu.memory_space<hbm>>, %arg5: memref<8192xi32, #tpu.memory_space<hbm>>, %arg6: memref<1048576xi32, #tpu.memory_space<hbm>>, %arg7: memref<4194304xi32, #tpu.memory_space<hbm>>, %arg8: memref<128xi32, #tpu.memory_space<vmem>>, %arg9: memref<128xi32, #tpu.memory_space<vmem>>, %arg10: memref<128xi32, #tpu.memory_space<vmem>>, %arg11: memref<128xi32, #tpu.memory_space<vmem>>, %arg12: memref<512xi32, #tpu.memory_space<vmem>>, %arg13: memref<512xi32, #tpu.memory_space<vmem>>, %arg14: memref<4x128xi32, #tpu.memory_space<vmem>>, %arg15: memref<4x128xi32, #tpu.memory_space<vmem>>, %arg16: memref<!tpu.dma_semaphore, #tpu.memory_space<semaphore_mem>>) attributes {dimension_semantics = [#tpu.dimension_semantics<core_parallel>, #tpu.dimension_semantics<subcore_parallel>], iteration_bounds = array<i64: 1, 16>, scalar_prefetch = 0 : i64, scratch_operands = 9 : i64, tpu.core_type = #tpu.core_type<sc_vector_subcore>, window_params = [{transform_indices = #map}, {transform_indices = #map}, {transform_indices = #map}, {transform_indices = #map}, {transform_indices = #map}, {transform_indices = #map}]} {
    %mul3A = arith.constant 16 : i32
    %mul3A_0 = arith.muli %arg0, %mul3A : i32
    %add3A = arith.addi %mul3A_0, %arg1 : i32
    %mul3A_1 = arith.constant 512 : i32
    %mul3A_2 = arith.muli %add3A, %mul3A_1 : i32
    %dma_start3A = tpu.memref_slice %arg4[%mul3A_2] : memref<8192xi32, #tpu.memory_space<hbm>> -> memref<512xi32, #tpu.memory_space<hbm>>
    %dma_start3A_3 = tpu.memref_slice %arg4[%mul3A_2] : memref<8192xi32, #tpu.memory_space<hbm>> -> memref<512xi32, #tpu.memory_space<hbm>>
    tpu.enqueue_dma source(%dma_start3A_3 : memref<512xi32, #tpu.memory_space<hbm>>) target(%arg12 : memref<512xi32, #tpu.memory_space<vmem>>) target_semaphore(%arg16 : memref<!tpu.dma_semaphore, #tpu.memory_space<semaphore_mem>>)
    %dma_start3A_4 = tpu.memref_slice %arg5[%mul3A_2] : memref<8192xi32, #tpu.memory_space<hbm>> -> memref<512xi32, #tpu.memory_space<hbm>>
    %dma_start3A_5 = tpu.memref_slice %arg5[%mul3A_2] : memref<8192xi32, #tpu.memory_space<hbm>> -> memref<512xi32, #tpu.memory_space<hbm>>
    tpu.enqueue_dma source(%dma_start3A_5 : memref<512xi32, #tpu.memory_space<hbm>>) target(%arg13 : memref<512xi32, #tpu.memory_space<vmem>>) target_semaphore(%arg16 : memref<!tpu.dma_semaphore, #tpu.memory_space<semaphore_mem>>)
    %dma_wait3A = tpu.memref_slice %arg4[%mul3A_2] : memref<8192xi32, #tpu.memory_space<hbm>> -> memref<512xi32, #tpu.memory_space<hbm>>
    %dma_wait3A_6 = tpu.memref_slice %arg4[%mul3A_2] : memref<8192xi32, #tpu.memory_space<hbm>> -> memref<512xi32, #tpu.memory_space<hbm>>
    tpu.wait_dma2 semaphore(%arg16 : memref<!tpu.dma_semaphore, #tpu.memory_space<semaphore_mem>>) src(%dma_wait3A_6 : memref<512xi32, #tpu.memory_space<hbm>>) dst(%arg12 : memref<512xi32, #tpu.memory_space<vmem>>)
    %dma_wait3A_7 = tpu.memref_slice %arg5[%mul3A_2] : memref<8192xi32, #tpu.memory_space<hbm>> -> memref<512xi32, #tpu.memory_space<hbm>>
    %dma_wait3A_8 = tpu.memref_slice %arg5[%mul3A_2] : memref<8192xi32, #tpu.memory_space<hbm>> -> memref<512xi32, #tpu.memory_space<hbm>>
    tpu.wait_dma2 semaphore(%arg16 : memref<!tpu.dma_semaphore, #tpu.memory_space<semaphore_mem>>) src(%dma_wait3A_8 : memref<512xi32, #tpu.memory_space<hbm>>) dst(%arg13 : memref<512xi32, #tpu.memory_space<vmem>>)
    %scan3A = arith.constant 0 : i32
    %scan3A_9 = arith.constant 0 : i32
    %scan3A_10 = arith.constant 32 : i32
    %scan3A_11 = arith.addi %scan3A_9, %scan3A_10 : i32
    %scan3A_12 = arith.constant 1 : i32
    %scan3A_13 = scf.for %scan3A_97 = %scan3A_9 to %scan3A_11 step %scan3A_12 iter_args(%scan3A_98 = %scan3A) -> (i32)  : i32 {
      %mul3A_99 = arith.constant 16 : i32
      %mul3A_100 = arith.muli %scan3A_97, %mul3A_99 : i32
      %jit3A = arith.constant 8 : i32
      %div3A = arith.divsi %scan3A_97, %jit3A : i32
      %sign3A = arith.constant 0 : i32
      %sign3A_101 = arith.cmpi sgt, %scan3A_97, %sign3A : i32
      %sign3A_102 = arith.extui %sign3A_101 : i1 to i32
      %sign3A_103 = arith.constant 0 : i32
      %sign3A_104 = arith.cmpi slt, %scan3A_97, %sign3A_103 : i32
      %sign3A_105 = arith.extui %sign3A_104 : i1 to i32
      %sign3A_106 = arith.subi %sign3A_102, %sign3A_105 : i32
      %sign3A_107 = arith.constant 0 : i32
      %sign3A_108 = arith.cmpi sgt, %jit3A, %sign3A_107 : i32
      %sign3A_109 = arith.extui %sign3A_108 : i1 to i32
      %sign3A_110 = arith.constant 0 : i32
      %sign3A_111 = arith.cmpi slt, %jit3A, %sign3A_110 : i32
      %sign3A_112 = arith.extui %sign3A_111 : i1 to i32
      %sign3A_113 = arith.subi %sign3A_109, %sign3A_112 : i32
      %ne3A = arith.cmpi ne, %sign3A_106, %sign3A_113 : i32
      %rem3A = arith.remsi %scan3A_97, %jit3A : i32
      %ne3A_114 = arith.constant 0 : i32
      %ne3A_115 = arith.cmpi ne, %rem3A, %ne3A_114 : i32
      %and3A = arith.andi %ne3A, %ne3A_115 : i1
      %sub3A = arith.constant 1 : i32
      %sub3A_116 = arith.subi %div3A, %sub3A : i32
      %select_n3A = arith.select %and3A, %sub3A_116, %div3A : i32
      %mul3A_117 = arith.constant 128 : i32
      %mul3A_118 = arith.muli %select_n3A, %mul3A_117 : i32
      %sub3A_119 = arith.subi %mul3A_100, %mul3A_118 : i32
      %get3A = arith.index_cast %mul3A_100 : i32 to index
      %get3A_120 = tpu.vector_load %arg12[%get3A] {strides = array<i32>} : memref<512xi32, #tpu.memory_space<vmem>>, vector<16xi32>,
      %get3A_121 = vector.shape_cast %get3A_120 : vector<16xi32> to vector<16xi32>
      %mul3A_122 = arith.constant 2048 : i32
      %mul3A_123 = vector.broadcast %mul3A_122 : i32 to vector<16xi32>
      %mul3A_124 = arith.muli %get3A_121, %mul3A_123 : vector<16xi32>
      %get3A_125 = arith.index_cast %mul3A_100 : i32 to index
      %get3A_126 = tpu.vector_load %arg13[%get3A_125] {strides = array<i32>} : memref<512xi32, #tpu.memory_space<vmem>>, vector<16xi32>,
      %get3A_127 = vector.shape_cast %get3A_126 : vector<16xi32> to vector<16xi32>
      %add3A_128 = arith.addi %mul3A_124, %get3A_127 : vector<16xi32>
      %swap3A = arith.index_cast %select_n3A : i32 to index
      %swap3A_129 = arith.index_cast %sub3A_119 : i32 to index
      %swap3A_130 = tpu.vector_load %arg14[%swap3A, %swap3A_129] {strides = array<i32>} : memref<4x128xi32, #tpu.memory_space<vmem>>, vector<1x16xi32>,
      %swap3A_131 = vector.shape_cast %swap3A_130 : vector<1x16xi32> to vector<16xi32>
      %swap3A_132 = vector.shape_cast %add3A_128 : vector<16xi32> to vector<1x16xi32>
      tpu.vector_store %arg14[%swap3A, %swap3A_129], %swap3A_132 {strides = array<i32>} : memref<4x128xi32, #tpu.memory_space<vmem>>, vector<1x16xi32>,
      %iota3A = tpu.iota {dimensions = array<i32: 0>} : vector<16xi32>
      %add3A_133 = arith.addi %mul3A_2, %mul3A_100 : i32
      %add3A_134 = vector.broadcast %add3A_133 : i32 to vector<16xi32>
      %add3A_135 = arith.addi %iota3A, %add3A_134 : vector<16xi32>
      %swap3A_136 = arith.index_cast %select_n3A : i32 to index
      %swap3A_137 = arith.index_cast %sub3A_119 : i32 to index
      %swap3A_138 = tpu.vector_load %arg15[%swap3A_136, %swap3A_137] {strides = array<i32>} : memref<4x128xi32, #tpu.memory_space<vmem>>, vector<1x16xi32>,
      %swap3A_139 = vector.shape_cast %swap3A_138 : vector<1x16xi32> to vector<16xi32>
      %swap3A_140 = vector.shape_cast %add3A_135 : vector<16xi32> to vector<1x16xi32>
      tpu.vector_store %arg15[%swap3A_136, %swap3A_137], %swap3A_140 {strides = array<i32>} : memref<4x128xi32, #tpu.memory_space<vmem>>, vector<1x16xi32>,
      %scan3A_141 = arith.constant 0 : i32
      scf.yield %scan3A_141 : i32
    }
    %scan3A_14 = arith.constant 32 : i32
    %dma_start3A_15 = arith.constant 0 : i32
    %dma_start3A_16 = arith.constant 0 : i32
    %dma_start3A_17 = arith.constant 0 : i32
    %dma_start3A_18 = tpu.memref_slice %arg15[%dma_start3A_15, %dma_start3A_17] : memref<4x128xi32, #tpu.memory_space<vmem>> -> memref<1x128xi32, #tpu.memory_space<vmem>>
    %dma_start3A_19 = tpu.memref_squeeze %dma_start3A_18 : memref<1x128xi32, #tpu.memory_space<vmem>> -> memref<128xi32, #tpu.memory_space<vmem>>
    %dma_start3A_20 = arith.constant 0 : i32
    %dma_start3A_21 = tpu.memref_slice %arg14[%dma_start3A_16, %dma_start3A_20] : memref<4x128xi32, #tpu.memory_space<vmem>> -> memref<1x128xi32, #tpu.memory_space<vmem>>
    %dma_start3A_22 = tpu.memref_squeeze %dma_start3A_21 : memref<1x128xi32, #tpu.memory_space<vmem>> -> memref<128xi32, #tpu.memory_space<vmem>>
    %dma_start3A_23 = arith.constant 0 : i32
    %dma_start3A_24 = tpu.memref_slice %arg7[%dma_start3A_23] : memref<4194304xi32, #tpu.memory_space<hbm>> -> memref<4194304xi32, #tpu.memory_space<hbm>>
    tpu.enqueue_indirect_dma source(%dma_start3A_19 : memref<128xi32, #tpu.memory_space<vmem>>) target(%dma_start3A_24 : memref<4194304xi32, #tpu.memory_space<hbm>>) offsets(%dma_start3A_22 : memref<128xi32, #tpu.memory_space<vmem>>) semaphore(%arg16 : memref<!tpu.dma_semaphore, #tpu.memory_space<semaphore_mem>>)
    %dma_start3A_25 = arith.constant 1 : i32
    %dma_start3A_26 = arith.constant 1 : i32
    %dma_start3A_27 = arith.constant 0 : i32
    %dma_start3A_28 = tpu.memref_slice %arg15[%dma_start3A_25, %dma_start3A_27] : memref<4x128xi32, #tpu.memory_space<vmem>> -> memref<1x128xi32, #tpu.memory_space<vmem>>
    %dma_start3A_29 = tpu.memref_squeeze %dma_start3A_28 : memref<1x128xi32, #tpu.memory_space<vmem>> -> memref<128xi32, #tpu.memory_space<vmem>>
    %dma_start3A_30 = arith.constant 0 : i32
    %dma_start3A_31 = tpu.memref_slice %arg14[%dma_start3A_26, %dma_start3A_30] : memref<4x128xi32, #tpu.memory_space<vmem>> -> memref<1x128xi32, #tpu.memory_space<vmem>>
    %dma_start3A_32 = tpu.memref_squeeze %dma_start3A_31 : memref<1x128xi32, #tpu.memory_space<vmem>> -> memref<128xi32, #tpu.memory_space<vmem>>
    %dma_start3A_33 = arith.constant 0 : i32
    %dma_start3A_34 = tpu.memref_slice %arg7[%dma_start3A_33] : memref<4194304xi32, #tpu.memory_space<hbm>> -> memref<4194304xi32, #tpu.memory_space<hbm>>
    tpu.enqueue_indirect_dma source(%dma_start3A_29 : memref<128xi32, #tpu.memory_space<vmem>>) target(%dma_start3A_34 : memref<4194304xi32, #tpu.memory_space<hbm>>) offsets(%dma_start3A_32 : memref<128xi32, #tpu.memory_space<vmem>>) semaphore(%arg16 : memref<!tpu.dma_semaphore, #tpu.memory_space<semaphore_mem>>)
    %dma_start3A_35 = arith.constant 2 : i32
    %dma_start3A_36 = arith.constant 2 : i32
    %dma_start3A_37 = arith.constant 0 : i32
    %dma_start3A_38 = tpu.memref_slice %arg15[%dma_start3A_35, %dma_start3A_37] : memref<4x128xi32, #tpu.memory_space<vmem>> -> memref<1x128xi32, #tpu.memory_space<vmem>>
    %dma_start3A_39 = tpu.memref_squeeze %dma_start3A_38 : memref<1x128xi32, #tpu.memory_space<vmem>> -> memref<128xi32, #tpu.memory_space<vmem>>
    %dma_start3A_40 = arith.constant 0 : i32
    %dma_start3A_41 = tpu.memref_slice %arg14[%dma_start3A_36, %dma_start3A_40] : memref<4x128xi32, #tpu.memory_space<vmem>> -> memref<1x128xi32, #tpu.memory_space<vmem>>
    %dma_start3A_42 = tpu.memref_squeeze %dma_start3A_41 : memref<1x128xi32, #tpu.memory_space<vmem>> -> memref<128xi32, #tpu.memory_space<vmem>>
    %dma_start3A_43 = arith.constant 0 : i32
    %dma_start3A_44 = tpu.memref_slice %arg7[%dma_start3A_43] : memref<4194304xi32, #tpu.memory_space<hbm>> -> memref<4194304xi32, #tpu.memory_space<hbm>>
    tpu.enqueue_indirect_dma source(%dma_start3A_39 : memref<128xi32, #tpu.memory_space<vmem>>) target(%dma_start3A_44 : memref<4194304xi32, #tpu.memory_space<hbm>>) offsets(%dma_start3A_42 : memref<128xi32, #tpu.memory_space<vmem>>) semaphore(%arg16 : memref<!tpu.dma_semaphore, #tpu.memory_space<semaphore_mem>>)
    %dma_start3A_45 = arith.constant 3 : i32
    %dma_start3A_46 = arith.constant 3 : i32
    %dma_start3A_47 = arith.constant 0 : i32
    %dma_start3A_48 = tpu.memref_slice %arg15[%dma_start3A_45, %dma_start3A_47] : memref<4x128xi32, #tpu.memory_space<vmem>> -> memref<1x128xi32, #tpu.memory_space<vmem>>
    %dma_start3A_49 = tpu.memref_squeeze %dma_start3A_48 : memref<1x128xi32, #tpu.memory_space<vmem>> -> memref<128xi32, #tpu.memory_space<vmem>>
    %dma_start3A_50 = arith.constant 0 : i32
    %dma_start3A_51 = tpu.memref_slice %arg14[%dma_start3A_46, %dma_start3A_50] : memref<4x128xi32, #tpu.memory_space<vmem>> -> memref<1x128xi32, #tpu.memory_space<vmem>>
    %dma_start3A_52 = tpu.memref_squeeze %dma_start3A_51 : memref<1x128xi32, #tpu.memory_space<vmem>> -> memref<128xi32, #tpu.memory_space<vmem>>
    %dma_start3A_53 = arith.constant 0 : i32
    %dma_start3A_54 = tpu.memref_slice %arg7[%dma_start3A_53] : memref<4194304xi32, #tpu.memory_space<hbm>> -> memref<4194304xi32, #tpu.memory_space<hbm>>
    tpu.enqueue_indirect_dma source(%dma_start3A_49 : memref<128xi32, #tpu.memory_space<vmem>>) target(%dma_start3A_54 : memref<4194304xi32, #tpu.memory_space<hbm>>) offsets(%dma_start3A_52 : memref<128xi32, #tpu.memory_space<vmem>>) semaphore(%arg16 : memref<!tpu.dma_semaphore, #tpu.memory_space<semaphore_mem>>)
    %eq3A = arith.constant 0 : i32
    %eq3A_55 = arith.cmpi eq, %arg0, %eq3A : i32
    %convert_element_type3A = arith.extui %eq3A_55 : i1 to i32
    %cond3A = arith.constant 0 : i32
    %cond3A_56 = arith.cmpi ne, %convert_element_type3A, %cond3A : i32
    scf.if %cond3A_56 {
      %mul3A_97 = arith.constant 128 : i32
      %mul3A_98 = arith.muli %arg1, %mul3A_97 : i32
      "tpu.region"() ({
        %run_scoped3A = tpu.sem_alloc : memref<!tpu.dma_semaphore, #tpu.memory_space<semaphore_mem>>
        %dma_start3A_106 = tpu.memref_slice %arg2[%mul3A_98] : memref<2048xi32, #tpu.memory_space<hbm>> -> memref<128xi32, #tpu.memory_space<hbm>>
        %dma_start3A_107 = tpu.memref_slice %arg2[%mul3A_98] : memref<2048xi32, #tpu.memory_space<hbm>> -> memref<128xi32, #tpu.memory_space<hbm>>
        tpu.enqueue_dma source(%dma_start3A_107 : memref<128xi32, #tpu.memory_space<hbm>>) target(%arg10 : memref<128xi32, #tpu.memory_space<vmem>>) target_semaphore(%run_scoped3A : memref<!tpu.dma_semaphore, #tpu.memory_space<semaphore_mem>>)
        %dma_wait3A_108 = tpu.memref_slice %arg2[%mul3A_98] : memref<2048xi32, #tpu.memory_space<hbm>> -> memref<128xi32, #tpu.memory_space<hbm>>
        %dma_wait3A_109 = tpu.memref_slice %arg2[%mul3A_98] : memref<2048xi32, #tpu.memory_space<hbm>> -> memref<128xi32, #tpu.memory_space<hbm>>
        tpu.wait_dma2 semaphore(%run_scoped3A : memref<!tpu.dma_semaphore, #tpu.memory_space<semaphore_mem>>) src(%dma_wait3A_109 : memref<128xi32, #tpu.memory_space<hbm>>) dst(%arg10 : memref<128xi32, #tpu.memory_space<vmem>>)
        tpu.yield
      }) : () -> ()
      "tpu.region"() ({
        %run_scoped3A = tpu.sem_alloc : memref<!tpu.dma_semaphore, #tpu.memory_space<semaphore_mem>>
        %dma_start3A_106 = tpu.memref_slice %arg3[%mul3A_98] : memref<2048xi32, #tpu.memory_space<hbm>> -> memref<128xi32, #tpu.memory_space<hbm>>
        %dma_start3A_107 = tpu.memref_slice %arg3[%mul3A_98] : memref<2048xi32, #tpu.memory_space<hbm>> -> memref<128xi32, #tpu.memory_space<hbm>>
        tpu.enqueue_dma source(%dma_start3A_107 : memref<128xi32, #tpu.memory_space<hbm>>) target(%arg11 : memref<128xi32, #tpu.memory_space<vmem>>) target_semaphore(%run_scoped3A : memref<!tpu.dma_semaphore, #tpu.memory_space<semaphore_mem>>)
        %dma_wait3A_108 = tpu.memref_slice %arg3[%mul3A_98] : memref<2048xi32, #tpu.memory_space<hbm>> -> memref<128xi32, #tpu.memory_space<hbm>>
        %dma_wait3A_109 = tpu.memref_slice %arg3[%mul3A_98] : memref<2048xi32, #tpu.memory_space<hbm>> -> memref<128xi32, #tpu.memory_space<hbm>>
        tpu.wait_dma2 semaphore(%run_scoped3A : memref<!tpu.dma_semaphore, #tpu.memory_space<semaphore_mem>>) src(%dma_wait3A_109 : memref<128xi32, #tpu.memory_space<hbm>>) dst(%arg11 : memref<128xi32, #tpu.memory_space<vmem>>)
        tpu.yield
      }) : () -> ()
      %scan3A_99 = arith.constant 0 : i32
      %scan3A_100 = arith.constant 0 : i32
      %scan3A_101 = arith.constant 8 : i32
      %scan3A_102 = arith.addi %scan3A_100, %scan3A_101 : i32
      %scan3A_103 = arith.constant 1 : i32
      %scan3A_104 = scf.for %scan3A_106 = %scan3A_100 to %scan3A_102 step %scan3A_103 iter_args(%scan3A_107 = %scan3A_99) -> (i32)  : i32 {
        %mul3A_108 = arith.constant 16 : i32
        %mul3A_109 = arith.muli %scan3A_106, %mul3A_108 : i32
        %get3A = arith.index_cast %mul3A_109 : i32 to index
        %get3A_110 = tpu.vector_load %arg10[%get3A] {strides = array<i32>} : memref<128xi32, #tpu.memory_space<vmem>>, vector<16xi32>,
        %get3A_111 = vector.shape_cast %get3A_110 : vector<16xi32> to vector<16xi32>
        %mul3A_112 = arith.constant 1024 : i32
        %mul3A_113 = vector.broadcast %mul3A_112 : i32 to vector<16xi32>
        %mul3A_114 = arith.muli %get3A_111, %mul3A_113 : vector<16xi32>
        %get3A_115 = arith.index_cast %mul3A_109 : i32 to index
        %get3A_116 = tpu.vector_load %arg11[%get3A_115] {strides = array<i32>} : memref<128xi32, #tpu.memory_space<vmem>>, vector<16xi32>,
        %get3A_117 = vector.shape_cast %get3A_116 : vector<16xi32> to vector<16xi32>
        %add3A_118 = arith.addi %mul3A_114, %get3A_117 : vector<16xi32>
        %swap3A = arith.index_cast %mul3A_109 : i32 to index
        %swap3A_119 = tpu.vector_load %arg8[%swap3A] {strides = array<i32>} : memref<128xi32, #tpu.memory_space<vmem>>, vector<16xi32>,
        %swap3A_120 = vector.shape_cast %swap3A_119 : vector<16xi32> to vector<16xi32>
        %swap3A_121 = vector.shape_cast %add3A_118 : vector<16xi32> to vector<16xi32>
        tpu.vector_store %arg8[%swap3A], %swap3A_121 {strides = array<i32>} : memref<128xi32, #tpu.memory_space<vmem>>, vector<16xi32>,
        %iota3A = tpu.iota {dimensions = array<i32: 0>} : vector<16xi32>
        %add3A_122 = arith.addi %mul3A_98, %mul3A_109 : i32
        %add3A_123 = vector.broadcast %add3A_122 : i32 to vector<16xi32>
        %add3A_124 = arith.addi %iota3A, %add3A_123 : vector<16xi32>
        %swap3A_125 = arith.index_cast %mul3A_109 : i32 to index
        %swap3A_126 = tpu.vector_load %arg9[%swap3A_125] {strides = array<i32>} : memref<128xi32, #tpu.memory_space<vmem>>, vector<16xi32>,
        %swap3A_127 = vector.shape_cast %swap3A_126 : vector<16xi32> to vector<16xi32>
        %swap3A_128 = vector.shape_cast %add3A_124 : vector<16xi32> to vector<16xi32>
        tpu.vector_store %arg9[%swap3A_125], %swap3A_128 {strides = array<i32>} : memref<128xi32, #tpu.memory_space<vmem>>, vector<16xi32>,
        %scan3A_129 = arith.constant 0 : i32
        scf.yield %scan3A_129 : i32
      }
      %scan3A_105 = arith.constant 8 : i32
      "tpu.region"() ({
        %run_scoped3A = tpu.sem_alloc : memref<!tpu.dma_semaphore, #tpu.memory_space<semaphore_mem>>
        %dma_start3A_106 = arith.constant 0 : i32
        %dma_start3A_107 = tpu.memref_slice %arg6[%dma_start3A_106] : memref<1048576xi32, #tpu.memory_space<hbm>> -> memref<1048576xi32, #tpu.memory_space<hbm>>
        tpu.enqueue_indirect_dma source(%arg9 : memref<128xi32, #tpu.memory_space<vmem>>) target(%dma_start3A_107 : memref<1048576xi32, #tpu.memory_space<hbm>>) offsets(%arg8 : memref<128xi32, #tpu.memory_space<vmem>>) semaphore(%run_scoped3A : memref<!tpu.dma_semaphore, #tpu.memory_space<semaphore_mem>>)
        %dma_wait3A_108 = arith.constant 0 : i32
        %dma_wait3A_109 = tpu.memref_slice %arg6[%dma_wait3A_108] : memref<1048576xi32, #tpu.memory_space<hbm>> -> memref<1048576xi32, #tpu.memory_space<hbm>>
        tpu.wait_indirect_dma semaphore(%run_scoped3A : memref<!tpu.dma_semaphore, #tpu.memory_space<semaphore_mem>>) src(%arg9 : memref<128xi32, #tpu.memory_space<vmem>>) dst(%dma_wait3A_109 : memref<1048576xi32, #tpu.memory_space<hbm>>)
        tpu.yield
      }) : () -> ()
    } else {
    }
    %dma_wait3A_57 = arith.constant 0 : i32
    %dma_wait3A_58 = arith.constant 0 : i32
    %dma_wait3A_59 = arith.constant 0 : i32
    %dma_wait3A_60 = tpu.memref_slice %arg15[%dma_wait3A_57, %dma_wait3A_59] : memref<4x128xi32, #tpu.memory_space<vmem>> -> memref<1x128xi32, #tpu.memory_space<vmem>>
    %dma_wait3A_61 = tpu.memref_squeeze %dma_wait3A_60 : memref<1x128xi32, #tpu.memory_space<vmem>> -> memref<128xi32, #tpu.memory_space<vmem>>
    %dma_wait3A_62 = arith.constant 0 : i32
    %dma_wait3A_63 = tpu.memref_slice %arg14[%dma_wait3A_58, %dma_wait3A_62] : memref<4x128xi32, #tpu.memory_space<vmem>> -> memref<1x128xi32, #tpu.memory_space<vmem>>
    %dma_wait3A_64 = tpu.memref_squeeze %dma_wait3A_63 : memref<1x128xi32, #tpu.memory_space<vmem>> -> memref<128xi32, #tpu.memory_space<vmem>>
    %dma_wait3A_65 = arith.constant 0 : i32
    %dma_wait3A_66 = tpu.memref_slice %arg7[%dma_wait3A_65] : memref<4194304xi32, #tpu.memory_space<hbm>> -> memref<4194304xi32, #tpu.memory_space<hbm>>
    tpu.wait_indirect_dma semaphore(%arg16 : memref<!tpu.dma_semaphore, #tpu.memory_space<semaphore_mem>>) src(%dma_wait3A_61 : memref<128xi32, #tpu.memory_space<vmem>>) dst(%dma_wait3A_66 : memref<4194304xi32, #tpu.memory_space<hbm>>)
    %dma_wait3A_67 = arith.constant 1 : i32
    %dma_wait3A_68 = arith.constant 1 : i32
    %dma_wait3A_69 = arith.constant 0 : i32
    %dma_wait3A_70 = tpu.memref_slice %arg15[%dma_wait3A_67, %dma_wait3A_69] : memref<4x128xi32, #tpu.memory_space<vmem>> -> memref<1x128xi32, #tpu.memory_space<vmem>>
    %dma_wait3A_71 = tpu.memref_squeeze %dma_wait3A_70 : memref<1x128xi32, #tpu.memory_space<vmem>> -> memref<128xi32, #tpu.memory_space<vmem>>
    %dma_wait3A_72 = arith.constant 0 : i32
    %dma_wait3A_73 = tpu.memref_slice %arg14[%dma_wait3A_68, %dma_wait3A_72] : memref<4x128xi32, #tpu.memory_space<vmem>> -> memref<1x128xi32, #tpu.memory_space<vmem>>
    %dma_wait3A_74 = tpu.memref_squeeze %dma_wait3A_73 : memref<1x128xi32, #tpu.memory_space<vmem>> -> memref<128xi32, #tpu.memory_space<vmem>>
    %dma_wait3A_75 = arith.constant 0 : i32
    %dma_wait3A_76 = tpu.memref_slice %arg7[%dma_wait3A_75] : memref<4194304xi32, #tpu.memory_space<hbm>> -> memref<4194304xi32, #tpu.memory_space<hbm>>
    tpu.wait_indirect_dma semaphore(%arg16 : memref<!tpu.dma_semaphore, #tpu.memory_space<semaphore_mem>>) src(%dma_wait3A_71 : memref<128xi32, #tpu.memory_space<vmem>>) dst(%dma_wait3A_76 : memref<4194304xi32, #tpu.memory_space<hbm>>)
    %dma_wait3A_77 = arith.constant 2 : i32
    %dma_wait3A_78 = arith.constant 2 : i32
    %dma_wait3A_79 = arith.constant 0 : i32
    %dma_wait3A_80 = tpu.memref_slice %arg15[%dma_wait3A_77, %dma_wait3A_79] : memref<4x128xi32, #tpu.memory_space<vmem>> -> memref<1x128xi32, #tpu.memory_space<vmem>>
    %dma_wait3A_81 = tpu.memref_squeeze %dma_wait3A_80 : memref<1x128xi32, #tpu.memory_space<vmem>> -> memref<128xi32, #tpu.memory_space<vmem>>
    %dma_wait3A_82 = arith.constant 0 : i32
    %dma_wait3A_83 = tpu.memref_slice %arg14[%dma_wait3A_78, %dma_wait3A_82] : memref<4x128xi32, #tpu.memory_space<vmem>> -> memref<1x128xi32, #tpu.memory_space<vmem>>
    %dma_wait3A_84 = tpu.memref_squeeze %dma_wait3A_83 : memref<1x128xi32, #tpu.memory_space<vmem>> -> memref<128xi32, #tpu.memory_space<vmem>>
    %dma_wait3A_85 = arith.constant 0 : i32
    %dma_wait3A_86 = tpu.memref_slice %arg7[%dma_wait3A_85] : memref<4194304xi32, #tpu.memory_space<hbm>> -> memref<4194304xi32, #tpu.memory_space<hbm>>
    tpu.wait_indirect_dma semaphore(%arg16 : memref<!tpu.dma_semaphore, #tpu.memory_space<semaphore_mem>>) src(%dma_wait3A_81 : memref<128xi32, #tpu.memory_space<vmem>>) dst(%dma_wait3A_86 : memref<4194304xi32, #tpu.memory_space<hbm>>)
    %dma_wait3A_87 = arith.constant 3 : i32
    %dma_wait3A_88 = arith.constant 3 : i32
    %dma_wait3A_89 = arith.constant 0 : i32
    %dma_wait3A_90 = tpu.memref_slice %arg15[%dma_wait3A_87, %dma_wait3A_89] : memref<4x128xi32, #tpu.memory_space<vmem>> -> memref<1x128xi32, #tpu.memory_space<vmem>>
    %dma_wait3A_91 = tpu.memref_squeeze %dma_wait3A_90 : memref<1x128xi32, #tpu.memory_space<vmem>> -> memref<128xi32, #tpu.memory_space<vmem>>
    %dma_wait3A_92 = arith.constant 0 : i32
    %dma_wait3A_93 = tpu.memref_slice %arg14[%dma_wait3A_88, %dma_wait3A_92] : memref<4x128xi32, #tpu.memory_space<vmem>> -> memref<1x128xi32, #tpu.memory_space<vmem>>
    %dma_wait3A_94 = tpu.memref_squeeze %dma_wait3A_93 : memref<1x128xi32, #tpu.memory_space<vmem>> -> memref<128xi32, #tpu.memory_space<vmem>>
    %dma_wait3A_95 = arith.constant 0 : i32
    %dma_wait3A_96 = tpu.memref_slice %arg7[%dma_wait3A_95] : memref<4194304xi32, #tpu.memory_space<hbm>> -> memref<4194304xi32, #tpu.memory_space<hbm>>
    tpu.wait_indirect_dma semaphore(%arg16 : memref<!tpu.dma_semaphore, #tpu.memory_space<semaphore_mem>>) src(%dma_wait3A_91 : memref<128xi32, #tpu.memory_space<vmem>>) dst(%dma_wait3A_96 : memref<4194304xi32, #tpu.memory_space<hbm>>)
    return
  }
}

#map = affine_map<(d0, d1) -> (0)>
#map1 = affine_map<(d0, d1) -> (0, 0)>
module attributes {stable_mosaic.version = 14 : i64} {
  func.func @_agg_body(%arg0: i32, %arg1: i32, %arg2: memref<2048xi32, #tpu.memory_space<hbm>>, %arg3: memref<2048xi32, #tpu.memory_space<hbm>>, %arg4: memref<8192xi32, #tpu.memory_space<hbm>>, %arg5: memref<8192xi32, #tpu.memory_space<hbm>>, %arg6: memref<1048576xi32, #tpu.memory_space<hbm>>, %arg7: memref<4194304xi32, #tpu.memory_space<hbm>>, %arg8: memref<4096xf32, #tpu.memory_space<hbm>>, %arg9: memref<8192xf32, #tpu.memory_space<hbm>>, %arg10: memref<4096x128xf32, #tpu.memory_space<hbm>>, %arg11: memref<2056x128xf32, #tpu.memory_space<hbm>>, %arg12: memref<1024x128xf32, #tpu.memory_space<hbm>>, %arg13: memref<2048x16xf32, #tpu.memory_space<hbm>>, %arg14: memref<1024x128xf32, #tpu.memory_space<vmem_shared>>, %arg15: memref<2048x128xf32, #tpu.memory_space<vmem_shared>>, %arg16: memref<128x128xf32, #tpu.memory_space<vmem>>, %arg17: memref<256x128xf32, #tpu.memory_space<vmem>>, %arg18: memref<128xi32, #tpu.memory_space<vmem>>, %arg19: memref<128xi32, #tpu.memory_space<vmem>>, %arg20: memref<128xi32, #tpu.memory_space<vmem>>, %arg21: memref<128xi32, #tpu.memory_space<vmem>>, %arg22: memref<128xi32, #tpu.memory_space<vmem>>, %arg23: memref<512xf32, #tpu.memory_space<vmem>>, %arg24: memref<512xf32, #tpu.memory_space<vmem>>, %arg25: memref<4x128xi32, #tpu.memory_space<vmem>>, %arg26: memref<128xi32, #tpu.memory_space<vmem>>, %arg27: memref<512xi32, #tpu.memory_space<vmem>>, %arg28: memref<512xi32, #tpu.memory_space<vmem>>, %arg29: memref<4x128xi32, #tpu.memory_space<vmem>>, %arg30: memref<4x128xi32, #tpu.memory_space<vmem>>, %arg31: memref<4x128xi32, #tpu.memory_space<vmem>>, %arg32: memref<4x128xi32, #tpu.memory_space<vmem>>, %arg33: memref<512xf32, #tpu.memory_space<vmem>>, %arg34: memref<4096xf32, #tpu.memory_space<vmem>>, %arg35: memref<128xi32, #tpu.memory_space<vmem>>, %arg36: memref<128x16xf32, #tpu.memory_space<vmem>>, %arg37: memref<!tpu.dma_semaphore, #tpu.memory_space<semaphore_mem>>) attributes {dimension_semantics = [#tpu.dimension_semantics<core_parallel>, #tpu.dimension_semantics<subcore_parallel>], iteration_bounds = array<i64: 2, 16>, scalar_prefetch = 0 : i64, scratch_operands = 24 : i64, tpu.core_type = #tpu.core_type<sc_vector_subcore>, window_params = [{transform_indices = #map}, {transform_indices = #map}, {transform_indices = #map}, {transform_indices = #map}, {transform_indices = #map}, {transform_indices = #map}, {transform_indices = #map}, {transform_indices = #map}, {transform_indices = #map1}, {transform_indices = #map1}, {transform_indices = #map1}, {transform_indices = #map1}]} {
    %eq3A = arith.constant 0 : i32
    %eq3A_0 = arith.cmpi eq, %arg0, %eq3A : i32
    %convert_element_type3A = arith.extui %eq3A_0 : i1 to i32
    %cond3A = arith.constant 0 : i32
    %cond3A_1 = arith.cmpi ne, %convert_element_type3A, %cond3A : i32
    scf.if %cond3A_1 {
      %scan3A = arith.constant 0 : i32
      %scan3A_7 = arith.constant 0 : i32
      %scan3A_8 = arith.constant 64 : i32
      %scan3A_9 = arith.addi %scan3A_7, %scan3A_8 : i32
      %scan3A_10 = arith.constant 1 : i32
      %scan3A_11 = scf.for %scan3A_148 = %scan3A_7 to %scan3A_9 step %scan3A_10 iter_args(%scan3A_149 = %scan3A) -> (i32)  : i32 {
        %broadcast_in_dim3A = arith.constant 0.000000e+00 : f32
        %broadcast_in_dim3A_150 = vector.broadcast %broadcast_in_dim3A : f32 to vector<16xf32>
        %swap3A = arith.index_cast %scan3A_148 : i32 to index
        %swap3A_151 = arith.constant 0 : index
        %swap3A_152 = tpu.vector_load %arg16[%swap3A, %swap3A_151] {strides = array<i32>} : memref<128x128xf32, #tpu.memory_space<vmem>>, vector<16xf32>,
        tpu.vector_store %arg16[%swap3A, %swap3A_151], %broadcast_in_dim3A_150 {strides = array<i32>} : memref<128x128xf32, #tpu.memory_space<vmem>>, vector<16xf32>,
        %broadcast_in_dim3A_153 = arith.constant 0.000000e+00 : f32
        %broadcast_in_dim3A_154 = vector.broadcast %broadcast_in_dim3A_153 : f32 to vector<16xf32>
        %swap3A_155 = arith.index_cast %scan3A_148 : i32 to index
        %swap3A_156 = arith.constant 16 : index
        %swap3A_157 = tpu.vector_load %arg16[%swap3A_155, %swap3A_156] {strides = array<i32>} : memref<128x128xf32, #tpu.memory_space<vmem>>, vector<16xf32>,
        tpu.vector_store %arg16[%swap3A_155, %swap3A_156], %broadcast_in_dim3A_154 {strides = array<i32>} : memref<128x128xf32, #tpu.memory_space<vmem>>, vector<16xf32>,
        %broadcast_in_dim3A_158 = arith.constant 0.000000e+00 : f32
        %broadcast_in_dim3A_159 = vector.broadcast %broadcast_in_dim3A_158 : f32 to vector<16xf32>
        %swap3A_160 = arith.index_cast %scan3A_148 : i32 to index
        %swap3A_161 = arith.constant 32 : index
        %swap3A_162 = tpu.vector_load %arg16[%swap3A_160, %swap3A_161] {strides = array<i32>} : memref<128x128xf32, #tpu.memory_space<vmem>>, vector<16xf32>,
        tpu.vector_store %arg16[%swap3A_160, %swap3A_161], %broadcast_in_dim3A_159 {strides = array<i32>} : memref<128x128xf32, #tpu.memory_space<vmem>>, vector<16xf32>,
        %broadcast_in_dim3A_163 = arith.constant 0.000000e+00 : f32
        %broadcast_in_dim3A_164 = vector.broadcast %broadcast_in_dim3A_163 : f32 to vector<16xf32>
        %swap3A_165 = arith.index_cast %scan3A_148 : i32 to index
        %swap3A_166 = arith.constant 48 : index
        %swap3A_167 = tpu.vector_load %arg16[%swap3A_165, %swap3A_166] {strides = array<i32>} : memref<128x128xf32, #tpu.memory_space<vmem>>, vector<16xf32>,
        tpu.vector_store %arg16[%swap3A_165, %swap3A_166], %broadcast_in_dim3A_164 {strides = array<i32>} : memref<128x128xf32, #tpu.memory_space<vmem>>, vector<16xf32>,
        %broadcast_in_dim3A_168 = arith.constant 0.000000e+00 : f32
        %broadcast_in_dim3A_169 = vector.broadcast %broadcast_in_dim3A_168 : f32 to vector<16xf32>
        %swap3A_170 = arith.index_cast %scan3A_148 : i32 to index
        %swap3A_171 = arith.constant 64 : index
        %swap3A_172 = tpu.vector_load %arg16[%swap3A_170, %swap3A_171] {strides = array<i32>} : memref<128x128xf32, #tpu.memory_space<vmem>>, vector<16xf32>,
        tpu.vector_store %arg16[%swap3A_170, %swap3A_171], %broadcast_in_dim3A_169 {strides = array<i32>} : memref<128x128xf32, #tpu.memory_space<vmem>>, vector<16xf32>,
        %broadcast_in_dim3A_173 = arith.constant 0.000000e+00 : f32
        %broadcast_in_dim3A_174 = vector.broadcast %broadcast_in_dim3A_173 : f32 to vector<16xf32>
        %swap3A_175 = arith.index_cast %scan3A_148 : i32 to index
        %swap3A_176 = arith.constant 80 : index
        %swap3A_177 = tpu.vector_load %arg16[%swap3A_175, %swap3A_176] {strides = array<i32>} : memref<128x128xf32, #tpu.memory_space<vmem>>, vector<16xf32>,
        tpu.vector_store %arg16[%swap3A_175, %swap3A_176], %broadcast_in_dim3A_174 {strides = array<i32>} : memref<128x128xf32, #tpu.memory_space<vmem>>, vector<16xf32>,
        %broadcast_in_dim3A_178 = arith.constant 0.000000e+00 : f32
        %broadcast_in_dim3A_179 = vector.broadcast %broadcast_in_dim3A_178 : f32 to vector<16xf32>
        %swap3A_180 = arith.index_cast %scan3A_148 : i32 to index
        %swap3A_181 = arith.constant 96 : index
        %swap3A_182 = tpu.vector_load %arg16[%swap3A_180, %swap3A_181] {strides = array<i32>} : memref<128x128xf32, #tpu.memory_space<vmem>>, vector<16xf32>,
        tpu.vector_store %arg16[%swap3A_180, %swap3A_181], %broadcast_in_dim3A_179 {strides = array<i32>} : memref<128x128xf32, #tpu.memory_space<vmem>>, vector<16xf32>,
        %broadcast_in_dim3A_183 = arith.constant 0.000000e+00 : f32
        %broadcast_in_dim3A_184 = vector.broadcast %broadcast_in_dim3A_183 : f32 to vector<16xf32>
        %swap3A_185 = arith.index_cast %scan3A_148 : i32 to index
        %swap3A_186 = arith.constant 112 : index
        %swap3A_187 = tpu.vector_load %arg16[%swap3A_185, %swap3A_186] {strides = array<i32>} : memref<128x128xf32, #tpu.memory_space<vmem>>, vector<16xf32>,
        tpu.vector_store %arg16[%swap3A_185, %swap3A_186], %broadcast_in_dim3A_184 {strides = array<i32>} : memref<128x128xf32, #tpu.memory_space<vmem>>, vector<16xf32>,
        %scan3A_188 = arith.constant 0 : i32
        scf.yield %scan3A_188 : i32
      }
      %scan3A_12 = arith.constant 64 : i32
      %mul3A = arith.constant 64 : i32
      %mul3A_13 = arith.muli %arg1, %mul3A : i32
      "tpu.region"() ({
        %run_scoped3A = tpu.sem_alloc : memref<!tpu.dma_semaphore, #tpu.memory_space<semaphore_mem>>
        %dma_start3A_148 = arith.constant 0 : i32
        %dma_start3A_149 = arith.constant 0 : i32
        %dma_start3A_150 = tpu.memref_slice %arg16[%dma_start3A_148, %dma_start3A_149] : memref<128x128xf32, #tpu.memory_space<vmem>> -> memref<64x128xf32, #tpu.memory_space<vmem>>
        %dma_start3A_151 = arith.constant 0 : i32
        %dma_start3A_152 = tpu.memref_slice %arg14[%mul3A_13, %dma_start3A_151] : memref<1024x128xf32, #tpu.memory_space<vmem_shared>> -> memref<64x128xf32, #tpu.memory_space<vmem_shared>>
        %dma_start3A_153 = arith.constant 0 : i32
        %dma_start3A_154 = tpu.memref_slice %arg14[%mul3A_13, %dma_start3A_153] : memref<1024x128xf32, #tpu.memory_space<vmem_shared>> -> memref<64x128xf32, #tpu.memory_space<vmem_shared>>
        %dma_start3A_155 = arith.constant 0 : i32
        %dma_start3A_156 = arith.constant 0 : i32
        %dma_start3A_157 = tpu.memref_slice %arg16[%dma_start3A_155, %dma_start3A_156] : memref<128x128xf32, #tpu.memory_space<vmem>> -> memref<64x128xf32, #tpu.memory_space<vmem>>
        tpu.enqueue_dma source(%dma_start3A_157 : memref<64x128xf32, #tpu.memory_space<vmem>>) target(%dma_start3A_154 : memref<64x128xf32, #tpu.memory_space<vmem_shared>>) target_semaphore(%run_scoped3A : memref<!tpu.dma_semaphore, #tpu.memory_space<semaphore_mem>>)
        %dma_wait3A_158 = arith.constant 0 : i32
        %dma_wait3A_159 = arith.constant 0 : i32
        %dma_wait3A_160 = tpu.memref_slice %arg16[%dma_wait3A_158, %dma_wait3A_159] : memref<128x128xf32, #tpu.memory_space<vmem>> -> memref<64x128xf32, #tpu.memory_space<vmem>>
        %dma_wait3A_161 = arith.constant 0 : i32
        %dma_wait3A_162 = tpu.memref_slice %arg14[%mul3A_13, %dma_wait3A_161] : memref<1024x128xf32, #tpu.memory_space<vmem_shared>> -> memref<64x128xf32, #tpu.memory_space<vmem_shared>>
        %dma_wait3A_163 = arith.constant 0 : i32
        %dma_wait3A_164 = tpu.memref_slice %arg14[%mul3A_13, %dma_wait3A_163] : memref<1024x128xf32, #tpu.memory_space<vmem_shared>> -> memref<64x128xf32, #tpu.memory_space<vmem_shared>>
        %dma_wait3A_165 = arith.constant 0 : i32
        %dma_wait3A_166 = arith.constant 0 : i32
        %dma_wait3A_167 = tpu.memref_slice %arg16[%dma_wait3A_165, %dma_wait3A_166] : memref<128x128xf32, #tpu.memory_space<vmem>> -> memref<64x128xf32, #tpu.memory_space<vmem>>
        tpu.wait_dma2 semaphore(%run_scoped3A : memref<!tpu.dma_semaphore, #tpu.memory_space<semaphore_mem>>) src(%dma_wait3A_167 : memref<64x128xf32, #tpu.memory_space<vmem>>) dst(%dma_wait3A_164 : memref<64x128xf32, #tpu.memory_space<vmem_shared>>)
        tpu.yield
      }) : () -> ()
      %mul3A_14 = arith.constant 128 : i32
      %mul3A_15 = arith.muli %arg1, %mul3A_14 : i32
      "tpu.region"() ({
        %run_scoped3A = tpu.sem_alloc : memref<!tpu.dma_semaphore, #tpu.memory_space<semaphore_mem>>
        %dma_start3A_148 = tpu.memref_slice %arg2[%mul3A_15] : memref<2048xi32, #tpu.memory_space<hbm>> -> memref<128xi32, #tpu.memory_space<hbm>>
        %dma_start3A_149 = tpu.memref_slice %arg2[%mul3A_15] : memref<2048xi32, #tpu.memory_space<hbm>> -> memref<128xi32, #tpu.memory_space<hbm>>
        tpu.enqueue_dma source(%dma_start3A_149 : memref<128xi32, #tpu.memory_space<hbm>>) target(%arg18 : memref<128xi32, #tpu.memory_space<vmem>>) target_semaphore(%run_scoped3A : memref<!tpu.dma_semaphore, #tpu.memory_space<semaphore_mem>>)
        %dma_wait3A_150 = tpu.memref_slice %arg2[%mul3A_15] : memref<2048xi32, #tpu.memory_space<hbm>> -> memref<128xi32, #tpu.memory_space<hbm>>
        %dma_wait3A_151 = tpu.memref_slice %arg2[%mul3A_15] : memref<2048xi32, #tpu.memory_space<hbm>> -> memref<128xi32, #tpu.memory_space<hbm>>
        tpu.wait_dma2 semaphore(%run_scoped3A : memref<!tpu.dma_semaphore, #tpu.memory_space<semaphore_mem>>) src(%dma_wait3A_151 : memref<128xi32, #tpu.memory_space<hbm>>) dst(%arg18 : memref<128xi32, #tpu.memory_space<vmem>>)
        tpu.yield
      }) : () -> ()
      "tpu.region"() ({
        %run_scoped3A = tpu.sem_alloc : memref<!tpu.dma_semaphore, #tpu.memory_space<semaphore_mem>>
        %dma_start3A_148 = tpu.memref_slice %arg3[%mul3A_15] : memref<2048xi32, #tpu.memory_space<hbm>> -> memref<128xi32, #tpu.memory_space<hbm>>
        %dma_start3A_149 = tpu.memref_slice %arg3[%mul3A_15] : memref<2048xi32, #tpu.memory_space<hbm>> -> memref<128xi32, #tpu.memory_space<hbm>>
        tpu.enqueue_dma source(%dma_start3A_149 : memref<128xi32, #tpu.memory_space<hbm>>) target(%arg19 : memref<128xi32, #tpu.memory_space<vmem>>) target_semaphore(%run_scoped3A : memref<!tpu.dma_semaphore, #tpu.memory_space<semaphore_mem>>)
        %dma_wait3A_150 = tpu.memref_slice %arg3[%mul3A_15] : memref<2048xi32, #tpu.memory_space<hbm>> -> memref<128xi32, #tpu.memory_space<hbm>>
        %dma_wait3A_151 = tpu.memref_slice %arg3[%mul3A_15] : memref<2048xi32, #tpu.memory_space<hbm>> -> memref<128xi32, #tpu.memory_space<hbm>>
        tpu.wait_dma2 semaphore(%run_scoped3A : memref<!tpu.dma_semaphore, #tpu.memory_space<semaphore_mem>>) src(%dma_wait3A_151 : memref<128xi32, #tpu.memory_space<hbm>>) dst(%arg19 : memref<128xi32, #tpu.memory_space<vmem>>)
        tpu.yield
      }) : () -> ()
      %add3A = arith.constant 0 : i32
      %add3A_16 = arith.addi %add3A, %mul3A_15 : i32
      "tpu.region"() ({
        %run_scoped3A = tpu.sem_alloc : memref<!tpu.dma_semaphore, #tpu.memory_space<semaphore_mem>>
        %dma_start3A_148 = arith.constant 0 : i32
        %dma_start3A_149 = tpu.memref_slice %arg24[%dma_start3A_148] : memref<512xf32, #tpu.memory_space<vmem>> -> memref<128xf32, #tpu.memory_space<vmem>>
        %dma_start3A_150 = tpu.memref_slice %arg9[%add3A_16] : memref<8192xf32, #tpu.memory_space<hbm>> -> memref<128xf32, #tpu.memory_space<hbm>>
        %dma_start3A_151 = arith.constant 0 : i32
        %dma_start3A_152 = tpu.memref_slice %arg24[%dma_start3A_151] : memref<512xf32, #tpu.memory_space<vmem>> -> memref<128xf32, #tpu.memory_space<vmem>>
        %dma_start3A_153 = tpu.memref_slice %arg9[%add3A_16] : memref<8192xf32, #tpu.memory_space<hbm>> -> memref<128xf32, #tpu.memory_space<hbm>>
        tpu.enqueue_dma source(%dma_start3A_153 : memref<128xf32, #tpu.memory_space<hbm>>) target(%dma_start3A_152 : memref<128xf32, #tpu.memory_space<vmem>>) target_semaphore(%run_scoped3A : memref<!tpu.dma_semaphore, #tpu.memory_space<semaphore_mem>>)
        %dma_wait3A_154 = arith.constant 0 : i32
        %dma_wait3A_155 = tpu.memref_slice %arg24[%dma_wait3A_154] : memref<512xf32, #tpu.memory_space<vmem>> -> memref<128xf32, #tpu.memory_space<vmem>>
        %dma_wait3A_156 = tpu.memref_slice %arg9[%add3A_16] : memref<8192xf32, #tpu.memory_space<hbm>> -> memref<128xf32, #tpu.memory_space<hbm>>
        %dma_wait3A_157 = arith.constant 0 : i32
        %dma_wait3A_158 = tpu.memref_slice %arg24[%dma_wait3A_157] : memref<512xf32, #tpu.memory_space<vmem>> -> memref<128xf32, #tpu.memory_space<vmem>>
        %dma_wait3A_159 = tpu.memref_slice %arg9[%add3A_16] : memref<8192xf32, #tpu.memory_space<hbm>> -> memref<128xf32, #tpu.memory_space<hbm>>
        tpu.wait_dma2 semaphore(%run_scoped3A : memref<!tpu.dma_semaphore, #tpu.memory_space<semaphore_mem>>) src(%dma_wait3A_159 : memref<128xf32, #tpu.memory_space<hbm>>) dst(%dma_wait3A_158 : memref<128xf32, #tpu.memory_space<vmem>>)
        tpu.yield
      }) : () -> ()
      %add3A_17 = arith.constant 2048 : i32
      %add3A_18 = arith.addi %add3A_17, %mul3A_15 : i32
      "tpu.region"() ({
        %run_scoped3A = tpu.sem_alloc : memref<!tpu.dma_semaphore, #tpu.memory_space<semaphore_mem>>
        %dma_start3A_148 = arith.constant 128 : i32
        %dma_start3A_149 = tpu.memref_slice %arg24[%dma_start3A_148] : memref<512xf32, #tpu.memory_space<vmem>> -> memref<128xf32, #tpu.memory_space<vmem>>
        %dma_start3A_150 = tpu.memref_slice %arg9[%add3A_18] : memref<8192xf32, #tpu.memory_space<hbm>> -> memref<128xf32, #tpu.memory_space<hbm>>
        %dma_start3A_151 = arith.constant 128 : i32
        %dma_start3A_152 = tpu.memref_slice %arg24[%dma_start3A_151] : memref<512xf32, #tpu.memory_space<vmem>> -> memref<128xf32, #tpu.memory_space<vmem>>
        %dma_start3A_153 = tpu.memref_slice %arg9[%add3A_18] : memref<8192xf32, #tpu.memory_space<hbm>> -> memref<128xf32, #tpu.memory_space<hbm>>
        tpu.enqueue_dma source(%dma_start3A_153 : memref<128xf32, #tpu.memory_space<hbm>>) target(%dma_start3A_152 : memref<128xf32, #tpu.memory_space<vmem>>) target_semaphore(%run_scoped3A : memref<!tpu.dma_semaphore, #tpu.memory_space<semaphore_mem>>)
        %dma_wait3A_154 = arith.constant 128 : i32
        %dma_wait3A_155 = tpu.memref_slice %arg24[%dma_wait3A_154] : memref<512xf32, #tpu.memory_space<vmem>> -> memref<128xf32, #tpu.memory_space<vmem>>
        %dma_wait3A_156 = tpu.memref_slice %arg9[%add3A_18] : memref<8192xf32, #tpu.memory_space<hbm>> -> memref<128xf32, #tpu.memory_space<hbm>>
        %dma_wait3A_157 = arith.constant 128 : i32
        %dma_wait3A_158 = tpu.memref_slice %arg24[%dma_wait3A_157] : memref<512xf32, #tpu.memory_space<vmem>> -> memref<128xf32, #tpu.memory_space<vmem>>
        %dma_wait3A_159 = tpu.memref_slice %arg9[%add3A_18] : memref<8192xf32, #tpu.memory_space<hbm>> -> memref<128xf32, #tpu.memory_space<hbm>>
        tpu.wait_dma2 semaphore(%run_scoped3A : memref<!tpu.dma_semaphore, #tpu.memory_space<semaphore_mem>>) src(%dma_wait3A_159 : memref<128xf32, #tpu.memory_space<hbm>>) dst(%dma_wait3A_158 : memref<128xf32, #tpu.memory_space<vmem>>)
        tpu.yield
      }) : () -> ()
      %add3A_19 = arith.constant 4096 : i32
      %add3A_20 = arith.addi %add3A_19, %mul3A_15 : i32
      "tpu.region"() ({
        %run_scoped3A = tpu.sem_alloc : memref<!tpu.dma_semaphore, #tpu.memory_space<semaphore_mem>>
        %dma_start3A_148 = arith.constant 256 : i32
        %dma_start3A_149 = tpu.memref_slice %arg24[%dma_start3A_148] : memref<512xf32, #tpu.memory_space<vmem>> -> memref<128xf32, #tpu.memory_space<vmem>>
        %dma_start3A_150 = tpu.memref_slice %arg9[%add3A_20] : memref<8192xf32, #tpu.memory_space<hbm>> -> memref<128xf32, #tpu.memory_space<hbm>>
        %dma_start3A_151 = arith.constant 256 : i32
        %dma_start3A_152 = tpu.memref_slice %arg24[%dma_start3A_151] : memref<512xf32, #tpu.memory_space<vmem>> -> memref<128xf32, #tpu.memory_space<vmem>>
        %dma_start3A_153 = tpu.memref_slice %arg9[%add3A_20] : memref<8192xf32, #tpu.memory_space<hbm>> -> memref<128xf32, #tpu.memory_space<hbm>>
        tpu.enqueue_dma source(%dma_start3A_153 : memref<128xf32, #tpu.memory_space<hbm>>) target(%dma_start3A_152 : memref<128xf32, #tpu.memory_space<vmem>>) target_semaphore(%run_scoped3A : memref<!tpu.dma_semaphore, #tpu.memory_space<semaphore_mem>>)
        %dma_wait3A_154 = arith.constant 256 : i32
        %dma_wait3A_155 = tpu.memref_slice %arg24[%dma_wait3A_154] : memref<512xf32, #tpu.memory_space<vmem>> -> memref<128xf32, #tpu.memory_space<vmem>>
        %dma_wait3A_156 = tpu.memref_slice %arg9[%add3A_20] : memref<8192xf32, #tpu.memory_space<hbm>> -> memref<128xf32, #tpu.memory_space<hbm>>
        %dma_wait3A_157 = arith.constant 256 : i32
        %dma_wait3A_158 = tpu.memref_slice %arg24[%dma_wait3A_157] : memref<512xf32, #tpu.memory_space<vmem>> -> memref<128xf32, #tpu.memory_space<vmem>>
        %dma_wait3A_159 = tpu.memref_slice %arg9[%add3A_20] : memref<8192xf32, #tpu.memory_space<hbm>> -> memref<128xf32, #tpu.memory_space<hbm>>
        tpu.wait_dma2 semaphore(%run_scoped3A : memref<!tpu.dma_semaphore, #tpu.memory_space<semaphore_mem>>) src(%dma_wait3A_159 : memref<128xf32, #tpu.memory_space<hbm>>) dst(%dma_wait3A_158 : memref<128xf32, #tpu.memory_space<vmem>>)
        tpu.yield
      }) : () -> ()
      %add3A_21 = arith.constant 6144 : i32
      %add3A_22 = arith.addi %add3A_21, %mul3A_15 : i32
      "tpu.region"() ({
        %run_scoped3A = tpu.sem_alloc : memref<!tpu.dma_semaphore, #tpu.memory_space<semaphore_mem>>
        %dma_start3A_148 = arith.constant 384 : i32
        %dma_start3A_149 = tpu.memref_slice %arg24[%dma_start3A_148] : memref<512xf32, #tpu.memory_space<vmem>> -> memref<128xf32, #tpu.memory_space<vmem>>
        %dma_start3A_150 = tpu.memref_slice %arg9[%add3A_22] : memref<8192xf32, #tpu.memory_space<hbm>> -> memref<128xf32, #tpu.memory_space<hbm>>
        %dma_start3A_151 = arith.constant 384 : i32
        %dma_start3A_152 = tpu.memref_slice %arg24[%dma_start3A_151] : memref<512xf32, #tpu.memory_space<vmem>> -> memref<128xf32, #tpu.memory_space<vmem>>
        %dma_start3A_153 = tpu.memref_slice %arg9[%add3A_22] : memref<8192xf32, #tpu.memory_space<hbm>> -> memref<128xf32, #tpu.memory_space<hbm>>
        tpu.enqueue_dma source(%dma_start3A_153 : memref<128xf32, #tpu.memory_space<hbm>>) target(%dma_start3A_152 : memref<128xf32, #tpu.memory_space<vmem>>) target_semaphore(%run_scoped3A : memref<!tpu.dma_semaphore, #tpu.memory_space<semaphore_mem>>)
        %dma_wait3A_154 = arith.constant 384 : i32
        %dma_wait3A_155 = tpu.memref_slice %arg24[%dma_wait3A_154] : memref<512xf32, #tpu.memory_space<vmem>> -> memref<128xf32, #tpu.memory_space<vmem>>
        %dma_wait3A_156 = tpu.memref_slice %arg9[%add3A_22] : memref<8192xf32, #tpu.memory_space<hbm>> -> memref<128xf32, #tpu.memory_space<hbm>>
        %dma_wait3A_157 = arith.constant 384 : i32
        %dma_wait3A_158 = tpu.memref_slice %arg24[%dma_wait3A_157] : memref<512xf32, #tpu.memory_space<vmem>> -> memref<128xf32, #tpu.memory_space<vmem>>
        %dma_wait3A_159 = tpu.memref_slice %arg9[%add3A_22] : memref<8192xf32, #tpu.memory_space<hbm>> -> memref<128xf32, #tpu.memory_space<hbm>>
        tpu.wait_dma2 semaphore(%run_scoped3A : memref<!tpu.dma_semaphore, #tpu.memory_space<semaphore_mem>>) src(%dma_wait3A_159 : memref<128xf32, #tpu.memory_space<hbm>>) dst(%dma_wait3A_158 : memref<128xf32, #tpu.memory_space<vmem>>)
        tpu.yield
      }) : () -> ()
      %scan3A_23 = arith.constant 0 : i32
      %scan3A_24 = arith.constant 0 : i32
      %scan3A_25 = arith.constant 8 : i32
      %scan3A_26 = arith.addi %scan3A_24, %scan3A_25 : i32
      %scan3A_27 = arith.constant 1 : i32
      %scan3A_28 = scf.for %scan3A_148 = %scan3A_24 to %scan3A_26 step %scan3A_27 iter_args(%scan3A_149 = %scan3A_23) -> (i32)  : i32 {
        %mul3A_150 = arith.constant 16 : i32
        %mul3A_151 = arith.muli %scan3A_148, %mul3A_150 : i32
        %get3A = arith.index_cast %mul3A_151 : i32 to index
        %get3A_152 = tpu.vector_load %arg18[%get3A] {strides = array<i32>} : memref<128xi32, #tpu.memory_space<vmem>>, vector<16xi32>,
        %mul3A_153 = arith.constant 1024 : i32
        %mul3A_154 = vector.broadcast %mul3A_153 : i32 to vector<16xi32>
        %mul3A_155 = arith.muli %get3A_152, %mul3A_154 : vector<16xi32>
        %get3A_156 = arith.index_cast %mul3A_151 : i32 to index
        %get3A_157 = tpu.vector_load %arg19[%get3A_156] {strides = array<i32>} : memref<128xi32, #tpu.memory_space<vmem>>, vector<16xi32>,
        %add3A_158 = arith.addi %mul3A_155, %get3A_157 : vector<16xi32>
        %swap3A = arith.index_cast %mul3A_151 : i32 to index
        %swap3A_159 = tpu.vector_load %arg20[%swap3A] {strides = array<i32>} : memref<128xi32, #tpu.memory_space<vmem>>, vector<16xi32>,
        tpu.vector_store %arg20[%swap3A], %add3A_158 {strides = array<i32>} : memref<128xi32, #tpu.memory_space<vmem>>, vector<16xi32>,
        %scan3A_160 = arith.constant 0 : i32
        scf.yield %scan3A_160 : i32
      }
      %scan3A_29 = arith.constant 8 : i32
      %barrier3A = arith.constant 0 : index
      tpu.barrier barrier_id(%barrier3A)
      "tpu.region"() ({
        %run_scoped3A = tpu.sem_alloc : memref<!tpu.dma_semaphore, #tpu.memory_space<semaphore_mem>>
        %dma_start3A_148 = arith.constant 0 : i32
        %dma_start3A_149 = tpu.memref_slice %arg6[%dma_start3A_148] : memref<1048576xi32, #tpu.memory_space<hbm>> -> memref<1048576xi32, #tpu.memory_space<hbm>>
        tpu.enqueue_indirect_dma source(%dma_start3A_149 : memref<1048576xi32, #tpu.memory_space<hbm>>) target(%arg22 : memref<128xi32, #tpu.memory_space<vmem>>) offsets(%arg20 : memref<128xi32, #tpu.memory_space<vmem>>) semaphore(%run_scoped3A : memref<!tpu.dma_semaphore, #tpu.memory_space<semaphore_mem>>)
        %dma_wait3A_150 = arith.constant 0 : i32
        %dma_wait3A_151 = tpu.memref_slice %arg6[%dma_wait3A_150] : memref<1048576xi32, #tpu.memory_space<hbm>> -> memref<1048576xi32, #tpu.memory_space<hbm>>
        tpu.wait_indirect_dma semaphore(%run_scoped3A : memref<!tpu.dma_semaphore, #tpu.memory_space<semaphore_mem>>) src(%dma_wait3A_151 : memref<1048576xi32, #tpu.memory_space<hbm>>) dst(%arg22 : memref<128xi32, #tpu.memory_space<vmem>>)
        tpu.yield
      }) : () -> ()
      %scan3A_30 = arith.constant 0 : i32
      %scan3A_31 = arith.constant 0 : i32
      %scan3A_32 = arith.constant 8 : i32
      %scan3A_33 = arith.addi %scan3A_31, %scan3A_32 : i32
      %scan3A_34 = arith.constant 1 : i32
      %scan3A_35 = scf.for %scan3A_148 = %scan3A_31 to %scan3A_33 step %scan3A_34 iter_args(%scan3A_149 = %scan3A_30) -> (i32)  : i32 {
        %mul3A_150 = arith.constant 16 : i32
        %mul3A_151 = arith.muli %scan3A_148, %mul3A_150 : i32
        %iota3A = tpu.iota {dimensions = array<i32: 0>} : vector<16xi32>
        %add3A_152 = arith.addi %mul3A_15, %mul3A_151 : i32
        %add3A_153 = vector.broadcast %add3A_152 : i32 to vector<16xi32>
        %add3A_154 = arith.addi %iota3A, %add3A_153 : vector<16xi32>
        %get3A = arith.index_cast %mul3A_151 : i32 to index
        %get3A_155 = tpu.vector_load %arg22[%get3A] {strides = array<i32>} : memref<128xi32, #tpu.memory_space<vmem>>, vector<16xi32>,
        %eq3A_156 = arith.cmpi eq, %get3A_155, %add3A_154 : vector<16xi32>
        %jit3A = arith.constant 1.000000e+00 : f32
        %jit3A_157 = arith.constant 0.000000e+00 : f32
        %broadcast_in_dim3A = vector.broadcast %jit3A : f32 to vector<16xf32>
        %broadcast_in_dim3A_158 = vector.broadcast %jit3A_157 : f32 to vector<16xf32>
        %select_n3A = arith.select %eq3A_156, %broadcast_in_dim3A, %broadcast_in_dim3A_158 : vector<16xi1>, vector<16xf32>
        %add3A_159 = arith.constant 0 : i32
        %add3A_160 = arith.addi %add3A_159, %mul3A_151 : i32
        %get3A_161 = arith.index_cast %add3A_160 : i32 to index
        %get3A_162 = tpu.vector_load %arg24[%get3A_161] {strides = array<i32>} : memref<512xf32, #tpu.memory_space<vmem>>, vector<16xf32>,
        %mul3A_163 = arith.mulf %get3A_162, %select_n3A : vector<16xf32>
        %add3A_164 = arith.constant 0 : i32
        %add3A_165 = arith.addi %add3A_164, %mul3A_151 : i32
        %swap3A = arith.index_cast %add3A_165 : i32 to index
        %swap3A_166 = tpu.vector_load %arg23[%swap3A] {strides = array<i32>} : memref<512xf32, #tpu.memory_space<vmem>>, vector<16xf32>,
        tpu.vector_store %arg23[%swap3A], %mul3A_163 {strides = array<i32>} : memref<512xf32, #tpu.memory_space<vmem>>, vector<16xf32>,
        %add3A_167 = arith.constant 128 : i32
        %add3A_168 = arith.addi %add3A_167, %mul3A_151 : i32
        %get3A_169 = arith.index_cast %add3A_168 : i32 to index
        %get3A_170 = tpu.vector_load %arg24[%get3A_169] {strides = array<i32>} : memref<512xf32, #tpu.memory_space<vmem>>, vector<16xf32>,
        %mul3A_171 = arith.mulf %get3A_170, %select_n3A : vector<16xf32>
        %add3A_172 = arith.constant 128 : i32
        %add3A_173 = arith.addi %add3A_172, %mul3A_151 : i32
        %swap3A_174 = arith.index_cast %add3A_173 : i32 to index
        %swap3A_175 = tpu.vector_load %arg23[%swap3A_174] {strides = array<i32>} : memref<512xf32, #tpu.memory_space<vmem>>, vector<16xf32>,
        tpu.vector_store %arg23[%swap3A_174], %mul3A_171 {strides = array<i32>} : memref<512xf32, #tpu.memory_space<vmem>>, vector<16xf32>,
        %add3A_176 = arith.constant 256 : i32
        %add3A_177 = arith.addi %add3A_176, %mul3A_151 : i32
        %get3A_178 = arith.index_cast %add3A_177 : i32 to index
        %get3A_179 = tpu.vector_load %arg24[%get3A_178] {strides = array<i32>} : memref<512xf32, #tpu.memory_space<vmem>>, vector<16xf32>,
        %mul3A_180 = arith.mulf %get3A_179, %select_n3A : vector<16xf32>
        %add3A_181 = arith.constant 256 : i32
        %add3A_182 = arith.addi %add3A_181, %mul3A_151 : i32
        %swap3A_183 = arith.index_cast %add3A_182 : i32 to index
        %swap3A_184 = tpu.vector_load %arg23[%swap3A_183] {strides = array<i32>} : memref<512xf32, #tpu.memory_space<vmem>>, vector<16xf32>,
        tpu.vector_store %arg23[%swap3A_183], %mul3A_180 {strides = array<i32>} : memref<512xf32, #tpu.memory_space<vmem>>, vector<16xf32>,
        %add3A_185 = arith.constant 384 : i32
        %add3A_186 = arith.addi %add3A_185, %mul3A_151 : i32
        %get3A_187 = arith.index_cast %add3A_186 : i32 to index
        %get3A_188 = tpu.vector_load %arg24[%get3A_187] {strides = array<i32>} : memref<512xf32, #tpu.memory_space<vmem>>, vector<16xf32>,
        %mul3A_189 = arith.mulf %get3A_188, %select_n3A : vector<16xf32>
        %add3A_190 = arith.constant 384 : i32
        %add3A_191 = arith.addi %add3A_190, %mul3A_151 : i32
        %swap3A_192 = arith.index_cast %add3A_191 : i32 to index
        %swap3A_193 = tpu.vector_load %arg23[%swap3A_192] {strides = array<i32>} : memref<512xf32, #tpu.memory_space<vmem>>, vector<16xf32>,
        tpu.vector_store %arg23[%swap3A_192], %mul3A_189 {strides = array<i32>} : memref<512xf32, #tpu.memory_space<vmem>>, vector<16xf32>,
        %scan3A_194 = arith.constant 0 : i32
        scf.yield %scan3A_194 : i32
      }
      %scan3A_36 = arith.constant 8 : i32
      %scan3A_37 = arith.constant 0 : i32
      %scan3A_38 = arith.constant 0 : i32
      %scan3A_39 = arith.constant 8 : i32
      %scan3A_40 = arith.addi %scan3A_38, %scan3A_39 : i32
      %scan3A_41 = arith.constant 1 : i32
      %scan3A_42 = scf.for %scan3A_148 = %scan3A_38 to %scan3A_40 step %scan3A_41 iter_args(%scan3A_149 = %scan3A_37) -> (i32)  : i32 {
        %mul3A_150 = arith.constant 16 : i32
        %mul3A_151 = arith.muli %scan3A_148, %mul3A_150 : i32
        %get3A = arith.index_cast %mul3A_151 : i32 to index
        %get3A_152 = tpu.vector_load %arg19[%get3A] {strides = array<i32>} : memref<128xi32, #tpu.memory_space<vmem>>, vector<16xi32>,
        %add3A_153 = arith.constant 0 : i32
        %add3A_154 = vector.broadcast %add3A_153 : i32 to vector<16xi32>
        %add3A_155 = arith.addi %get3A_152, %add3A_154 : vector<16xi32>
        %swap3A = arith.constant 0 : i32
        %swap3A_156 = arith.index_cast %swap3A : i32 to index
        %swap3A_157 = arith.index_cast %mul3A_151 : i32 to index
        %swap3A_158 = tpu.vector_load %arg25[%swap3A_156, %swap3A_157] {strides = array<i32>} : memref<4x128xi32, #tpu.memory_space<vmem>>, vector<16xi32>,
        tpu.vector_store %arg25[%swap3A_156, %swap3A_157], %add3A_155 {strides = array<i32>} : memref<4x128xi32, #tpu.memory_space<vmem>>, vector<16xi32>,
        %add3A_159 = arith.constant 1024 : i32
        %add3A_160 = vector.broadcast %add3A_159 : i32 to vector<16xi32>
        %add3A_161 = arith.addi %get3A_152, %add3A_160 : vector<16xi32>
        %swap3A_162 = arith.constant 1 : i32
        %swap3A_163 = arith.index_cast %swap3A_162 : i32 to index
        %swap3A_164 = arith.index_cast %mul3A_151 : i32 to index
        %swap3A_165 = tpu.vector_load %arg25[%swap3A_163, %swap3A_164] {strides = array<i32>} : memref<4x128xi32, #tpu.memory_space<vmem>>, vector<16xi32>,
        tpu.vector_store %arg25[%swap3A_163, %swap3A_164], %add3A_161 {strides = array<i32>} : memref<4x128xi32, #tpu.memory_space<vmem>>, vector<16xi32>,
        %add3A_166 = arith.constant 2048 : i32
        %add3A_167 = vector.broadcast %add3A_166 : i32 to vector<16xi32>
        %add3A_168 = arith.addi %get3A_152, %add3A_167 : vector<16xi32>
        %swap3A_169 = arith.constant 2 : i32
        %swap3A_170 = arith.index_cast %swap3A_169 : i32 to index
        %swap3A_171 = arith.index_cast %mul3A_151 : i32 to index
        %swap3A_172 = tpu.vector_load %arg25[%swap3A_170, %swap3A_171] {strides = array<i32>} : memref<4x128xi32, #tpu.memory_space<vmem>>, vector<16xi32>,
        tpu.vector_store %arg25[%swap3A_170, %swap3A_171], %add3A_168 {strides = array<i32>} : memref<4x128xi32, #tpu.memory_space<vmem>>, vector<16xi32>,
        %add3A_173 = arith.constant 3072 : i32
        %add3A_174 = vector.broadcast %add3A_173 : i32 to vector<16xi32>
        %add3A_175 = arith.addi %get3A_152, %add3A_174 : vector<16xi32>
        %swap3A_176 = arith.constant 3 : i32
        %swap3A_177 = arith.index_cast %swap3A_176 : i32 to index
        %swap3A_178 = arith.index_cast %mul3A_151 : i32 to index
        %swap3A_179 = tpu.vector_load %arg25[%swap3A_177, %swap3A_178] {strides = array<i32>} : memref<4x128xi32, #tpu.memory_space<vmem>>, vector<16xi32>,
        tpu.vector_store %arg25[%swap3A_177, %swap3A_178], %add3A_175 {strides = array<i32>} : memref<4x128xi32, #tpu.memory_space<vmem>>, vector<16xi32>,
        %scan3A_180 = arith.constant 0 : i32
        scf.yield %scan3A_180 : i32
      }
      %scan3A_43 = arith.constant 8 : i32
      %dma_start3A = arith.constant 0 : i32
      %dma_start3A_44 = arith.constant 0 : i32
      %dma_start3A_45 = arith.constant 0 : i32
      %dma_start3A_46 = tpu.memref_slice %arg17[%dma_start3A_44, %dma_start3A_45] : memref<256x128xf32, #tpu.memory_space<vmem>> -> memref<128x128xf32, #tpu.memory_space<vmem>>
      %dma_start3A_47 = arith.constant 0 : i32
      %dma_start3A_48 = tpu.memref_slice %arg25[%dma_start3A, %dma_start3A_47] : memref<4x128xi32, #tpu.memory_space<vmem>> -> memref<1x128xi32, #tpu.memory_space<vmem>>
      %dma_start3A_49 = tpu.memref_squeeze %dma_start3A_48 : memref<1x128xi32, #tpu.memory_space<vmem>> -> memref<128xi32, #tpu.memory_space<vmem>>
      %dma_start3A_50 = arith.constant 0 : i32
      %dma_start3A_51 = arith.constant 0 : i32
      %dma_start3A_52 = tpu.memref_slice %arg10[%dma_start3A_50, %dma_start3A_51] : memref<4096x128xf32, #tpu.memory_space<hbm>> -> memref<4096x128xf32, #tpu.memory_space<hbm>>
      tpu.enqueue_indirect_dma source(%dma_start3A_52 : memref<4096x128xf32, #tpu.memory_space<hbm>>) target(%dma_start3A_46 : memref<128x128xf32, #tpu.memory_space<vmem>>) offsets(%dma_start3A_49 : memref<128xi32, #tpu.memory_space<vmem>>) semaphore(%arg37 : memref<!tpu.dma_semaphore, #tpu.memory_space<semaphore_mem>>)
      %dma_start3A_53 = arith.constant 1 : i32
      %dma_start3A_54 = arith.constant 128 : i32
      %dma_start3A_55 = arith.constant 0 : i32
      %dma_start3A_56 = tpu.memref_slice %arg17[%dma_start3A_54, %dma_start3A_55] : memref<256x128xf32, #tpu.memory_space<vmem>> -> memref<128x128xf32, #tpu.memory_space<vmem>>
      %dma_start3A_57 = arith.constant 0 : i32
      %dma_start3A_58 = tpu.memref_slice %arg25[%dma_start3A_53, %dma_start3A_57] : memref<4x128xi32, #tpu.memory_space<vmem>> -> memref<1x128xi32, #tpu.memory_space<vmem>>
      %dma_start3A_59 = tpu.memref_squeeze %dma_start3A_58 : memref<1x128xi32, #tpu.memory_space<vmem>> -> memref<128xi32, #tpu.memory_space<vmem>>
      %dma_start3A_60 = arith.constant 0 : i32
      %dma_start3A_61 = arith.constant 0 : i32
      %dma_start3A_62 = tpu.memref_slice %arg10[%dma_start3A_60, %dma_start3A_61] : memref<4096x128xf32, #tpu.memory_space<hbm>> -> memref<4096x128xf32, #tpu.memory_space<hbm>>
      tpu.enqueue_indirect_dma source(%dma_start3A_62 : memref<4096x128xf32, #tpu.memory_space<hbm>>) target(%dma_start3A_56 : memref<128x128xf32, #tpu.memory_space<vmem>>) offsets(%dma_start3A_59 : memref<128xi32, #tpu.memory_space<vmem>>) semaphore(%arg37 : memref<!tpu.dma_semaphore, #tpu.memory_space<semaphore_mem>>)
      %dma_wait3A = arith.constant 0 : i32
      %dma_wait3A_63 = arith.constant 0 : i32
      %dma_wait3A_64 = arith.constant 0 : i32
      %dma_wait3A_65 = tpu.memref_slice %arg17[%dma_wait3A_63, %dma_wait3A_64] : memref<256x128xf32, #tpu.memory_space<vmem>> -> memref<128x128xf32, #tpu.memory_space<vmem>>
      %dma_wait3A_66 = arith.constant 0 : i32
      %dma_wait3A_67 = tpu.memref_slice %arg25[%dma_wait3A, %dma_wait3A_66] : memref<4x128xi32, #tpu.memory_space<vmem>> -> memref<1x128xi32, #tpu.memory_space<vmem>>
      %dma_wait3A_68 = tpu.memref_squeeze %dma_wait3A_67 : memref<1x128xi32, #tpu.memory_space<vmem>> -> memref<128xi32, #tpu.memory_space<vmem>>
      %dma_wait3A_69 = arith.constant 0 : i32
      %dma_wait3A_70 = arith.constant 0 : i32
      %dma_wait3A_71 = tpu.memref_slice %arg10[%dma_wait3A_69, %dma_wait3A_70] : memref<4096x128xf32, #tpu.memory_space<hbm>> -> memref<4096x128xf32, #tpu.memory_space<hbm>>
      tpu.wait_indirect_dma semaphore(%arg37 : memref<!tpu.dma_semaphore, #tpu.memory_space<semaphore_mem>>) src(%dma_wait3A_71 : memref<4096x128xf32, #tpu.memory_space<hbm>>) dst(%dma_wait3A_65 : memref<128x128xf32, #tpu.memory_space<vmem>>)
      %dma_wait3A_72 = arith.constant 1 : i32
      %dma_wait3A_73 = arith.constant 128 : i32
      %dma_wait3A_74 = arith.constant 0 : i32
      %dma_wait3A_75 = tpu.memref_slice %arg17[%dma_wait3A_73, %dma_wait3A_74] : memref<256x128xf32, #tpu.memory_space<vmem>> -> memref<128x128xf32, #tpu.memory_space<vmem>>
      %dma_wait3A_76 = arith.constant 0 : i32
      %dma_wait3A_77 = tpu.memref_slice %arg25[%dma_wait3A_72, %dma_wait3A_76] : memref<4x128xi32, #tpu.memory_space<vmem>> -> memref<1x128xi32, #tpu.memory_space<vmem>>
      %dma_wait3A_78 = tpu.memref_squeeze %dma_wait3A_77 : memref<1x128xi32, #tpu.memory_space<vmem>> -> memref<128xi32, #tpu.memory_space<vmem>>
      %dma_wait3A_79 = arith.constant 0 : i32
      %dma_wait3A_80 = arith.constant 0 : i32
      %dma_wait3A_81 = tpu.memref_slice %arg10[%dma_wait3A_79, %dma_wait3A_80] : memref<4096x128xf32, #tpu.memory_space<hbm>> -> memref<4096x128xf32, #tpu.memory_space<hbm>>
      tpu.wait_indirect_dma semaphore(%arg37 : memref<!tpu.dma_semaphore, #tpu.memory_space<semaphore_mem>>) src(%dma_wait3A_81 : memref<4096x128xf32, #tpu.memory_space<hbm>>) dst(%dma_wait3A_75 : memref<128x128xf32, #tpu.memory_space<vmem>>)
      %scan3A_82 = arith.constant 0 : i32
      %scan3A_83 = arith.constant 0 : i32
      %scan3A_84 = arith.constant 128 : i32
      %scan3A_85 = arith.addi %scan3A_83, %scan3A_84 : i32
      %scan3A_86 = arith.constant 4 : i32
      %scan3A_87 = scf.for %scan3A_148 = %scan3A_83 to %scan3A_85 step %scan3A_86 iter_args(%scan3A_149 = %scan3A_82) -> (i32)  : i32 {
        %jit3A = arith.constant 16 : i32
        %div3A = arith.divsi %scan3A_148, %jit3A : i32
        %sign3A = arith.constant 0 : i32
        %sign3A_150 = arith.cmpi sgt, %scan3A_148, %sign3A : i32
        %sign3A_151 = arith.extui %sign3A_150 : i1 to i32
        %sign3A_152 = arith.constant 0 : i32
        %sign3A_153 = arith.cmpi slt, %scan3A_148, %sign3A_152 : i32
        %sign3A_154 = arith.extui %sign3A_153 : i1 to i32
        %sign3A_155 = arith.subi %sign3A_151, %sign3A_154 : i32
        %sign3A_156 = arith.constant 0 : i32
        %sign3A_157 = arith.cmpi sgt, %jit3A, %sign3A_156 : i32
        %sign3A_158 = arith.extui %sign3A_157 : i1 to i32
        %sign3A_159 = arith.constant 0 : i32
        %sign3A_160 = arith.cmpi slt, %jit3A, %sign3A_159 : i32
        %sign3A_161 = arith.extui %sign3A_160 : i1 to i32
        %sign3A_162 = arith.subi %sign3A_158, %sign3A_161 : i32
        %ne3A = arith.cmpi ne, %sign3A_155, %sign3A_162 : i32
        %rem3A = arith.remsi %scan3A_148, %jit3A : i32
        %ne3A_163 = arith.constant 0 : i32
        %ne3A_164 = arith.cmpi ne, %rem3A, %ne3A_163 : i32
        %and3A = arith.andi %ne3A, %ne3A_164 : i1
        %sub3A = arith.constant 1 : i32
        %sub3A_165 = arith.subi %div3A, %sub3A : i32
        %select_n3A = arith.select %and3A, %sub3A_165, %div3A : i32
        %mul3A_166 = arith.constant 16 : i32
        %mul3A_167 = arith.muli %select_n3A, %mul3A_166 : i32
        %sub3A_168 = arith.subi %scan3A_148, %mul3A_167 : i32
        %add3A_169 = arith.constant 0 : i32
        %add3A_170 = arith.addi %add3A_169, %mul3A_167 : i32
        %get3A = arith.index_cast %add3A_170 : i32 to index
        %get3A_171 = tpu.vector_load %arg23[%get3A] {strides = array<i32>} : memref<512xf32, #tpu.memory_space<vmem>>, vector<16xf32>,
        %broadcast_in_dim3A = vector.broadcast %sub3A_168 : i32 to vector<16x1xi32>
        %gather3A = vector.shape_cast %broadcast_in_dim3A : vector<16x1xi32> to vector<16xi32>
        %gather3A_172 = tpu.dynamic_gather %get3A_171[%gather3A] in [0] : vector<16xf32>, vector<16xi32> -> vector<16xf32>
        %add3A_173 = arith.constant 128 : i32
        %add3A_174 = arith.addi %add3A_173, %mul3A_167 : i32
        %get3A_175 = arith.index_cast %add3A_174 : i32 to index
        %get3A_176 = tpu.vector_load %arg23[%get3A_175] {strides = array<i32>} : memref<512xf32, #tpu.memory_space<vmem>>, vector<16xf32>,
        %broadcast_in_dim3A_177 = vector.broadcast %sub3A_168 : i32 to vector<16x1xi32>
        %gather3A_178 = vector.shape_cast %broadcast_in_dim3A_177 : vector<16x1xi32> to vector<16xi32>
        %gather3A_179 = tpu.dynamic_gather %get3A_176[%gather3A_178] in [0] : vector<16xf32>, vector<16xi32> -> vector<16xf32>
        %get3A_180 = arith.index_cast %scan3A_148 : i32 to index
        %get3A_181 = arith.constant 0 : index
        %get3A_182 = tpu.vector_load %arg17[%get3A_180, %get3A_181] {strides = array<i32>} : memref<256x128xf32, #tpu.memory_space<vmem>>, vector<16xf32>,
        %mul3A_183 = arith.mulf %gather3A_172, %get3A_182 : vector<16xf32>
        %add3A_184 = arith.constant 128 : i32
        %add3A_185 = arith.addi %add3A_184, %scan3A_148 : i32
        %get3A_186 = arith.index_cast %add3A_185 : i32 to index
        %get3A_187 = arith.constant 0 : index
        %get3A_188 = tpu.vector_load %arg17[%get3A_186, %get3A_187] {strides = array<i32>} : memref<256x128xf32, #tpu.memory_space<vmem>>, vector<16xf32>,
        %mul3A_189 = arith.mulf %gather3A_179, %get3A_188 : vector<16xf32>
        %add3A_190 = arith.addf %mul3A_183, %mul3A_189 : vector<16xf32>
        %swap3A = arith.index_cast %scan3A_148 : i32 to index
        %swap3A_191 = arith.constant 0 : index
        %swap3A_192 = tpu.vector_load %arg16[%swap3A, %swap3A_191] {strides = array<i32>} : memref<128x128xf32, #tpu.memory_space<vmem>>, vector<16xf32>,
        tpu.vector_store %arg16[%swap3A, %swap3A_191], %add3A_190 {strides = array<i32>} : memref<128x128xf32, #tpu.memory_space<vmem>>, vector<16xf32>,
        %get3A_193 = arith.index_cast %scan3A_148 : i32 to index
        %get3A_194 = arith.constant 16 : index
        %get3A_195 = tpu.vector_load %arg17[%get3A_193, %get3A_194] {strides = array<i32>} : memref<256x128xf32, #tpu.memory_space<vmem>>, vector<16xf32>,
        %mul3A_196 = arith.mulf %gather3A_172, %get3A_195 : vector<16xf32>
        %add3A_197 = arith.constant 128 : i32
        %add3A_198 = arith.addi %add3A_197, %scan3A_148 : i32
        %get3A_199 = arith.index_cast %add3A_198 : i32 to index
        %get3A_200 = arith.constant 16 : index
        %get3A_201 = tpu.vector_load %arg17[%get3A_199, %get3A_200] {strides = array<i32>} : memref<256x128xf32, #tpu.memory_space<vmem>>, vector<16xf32>,
        %mul3A_202 = arith.mulf %gather3A_179, %get3A_201 : vector<16xf32>
        %add3A_203 = arith.addf %mul3A_196, %mul3A_202 : vector<16xf32>
        %swap3A_204 = arith.index_cast %scan3A_148 : i32 to index
        %swap3A_205 = arith.constant 16 : index
        %swap3A_206 = tpu.vector_load %arg16[%swap3A_204, %swap3A_205] {strides = array<i32>} : memref<128x128xf32, #tpu.memory_space<vmem>>, vector<16xf32>,
        tpu.vector_store %arg16[%swap3A_204, %swap3A_205], %add3A_203 {strides = array<i32>} : memref<128x128xf32, #tpu.memory_space<vmem>>, vector<16xf32>,
        %get3A_207 = arith.index_cast %scan3A_148 : i32 to index
        %get3A_208 = arith.constant 32 : index
        %get3A_209 = tpu.vector_load %arg17[%get3A_207, %get3A_208] {strides = array<i32>} : memref<256x128xf32, #tpu.memory_space<vmem>>, vector<16xf32>,
        %mul3A_210 = arith.mulf %gather3A_172, %get3A_209 : vector<16xf32>
        %add3A_211 = arith.constant 128 : i32
        %add3A_212 = arith.addi %add3A_211, %scan3A_148 : i32
        %get3A_213 = arith.index_cast %add3A_212 : i32 to index
        %get3A_214 = arith.constant 32 : index
        %get3A_215 = tpu.vector_load %arg17[%get3A_213, %get3A_214] {strides = array<i32>} : memref<256x128xf32, #tpu.memory_space<vmem>>, vector<16xf32>,
        %mul3A_216 = arith.mulf %gather3A_179, %get3A_215 : vector<16xf32>
        %add3A_217 = arith.addf %mul3A_210, %mul3A_216 : vector<16xf32>
        %swap3A_218 = arith.index_cast %scan3A_148 : i32 to index
        %swap3A_219 = arith.constant 32 : index
        %swap3A_220 = tpu.vector_load %arg16[%swap3A_218, %swap3A_219] {strides = array<i32>} : memref<128x128xf32, #tpu.memory_space<vmem>>, vector<16xf32>,
        tpu.vector_store %arg16[%swap3A_218, %swap3A_219], %add3A_217 {strides = array<i32>} : memref<128x128xf32, #tpu.memory_space<vmem>>, vector<16xf32>,
        %get3A_221 = arith.index_cast %scan3A_148 : i32 to index
        %get3A_222 = arith.constant 48 : index
        %get3A_223 = tpu.vector_load %arg17[%get3A_221, %get3A_222] {strides = array<i32>} : memref<256x128xf32, #tpu.memory_space<vmem>>, vector<16xf32>,
        %mul3A_224 = arith.mulf %gather3A_172, %get3A_223 : vector<16xf32>
        %add3A_225 = arith.constant 128 : i32
        %add3A_226 = arith.addi %add3A_225, %scan3A_148 : i32
        %get3A_227 = arith.index_cast %add3A_226 : i32 to index
        %get3A_228 = arith.constant 48 : index
        %get3A_229 = tpu.vector_load %arg17[%get3A_227, %get3A_228] {strides = array<i32>} : memref<256x128xf32, #tpu.memory_space<vmem>>, vector<16xf32>,
        %mul3A_230 = arith.mulf %gather3A_179, %get3A_229 : vector<16xf32>
        %add3A_231 = arith.addf %mul3A_224, %mul3A_230 : vector<16xf32>
        %swap3A_232 = arith.index_cast %scan3A_148 : i32 to index
        %swap3A_233 = arith.constant 48 : index
        %swap3A_234 = tpu.vector_load %arg16[%swap3A_232, %swap3A_233] {strides = array<i32>} : memref<128x128xf32, #tpu.memory_space<vmem>>, vector<16xf32>,
        tpu.vector_store %arg16[%swap3A_232, %swap3A_233], %add3A_231 {strides = array<i32>} : memref<128x128xf32, #tpu.memory_space<vmem>>, vector<16xf32>,
        %get3A_235 = arith.index_cast %scan3A_148 : i32 to index
        %get3A_236 = arith.constant 64 : index
        %get3A_237 = tpu.vector_load %arg17[%get3A_235, %get3A_236] {strides = array<i32>} : memref<256x128xf32, #tpu.memory_space<vmem>>, vector<16xf32>,
        %mul3A_238 = arith.mulf %gather3A_172, %get3A_237 : vector<16xf32>
        %add3A_239 = arith.constant 128 : i32
        %add3A_240 = arith.addi %add3A_239, %scan3A_148 : i32
        %get3A_241 = arith.index_cast %add3A_240 : i32 to index
        %get3A_242 = arith.constant 64 : index
        %get3A_243 = tpu.vector_load %arg17[%get3A_241, %get3A_242] {strides = array<i32>} : memref<256x128xf32, #tpu.memory_space<vmem>>, vector<16xf32>,
        %mul3A_244 = arith.mulf %gather3A_179, %get3A_243 : vector<16xf32>
        %add3A_245 = arith.addf %mul3A_238, %mul3A_244 : vector<16xf32>
        %swap3A_246 = arith.index_cast %scan3A_148 : i32 to index
        %swap3A_247 = arith.constant 64 : index
        %swap3A_248 = tpu.vector_load %arg16[%swap3A_246, %swap3A_247] {strides = array<i32>} : memref<128x128xf32, #tpu.memory_space<vmem>>, vector<16xf32>,
        tpu.vector_store %arg16[%swap3A_246, %swap3A_247], %add3A_245 {strides = array<i32>} : memref<128x128xf32, #tpu.memory_space<vmem>>, vector<16xf32>,
        %get3A_249 = arith.index_cast %scan3A_148 : i32 to index
        %get3A_250 = arith.constant 80 : index
        %get3A_251 = tpu.vector_load %arg17[%get3A_249, %get3A_250] {strides = array<i32>} : memref<256x128xf32, #tpu.memory_space<vmem>>, vector<16xf32>,
        %mul3A_252 = arith.mulf %gather3A_172, %get3A_251 : vector<16xf32>
        %add3A_253 = arith.constant 128 : i32
        %add3A_254 = arith.addi %add3A_253, %scan3A_148 : i32
        %get3A_255 = arith.index_cast %add3A_254 : i32 to index
        %get3A_256 = arith.constant 80 : index
        %get3A_257 = tpu.vector_load %arg17[%get3A_255, %get3A_256] {strides = array<i32>} : memref<256x128xf32, #tpu.memory_space<vmem>>, vector<16xf32>,
        %mul3A_258 = arith.mulf %gather3A_179, %get3A_257 : vector<16xf32>
        %add3A_259 = arith.addf %mul3A_252, %mul3A_258 : vector<16xf32>
        %swap3A_260 = arith.index_cast %scan3A_148 : i32 to index
        %swap3A_261 = arith.constant 80 : index
        %swap3A_262 = tpu.vector_load %arg16[%swap3A_260, %swap3A_261] {strides = array<i32>} : memref<128x128xf32, #tpu.memory_space<vmem>>, vector<16xf32>,
        tpu.vector_store %arg16[%swap3A_260, %swap3A_261], %add3A_259 {strides = array<i32>} : memref<128x128xf32, #tpu.memory_space<vmem>>, vector<16xf32>,
        %get3A_263 = arith.index_cast %scan3A_148 : i32 to index
        %get3A_264 = arith.constant 96 : index
        %get3A_265 = tpu.vector_load %arg17[%get3A_263, %get3A_264] {strides = array<i32>} : memref<256x128xf32, #tpu.memory_space<vmem>>, vector<16xf32>,
        %mul3A_266 = arith.mulf %gather3A_172, %get3A_265 : vector<16xf32>
        %add3A_267 = arith.constant 128 : i32
        %add3A_268 = arith.addi %add3A_267, %scan3A_148 : i32
        %get3A_269 = arith.index_cast %add3A_268 : i32 to index
        %get3A_270 = arith.constant 96 : index
        %get3A_271 = tpu.vector_load %arg17[%get3A_269, %get3A_270] {strides = array<i32>} : memref<256x128xf32, #tpu.memory_space<vmem>>, vector<16xf32>,
        %mul3A_272 = arith.mulf %gather3A_179, %get3A_271 : vector<16xf32>
        %add3A_273 = arith.addf %mul3A_266, %mul3A_272 : vector<16xf32>
        %swap3A_274 = arith.index_cast %scan3A_148 : i32 to index
        %swap3A_275 = arith.constant 96 : index
        %swap3A_276 = tpu.vector_load %arg16[%swap3A_274, %swap3A_275] {strides = array<i32>} : memref<128x128xf32, #tpu.memory_space<vmem>>, vector<16xf32>,
        tpu.vector_store %arg16[%swap3A_274, %swap3A_275], %add3A_273 {strides = array<i32>} : memref<128x128xf32, #tpu.memory_space<vmem>>, vector<16xf32>,
        %get3A_277 = arith.index_cast %scan3A_148 : i32 to index
        %get3A_278 = arith.constant 112 : index
        %get3A_279 = tpu.vector_load %arg17[%get3A_277, %get3A_278] {strides = array<i32>} : memref<256x128xf32, #tpu.memory_space<vmem>>, vector<16xf32>,
        %mul3A_280 = arith.mulf %gather3A_172, %get3A_279 : vector<16xf32>
        %add3A_281 = arith.constant 128 : i32
        %add3A_282 = arith.addi %add3A_281, %scan3A_148 : i32
        %get3A_283 = arith.index_cast %add3A_282 : i32 to index
        %get3A_284 = arith.constant 112 : index
        %get3A_285 = tpu.vector_load %arg17[%get3A_283, %get3A_284] {strides = array<i32>} : memref<256x128xf32, #tpu.memory_space<vmem>>, vector<16xf32>,
        %mul3A_286 = arith.mulf %gather3A_179, %get3A_285 : vector<16xf32>
        %add3A_287 = arith.addf %mul3A_280, %mul3A_286 : vector<16xf32>
        %swap3A_288 = arith.index_cast %scan3A_148 : i32 to index
        %swap3A_289 = arith.constant 112 : index
        %swap3A_290 = tpu.vector_load %arg16[%swap3A_288, %swap3A_289] {strides = array<i32>} : memref<128x128xf32, #tpu.memory_space<vmem>>, vector<16xf32>,
        tpu.vector_store %arg16[%swap3A_288, %swap3A_289], %add3A_287 {strides = array<i32>} : memref<128x128xf32, #tpu.memory_space<vmem>>, vector<16xf32>,
        %scan3A_291 = arith.constant 0 : i32
        %scan3A_292 = arith.constant 1 : i32
        %scan3A_293 = arith.addi %scan3A_148, %scan3A_292 : i32
        %jit3A_294 = arith.constant 16 : i32
        %div3A_295 = arith.divsi %scan3A_293, %jit3A_294 : i32
        %sign3A_296 = arith.constant 0 : i32
        %sign3A_297 = arith.cmpi sgt, %scan3A_293, %sign3A_296 : i32
        %sign3A_298 = arith.extui %sign3A_297 : i1 to i32
        %sign3A_299 = arith.constant 0 : i32
        %sign3A_300 = arith.cmpi slt, %scan3A_293, %sign3A_299 : i32
        %sign3A_301 = arith.extui %sign3A_300 : i1 to i32
        %sign3A_302 = arith.subi %sign3A_298, %sign3A_301 : i32
        %sign3A_303 = arith.constant 0 : i32
        %sign3A_304 = arith.cmpi sgt, %jit3A_294, %sign3A_303 : i32
        %sign3A_305 = arith.extui %sign3A_304 : i1 to i32
        %sign3A_306 = arith.constant 0 : i32
        %sign3A_307 = arith.cmpi slt, %jit3A_294, %sign3A_306 : i32
        %sign3A_308 = arith.extui %sign3A_307 : i1 to i32
        %sign3A_309 = arith.subi %sign3A_305, %sign3A_308 : i32
        %ne3A_310 = arith.cmpi ne, %sign3A_302, %sign3A_309 : i32
        %rem3A_311 = arith.remsi %scan3A_293, %jit3A_294 : i32
        %ne3A_312 = arith.constant 0 : i32
        %ne3A_313 = arith.cmpi ne, %rem3A_311, %ne3A_312 : i32
        %and3A_314 = arith.andi %ne3A_310, %ne3A_313 : i1
        %sub3A_315 = arith.constant 1 : i32
        %sub3A_316 = arith.subi %div3A_295, %sub3A_315 : i32
        %select_n3A_317 = arith.select %and3A_314, %sub3A_316, %div3A_295 : i32
        %mul3A_318 = arith.constant 16 : i32
        %mul3A_319 = arith.muli %select_n3A_317, %mul3A_318 : i32
        %sub3A_320 = arith.subi %scan3A_293, %mul3A_319 : i32
        %add3A_321 = arith.constant 0 : i32
        %add3A_322 = arith.addi %add3A_321, %mul3A_319 : i32
        %get3A_323 = arith.index_cast %add3A_322 : i32 to index
        %get3A_324 = tpu.vector_load %arg23[%get3A_323] {strides = array<i32>} : memref<512xf32, #tpu.memory_space<vmem>>, vector<16xf32>,
        %broadcast_in_dim3A_325 = vector.broadcast %sub3A_320 : i32 to vector<16x1xi32>
        %gather3A_326 = vector.shape_cast %broadcast_in_dim3A_325 : vector<16x1xi32> to vector<16xi32>
        %gather3A_327 = tpu.dynamic_gather %get3A_324[%gather3A_326] in [0] : vector<16xf32>, vector<16xi32> -> vector<16xf32>
        %add3A_328 = arith.constant 128 : i32
        %add3A_329 = arith.addi %add3A_328, %mul3A_319 : i32
        %get3A_330 = arith.index_cast %add3A_329 : i32 to index
        %get3A_331 = tpu.vector_load %arg23[%get3A_330] {strides = array<i32>} : memref<512xf32, #tpu.memory_space<vmem>>, vector<16xf32>,
        %broadcast_in_dim3A_332 = vector.broadcast %sub3A_320 : i32 to vector<16x1xi32>
        %gather3A_333 = vector.shape_cast %broadcast_in_dim3A_332 : vector<16x1xi32> to vector<16xi32>
        %gather3A_334 = tpu.dynamic_gather %get3A_331[%gather3A_333] in [0] : vector<16xf32>, vector<16xi32> -> vector<16xf32>
        %get3A_335 = arith.index_cast %scan3A_293 : i32 to index
        %get3A_336 = arith.constant 0 : index
        %get3A_337 = tpu.vector_load %arg17[%get3A_335, %get3A_336] {strides = array<i32>} : memref<256x128xf32, #tpu.memory_space<vmem>>, vector<16xf32>,
        %mul3A_338 = arith.mulf %gather3A_327, %get3A_337 : vector<16xf32>
        %add3A_339 = arith.constant 128 : i32
        %add3A_340 = arith.addi %add3A_339, %scan3A_293 : i32
        %get3A_341 = arith.index_cast %add3A_340 : i32 to index
        %get3A_342 = arith.constant 0 : index
        %get3A_343 = tpu.vector_load %arg17[%get3A_341, %get3A_342] {strides = array<i32>} : memref<256x128xf32, #tpu.memory_space<vmem>>, vector<16xf32>,
        %mul3A_344 = arith.mulf %gather3A_334, %get3A_343 : vector<16xf32>
        %add3A_345 = arith.addf %mul3A_338, %mul3A_344 : vector<16xf32>
        %swap3A_346 = arith.index_cast %scan3A_293 : i32 to index
        %swap3A_347 = arith.constant 0 : index
        %swap3A_348 = tpu.vector_load %arg16[%swap3A_346, %swap3A_347] {strides = array<i32>} : memref<128x128xf32, #tpu.memory_space<vmem>>, vector<16xf32>,
        tpu.vector_store %arg16[%swap3A_346, %swap3A_347], %add3A_345 {strides = array<i32>} : memref<128x128xf32, #tpu.memory_space<vmem>>, vector<16xf32>,
        %get3A_349 = arith.index_cast %scan3A_293 : i32 to index
        %get3A_350 = arith.constant 16 : index
        %get3A_351 = tpu.vector_load %arg17[%get3A_349, %get3A_350] {strides = array<i32>} : memref<256x128xf32, #tpu.memory_space<vmem>>, vector<16xf32>,
        %mul3A_352 = arith.mulf %gather3A_327, %get3A_351 : vector<16xf32>
        %add3A_353 = arith.constant 128 : i32
        %add3A_354 = arith.addi %add3A_353, %scan3A_293 : i32
        %get3A_355 = arith.index_cast %add3A_354 : i32 to index
        %get3A_356 = arith.constant 16 : index
        %get3A_357 = tpu.vector_load %arg17[%get3A_355, %get3A_356] {strides = array<i32>} : memref<256x128xf32, #tpu.memory_space<vmem>>, vector<16xf32>,
        %mul3A_358 = arith.mulf %gather3A_334, %get3A_357 : vector<16xf32>
        %add3A_359 = arith.addf %mul3A_352, %mul3A_358 : vector<16xf32>
        %swap3A_360 = arith.index_cast %scan3A_293 : i32 to index
        %swap3A_361 = arith.constant 16 : index
        %swap3A_362 = tpu.vector_load %arg16[%swap3A_360, %swap3A_361] {strides = array<i32>} : memref<128x128xf32, #tpu.memory_space<vmem>>, vector<16xf32>,
        tpu.vector_store %arg16[%swap3A_360, %swap3A_361], %add3A_359 {strides = array<i32>} : memref<128x128xf32, #tpu.memory_space<vmem>>, vector<16xf32>,
        %get3A_363 = arith.index_cast %scan3A_293 : i32 to index
        %get3A_364 = arith.constant 32 : index
        %get3A_365 = tpu.vector_load %arg17[%get3A_363, %get3A_364] {strides = array<i32>} : memref<256x128xf32, #tpu.memory_space<vmem>>, vector<16xf32>,
        %mul3A_366 = arith.mulf %gather3A_327, %get3A_365 : vector<16xf32>
        %add3A_367 = arith.constant 128 : i32
        %add3A_368 = arith.addi %add3A_367, %scan3A_293 : i32
        %get3A_369 = arith.index_cast %add3A_368 : i32 to index
        %get3A_370 = arith.constant 32 : index
        %get3A_371 = tpu.vector_load %arg17[%get3A_369, %get3A_370] {strides = array<i32>} : memref<256x128xf32, #tpu.memory_space<vmem>>, vector<16xf32>,
        %mul3A_372 = arith.mulf %gather3A_334, %get3A_371 : vector<16xf32>
        %add3A_373 = arith.addf %mul3A_366, %mul3A_372 : vector<16xf32>
        %swap3A_374 = arith.index_cast %scan3A_293 : i32 to index
        %swap3A_375 = arith.constant 32 : index
        %swap3A_376 = tpu.vector_load %arg16[%swap3A_374, %swap3A_375] {strides = array<i32>} : memref<128x128xf32, #tpu.memory_space<vmem>>, vector<16xf32>,
        tpu.vector_store %arg16[%swap3A_374, %swap3A_375], %add3A_373 {strides = array<i32>} : memref<128x128xf32, #tpu.memory_space<vmem>>, vector<16xf32>,
        %get3A_377 = arith.index_cast %scan3A_293 : i32 to index
        %get3A_378 = arith.constant 48 : index
        %get3A_379 = tpu.vector_load %arg17[%get3A_377, %get3A_378] {strides = array<i32>} : memref<256x128xf32, #tpu.memory_space<vmem>>, vector<16xf32>,
        %mul3A_380 = arith.mulf %gather3A_327, %get3A_379 : vector<16xf32>
        %add3A_381 = arith.constant 128 : i32
        %add3A_382 = arith.addi %add3A_381, %scan3A_293 : i32
        %get3A_383 = arith.index_cast %add3A_382 : i32 to index
        %get3A_384 = arith.constant 48 : index
        %get3A_385 = tpu.vector_load %arg17[%get3A_383, %get3A_384] {strides = array<i32>} : memref<256x128xf32, #tpu.memory_space<vmem>>, vector<16xf32>,
        %mul3A_386 = arith.mulf %gather3A_334, %get3A_385 : vector<16xf32>
        %add3A_387 = arith.addf %mul3A_380, %mul3A_386 : vector<16xf32>
        %swap3A_388 = arith.index_cast %scan3A_293 : i32 to index
        %swap3A_389 = arith.constant 48 : index
        %swap3A_390 = tpu.vector_load %arg16[%swap3A_388, %swap3A_389] {strides = array<i32>} : memref<128x128xf32, #tpu.memory_space<vmem>>, vector<16xf32>,
        tpu.vector_store %arg16[%swap3A_388, %swap3A_389], %add3A_387 {strides = array<i32>} : memref<128x128xf32, #tpu.memory_space<vmem>>, vector<16xf32>,
        %get3A_391 = arith.index_cast %scan3A_293 : i32 to index
        %get3A_392 = arith.constant 64 : index
        %get3A_393 = tpu.vector_load %arg17[%get3A_391, %get3A_392] {strides = array<i32>} : memref<256x128xf32, #tpu.memory_space<vmem>>, vector<16xf32>,
        %mul3A_394 = arith.mulf %gather3A_327, %get3A_393 : vector<16xf32>
        %add3A_395 = arith.constant 128 : i32
        %add3A_396 = arith.addi %add3A_395, %scan3A_293 : i32
        %get3A_397 = arith.index_cast %add3A_396 : i32 to index
        %get3A_398 = arith.constant 64 : index
        %get3A_399 = tpu.vector_load %arg17[%get3A_397, %get3A_398] {strides = array<i32>} : memref<256x128xf32, #tpu.memory_space<vmem>>, vector<16xf32>,
        %mul3A_400 = arith.mulf %gather3A_334, %get3A_399 : vector<16xf32>
        %add3A_401 = arith.addf %mul3A_394, %mul3A_400 : vector<16xf32>
        %swap3A_402 = arith.index_cast %scan3A_293 : i32 to index
        %swap3A_403 = arith.constant 64 : index
        %swap3A_404 = tpu.vector_load %arg16[%swap3A_402, %swap3A_403] {strides = array<i32>} : memref<128x128xf32, #tpu.memory_space<vmem>>, vector<16xf32>,
        tpu.vector_store %arg16[%swap3A_402, %swap3A_403], %add3A_401 {strides = array<i32>} : memref<128x128xf32, #tpu.memory_space<vmem>>, vector<16xf32>,
        %get3A_405 = arith.index_cast %scan3A_293 : i32 to index
        %get3A_406 = arith.constant 80 : index
        %get3A_407 = tpu.vector_load %arg17[%get3A_405, %get3A_406] {strides = array<i32>} : memref<256x128xf32, #tpu.memory_space<vmem>>, vector<16xf32>,
        %mul3A_408 = arith.mulf %gather3A_327, %get3A_407 : vector<16xf32>
        %add3A_409 = arith.constant 128 : i32
        %add3A_410 = arith.addi %add3A_409, %scan3A_293 : i32
        %get3A_411 = arith.index_cast %add3A_410 : i32 to index
        %get3A_412 = arith.constant 80 : index
        %get3A_413 = tpu.vector_load %arg17[%get3A_411, %get3A_412] {strides = array<i32>} : memref<256x128xf32, #tpu.memory_space<vmem>>, vector<16xf32>,
        %mul3A_414 = arith.mulf %gather3A_334, %get3A_413 : vector<16xf32>
        %add3A_415 = arith.addf %mul3A_408, %mul3A_414 : vector<16xf32>
        %swap3A_416 = arith.index_cast %scan3A_293 : i32 to index
        %swap3A_417 = arith.constant 80 : index
        %swap3A_418 = tpu.vector_load %arg16[%swap3A_416, %swap3A_417] {strides = array<i32>} : memref<128x128xf32, #tpu.memory_space<vmem>>, vector<16xf32>,
        tpu.vector_store %arg16[%swap3A_416, %swap3A_417], %add3A_415 {strides = array<i32>} : memref<128x128xf32, #tpu.memory_space<vmem>>, vector<16xf32>,
        %get3A_419 = arith.index_cast %scan3A_293 : i32 to index
        %get3A_420 = arith.constant 96 : index
        %get3A_421 = tpu.vector_load %arg17[%get3A_419, %get3A_420] {strides = array<i32>} : memref<256x128xf32, #tpu.memory_space<vmem>>, vector<16xf32>,
        %mul3A_422 = arith.mulf %gather3A_327, %get3A_421 : vector<16xf32>
        %add3A_423 = arith.constant 128 : i32
        %add3A_424 = arith.addi %add3A_423, %scan3A_293 : i32
        %get3A_425 = arith.index_cast %add3A_424 : i32 to index
        %get3A_426 = arith.constant 96 : index
        %get3A_427 = tpu.vector_load %arg17[%get3A_425, %get3A_426] {strides = array<i32>} : memref<256x128xf32, #tpu.memory_space<vmem>>, vector<16xf32>,
        %mul3A_428 = arith.mulf %gather3A_334, %get3A_427 : vector<16xf32>
        %add3A_429 = arith.addf %mul3A_422, %mul3A_428 : vector<16xf32>
        %swap3A_430 = arith.index_cast %scan3A_293 : i32 to index
        %swap3A_431 = arith.constant 96 : index
        %swap3A_432 = tpu.vector_load %arg16[%swap3A_430, %swap3A_431] {strides = array<i32>} : memref<128x128xf32, #tpu.memory_space<vmem>>, vector<16xf32>,
        tpu.vector_store %arg16[%swap3A_430, %swap3A_431], %add3A_429 {strides = array<i32>} : memref<128x128xf32, #tpu.memory_space<vmem>>, vector<16xf32>,
        %get3A_433 = arith.index_cast %scan3A_293 : i32 to index
        %get3A_434 = arith.constant 112 : index
        %get3A_435 = tpu.vector_load %arg17[%get3A_433, %get3A_434] {strides = array<i32>} : memref<256x128xf32, #tpu.memory_space<vmem>>, vector<16xf32>,
        %mul3A_436 = arith.mulf %gather3A_327, %get3A_435 : vector<16xf32>
        %add3A_437 = arith.constant 128 : i32
        %add3A_438 = arith.addi %add3A_437, %scan3A_293 : i32
        %get3A_439 = arith.index_cast %add3A_438 : i32 to index
        %get3A_440 = arith.constant 112 : index
        %get3A_441 = tpu.vector_load %arg17[%get3A_439, %get3A_440] {strides = array<i32>} : memref<256x128xf32, #tpu.memory_space<vmem>>, vector<16xf32>,
        %mul3A_442 = arith.mulf %gather3A_334, %get3A_441 : vector<16xf32>
        %add3A_443 = arith.addf %mul3A_436, %mul3A_442 : vector<16xf32>
        %swap3A_444 = arith.index_cast %scan3A_293 : i32 to index
        %swap3A_445 = arith.constant 112 : index
        %swap3A_446 = tpu.vector_load %arg16[%swap3A_444, %swap3A_445] {strides = array<i32>} : memref<128x128xf32, #tpu.memory_space<vmem>>, vector<16xf32>,
        tpu.vector_store %arg16[%swap3A_444, %swap3A_445], %add3A_443 {strides = array<i32>} : memref<128x128xf32, #tpu.memory_space<vmem>>, vector<16xf32>,
        %scan3A_447 = arith.constant 0 : i32
        %scan3A_448 = arith.constant 2 : i32
        %scan3A_449 = arith.addi %scan3A_148, %scan3A_448 : i32
        %jit3A_450 = arith.constant 16 : i32
        %div3A_451 = arith.divsi %scan3A_449, %jit3A_450 : i32
        %sign3A_452 = arith.constant 0 : i32
        %sign3A_453 = arith.cmpi sgt, %scan3A_449, %sign3A_452 : i32
        %sign3A_454 = arith.extui %sign3A_453 : i1 to i32
        %sign3A_455 = arith.constant 0 : i32
        %sign3A_456 = arith.cmpi slt, %scan3A_449, %sign3A_455 : i32
        %sign3A_457 = arith.extui %sign3A_456 : i1 to i32
        %sign3A_458 = arith.subi %sign3A_454, %sign3A_457 : i32
        %sign3A_459 = arith.constant 0 : i32
        %sign3A_460 = arith.cmpi sgt, %jit3A_450, %sign3A_459 : i32
        %sign3A_461 = arith.extui %sign3A_460 : i1 to i32
        %sign3A_462 = arith.constant 0 : i32
        %sign3A_463 = arith.cmpi slt, %jit3A_450, %sign3A_462 : i32
        %sign3A_464 = arith.extui %sign3A_463 : i1 to i32
        %sign3A_465 = arith.subi %sign3A_461, %sign3A_464 : i32
        %ne3A_466 = arith.cmpi ne, %sign3A_458, %sign3A_465 : i32
        %rem3A_467 = arith.remsi %scan3A_449, %jit3A_450 : i32
        %ne3A_468 = arith.constant 0 : i32
        %ne3A_469 = arith.cmpi ne, %rem3A_467, %ne3A_468 : i32
        %and3A_470 = arith.andi %ne3A_466, %ne3A_469 : i1
        %sub3A_471 = arith.constant 1 : i32
        %sub3A_472 = arith.subi %div3A_451, %sub3A_471 : i32
        %select_n3A_473 = arith.select %and3A_470, %sub3A_472, %div3A_451 : i32
        %mul3A_474 = arith.constant 16 : i32
        %mul3A_475 = arith.muli %select_n3A_473, %mul3A_474 : i32
        %sub3A_476 = arith.subi %scan3A_449, %mul3A_475 : i32
        %add3A_477 = arith.constant 0 : i32
        %add3A_478 = arith.addi %add3A_477, %mul3A_475 : i32
        %get3A_479 = arith.index_cast %add3A_478 : i32 to index
        %get3A_480 = tpu.vector_load %arg23[%get3A_479] {strides = array<i32>} : memref<512xf32, #tpu.memory_space<vmem>>, vector<16xf32>,
        %broadcast_in_dim3A_481 = vector.broadcast %sub3A_476 : i32 to vector<16x1xi32>
        %gather3A_482 = vector.shape_cast %broadcast_in_dim3A_481 : vector<16x1xi32> to vector<16xi32>
        %gather3A_483 = tpu.dynamic_gather %get3A_480[%gather3A_482] in [0] : vector<16xf32>, vector<16xi32> -> vector<16xf32>
        %add3A_484 = arith.constant 128 : i32
        %add3A_485 = arith.addi %add3A_484, %mul3A_475 : i32
        %get3A_486 = arith.index_cast %add3A_485 : i32 to index
        %get3A_487 = tpu.vector_load %arg23[%get3A_486] {strides = array<i32>} : memref<512xf32, #tpu.memory_space<vmem>>, vector<16xf32>,
        %broadcast_in_dim3A_488 = vector.broadcast %sub3A_476 : i32 to vector<16x1xi32>
        %gather3A_489 = vector.shape_cast %broadcast_in_dim3A_488 : vector<16x1xi32> to vector<16xi32>
        %gather3A_490 = tpu.dynamic_gather %get3A_487[%gather3A_489] in [0] : vector<16xf32>, vector<16xi32> -> vector<16xf32>
        %get3A_491 = arith.index_cast %scan3A_449 : i32 to index
        %get3A_492 = arith.constant 0 : index
        %get3A_493 = tpu.vector_load %arg17[%get3A_491, %get3A_492] {strides = array<i32>} : memref<256x128xf32, #tpu.memory_space<vmem>>, vector<16xf32>,
        %mul3A_494 = arith.mulf %gather3A_483, %get3A_493 : vector<16xf32>
        %add3A_495 = arith.constant 128 : i32
        %add3A_496 = arith.addi %add3A_495, %scan3A_449 : i32
        %get3A_497 = arith.index_cast %add3A_496 : i32 to index
        %get3A_498 = arith.constant 0 : index
        %get3A_499 = tpu.vector_load %arg17[%get3A_497, %get3A_498] {strides = array<i32>} : memref<256x128xf32, #tpu.memory_space<vmem>>, vector<16xf32>,
        %mul3A_500 = arith.mulf %gather3A_490, %get3A_499 : vector<16xf32>
        %add3A_501 = arith.addf %mul3A_494, %mul3A_500 : vector<16xf32>
        %swap3A_502 = arith.index_cast %scan3A_449 : i32 to index
        %swap3A_503 = arith.constant 0 : index
        %swap3A_504 = tpu.vector_load %arg16[%swap3A_502, %swap3A_503] {strides = array<i32>} : memref<128x128xf32, #tpu.memory_space<vmem>>, vector<16xf32>,
        tpu.vector_store %arg16[%swap3A_502, %swap3A_503], %add3A_501 {strides = array<i32>} : memref<128x128xf32, #tpu.memory_space<vmem>>, vector<16xf32>,
        %get3A_505 = arith.index_cast %scan3A_449 : i32 to index
        %get3A_506 = arith.constant 16 : index
        %get3A_507 = tpu.vector_load %arg17[%get3A_505, %get3A_506] {strides = array<i32>} : memref<256x128xf32, #tpu.memory_space<vmem>>, vector<16xf32>,
        %mul3A_508 = arith.mulf %gather3A_483, %get3A_507 : vector<16xf32>
        %add3A_509 = arith.constant 128 : i32
        %add3A_510 = arith.addi %add3A_509, %scan3A_449 : i32
        %get3A_511 = arith.index_cast %add3A_510 : i32 to index
        %get3A_512 = arith.constant 16 : index
        %get3A_513 = tpu.vector_load %arg17[%get3A_511, %get3A_512] {strides = array<i32>} : memref<256x128xf32, #tpu.memory_space<vmem>>, vector<16xf32>,
        %mul3A_514 = arith.mulf %gather3A_490, %get3A_513 : vector<16xf32>
        %add3A_515 = arith.addf %mul3A_508, %mul3A_514 : vector<16xf32>
        %swap3A_516 = arith.index_cast %scan3A_449 : i32 to index
        %swap3A_517 = arith.constant 16 : index
        %swap3A_518 = tpu.vector_load %arg16[%swap3A_516, %swap3A_517] {strides = array<i32>} : memref<128x128xf32, #tpu.memory_space<vmem>>, vector<16xf32>,
        tpu.vector_store %arg16[%swap3A_516, %swap3A_517], %add3A_515 {strides = array<i32>} : memref<128x128xf32, #tpu.memory_space<vmem>>, vector<16xf32>,
        %get3A_519 = arith.index_cast %scan3A_449 : i32 to index
        %get3A_520 = arith.constant 32 : index
        %get3A_521 = tpu.vector_load %arg17[%get3A_519, %get3A_520] {strides = array<i32>} : memref<256x128xf32, #tpu.memory_space<vmem>>, vector<16xf32>,
        %mul3A_522 = arith.mulf %gather3A_483, %get3A_521 : vector<16xf32>
        %add3A_523 = arith.constant 128 : i32
        %add3A_524 = arith.addi %add3A_523, %scan3A_449 : i32
        %get3A_525 = arith.index_cast %add3A_524 : i32 to index
        %get3A_526 = arith.constant 32 : index
        %get3A_527 = tpu.vector_load %arg17[%get3A_525, %get3A_526] {strides = array<i32>} : memref<256x128xf32, #tpu.memory_space<vmem>>, vector<16xf32>,
        %mul3A_528 = arith.mulf %gather3A_490, %get3A_527 : vector<16xf32>
        %add3A_529 = arith.addf %mul3A_522, %mul3A_528 : vector<16xf32>
        %swap3A_530 = arith.index_cast %scan3A_449 : i32 to index
        %swap3A_531 = arith.constant 32 : index
        %swap3A_532 = tpu.vector_load %arg16[%swap3A_530, %swap3A_531] {strides = array<i32>} : memref<128x128xf32, #tpu.memory_space<vmem>>, vector<16xf32>,
        tpu.vector_store %arg16[%swap3A_530, %swap3A_531], %add3A_529 {strides = array<i32>} : memref<128x128xf32, #tpu.memory_space<vmem>>, vector<16xf32>,
        %get3A_533 = arith.index_cast %scan3A_449 : i32 to index
        %get3A_534 = arith.constant 48 : index
        %get3A_535 = tpu.vector_load %arg17[%get3A_533, %get3A_534] {strides = array<i32>} : memref<256x128xf32, #tpu.memory_space<vmem>>, vector<16xf32>,
        %mul3A_536 = arith.mulf %gather3A_483, %get3A_535 : vector<16xf32>
        %add3A_537 = arith.constant 128 : i32
        %add3A_538 = arith.addi %add3A_537, %scan3A_449 : i32
        %get3A_539 = arith.index_cast %add3A_538 : i32 to index
        %get3A_540 = arith.constant 48 : index
        %get3A_541 = tpu.vector_load %arg17[%get3A_539, %get3A_540] {strides = array<i32>} : memref<256x128xf32, #tpu.memory_space<vmem>>, vector<16xf32>,
        %mul3A_542 = arith.mulf %gather3A_490, %get3A_541 : vector<16xf32>
        %add3A_543 = arith.addf %mul3A_536, %mul3A_542 : vector<16xf32>
        %swap3A_544 = arith.index_cast %scan3A_449 : i32 to index
        %swap3A_545 = arith.constant 48 : index
        %swap3A_546 = tpu.vector_load %arg16[%swap3A_544, %swap3A_545] {strides = array<i32>} : memref<128x128xf32, #tpu.memory_space<vmem>>, vector<16xf32>,
        tpu.vector_store %arg16[%swap3A_544, %swap3A_545], %add3A_543 {strides = array<i32>} : memref<128x128xf32, #tpu.memory_space<vmem>>, vector<16xf32>,
        %get3A_547 = arith.index_cast %scan3A_449 : i32 to index
        %get3A_548 = arith.constant 64 : index
        %get3A_549 = tpu.vector_load %arg17[%get3A_547, %get3A_548] {strides = array<i32>} : memref<256x128xf32, #tpu.memory_space<vmem>>, vector<16xf32>,
        %mul3A_550 = arith.mulf %gather3A_483, %get3A_549 : vector<16xf32>
        %add3A_551 = arith.constant 128 : i32
        %add3A_552 = arith.addi %add3A_551, %scan3A_449 : i32
        %get3A_553 = arith.index_cast %add3A_552 : i32 to index
        %get3A_554 = arith.constant 64 : index
        %get3A_555 = tpu.vector_load %arg17[%get3A_553, %get3A_554] {strides = array<i32>} : memref<256x128xf32, #tpu.memory_space<vmem>>, vector<16xf32>,
        %mul3A_556 = arith.mulf %gather3A_490, %get3A_555 : vector<16xf32>
        %add3A_557 = arith.addf %mul3A_550, %mul3A_556 : vector<16xf32>
        %swap3A_558 = arith.index_cast %scan3A_449 : i32 to index
        %swap3A_559 = arith.constant 64 : index
        %swap3A_560 = tpu.vector_load %arg16[%swap3A_558, %swap3A_559] {strides = array<i32>} : memref<128x128xf32, #tpu.memory_space<vmem>>, vector<16xf32>,
        tpu.vector_store %arg16[%swap3A_558, %swap3A_559], %add3A_557 {strides = array<i32>} : memref<128x128xf32, #tpu.memory_space<vmem>>, vector<16xf32>,
        %get3A_561 = arith.index_cast %scan3A_449 : i32 to index
        %get3A_562 = arith.constant 80 : index
        %get3A_563 = tpu.vector_load %arg17[%get3A_561, %get3A_562] {strides = array<i32>} : memref<256x128xf32, #tpu.memory_space<vmem>>, vector<16xf32>,
        %mul3A_564 = arith.mulf %gather3A_483, %get3A_563 : vector<16xf32>
        %add3A_565 = arith.constant 128 : i32
        %add3A_566 = arith.addi %add3A_565, %scan3A_449 : i32
        %get3A_567 = arith.index_cast %add3A_566 : i32 to index
        %get3A_568 = arith.constant 80 : index
        %get3A_569 = tpu.vector_load %arg17[%get3A_567, %get3A_568] {strides = array<i32>} : memref<256x128xf32, #tpu.memory_space<vmem>>, vector<16xf32>,
        %mul3A_570 = arith.mulf %gather3A_490, %get3A_569 : vector<16xf32>
        %add3A_571 = arith.addf %mul3A_564, %mul3A_570 : vector<16xf32>
        %swap3A_572 = arith.index_cast %scan3A_449 : i32 to index
        %swap3A_573 = arith.constant 80 : index
        %swap3A_574 = tpu.vector_load %arg16[%swap3A_572, %swap3A_573] {strides = array<i32>} : memref<128x128xf32, #tpu.memory_space<vmem>>, vector<16xf32>,
        tpu.vector_store %arg16[%swap3A_572, %swap3A_573], %add3A_571 {strides = array<i32>} : memref<128x128xf32, #tpu.memory_space<vmem>>, vector<16xf32>,
        %get3A_575 = arith.index_cast %scan3A_449 : i32 to index
        %get3A_576 = arith.constant 96 : index
        %get3A_577 = tpu.vector_load %arg17[%get3A_575, %get3A_576] {strides = array<i32>} : memref<256x128xf32, #tpu.memory_space<vmem>>, vector<16xf32>,
        %mul3A_578 = arith.mulf %gather3A_483, %get3A_577 : vector<16xf32>
        %add3A_579 = arith.constant 128 : i32
        %add3A_580 = arith.addi %add3A_579, %scan3A_449 : i32
        %get3A_581 = arith.index_cast %add3A_580 : i32 to index
        %get3A_582 = arith.constant 96 : index
        %get3A_583 = tpu.vector_load %arg17[%get3A_581, %get3A_582] {strides = array<i32>} : memref<256x128xf32, #tpu.memory_space<vmem>>, vector<16xf32>,
        %mul3A_584 = arith.mulf %gather3A_490, %get3A_583 : vector<16xf32>
        %add3A_585 = arith.addf %mul3A_578, %mul3A_584 : vector<16xf32>
        %swap3A_586 = arith.index_cast %scan3A_449 : i32 to index
        %swap3A_587 = arith.constant 96 : index
        %swap3A_588 = tpu.vector_load %arg16[%swap3A_586, %swap3A_587] {strides = array<i32>} : memref<128x128xf32, #tpu.memory_space<vmem>>, vector<16xf32>,
        tpu.vector_store %arg16[%swap3A_586, %swap3A_587], %add3A_585 {strides = array<i32>} : memref<128x128xf32, #tpu.memory_space<vmem>>, vector<16xf32>,
        %get3A_589 = arith.index_cast %scan3A_449 : i32 to index
        %get3A_590 = arith.constant 112 : index
        %get3A_591 = tpu.vector_load %arg17[%get3A_589, %get3A_590] {strides = array<i32>} : memref<256x128xf32, #tpu.memory_space<vmem>>, vector<16xf32>,
        %mul3A_592 = arith.mulf %gather3A_483, %get3A_591 : vector<16xf32>
        %add3A_593 = arith.constant 128 : i32
        %add3A_594 = arith.addi %add3A_593, %scan3A_449 : i32
        %get3A_595 = arith.index_cast %add3A_594 : i32 to index
        %get3A_596 = arith.constant 112 : index
        %get3A_597 = tpu.vector_load %arg17[%get3A_595, %get3A_596] {strides = array<i32>} : memref<256x128xf32, #tpu.memory_space<vmem>>, vector<16xf32>,
        %mul3A_598 = arith.mulf %gather3A_490, %get3A_597 : vector<16xf32>
        %add3A_599 = arith.addf %mul3A_592, %mul3A_598 : vector<16xf32>
        %swap3A_600 = arith.index_cast %scan3A_449 : i32 to index
        %swap3A_601 = arith.constant 112 : index
        %swap3A_602 = tpu.vector_load %arg16[%swap3A_600, %swap3A_601] {strides = array<i32>} : memref<128x128xf32, #tpu.memory_space<vmem>>, vector<16xf32>,
        tpu.vector_store %arg16[%swap3A_600, %swap3A_601], %add3A_599 {strides = array<i32>} : memref<128x128xf32, #tpu.memory_space<vmem>>, vector<16xf32>,
        %scan3A_603 = arith.constant 0 : i32
        %scan3A_604 = arith.constant 3 : i32
        %scan3A_605 = arith.addi %scan3A_148, %scan3A_604 : i32
        %jit3A_606 = arith.constant 16 : i32
        %div3A_607 = arith.divsi %scan3A_605, %jit3A_606 : i32
        %sign3A_608 = arith.constant 0 : i32
        %sign3A_609 = arith.cmpi sgt, %scan3A_605, %sign3A_608 : i32
        %sign3A_610 = arith.extui %sign3A_609 : i1 to i32
        %sign3A_611 = arith.constant 0 : i32
        %sign3A_612 = arith.cmpi slt, %scan3A_605, %sign3A_611 : i32
        %sign3A_613 = arith.extui %sign3A_612 : i1 to i32
        %sign3A_614 = arith.subi %sign3A_610, %sign3A_613 : i32
        %sign3A_615 = arith.constant 0 : i32
        %sign3A_616 = arith.cmpi sgt, %jit3A_606, %sign3A_615 : i32
        %sign3A_617 = arith.extui %sign3A_616 : i1 to i32
        %sign3A_618 = arith.constant 0 : i32
        %sign3A_619 = arith.cmpi slt, %jit3A_606, %sign3A_618 : i32
        %sign3A_620 = arith.extui %sign3A_619 : i1 to i32
        %sign3A_621 = arith.subi %sign3A_617, %sign3A_620 : i32
        %ne3A_622 = arith.cmpi ne, %sign3A_614, %sign3A_621 : i32
        %rem3A_623 = arith.remsi %scan3A_605, %jit3A_606 : i32
        %ne3A_624 = arith.constant 0 : i32
        %ne3A_625 = arith.cmpi ne, %rem3A_623, %ne3A_624 : i32
        %and3A_626 = arith.andi %ne3A_622, %ne3A_625 : i1
        %sub3A_627 = arith.constant 1 : i32
        %sub3A_628 = arith.subi %div3A_607, %sub3A_627 : i32
        %select_n3A_629 = arith.select %and3A_626, %sub3A_628, %div3A_607 : i32
        %mul3A_630 = arith.constant 16 : i32
        %mul3A_631 = arith.muli %select_n3A_629, %mul3A_630 : i32
        %sub3A_632 = arith.subi %scan3A_605, %mul3A_631 : i32
        %add3A_633 = arith.constant 0 : i32
        %add3A_634 = arith.addi %add3A_633, %mul3A_631 : i32
        %get3A_635 = arith.index_cast %add3A_634 : i32 to index
        %get3A_636 = tpu.vector_load %arg23[%get3A_635] {strides = array<i32>} : memref<512xf32, #tpu.memory_space<vmem>>, vector<16xf32>,
        %broadcast_in_dim3A_637 = vector.broadcast %sub3A_632 : i32 to vector<16x1xi32>
        %gather3A_638 = vector.shape_cast %broadcast_in_dim3A_637 : vector<16x1xi32> to vector<16xi32>
        %gather3A_639 = tpu.dynamic_gather %get3A_636[%gather3A_638] in [0] : vector<16xf32>, vector<16xi32> -> vector<16xf32>
        %add3A_640 = arith.constant 128 : i32
        %add3A_641 = arith.addi %add3A_640, %mul3A_631 : i32
        %get3A_642 = arith.index_cast %add3A_641 : i32 to index
        %get3A_643 = tpu.vector_load %arg23[%get3A_642] {strides = array<i32>} : memref<512xf32, #tpu.memory_space<vmem>>, vector<16xf32>,
        %broadcast_in_dim3A_644 = vector.broadcast %sub3A_632 : i32 to vector<16x1xi32>
        %gather3A_645 = vector.shape_cast %broadcast_in_dim3A_644 : vector<16x1xi32> to vector<16xi32>
        %gather3A_646 = tpu.dynamic_gather %get3A_643[%gather3A_645] in [0] : vector<16xf32>, vector<16xi32> -> vector<16xf32>
        %get3A_647 = arith.index_cast %scan3A_605 : i32 to index
        %get3A_648 = arith.constant 0 : index
        %get3A_649 = tpu.vector_load %arg17[%get3A_647, %get3A_648] {strides = array<i32>} : memref<256x128xf32, #tpu.memory_space<vmem>>, vector<16xf32>,
        %mul3A_650 = arith.mulf %gather3A_639, %get3A_649 : vector<16xf32>
        %add3A_651 = arith.constant 128 : i32
        %add3A_652 = arith.addi %add3A_651, %scan3A_605 : i32
        %get3A_653 = arith.index_cast %add3A_652 : i32 to index
        %get3A_654 = arith.constant 0 : index
        %get3A_655 = tpu.vector_load %arg17[%get3A_653, %get3A_654] {strides = array<i32>} : memref<256x128xf32, #tpu.memory_space<vmem>>, vector<16xf32>,
        %mul3A_656 = arith.mulf %gather3A_646, %get3A_655 : vector<16xf32>
        %add3A_657 = arith.addf %mul3A_650, %mul3A_656 : vector<16xf32>
        %swap3A_658 = arith.index_cast %scan3A_605 : i32 to index
        %swap3A_659 = arith.constant 0 : index
        %swap3A_660 = tpu.vector_load %arg16[%swap3A_658, %swap3A_659] {strides = array<i32>} : memref<128x128xf32, #tpu.memory_space<vmem>>, vector<16xf32>,
        tpu.vector_store %arg16[%swap3A_658, %swap3A_659], %add3A_657 {strides = array<i32>} : memref<128x128xf32, #tpu.memory_space<vmem>>, vector<16xf32>,
        %get3A_661 = arith.index_cast %scan3A_605 : i32 to index
        %get3A_662 = arith.constant 16 : index
        %get3A_663 = tpu.vector_load %arg17[%get3A_661, %get3A_662] {strides = array<i32>} : memref<256x128xf32, #tpu.memory_space<vmem>>, vector<16xf32>,
        %mul3A_664 = arith.mulf %gather3A_639, %get3A_663 : vector<16xf32>
        %add3A_665 = arith.constant 128 : i32
        %add3A_666 = arith.addi %add3A_665, %scan3A_605 : i32
        %get3A_667 = arith.index_cast %add3A_666 : i32 to index
        %get3A_668 = arith.constant 16 : index
        %get3A_669 = tpu.vector_load %arg17[%get3A_667, %get3A_668] {strides = array<i32>} : memref<256x128xf32, #tpu.memory_space<vmem>>, vector<16xf32>,
        %mul3A_670 = arith.mulf %gather3A_646, %get3A_669 : vector<16xf32>
        %add3A_671 = arith.addf %mul3A_664, %mul3A_670 : vector<16xf32>
        %swap3A_672 = arith.index_cast %scan3A_605 : i32 to index
        %swap3A_673 = arith.constant 16 : index
        %swap3A_674 = tpu.vector_load %arg16[%swap3A_672, %swap3A_673] {strides = array<i32>} : memref<128x128xf32, #tpu.memory_space<vmem>>, vector<16xf32>,
        tpu.vector_store %arg16[%swap3A_672, %swap3A_673], %add3A_671 {strides = array<i32>} : memref<128x128xf32, #tpu.memory_space<vmem>>, vector<16xf32>,
        %get3A_675 = arith.index_cast %scan3A_605 : i32 to index
        %get3A_676 = arith.constant 32 : index
        %get3A_677 = tpu.vector_load %arg17[%get3A_675, %get3A_676] {strides = array<i32>} : memref<256x128xf32, #tpu.memory_space<vmem>>, vector<16xf32>,
        %mul3A_678 = arith.mulf %gather3A_639, %get3A_677 : vector<16xf32>
        %add3A_679 = arith.constant 128 : i32
        %add3A_680 = arith.addi %add3A_679, %scan3A_605 : i32
        %get3A_681 = arith.index_cast %add3A_680 : i32 to index
        %get3A_682 = arith.constant 32 : index
        %get3A_683 = tpu.vector_load %arg17[%get3A_681, %get3A_682] {strides = array<i32>} : memref<256x128xf32, #tpu.memory_space<vmem>>, vector<16xf32>,
        %mul3A_684 = arith.mulf %gather3A_646, %get3A_683 : vector<16xf32>
        %add3A_685 = arith.addf %mul3A_678, %mul3A_684 : vector<16xf32>
        %swap3A_686 = arith.index_cast %scan3A_605 : i32 to index
        %swap3A_687 = arith.constant 32 : index
        %swap3A_688 = tpu.vector_load %arg16[%swap3A_686, %swap3A_687] {strides = array<i32>} : memref<128x128xf32, #tpu.memory_space<vmem>>, vector<16xf32>,
        tpu.vector_store %arg16[%swap3A_686, %swap3A_687], %add3A_685 {strides = array<i32>} : memref<128x128xf32, #tpu.memory_space<vmem>>, vector<16xf32>,
        %get3A_689 = arith.index_cast %scan3A_605 : i32 to index
        %get3A_690 = arith.constant 48 : index
        %get3A_691 = tpu.vector_load %arg17[%get3A_689, %get3A_690] {strides = array<i32>} : memref<256x128xf32, #tpu.memory_space<vmem>>, vector<16xf32>,
        %mul3A_692 = arith.mulf %gather3A_639, %get3A_691 : vector<16xf32>
        %add3A_693 = arith.constant 128 : i32
        %add3A_694 = arith.addi %add3A_693, %scan3A_605 : i32
        %get3A_695 = arith.index_cast %add3A_694 : i32 to index
        %get3A_696 = arith.constant 48 : index
        %get3A_697 = tpu.vector_load %arg17[%get3A_695, %get3A_696] {strides = array<i32>} : memref<256x128xf32, #tpu.memory_space<vmem>>, vector<16xf32>,
        %mul3A_698 = arith.mulf %gather3A_646, %get3A_697 : vector<16xf32>
        %add3A_699 = arith.addf %mul3A_692, %mul3A_698 : vector<16xf32>
        %swap3A_700 = arith.index_cast %scan3A_605 : i32 to index
        %swap3A_701 = arith.constant 48 : index
        %swap3A_702 = tpu.vector_load %arg16[%swap3A_700, %swap3A_701] {strides = array<i32>} : memref<128x128xf32, #tpu.memory_space<vmem>>, vector<16xf32>,
        tpu.vector_store %arg16[%swap3A_700, %swap3A_701], %add3A_699 {strides = array<i32>} : memref<128x128xf32, #tpu.memory_space<vmem>>, vector<16xf32>,
        %get3A_703 = arith.index_cast %scan3A_605 : i32 to index
        %get3A_704 = arith.constant 64 : index
        %get3A_705 = tpu.vector_load %arg17[%get3A_703, %get3A_704] {strides = array<i32>} : memref<256x128xf32, #tpu.memory_space<vmem>>, vector<16xf32>,
        %mul3A_706 = arith.mulf %gather3A_639, %get3A_705 : vector<16xf32>
        %add3A_707 = arith.constant 128 : i32
        %add3A_708 = arith.addi %add3A_707, %scan3A_605 : i32
        %get3A_709 = arith.index_cast %add3A_708 : i32 to index
        %get3A_710 = arith.constant 64 : index
        %get3A_711 = tpu.vector_load %arg17[%get3A_709, %get3A_710] {strides = array<i32>} : memref<256x128xf32, #tpu.memory_space<vmem>>, vector<16xf32>,
        %mul3A_712 = arith.mulf %gather3A_646, %get3A_711 : vector<16xf32>
        %add3A_713 = arith.addf %mul3A_706, %mul3A_712 : vector<16xf32>
        %swap3A_714 = arith.index_cast %scan3A_605 : i32 to index
        %swap3A_715 = arith.constant 64 : index
        %swap3A_716 = tpu.vector_load %arg16[%swap3A_714, %swap3A_715] {strides = array<i32>} : memref<128x128xf32, #tpu.memory_space<vmem>>, vector<16xf32>,
        tpu.vector_store %arg16[%swap3A_714, %swap3A_715], %add3A_713 {strides = array<i32>} : memref<128x128xf32, #tpu.memory_space<vmem>>, vector<16xf32>,
        %get3A_717 = arith.index_cast %scan3A_605 : i32 to index
        %get3A_718 = arith.constant 80 : index
        %get3A_719 = tpu.vector_load %arg17[%get3A_717, %get3A_718] {strides = array<i32>} : memref<256x128xf32, #tpu.memory_space<vmem>>, vector<16xf32>,
        %mul3A_720 = arith.mulf %gather3A_639, %get3A_719 : vector<16xf32>
        %add3A_721 = arith.constant 128 : i32
        %add3A_722 = arith.addi %add3A_721, %scan3A_605 : i32
        %get3A_723 = arith.index_cast %add3A_722 : i32 to index
        %get3A_724 = arith.constant 80 : index
        %get3A_725 = tpu.vector_load %arg17[%get3A_723, %get3A_724] {strides = array<i32>} : memref<256x128xf32, #tpu.memory_space<vmem>>, vector<16xf32>,
        %mul3A_726 = arith.mulf %gather3A_646, %get3A_725 : vector<16xf32>
        %add3A_727 = arith.addf %mul3A_720, %mul3A_726 : vector<16xf32>
        %swap3A_728 = arith.index_cast %scan3A_605 : i32 to index
        %swap3A_729 = arith.constant 80 : index
        %swap3A_730 = tpu.vector_load %arg16[%swap3A_728, %swap3A_729] {strides = array<i32>} : memref<128x128xf32, #tpu.memory_space<vmem>>, vector<16xf32>,
        tpu.vector_store %arg16[%swap3A_728, %swap3A_729], %add3A_727 {strides = array<i32>} : memref<128x128xf32, #tpu.memory_space<vmem>>, vector<16xf32>,
        %get3A_731 = arith.index_cast %scan3A_605 : i32 to index
        %get3A_732 = arith.constant 96 : index
        %get3A_733 = tpu.vector_load %arg17[%get3A_731, %get3A_732] {strides = array<i32>} : memref<256x128xf32, #tpu.memory_space<vmem>>, vector<16xf32>,
        %mul3A_734 = arith.mulf %gather3A_639, %get3A_733 : vector<16xf32>
        %add3A_735 = arith.constant 128 : i32
        %add3A_736 = arith.addi %add3A_735, %scan3A_605 : i32
        %get3A_737 = arith.index_cast %add3A_736 : i32 to index
        %get3A_738 = arith.constant 96 : index
        %get3A_739 = tpu.vector_load %arg17[%get3A_737, %get3A_738] {strides = array<i32>} : memref<256x128xf32, #tpu.memory_space<vmem>>, vector<16xf32>,
        %mul3A_740 = arith.mulf %gather3A_646, %get3A_739 : vector<16xf32>
        %add3A_741 = arith.addf %mul3A_734, %mul3A_740 : vector<16xf32>
        %swap3A_742 = arith.index_cast %scan3A_605 : i32 to index
        %swap3A_743 = arith.constant 96 : index
        %swap3A_744 = tpu.vector_load %arg16[%swap3A_742, %swap3A_743] {strides = array<i32>} : memref<128x128xf32, #tpu.memory_space<vmem>>, vector<16xf32>,
        tpu.vector_store %arg16[%swap3A_742, %swap3A_743], %add3A_741 {strides = array<i32>} : memref<128x128xf32, #tpu.memory_space<vmem>>, vector<16xf32>,
        %get3A_745 = arith.index_cast %scan3A_605 : i32 to index
        %get3A_746 = arith.constant 112 : index
        %get3A_747 = tpu.vector_load %arg17[%get3A_745, %get3A_746] {strides = array<i32>} : memref<256x128xf32, #tpu.memory_space<vmem>>, vector<16xf32>,
        %mul3A_748 = arith.mulf %gather3A_639, %get3A_747 : vector<16xf32>
        %add3A_749 = arith.constant 128 : i32
        %add3A_750 = arith.addi %add3A_749, %scan3A_605 : i32
        %get3A_751 = arith.index_cast %add3A_750 : i32 to index
        %get3A_752 = arith.constant 112 : index
        %get3A_753 = tpu.vector_load %arg17[%get3A_751, %get3A_752] {strides = array<i32>} : memref<256x128xf32, #tpu.memory_space<vmem>>, vector<16xf32>,
        %mul3A_754 = arith.mulf %gather3A_646, %get3A_753 : vector<16xf32>
        %add3A_755 = arith.addf %mul3A_748, %mul3A_754 : vector<16xf32>
        %swap3A_756 = arith.index_cast %scan3A_605 : i32 to index
        %swap3A_757 = arith.constant 112 : index
        %swap3A_758 = tpu.vector_load %arg16[%swap3A_756, %swap3A_757] {strides = array<i32>} : memref<128x128xf32, #tpu.memory_space<vmem>>, vector<16xf32>,
        tpu.vector_store %arg16[%swap3A_756, %swap3A_757], %add3A_755 {strides = array<i32>} : memref<128x128xf32, #tpu.memory_space<vmem>>, vector<16xf32>,
        %scan3A_759 = arith.constant 0 : i32
        scf.yield %scan3A_759 : i32
      }
      %scan3A_88 = arith.constant 128 : i32
      %dma_start3A_89 = arith.constant 2 : i32
      %dma_start3A_90 = arith.constant 0 : i32
      %dma_start3A_91 = arith.constant 0 : i32
      %dma_start3A_92 = tpu.memref_slice %arg17[%dma_start3A_90, %dma_start3A_91] : memref<256x128xf32, #tpu.memory_space<vmem>> -> memref<128x128xf32, #tpu.memory_space<vmem>>
      %dma_start3A_93 = arith.constant 0 : i32
      %dma_start3A_94 = tpu.memref_slice %arg25[%dma_start3A_89, %dma_start3A_93] : memref<4x128xi32, #tpu.memory_space<vmem>> -> memref<1x128xi32, #tpu.memory_space<vmem>>
      %dma_start3A_95 = tpu.memref_squeeze %dma_start3A_94 : memref<1x128xi32, #tpu.memory_space<vmem>> -> memref<128xi32, #tpu.memory_space<vmem>>
      %dma_start3A_96 = arith.constant 0 : i32
      %dma_start3A_97 = arith.constant 0 : i32
      %dma_start3A_98 = tpu.memref_slice %arg10[%dma_start3A_96, %dma_start3A_97] : memref<4096x128xf32, #tpu.memory_space<hbm>> -> memref<4096x128xf32, #tpu.memory_space<hbm>>
      tpu.enqueue_indirect_dma source(%dma_start3A_98 : memref<4096x128xf32, #tpu.memory_space<hbm>>) target(%dma_start3A_92 : memref<128x128xf32, #tpu.memory_space<vmem>>) offsets(%dma_start3A_95 : memref<128xi32, #tpu.memory_space<vmem>>) semaphore(%arg37 : memref<!tpu.dma_semaphore, #tpu.memory_space<semaphore_mem>>)
      %dma_start3A_99 = arith.constant 3 : i32
      %dma_start3A_100 = arith.constant 128 : i32
      %dma_start3A_101 = arith.constant 0 : i32
      %dma_start3A_102 = tpu.memref_slice %arg17[%dma_start3A_100, %dma_start3A_101] : memref<256x128xf32, #tpu.memory_space<vmem>> -> memref<128x128xf32, #tpu.memory_space<vmem>>
      %dma_start3A_103 = arith.constant 0 : i32
      %dma_start3A_104 = tpu.memref_slice %arg25[%dma_start3A_99, %dma_start3A_103] : memref<4x128xi32, #tpu.memory_space<vmem>> -> memref<1x128xi32, #tpu.memory_space<vmem>>
      %dma_start3A_105 = tpu.memref_squeeze %dma_start3A_104 : memref<1x128xi32, #tpu.memory_space<vmem>> -> memref<128xi32, #tpu.memory_space<vmem>>
      %dma_start3A_106 = arith.constant 0 : i32
      %dma_start3A_107 = arith.constant 0 : i32
      %dma_start3A_108 = tpu.memref_slice %arg10[%dma_start3A_106, %dma_start3A_107] : memref<4096x128xf32, #tpu.memory_space<hbm>> -> memref<4096x128xf32, #tpu.memory_space<hbm>>
      tpu.enqueue_indirect_dma source(%dma_start3A_108 : memref<4096x128xf32, #tpu.memory_space<hbm>>) target(%dma_start3A_102 : memref<128x128xf32, #tpu.memory_space<vmem>>) offsets(%dma_start3A_105 : memref<128xi32, #tpu.memory_space<vmem>>) semaphore(%arg37 : memref<!tpu.dma_semaphore, #tpu.memory_space<semaphore_mem>>)
      %dma_wait3A_109 = arith.constant 2 : i32
      %dma_wait3A_110 = arith.constant 0 : i32
      %dma_wait3A_111 = arith.constant 0 : i32
      %dma_wait3A_112 = tpu.memref_slice %arg17[%dma_wait3A_110, %dma_wait3A_111] : memref<256x128xf32, #tpu.memory_space<vmem>> -> memref<128x128xf32, #tpu.memory_space<vmem>>
      %dma_wait3A_113 = arith.constant 0 : i32
      %dma_wait3A_114 = tpu.memref_slice %arg25[%dma_wait3A_109, %dma_wait3A_113] : memref<4x128xi32, #tpu.memory_space<vmem>> -> memref<1x128xi32, #tpu.memory_space<vmem>>
      %dma_wait3A_115 = tpu.memref_squeeze %dma_wait3A_114 : memref<1x128xi32, #tpu.memory_space<vmem>> -> memref<128xi32, #tpu.memory_space<vmem>>
      %dma_wait3A_116 = arith.constant 0 : i32
      %dma_wait3A_117 = arith.constant 0 : i32
      %dma_wait3A_118 = tpu.memref_slice %arg10[%dma_wait3A_116, %dma_wait3A_117] : memref<4096x128xf32, #tpu.memory_space<hbm>> -> memref<4096x128xf32, #tpu.memory_space<hbm>>
      tpu.wait_indirect_dma semaphore(%arg37 : memref<!tpu.dma_semaphore, #tpu.memory_space<semaphore_mem>>) src(%dma_wait3A_118 : memref<4096x128xf32, #tpu.memory_space<hbm>>) dst(%dma_wait3A_112 : memref<128x128xf32, #tpu.memory_space<vmem>>)
      %dma_wait3A_119 = arith.constant 3 : i32
      %dma_wait3A_120 = arith.constant 128 : i32
      %dma_wait3A_121 = arith.constant 0 : i32
      %dma_wait3A_122 = tpu.memref_slice %arg17[%dma_wait3A_120, %dma_wait3A_121] : memref<256x128xf32, #tpu.memory_space<vmem>> -> memref<128x128xf32, #tpu.memory_space<vmem>>
      %dma_wait3A_123 = arith.constant 0 : i32
      %dma_wait3A_124 = tpu.memref_slice %arg25[%dma_wait3A_119, %dma_wait3A_123] : memref<4x128xi32, #tpu.memory_space<vmem>> -> memref<1x128xi32, #tpu.memory_space<vmem>>
      %dma_wait3A_125 = tpu.memref_squeeze %dma_wait3A_124 : memref<1x128xi32, #tpu.memory_space<vmem>> -> memref<128xi32, #tpu.memory_space<vmem>>
      %dma_wait3A_126 = arith.constant 0 : i32
      %dma_wait3A_127 = arith.constant 0 : i32
      %dma_wait3A_128 = tpu.memref_slice %arg10[%dma_wait3A_126, %dma_wait3A_127] : memref<4096x128xf32, #tpu.memory_space<hbm>> -> memref<4096x128xf32, #tpu.memory_space<hbm>>
      tpu.wait_indirect_dma semaphore(%arg37 : memref<!tpu.dma_semaphore, #tpu.memory_space<semaphore_mem>>) src(%dma_wait3A_128 : memref<4096x128xf32, #tpu.memory_space<hbm>>) dst(%dma_wait3A_122 : memref<128x128xf32, #tpu.memory_space<vmem>>)
      %scan3A_129 = arith.constant 0 : i32
      %scan3A_130 = arith.constant 0 : i32
      %scan3A_131 = arith.constant 128 : i32
      %scan3A_132 = arith.addi %scan3A_130, %scan3A_131 : i32
      %scan3A_133 = arith.constant 4 : i32
      %scan3A_134 = scf.for %scan3A_148 = %scan3A_130 to %scan3A_132 step %scan3A_133 iter_args(%scan3A_149 = %scan3A_129) -> (i32)  : i32 {
        %jit3A = arith.constant 16 : i32
        %div3A = arith.divsi %scan3A_148, %jit3A : i32
        %sign3A = arith.constant 0 : i32
        %sign3A_150 = arith.cmpi sgt, %scan3A_148, %sign3A : i32
        %sign3A_151 = arith.extui %sign3A_150 : i1 to i32
        %sign3A_152 = arith.constant 0 : i32
        %sign3A_153 = arith.cmpi slt, %scan3A_148, %sign3A_152 : i32
        %sign3A_154 = arith.extui %sign3A_153 : i1 to i32
        %sign3A_155 = arith.subi %sign3A_151, %sign3A_154 : i32
        %sign3A_156 = arith.constant 0 : i32
        %sign3A_157 = arith.cmpi sgt, %jit3A, %sign3A_156 : i32
        %sign3A_158 = arith.extui %sign3A_157 : i1 to i32
        %sign3A_159 = arith.constant 0 : i32
        %sign3A_160 = arith.cmpi slt, %jit3A, %sign3A_159 : i32
        %sign3A_161 = arith.extui %sign3A_160 : i1 to i32
        %sign3A_162 = arith.subi %sign3A_158, %sign3A_161 : i32
        %ne3A = arith.cmpi ne, %sign3A_155, %sign3A_162 : i32
        %rem3A = arith.remsi %scan3A_148, %jit3A : i32
        %ne3A_163 = arith.constant 0 : i32
        %ne3A_164 = arith.cmpi ne, %rem3A, %ne3A_163 : i32
        %and3A = arith.andi %ne3A, %ne3A_164 : i1
        %sub3A = arith.constant 1 : i32
        %sub3A_165 = arith.subi %div3A, %sub3A : i32
        %select_n3A = arith.select %and3A, %sub3A_165, %div3A : i32
        %mul3A_166 = arith.constant 16 : i32
        %mul3A_167 = arith.muli %select_n3A, %mul3A_166 : i32
        %sub3A_168 = arith.subi %scan3A_148, %mul3A_167 : i32
        %add3A_169 = arith.constant 256 : i32
        %add3A_170 = arith.addi %add3A_169, %mul3A_167 : i32
        %get3A = arith.index_cast %add3A_170 : i32 to index
        %get3A_171 = tpu.vector_load %arg23[%get3A] {strides = array<i32>} : memref<512xf32, #tpu.memory_space<vmem>>, vector<16xf32>,
        %broadcast_in_dim3A = vector.broadcast %sub3A_168 : i32 to vector<16x1xi32>
        %gather3A = vector.shape_cast %broadcast_in_dim3A : vector<16x1xi32> to vector<16xi32>
        %gather3A_172 = tpu.dynamic_gather %get3A_171[%gather3A] in [0] : vector<16xf32>, vector<16xi32> -> vector<16xf32>
        %add3A_173 = arith.constant 384 : i32
        %add3A_174 = arith.addi %add3A_173, %mul3A_167 : i32
        %get3A_175 = arith.index_cast %add3A_174 : i32 to index
        %get3A_176 = tpu.vector_load %arg23[%get3A_175] {strides = array<i32>} : memref<512xf32, #tpu.memory_space<vmem>>, vector<16xf32>,
        %broadcast_in_dim3A_177 = vector.broadcast %sub3A_168 : i32 to vector<16x1xi32>
        %gather3A_178 = vector.shape_cast %broadcast_in_dim3A_177 : vector<16x1xi32> to vector<16xi32>
        %gather3A_179 = tpu.dynamic_gather %get3A_176[%gather3A_178] in [0] : vector<16xf32>, vector<16xi32> -> vector<16xf32>
        %get3A_180 = arith.index_cast %scan3A_148 : i32 to index
        %get3A_181 = arith.constant 0 : index
        %get3A_182 = tpu.vector_load %arg17[%get3A_180, %get3A_181] {strides = array<i32>} : memref<256x128xf32, #tpu.memory_space<vmem>>, vector<16xf32>,
        %mul3A_183 = arith.mulf %gather3A_172, %get3A_182 : vector<16xf32>
        %add3A_184 = arith.constant 128 : i32
        %add3A_185 = arith.addi %add3A_184, %scan3A_148 : i32
        %get3A_186 = arith.index_cast %add3A_185 : i32 to index
        %get3A_187 = arith.constant 0 : index
        %get3A_188 = tpu.vector_load %arg17[%get3A_186, %get3A_187] {strides = array<i32>} : memref<256x128xf32, #tpu.memory_space<vmem>>, vector<16xf32>,
        %mul3A_189 = arith.mulf %gather3A_179, %get3A_188 : vector<16xf32>
        %add3A_190 = arith.addf %mul3A_183, %mul3A_189 : vector<16xf32>
        %get3A_191 = arith.index_cast %scan3A_148 : i32 to index
        %get3A_192 = arith.constant 0 : index
        %get3A_193 = tpu.vector_load %arg16[%get3A_191, %get3A_192] {strides = array<i32>} : memref<128x128xf32, #tpu.memory_space<vmem>>, vector<16xf32>,
        %add3A_194 = arith.addf %add3A_190, %get3A_193 : vector<16xf32>
        %swap3A = arith.index_cast %scan3A_148 : i32 to index
        %swap3A_195 = arith.constant 0 : index
        %swap3A_196 = tpu.vector_load %arg16[%swap3A, %swap3A_195] {strides = array<i32>} : memref<128x128xf32, #tpu.memory_space<vmem>>, vector<16xf32>,
        tpu.vector_store %arg16[%swap3A, %swap3A_195], %add3A_194 {strides = array<i32>} : memref<128x128xf32, #tpu.memory_space<vmem>>, vector<16xf32>,
        %get3A_197 = arith.index_cast %scan3A_148 : i32 to index
        %get3A_198 = arith.constant 16 : index
        %get3A_199 = tpu.vector_load %arg17[%get3A_197, %get3A_198] {strides = array<i32>} : memref<256x128xf32, #tpu.memory_space<vmem>>, vector<16xf32>,
        %mul3A_200 = arith.mulf %gather3A_172, %get3A_199 : vector<16xf32>
        %add3A_201 = arith.constant 128 : i32
        %add3A_202 = arith.addi %add3A_201, %scan3A_148 : i32
        %get3A_203 = arith.index_cast %add3A_202 : i32 to index
        %get3A_204 = arith.constant 16 : index
        %get3A_205 = tpu.vector_load %arg17[%get3A_203, %get3A_204] {strides = array<i32>} : memref<256x128xf32, #tpu.memory_space<vmem>>, vector<16xf32>,
        %mul3A_206 = arith.mulf %gather3A_179, %get3A_205 : vector<16xf32>
        %add3A_207 = arith.addf %mul3A_200, %mul3A_206 : vector<16xf32>
        %get3A_208 = arith.index_cast %scan3A_148 : i32 to index
        %get3A_209 = arith.constant 16 : index
        %get3A_210 = tpu.vector_load %arg16[%get3A_208, %get3A_209] {strides = array<i32>} : memref<128x128xf32, #tpu.memory_space<vmem>>, vector<16xf32>,
        %add3A_211 = arith.addf %add3A_207, %get3A_210 : vector<16xf32>
        %swap3A_212 = arith.index_cast %scan3A_148 : i32 to index
        %swap3A_213 = arith.constant 16 : index
        %swap3A_214 = tpu.vector_load %arg16[%swap3A_212, %swap3A_213] {strides = array<i32>} : memref<128x128xf32, #tpu.memory_space<vmem>>, vector<16xf32>,
        tpu.vector_store %arg16[%swap3A_212, %swap3A_213], %add3A_211 {strides = array<i32>} : memref<128x128xf32, #tpu.memory_space<vmem>>, vector<16xf32>,
        %get3A_215 = arith.index_cast %scan3A_148 : i32 to index
        %get3A_216 = arith.constant 32 : index
        %get3A_217 = tpu.vector_load %arg17[%get3A_215, %get3A_216] {strides = array<i32>} : memref<256x128xf32, #tpu.memory_space<vmem>>, vector<16xf32>,
        %mul3A_218 = arith.mulf %gather3A_172, %get3A_217 : vector<16xf32>
        %add3A_219 = arith.constant 128 : i32
        %add3A_220 = arith.addi %add3A_219, %scan3A_148 : i32
        %get3A_221 = arith.index_cast %add3A_220 : i32 to index
        %get3A_222 = arith.constant 32 : index
        %get3A_223 = tpu.vector_load %arg17[%get3A_221, %get3A_222] {strides = array<i32>} : memref<256x128xf32, #tpu.memory_space<vmem>>, vector<16xf32>,
        %mul3A_224 = arith.mulf %gather3A_179, %get3A_223 : vector<16xf32>
        %add3A_225 = arith.addf %mul3A_218, %mul3A_224 : vector<16xf32>
        %get3A_226 = arith.index_cast %scan3A_148 : i32 to index
        %get3A_227 = arith.constant 32 : index
        %get3A_228 = tpu.vector_load %arg16[%get3A_226, %get3A_227] {strides = array<i32>} : memref<128x128xf32, #tpu.memory_space<vmem>>, vector<16xf32>,
        %add3A_229 = arith.addf %add3A_225, %get3A_228 : vector<16xf32>
        %swap3A_230 = arith.index_cast %scan3A_148 : i32 to index
        %swap3A_231 = arith.constant 32 : index
        %swap3A_232 = tpu.vector_load %arg16[%swap3A_230, %swap3A_231] {strides = array<i32>} : memref<128x128xf32, #tpu.memory_space<vmem>>, vector<16xf32>,
        tpu.vector_store %arg16[%swap3A_230, %swap3A_231], %add3A_229 {strides = array<i32>} : memref<128x128xf32, #tpu.memory_space<vmem>>, vector<16xf32>,
        %get3A_233 = arith.index_cast %scan3A_148 : i32 to index
        %get3A_234 = arith.constant 48 : index
        %get3A_235 = tpu.vector_load %arg17[%get3A_233, %get3A_234] {strides = array<i32>} : memref<256x128xf32, #tpu.memory_space<vmem>>, vector<16xf32>,
        %mul3A_236 = arith.mulf %gather3A_172, %get3A_235 : vector<16xf32>
        %add3A_237 = arith.constant 128 : i32
        %add3A_238 = arith.addi %add3A_237, %scan3A_148 : i32
        %get3A_239 = arith.index_cast %add3A_238 : i32 to index
        %get3A_240 = arith.constant 48 : index
        %get3A_241 = tpu.vector_load %arg17[%get3A_239, %get3A_240] {strides = array<i32>} : memref<256x128xf32, #tpu.memory_space<vmem>>, vector<16xf32>,
        %mul3A_242 = arith.mulf %gather3A_179, %get3A_241 : vector<16xf32>
        %add3A_243 = arith.addf %mul3A_236, %mul3A_242 : vector<16xf32>
        %get3A_244 = arith.index_cast %scan3A_148 : i32 to index
        %get3A_245 = arith.constant 48 : index
        %get3A_246 = tpu.vector_load %arg16[%get3A_244, %get3A_245] {strides = array<i32>} : memref<128x128xf32, #tpu.memory_space<vmem>>, vector<16xf32>,
        %add3A_247 = arith.addf %add3A_243, %get3A_246 : vector<16xf32>
        %swap3A_248 = arith.index_cast %scan3A_148 : i32 to index
        %swap3A_249 = arith.constant 48 : index
        %swap3A_250 = tpu.vector_load %arg16[%swap3A_248, %swap3A_249] {strides = array<i32>} : memref<128x128xf32, #tpu.memory_space<vmem>>, vector<16xf32>,
        tpu.vector_store %arg16[%swap3A_248, %swap3A_249], %add3A_247 {strides = array<i32>} : memref<128x128xf32, #tpu.memory_space<vmem>>, vector<16xf32>,
        %get3A_251 = arith.index_cast %scan3A_148 : i32 to index
        %get3A_252 = arith.constant 64 : index
        %get3A_253 = tpu.vector_load %arg17[%get3A_251, %get3A_252] {strides = array<i32>} : memref<256x128xf32, #tpu.memory_space<vmem>>, vector<16xf32>,
        %mul3A_254 = arith.mulf %gather3A_172, %get3A_253 : vector<16xf32>
        %add3A_255 = arith.constant 128 : i32
        %add3A_256 = arith.addi %add3A_255, %scan3A_148 : i32
        %get3A_257 = arith.index_cast %add3A_256 : i32 to index
        %get3A_258 = arith.constant 64 : index
        %get3A_259 = tpu.vector_load %arg17[%get3A_257, %get3A_258] {strides = array<i32>} : memref<256x128xf32, #tpu.memory_space<vmem>>, vector<16xf32>,
        %mul3A_260 = arith.mulf %gather3A_179, %get3A_259 : vector<16xf32>
        %add3A_261 = arith.addf %mul3A_254, %mul3A_260 : vector<16xf32>
        %get3A_262 = arith.index_cast %scan3A_148 : i32 to index
        %get3A_263 = arith.constant 64 : index
        %get3A_264 = tpu.vector_load %arg16[%get3A_262, %get3A_263] {strides = array<i32>} : memref<128x128xf32, #tpu.memory_space<vmem>>, vector<16xf32>,
        %add3A_265 = arith.addf %add3A_261, %get3A_264 : vector<16xf32>
        %swap3A_266 = arith.index_cast %scan3A_148 : i32 to index
        %swap3A_267 = arith.constant 64 : index
        %swap3A_268 = tpu.vector_load %arg16[%swap3A_266, %swap3A_267] {strides = array<i32>} : memref<128x128xf32, #tpu.memory_space<vmem>>, vector<16xf32>,
        tpu.vector_store %arg16[%swap3A_266, %swap3A_267], %add3A_265 {strides = array<i32>} : memref<128x128xf32, #tpu.memory_space<vmem>>, vector<16xf32>,
        %get3A_269 = arith.index_cast %scan3A_148 : i32 to index
        %get3A_270 = arith.constant 80 : index
        %get3A_271 = tpu.vector_load %arg17[%get3A_269, %get3A_270] {strides = array<i32>} : memref<256x128xf32, #tpu.memory_space<vmem>>, vector<16xf32>,
        %mul3A_272 = arith.mulf %gather3A_172, %get3A_271 : vector<16xf32>
        %add3A_273 = arith.constant 128 : i32
        %add3A_274 = arith.addi %add3A_273, %scan3A_148 : i32
        %get3A_275 = arith.index_cast %add3A_274 : i32 to index
        %get3A_276 = arith.constant 80 : index
        %get3A_277 = tpu.vector_load %arg17[%get3A_275, %get3A_276] {strides = array<i32>} : memref<256x128xf32, #tpu.memory_space<vmem>>, vector<16xf32>,
        %mul3A_278 = arith.mulf %gather3A_179, %get3A_277 : vector<16xf32>
        %add3A_279 = arith.addf %mul3A_272, %mul3A_278 : vector<16xf32>
        %get3A_280 = arith.index_cast %scan3A_148 : i32 to index
        %get3A_281 = arith.constant 80 : index
        %get3A_282 = tpu.vector_load %arg16[%get3A_280, %get3A_281] {strides = array<i32>} : memref<128x128xf32, #tpu.memory_space<vmem>>, vector<16xf32>,
        %add3A_283 = arith.addf %add3A_279, %get3A_282 : vector<16xf32>
        %swap3A_284 = arith.index_cast %scan3A_148 : i32 to index
        %swap3A_285 = arith.constant 80 : index
        %swap3A_286 = tpu.vector_load %arg16[%swap3A_284, %swap3A_285] {strides = array<i32>} : memref<128x128xf32, #tpu.memory_space<vmem>>, vector<16xf32>,
        tpu.vector_store %arg16[%swap3A_284, %swap3A_285], %add3A_283 {strides = array<i32>} : memref<128x128xf32, #tpu.memory_space<vmem>>, vector<16xf32>,
        %get3A_287 = arith.index_cast %scan3A_148 : i32 to index
        %get3A_288 = arith.constant 96 : index
        %get3A_289 = tpu.vector_load %arg17[%get3A_287, %get3A_288] {strides = array<i32>} : memref<256x128xf32, #tpu.memory_space<vmem>>, vector<16xf32>,
        %mul3A_290 = arith.mulf %gather3A_172, %get3A_289 : vector<16xf32>
        %add3A_291 = arith.constant 128 : i32
        %add3A_292 = arith.addi %add3A_291, %scan3A_148 : i32
        %get3A_293 = arith.index_cast %add3A_292 : i32 to index
        %get3A_294 = arith.constant 96 : index
        %get3A_295 = tpu.vector_load %arg17[%get3A_293, %get3A_294] {strides = array<i32>} : memref<256x128xf32, #tpu.memory_space<vmem>>, vector<16xf32>,
        %mul3A_296 = arith.mulf %gather3A_179, %get3A_295 : vector<16xf32>
        %add3A_297 = arith.addf %mul3A_290, %mul3A_296 : vector<16xf32>
        %get3A_298 = arith.index_cast %scan3A_148 : i32 to index
        %get3A_299 = arith.constant 96 : index
        %get3A_300 = tpu.vector_load %arg16[%get3A_298, %get3A_299] {strides = array<i32>} : memref<128x128xf32, #tpu.memory_space<vmem>>, vector<16xf32>,
        %add3A_301 = arith.addf %add3A_297, %get3A_300 : vector<16xf32>
        %swap3A_302 = arith.index_cast %scan3A_148 : i32 to index
        %swap3A_303 = arith.constant 96 : index
        %swap3A_304 = tpu.vector_load %arg16[%swap3A_302, %swap3A_303] {strides = array<i32>} : memref<128x128xf32, #tpu.memory_space<vmem>>, vector<16xf32>,
        tpu.vector_store %arg16[%swap3A_302, %swap3A_303], %add3A_301 {strides = array<i32>} : memref<128x128xf32, #tpu.memory_space<vmem>>, vector<16xf32>,
        %get3A_305 = arith.index_cast %scan3A_148 : i32 to index
        %get3A_306 = arith.constant 112 : index
        %get3A_307 = tpu.vector_load %arg17[%get3A_305, %get3A_306] {strides = array<i32>} : memref<256x128xf32, #tpu.memory_space<vmem>>, vector<16xf32>,
        %mul3A_308 = arith.mulf %gather3A_172, %get3A_307 : vector<16xf32>
        %add3A_309 = arith.constant 128 : i32
        %add3A_310 = arith.addi %add3A_309, %scan3A_148 : i32
        %get3A_311 = arith.index_cast %add3A_310 : i32 to index
        %get3A_312 = arith.constant 112 : index
        %get3A_313 = tpu.vector_load %arg17[%get3A_311, %get3A_312] {strides = array<i32>} : memref<256x128xf32, #tpu.memory_space<vmem>>, vector<16xf32>,
        %mul3A_314 = arith.mulf %gather3A_179, %get3A_313 : vector<16xf32>
        %add3A_315 = arith.addf %mul3A_308, %mul3A_314 : vector<16xf32>
        %get3A_316 = arith.index_cast %scan3A_148 : i32 to index
        %get3A_317 = arith.constant 112 : index
        %get3A_318 = tpu.vector_load %arg16[%get3A_316, %get3A_317] {strides = array<i32>} : memref<128x128xf32, #tpu.memory_space<vmem>>, vector<16xf32>,
        %add3A_319 = arith.addf %add3A_315, %get3A_318 : vector<16xf32>
        %swap3A_320 = arith.index_cast %scan3A_148 : i32 to index
        %swap3A_321 = arith.constant 112 : index
        %swap3A_322 = tpu.vector_load %arg16[%swap3A_320, %swap3A_321] {strides = array<i32>} : memref<128x128xf32, #tpu.memory_space<vmem>>, vector<16xf32>,
        tpu.vector_store %arg16[%swap3A_320, %swap3A_321], %add3A_319 {strides = array<i32>} : memref<128x128xf32, #tpu.memory_space<vmem>>, vector<16xf32>,
        %scan3A_323 = arith.constant 0 : i32
        %scan3A_324 = arith.constant 1 : i32
        %scan3A_325 = arith.addi %scan3A_148, %scan3A_324 : i32
        %jit3A_326 = arith.constant 16 : i32
        %div3A_327 = arith.divsi %scan3A_325, %jit3A_326 : i32
        %sign3A_328 = arith.constant 0 : i32
        %sign3A_329 = arith.cmpi sgt, %scan3A_325, %sign3A_328 : i32
        %sign3A_330 = arith.extui %sign3A_329 : i1 to i32
        %sign3A_331 = arith.constant 0 : i32
        %sign3A_332 = arith.cmpi slt, %scan3A_325, %sign3A_331 : i32
        %sign3A_333 = arith.extui %sign3A_332 : i1 to i32
        %sign3A_334 = arith.subi %sign3A_330, %sign3A_333 : i32
        %sign3A_335 = arith.constant 0 : i32
        %sign3A_336 = arith.cmpi sgt, %jit3A_326, %sign3A_335 : i32
        %sign3A_337 = arith.extui %sign3A_336 : i1 to i32
        %sign3A_338 = arith.constant 0 : i32
        %sign3A_339 = arith.cmpi slt, %jit3A_326, %sign3A_338 : i32
        %sign3A_340 = arith.extui %sign3A_339 : i1 to i32
        %sign3A_341 = arith.subi %sign3A_337, %sign3A_340 : i32
        %ne3A_342 = arith.cmpi ne, %sign3A_334, %sign3A_341 : i32
        %rem3A_343 = arith.remsi %scan3A_325, %jit3A_326 : i32
        %ne3A_344 = arith.constant 0 : i32
        %ne3A_345 = arith.cmpi ne, %rem3A_343, %ne3A_344 : i32
        %and3A_346 = arith.andi %ne3A_342, %ne3A_345 : i1
        %sub3A_347 = arith.constant 1 : i32
        %sub3A_348 = arith.subi %div3A_327, %sub3A_347 : i32
        %select_n3A_349 = arith.select %and3A_346, %sub3A_348, %div3A_327 : i32
        %mul3A_350 = arith.constant 16 : i32
        %mul3A_351 = arith.muli %select_n3A_349, %mul3A_350 : i32
        %sub3A_352 = arith.subi %scan3A_325, %mul3A_351 : i32
        %add3A_353 = arith.constant 256 : i32
        %add3A_354 = arith.addi %add3A_353, %mul3A_351 : i32
        %get3A_355 = arith.index_cast %add3A_354 : i32 to index
        %get3A_356 = tpu.vector_load %arg23[%get3A_355] {strides = array<i32>} : memref<512xf32, #tpu.memory_space<vmem>>, vector<16xf32>,
        %broadcast_in_dim3A_357 = vector.broadcast %sub3A_352 : i32 to vector<16x1xi32>
        %gather3A_358 = vector.shape_cast %broadcast_in_dim3A_357 : vector<16x1xi32> to vector<16xi32>
        %gather3A_359 = tpu.dynamic_gather %get3A_356[%gather3A_358] in [0] : vector<16xf32>, vector<16xi32> -> vector<16xf32>
        %add3A_360 = arith.constant 384 : i32
        %add3A_361 = arith.addi %add3A_360, %mul3A_351 : i32
        %get3A_362 = arith.index_cast %add3A_361 : i32 to index
        %get3A_363 = tpu.vector_load %arg23[%get3A_362] {strides = array<i32>} : memref<512xf32, #tpu.memory_space<vmem>>, vector<16xf32>,
        %broadcast_in_dim3A_364 = vector.broadcast %sub3A_352 : i32 to vector<16x1xi32>
        %gather3A_365 = vector.shape_cast %broadcast_in_dim3A_364 : vector<16x1xi32> to vector<16xi32>
        %gather3A_366 = tpu.dynamic_gather %get3A_363[%gather3A_365] in [0] : vector<16xf32>, vector<16xi32> -> vector<16xf32>
        %get3A_367 = arith.index_cast %scan3A_325 : i32 to index
        %get3A_368 = arith.constant 0 : index
        %get3A_369 = tpu.vector_load %arg17[%get3A_367, %get3A_368] {strides = array<i32>} : memref<256x128xf32, #tpu.memory_space<vmem>>, vector<16xf32>,
        %mul3A_370 = arith.mulf %gather3A_359, %get3A_369 : vector<16xf32>
        %add3A_371 = arith.constant 128 : i32
        %add3A_372 = arith.addi %add3A_371, %scan3A_325 : i32
        %get3A_373 = arith.index_cast %add3A_372 : i32 to index
        %get3A_374 = arith.constant 0 : index
        %get3A_375 = tpu.vector_load %arg17[%get3A_373, %get3A_374] {strides = array<i32>} : memref<256x128xf32, #tpu.memory_space<vmem>>, vector<16xf32>,
        %mul3A_376 = arith.mulf %gather3A_366, %get3A_375 : vector<16xf32>
        %add3A_377 = arith.addf %mul3A_370, %mul3A_376 : vector<16xf32>
        %get3A_378 = arith.index_cast %scan3A_325 : i32 to index
        %get3A_379 = arith.constant 0 : index
        %get3A_380 = tpu.vector_load %arg16[%get3A_378, %get3A_379] {strides = array<i32>} : memref<128x128xf32, #tpu.memory_space<vmem>>, vector<16xf32>,
        %add3A_381 = arith.addf %add3A_377, %get3A_380 : vector<16xf32>
        %swap3A_382 = arith.index_cast %scan3A_325 : i32 to index
        %swap3A_383 = arith.constant 0 : index
        %swap3A_384 = tpu.vector_load %arg16[%swap3A_382, %swap3A_383] {strides = array<i32>} : memref<128x128xf32, #tpu.memory_space<vmem>>, vector<16xf32>,
        tpu.vector_store %arg16[%swap3A_382, %swap3A_383], %add3A_381 {strides = array<i32>} : memref<128x128xf32, #tpu.memory_space<vmem>>, vector<16xf32>,
        %get3A_385 = arith.index_cast %scan3A_325 : i32 to index
        %get3A_386 = arith.constant 16 : index
        %get3A_387 = tpu.vector_load %arg17[%get3A_385, %get3A_386] {strides = array<i32>} : memref<256x128xf32, #tpu.memory_space<vmem>>, vector<16xf32>,
        %mul3A_388 = arith.mulf %gather3A_359, %get3A_387 : vector<16xf32>
        %add3A_389 = arith.constant 128 : i32
        %add3A_390 = arith.addi %add3A_389, %scan3A_325 : i32
        %get3A_391 = arith.index_cast %add3A_390 : i32 to index
        %get3A_392 = arith.constant 16 : index
        %get3A_393 = tpu.vector_load %arg17[%get3A_391, %get3A_392] {strides = array<i32>} : memref<256x128xf32, #tpu.memory_space<vmem>>, vector<16xf32>,
        %mul3A_394 = arith.mulf %gather3A_366, %get3A_393 : vector<16xf32>
        %add3A_395 = arith.addf %mul3A_388, %mul3A_394 : vector<16xf32>
        %get3A_396 = arith.index_cast %scan3A_325 : i32 to index
        %get3A_397 = arith.constant 16 : index
        %get3A_398 = tpu.vector_load %arg16[%get3A_396, %get3A_397] {strides = array<i32>} : memref<128x128xf32, #tpu.memory_space<vmem>>, vector<16xf32>,
        %add3A_399 = arith.addf %add3A_395, %get3A_398 : vector<16xf32>
        %swap3A_400 = arith.index_cast %scan3A_325 : i32 to index
        %swap3A_401 = arith.constant 16 : index
        %swap3A_402 = tpu.vector_load %arg16[%swap3A_400, %swap3A_401] {strides = array<i32>} : memref<128x128xf32, #tpu.memory_space<vmem>>, vector<16xf32>,
        tpu.vector_store %arg16[%swap3A_400, %swap3A_401], %add3A_399 {strides = array<i32>} : memref<128x128xf32, #tpu.memory_space<vmem>>, vector<16xf32>,
        %get3A_403 = arith.index_cast %scan3A_325 : i32 to index
        %get3A_404 = arith.constant 32 : index
        %get3A_405 = tpu.vector_load %arg17[%get3A_403, %get3A_404] {strides = array<i32>} : memref<256x128xf32, #tpu.memory_space<vmem>>, vector<16xf32>,
        %mul3A_406 = arith.mulf %gather3A_359, %get3A_405 : vector<16xf32>
        %add3A_407 = arith.constant 128 : i32
        %add3A_408 = arith.addi %add3A_407, %scan3A_325 : i32
        %get3A_409 = arith.index_cast %add3A_408 : i32 to index
        %get3A_410 = arith.constant 32 : index
        %get3A_411 = tpu.vector_load %arg17[%get3A_409, %get3A_410] {strides = array<i32>} : memref<256x128xf32, #tpu.memory_space<vmem>>, vector<16xf32>,
        %mul3A_412 = arith.mulf %gather3A_366, %get3A_411 : vector<16xf32>
        %add3A_413 = arith.addf %mul3A_406, %mul3A_412 : vector<16xf32>
        %get3A_414 = arith.index_cast %scan3A_325 : i32 to index
        %get3A_415 = arith.constant 32 : index
        %get3A_416 = tpu.vector_load %arg16[%get3A_414, %get3A_415] {strides = array<i32>} : memref<128x128xf32, #tpu.memory_space<vmem>>, vector<16xf32>,
        %add3A_417 = arith.addf %add3A_413, %get3A_416 : vector<16xf32>
        %swap3A_418 = arith.index_cast %scan3A_325 : i32 to index
        %swap3A_419 = arith.constant 32 : index
        %swap3A_420 = tpu.vector_load %arg16[%swap3A_418, %swap3A_419] {strides = array<i32>} : memref<128x128xf32, #tpu.memory_space<vmem>>, vector<16xf32>,
        tpu.vector_store %arg16[%swap3A_418, %swap3A_419], %add3A_417 {strides = array<i32>} : memref<128x128xf32, #tpu.memory_space<vmem>>, vector<16xf32>,
        %get3A_421 = arith.index_cast %scan3A_325 : i32 to index
        %get3A_422 = arith.constant 48 : index
        %get3A_423 = tpu.vector_load %arg17[%get3A_421, %get3A_422] {strides = array<i32>} : memref<256x128xf32, #tpu.memory_space<vmem>>, vector<16xf32>,
        %mul3A_424 = arith.mulf %gather3A_359, %get3A_423 : vector<16xf32>
        %add3A_425 = arith.constant 128 : i32
        %add3A_426 = arith.addi %add3A_425, %scan3A_325 : i32
        %get3A_427 = arith.index_cast %add3A_426 : i32 to index
        %get3A_428 = arith.constant 48 : index
        %get3A_429 = tpu.vector_load %arg17[%get3A_427, %get3A_428] {strides = array<i32>} : memref<256x128xf32, #tpu.memory_space<vmem>>, vector<16xf32>,
        %mul3A_430 = arith.mulf %gather3A_366, %get3A_429 : vector<16xf32>
        %add3A_431 = arith.addf %mul3A_424, %mul3A_430 : vector<16xf32>
        %get3A_432 = arith.index_cast %scan3A_325 : i32 to index
        %get3A_433 = arith.constant 48 : index
        %get3A_434 = tpu.vector_load %arg16[%get3A_432, %get3A_433] {strides = array<i32>} : memref<128x128xf32, #tpu.memory_space<vmem>>, vector<16xf32>,
        %add3A_435 = arith.addf %add3A_431, %get3A_434 : vector<16xf32>
        %swap3A_436 = arith.index_cast %scan3A_325 : i32 to index
        %swap3A_437 = arith.constant 48 : index
        %swap3A_438 = tpu.vector_load %arg16[%swap3A_436, %swap3A_437] {strides = array<i32>} : memref<128x128xf32, #tpu.memory_space<vmem>>, vector<16xf32>,
        tpu.vector_store %arg16[%swap3A_436, %swap3A_437], %add3A_435 {strides = array<i32>} : memref<128x128xf32, #tpu.memory_space<vmem>>, vector<16xf32>,
        %get3A_439 = arith.index_cast %scan3A_325 : i32 to index
        %get3A_440 = arith.constant 64 : index
        %get3A_441 = tpu.vector_load %arg17[%get3A_439, %get3A_440] {strides = array<i32>} : memref<256x128xf32, #tpu.memory_space<vmem>>, vector<16xf32>,
        %mul3A_442 = arith.mulf %gather3A_359, %get3A_441 : vector<16xf32>
        %add3A_443 = arith.constant 128 : i32
        %add3A_444 = arith.addi %add3A_443, %scan3A_325 : i32
        %get3A_445 = arith.index_cast %add3A_444 : i32 to index
        %get3A_446 = arith.constant 64 : index
        %get3A_447 = tpu.vector_load %arg17[%get3A_445, %get3A_446] {strides = array<i32>} : memref<256x128xf32, #tpu.memory_space<vmem>>, vector<16xf32>,
        %mul3A_448 = arith.mulf %gather3A_366, %get3A_447 : vector<16xf32>
        %add3A_449 = arith.addf %mul3A_442, %mul3A_448 : vector<16xf32>
        %get3A_450 = arith.index_cast %scan3A_325 : i32 to index
        %get3A_451 = arith.constant 64 : index
        %get3A_452 = tpu.vector_load %arg16[%get3A_450, %get3A_451] {strides = array<i32>} : memref<128x128xf32, #tpu.memory_space<vmem>>, vector<16xf32>,
        %add3A_453 = arith.addf %add3A_449, %get3A_452 : vector<16xf32>
        %swap3A_454 = arith.index_cast %scan3A_325 : i32 to index
        %swap3A_455 = arith.constant 64 : index
        %swap3A_456 = tpu.vector_load %arg16[%swap3A_454, %swap3A_455] {strides = array<i32>} : memref<128x128xf32, #tpu.memory_space<vmem>>, vector<16xf32>,
        tpu.vector_store %arg16[%swap3A_454, %swap3A_455], %add3A_453 {strides = array<i32>} : memref<128x128xf32, #tpu.memory_space<vmem>>, vector<16xf32>,
        %get3A_457 = arith.index_cast %scan3A_325 : i32 to index
        %get3A_458 = arith.constant 80 : index
        %get3A_459 = tpu.vector_load %arg17[%get3A_457, %get3A_458] {strides = array<i32>} : memref<256x128xf32, #tpu.memory_space<vmem>>, vector<16xf32>,
        %mul3A_460 = arith.mulf %gather3A_359, %get3A_459 : vector<16xf32>
        %add3A_461 = arith.constant 128 : i32
        %add3A_462 = arith.addi %add3A_461, %scan3A_325 : i32
        %get3A_463 = arith.index_cast %add3A_462 : i32 to index
        %get3A_464 = arith.constant 80 : index
        %get3A_465 = tpu.vector_load %arg17[%get3A_463, %get3A_464] {strides = array<i32>} : memref<256x128xf32, #tpu.memory_space<vmem>>, vector<16xf32>,
        %mul3A_466 = arith.mulf %gather3A_366, %get3A_465 : vector<16xf32>
        %add3A_467 = arith.addf %mul3A_460, %mul3A_466 : vector<16xf32>
        %get3A_468 = arith.index_cast %scan3A_325 : i32 to index
        %get3A_469 = arith.constant 80 : index
        %get3A_470 = tpu.vector_load %arg16[%get3A_468, %get3A_469] {strides = array<i32>} : memref<128x128xf32, #tpu.memory_space<vmem>>, vector<16xf32>,
        %add3A_471 = arith.addf %add3A_467, %get3A_470 : vector<16xf32>
        %swap3A_472 = arith.index_cast %scan3A_325 : i32 to index
        %swap3A_473 = arith.constant 80 : index
        %swap3A_474 = tpu.vector_load %arg16[%swap3A_472, %swap3A_473] {strides = array<i32>} : memref<128x128xf32, #tpu.memory_space<vmem>>, vector<16xf32>,
        tpu.vector_store %arg16[%swap3A_472, %swap3A_473], %add3A_471 {strides = array<i32>} : memref<128x128xf32, #tpu.memory_space<vmem>>, vector<16xf32>,
        %get3A_475 = arith.index_cast %scan3A_325 : i32 to index
        %get3A_476 = arith.constant 96 : index
        %get3A_477 = tpu.vector_load %arg17[%get3A_475, %get3A_476] {strides = array<i32>} : memref<256x128xf32, #tpu.memory_space<vmem>>, vector<16xf32>,
        %mul3A_478 = arith.mulf %gather3A_359, %get3A_477 : vector<16xf32>
        %add3A_479 = arith.constant 128 : i32
        %add3A_480 = arith.addi %add3A_479, %scan3A_325 : i32
        %get3A_481 = arith.index_cast %add3A_480 : i32 to index
        %get3A_482 = arith.constant 96 : index
        %get3A_483 = tpu.vector_load %arg17[%get3A_481, %get3A_482] {strides = array<i32>} : memref<256x128xf32, #tpu.memory_space<vmem>>, vector<16xf32>,
        %mul3A_484 = arith.mulf %gather3A_366, %get3A_483 : vector<16xf32>
        %add3A_485 = arith.addf %mul3A_478, %mul3A_484 : vector<16xf32>
        %get3A_486 = arith.index_cast %scan3A_325 : i32 to index
        %get3A_487 = arith.constant 96 : index
        %get3A_488 = tpu.vector_load %arg16[%get3A_486, %get3A_487] {strides = array<i32>} : memref<128x128xf32, #tpu.memory_space<vmem>>, vector<16xf32>,
        %add3A_489 = arith.addf %add3A_485, %get3A_488 : vector<16xf32>
        %swap3A_490 = arith.index_cast %scan3A_325 : i32 to index
        %swap3A_491 = arith.constant 96 : index
        %swap3A_492 = tpu.vector_load %arg16[%swap3A_490, %swap3A_491] {strides = array<i32>} : memref<128x128xf32, #tpu.memory_space<vmem>>, vector<16xf32>,
        tpu.vector_store %arg16[%swap3A_490, %swap3A_491], %add3A_489 {strides = array<i32>} : memref<128x128xf32, #tpu.memory_space<vmem>>, vector<16xf32>,
        %get3A_493 = arith.index_cast %scan3A_325 : i32 to index
        %get3A_494 = arith.constant 112 : index
        %get3A_495 = tpu.vector_load %arg17[%get3A_493, %get3A_494] {strides = array<i32>} : memref<256x128xf32, #tpu.memory_space<vmem>>, vector<16xf32>,
        %mul3A_496 = arith.mulf %gather3A_359, %get3A_495 : vector<16xf32>
        %add3A_497 = arith.constant 128 : i32
        %add3A_498 = arith.addi %add3A_497, %scan3A_325 : i32
        %get3A_499 = arith.index_cast %add3A_498 : i32 to index
        %get3A_500 = arith.constant 112 : index
        %get3A_501 = tpu.vector_load %arg17[%get3A_499, %get3A_500] {strides = array<i32>} : memref<256x128xf32, #tpu.memory_space<vmem>>, vector<16xf32>,
        %mul3A_502 = arith.mulf %gather3A_366, %get3A_501 : vector<16xf32>
        %add3A_503 = arith.addf %mul3A_496, %mul3A_502 : vector<16xf32>
        %get3A_504 = arith.index_cast %scan3A_325 : i32 to index
        %get3A_505 = arith.constant 112 : index
        %get3A_506 = tpu.vector_load %arg16[%get3A_504, %get3A_505] {strides = array<i32>} : memref<128x128xf32, #tpu.memory_space<vmem>>, vector<16xf32>,
        %add3A_507 = arith.addf %add3A_503, %get3A_506 : vector<16xf32>
        %swap3A_508 = arith.index_cast %scan3A_325 : i32 to index
        %swap3A_509 = arith.constant 112 : index
        %swap3A_510 = tpu.vector_load %arg16[%swap3A_508, %swap3A_509] {strides = array<i32>} : memref<128x128xf32, #tpu.memory_space<vmem>>, vector<16xf32>,
        tpu.vector_store %arg16[%swap3A_508, %swap3A_509], %add3A_507 {strides = array<i32>} : memref<128x128xf32, #tpu.memory_space<vmem>>, vector<16xf32>,
        %scan3A_511 = arith.constant 0 : i32
        %scan3A_512 = arith.constant 2 : i32
        %scan3A_513 = arith.addi %scan3A_148, %scan3A_512 : i32
        %jit3A_514 = arith.constant 16 : i32
        %div3A_515 = arith.divsi %scan3A_513, %jit3A_514 : i32
        %sign3A_516 = arith.constant 0 : i32
        %sign3A_517 = arith.cmpi sgt, %scan3A_513, %sign3A_516 : i32
        %sign3A_518 = arith.extui %sign3A_517 : i1 to i32
        %sign3A_519 = arith.constant 0 : i32
        %sign3A_520 = arith.cmpi slt, %scan3A_513, %sign3A_519 : i32
        %sign3A_521 = arith.extui %sign3A_520 : i1 to i32
        %sign3A_522 = arith.subi %sign3A_518, %sign3A_521 : i32
        %sign3A_523 = arith.constant 0 : i32
        %sign3A_524 = arith.cmpi sgt, %jit3A_514, %sign3A_523 : i32
        %sign3A_525 = arith.extui %sign3A_524 : i1 to i32
        %sign3A_526 = arith.constant 0 : i32
        %sign3A_527 = arith.cmpi slt, %jit3A_514, %sign3A_526 : i32
        %sign3A_528 = arith.extui %sign3A_527 : i1 to i32
        %sign3A_529 = arith.subi %sign3A_525, %sign3A_528 : i32
        %ne3A_530 = arith.cmpi ne, %sign3A_522, %sign3A_529 : i32
        %rem3A_531 = arith.remsi %scan3A_513, %jit3A_514 : i32
        %ne3A_532 = arith.constant 0 : i32
        %ne3A_533 = arith.cmpi ne, %rem3A_531, %ne3A_532 : i32
        %and3A_534 = arith.andi %ne3A_530, %ne3A_533 : i1
        %sub3A_535 = arith.constant 1 : i32
        %sub3A_536 = arith.subi %div3A_515, %sub3A_535 : i32
        %select_n3A_537 = arith.select %and3A_534, %sub3A_536, %div3A_515 : i32
        %mul3A_538 = arith.constant 16 : i32
        %mul3A_539 = arith.muli %select_n3A_537, %mul3A_538 : i32
        %sub3A_540 = arith.subi %scan3A_513, %mul3A_539 : i32
        %add3A_541 = arith.constant 256 : i32
        %add3A_542 = arith.addi %add3A_541, %mul3A_539 : i32
        %get3A_543 = arith.index_cast %add3A_542 : i32 to index
        %get3A_544 = tpu.vector_load %arg23[%get3A_543] {strides = array<i32>} : memref<512xf32, #tpu.memory_space<vmem>>, vector<16xf32>,
        %broadcast_in_dim3A_545 = vector.broadcast %sub3A_540 : i32 to vector<16x1xi32>
        %gather3A_546 = vector.shape_cast %broadcast_in_dim3A_545 : vector<16x1xi32> to vector<16xi32>
        %gather3A_547 = tpu.dynamic_gather %get3A_544[%gather3A_546] in [0] : vector<16xf32>, vector<16xi32> -> vector<16xf32>
        %add3A_548 = arith.constant 384 : i32
        %add3A_549 = arith.addi %add3A_548, %mul3A_539 : i32
        %get3A_550 = arith.index_cast %add3A_549 : i32 to index
        %get3A_551 = tpu.vector_load %arg23[%get3A_550] {strides = array<i32>} : memref<512xf32, #tpu.memory_space<vmem>>, vector<16xf32>,
        %broadcast_in_dim3A_552 = vector.broadcast %sub3A_540 : i32 to vector<16x1xi32>
        %gather3A_553 = vector.shape_cast %broadcast_in_dim3A_552 : vector<16x1xi32> to vector<16xi32>
        %gather3A_554 = tpu.dynamic_gather %get3A_551[%gather3A_553] in [0] : vector<16xf32>, vector<16xi32> -> vector<16xf32>
        %get3A_555 = arith.index_cast %scan3A_513 : i32 to index
        %get3A_556 = arith.constant 0 : index
        %get3A_557 = tpu.vector_load %arg17[%get3A_555, %get3A_556] {strides = array<i32>} : memref<256x128xf32, #tpu.memory_space<vmem>>, vector<16xf32>,
        %mul3A_558 = arith.mulf %gather3A_547, %get3A_557 : vector<16xf32>
        %add3A_559 = arith.constant 128 : i32
        %add3A_560 = arith.addi %add3A_559, %scan3A_513 : i32
        %get3A_561 = arith.index_cast %add3A_560 : i32 to index
        %get3A_562 = arith.constant 0 : index
        %get3A_563 = tpu.vector_load %arg17[%get3A_561, %get3A_562] {strides = array<i32>} : memref<256x128xf32, #tpu.memory_space<vmem>>, vector<16xf32>,
        %mul3A_564 = arith.mulf %gather3A_554, %get3A_563 : vector<16xf32>
        %add3A_565 = arith.addf %mul3A_558, %mul3A_564 : vector<16xf32>
        %get3A_566 = arith.index_cast %scan3A_513 : i32 to index
        %get3A_567 = arith.constant 0 : index
        %get3A_568 = tpu.vector_load %arg16[%get3A_566, %get3A_567] {strides = array<i32>} : memref<128x128xf32, #tpu.memory_space<vmem>>, vector<16xf32>,
        %add3A_569 = arith.addf %add3A_565, %get3A_568 : vector<16xf32>
        %swap3A_570 = arith.index_cast %scan3A_513 : i32 to index
        %swap3A_571 = arith.constant 0 : index
        %swap3A_572 = tpu.vector_load %arg16[%swap3A_570, %swap3A_571] {strides = array<i32>} : memref<128x128xf32, #tpu.memory_space<vmem>>, vector<16xf32>,
        tpu.vector_store %arg16[%swap3A_570, %swap3A_571], %add3A_569 {strides = array<i32>} : memref<128x128xf32, #tpu.memory_space<vmem>>, vector<16xf32>,
        %get3A_573 = arith.index_cast %scan3A_513 : i32 to index
        %get3A_574 = arith.constant 16 : index
        %get3A_575 = tpu.vector_load %arg17[%get3A_573, %get3A_574] {strides = array<i32>} : memref<256x128xf32, #tpu.memory_space<vmem>>, vector<16xf32>,
        %mul3A_576 = arith.mulf %gather3A_547, %get3A_575 : vector<16xf32>
        %add3A_577 = arith.constant 128 : i32
        %add3A_578 = arith.addi %add3A_577, %scan3A_513 : i32
        %get3A_579 = arith.index_cast %add3A_578 : i32 to index
        %get3A_580 = arith.constant 16 : index
        %get3A_581 = tpu.vector_load %arg17[%get3A_579, %get3A_580] {strides = array<i32>} : memref<256x128xf32, #tpu.memory_space<vmem>>, vector<16xf32>,
        %mul3A_582 = arith.mulf %gather3A_554, %get3A_581 : vector<16xf32>
        %add3A_583 = arith.addf %mul3A_576, %mul3A_582 : vector<16xf32>
        %get3A_584 = arith.index_cast %scan3A_513 : i32 to index
        %get3A_585 = arith.constant 16 : index
        %get3A_586 = tpu.vector_load %arg16[%get3A_584, %get3A_585] {strides = array<i32>} : memref<128x128xf32, #tpu.memory_space<vmem>>, vector<16xf32>,
        %add3A_587 = arith.addf %add3A_583, %get3A_586 : vector<16xf32>
        %swap3A_588 = arith.index_cast %scan3A_513 : i32 to index
        %swap3A_589 = arith.constant 16 : index
        %swap3A_590 = tpu.vector_load %arg16[%swap3A_588, %swap3A_589] {strides = array<i32>} : memref<128x128xf32, #tpu.memory_space<vmem>>, vector<16xf32>,
        tpu.vector_store %arg16[%swap3A_588, %swap3A_589], %add3A_587 {strides = array<i32>} : memref<128x128xf32, #tpu.memory_space<vmem>>, vector<16xf32>,
        %get3A_591 = arith.index_cast %scan3A_513 : i32 to index
        %get3A_592 = arith.constant 32 : index
        %get3A_593 = tpu.vector_load %arg17[%get3A_591, %get3A_592] {strides = array<i32>} : memref<256x128xf32, #tpu.memory_space<vmem>>, vector<16xf32>,
        %mul3A_594 = arith.mulf %gather3A_547, %get3A_593 : vector<16xf32>
        %add3A_595 = arith.constant 128 : i32
        %add3A_596 = arith.addi %add3A_595, %scan3A_513 : i32
        %get3A_597 = arith.index_cast %add3A_596 : i32 to index
        %get3A_598 = arith.constant 32 : index
        %get3A_599 = tpu.vector_load %arg17[%get3A_597, %get3A_598] {strides = array<i32>} : memref<256x128xf32, #tpu.memory_space<vmem>>, vector<16xf32>,
        %mul3A_600 = arith.mulf %gather3A_554, %get3A_599 : vector<16xf32>
        %add3A_601 = arith.addf %mul3A_594, %mul3A_600 : vector<16xf32>
        %get3A_602 = arith.index_cast %scan3A_513 : i32 to index
        %get3A_603 = arith.constant 32 : index
        %get3A_604 = tpu.vector_load %arg16[%get3A_602, %get3A_603] {strides = array<i32>} : memref<128x128xf32, #tpu.memory_space<vmem>>, vector<16xf32>,
        %add3A_605 = arith.addf %add3A_601, %get3A_604 : vector<16xf32>
        %swap3A_606 = arith.index_cast %scan3A_513 : i32 to index
        %swap3A_607 = arith.constant 32 : index
        %swap3A_608 = tpu.vector_load %arg16[%swap3A_606, %swap3A_607] {strides = array<i32>} : memref<128x128xf32, #tpu.memory_space<vmem>>, vector<16xf32>,
        tpu.vector_store %arg16[%swap3A_606, %swap3A_607], %add3A_605 {strides = array<i32>} : memref<128x128xf32, #tpu.memory_space<vmem>>, vector<16xf32>,
        %get3A_609 = arith.index_cast %scan3A_513 : i32 to index
        %get3A_610 = arith.constant 48 : index
        %get3A_611 = tpu.vector_load %arg17[%get3A_609, %get3A_610] {strides = array<i32>} : memref<256x128xf32, #tpu.memory_space<vmem>>, vector<16xf32>,
        %mul3A_612 = arith.mulf %gather3A_547, %get3A_611 : vector<16xf32>
        %add3A_613 = arith.constant 128 : i32
        %add3A_614 = arith.addi %add3A_613, %scan3A_513 : i32
        %get3A_615 = arith.index_cast %add3A_614 : i32 to index
        %get3A_616 = arith.constant 48 : index
        %get3A_617 = tpu.vector_load %arg17[%get3A_615, %get3A_616] {strides = array<i32>} : memref<256x128xf32, #tpu.memory_space<vmem>>, vector<16xf32>,
        %mul3A_618 = arith.mulf %gather3A_554, %get3A_617 : vector<16xf32>
        %add3A_619 = arith.addf %mul3A_612, %mul3A_618 : vector<16xf32>
        %get3A_620 = arith.index_cast %scan3A_513 : i32 to index
        %get3A_621 = arith.constant 48 : index
        %get3A_622 = tpu.vector_load %arg16[%get3A_620, %get3A_621] {strides = array<i32>} : memref<128x128xf32, #tpu.memory_space<vmem>>, vector<16xf32>,
        %add3A_623 = arith.addf %add3A_619, %get3A_622 : vector<16xf32>
        %swap3A_624 = arith.index_cast %scan3A_513 : i32 to index
        %swap3A_625 = arith.constant 48 : index
        %swap3A_626 = tpu.vector_load %arg16[%swap3A_624, %swap3A_625] {strides = array<i32>} : memref<128x128xf32, #tpu.memory_space<vmem>>, vector<16xf32>,
        tpu.vector_store %arg16[%swap3A_624, %swap3A_625], %add3A_623 {strides = array<i32>} : memref<128x128xf32, #tpu.memory_space<vmem>>, vector<16xf32>,
        %get3A_627 = arith.index_cast %scan3A_513 : i32 to index
        %get3A_628 = arith.constant 64 : index
        %get3A_629 = tpu.vector_load %arg17[%get3A_627, %get3A_628] {strides = array<i32>} : memref<256x128xf32, #tpu.memory_space<vmem>>, vector<16xf32>,
        %mul3A_630 = arith.mulf %gather3A_547, %get3A_629 : vector<16xf32>
        %add3A_631 = arith.constant 128 : i32
        %add3A_632 = arith.addi %add3A_631, %scan3A_513 : i32
        %get3A_633 = arith.index_cast %add3A_632 : i32 to index
        %get3A_634 = arith.constant 64 : index
        %get3A_635 = tpu.vector_load %arg17[%get3A_633, %get3A_634] {strides = array<i32>} : memref<256x128xf32, #tpu.memory_space<vmem>>, vector<16xf32>,
        %mul3A_636 = arith.mulf %gather3A_554, %get3A_635 : vector<16xf32>
        %add3A_637 = arith.addf %mul3A_630, %mul3A_636 : vector<16xf32>
        %get3A_638 = arith.index_cast %scan3A_513 : i32 to index
        %get3A_639 = arith.constant 64 : index
        %get3A_640 = tpu.vector_load %arg16[%get3A_638, %get3A_639] {strides = array<i32>} : memref<128x128xf32, #tpu.memory_space<vmem>>, vector<16xf32>,
        %add3A_641 = arith.addf %add3A_637, %get3A_640 : vector<16xf32>
        %swap3A_642 = arith.index_cast %scan3A_513 : i32 to index
        %swap3A_643 = arith.constant 64 : index
        %swap3A_644 = tpu.vector_load %arg16[%swap3A_642, %swap3A_643] {strides = array<i32>} : memref<128x128xf32, #tpu.memory_space<vmem>>, vector<16xf32>,
        tpu.vector_store %arg16[%swap3A_642, %swap3A_643], %add3A_641 {strides = array<i32>} : memref<128x128xf32, #tpu.memory_space<vmem>>, vector<16xf32>,
        %get3A_645 = arith.index_cast %scan3A_513 : i32 to index
        %get3A_646 = arith.constant 80 : index
        %get3A_647 = tpu.vector_load %arg17[%get3A_645, %get3A_646] {strides = array<i32>} : memref<256x128xf32, #tpu.memory_space<vmem>>, vector<16xf32>,
        %mul3A_648 = arith.mulf %gather3A_547, %get3A_647 : vector<16xf32>
        %add3A_649 = arith.constant 128 : i32
        %add3A_650 = arith.addi %add3A_649, %scan3A_513 : i32
        %get3A_651 = arith.index_cast %add3A_650 : i32 to index
        %get3A_652 = arith.constant 80 : index
        %get3A_653 = tpu.vector_load %arg17[%get3A_651, %get3A_652] {strides = array<i32>} : memref<256x128xf32, #tpu.memory_space<vmem>>, vector<16xf32>,
        %mul3A_654 = arith.mulf %gather3A_554, %get3A_653 : vector<16xf32>
        %add3A_655 = arith.addf %mul3A_648, %mul3A_654 : vector<16xf32>
        %get3A_656 = arith.index_cast %scan3A_513 : i32 to index
        %get3A_657 = arith.constant 80 : index
        %get3A_658 = tpu.vector_load %arg16[%get3A_656, %get3A_657] {strides = array<i32>} : memref<128x128xf32, #tpu.memory_space<vmem>>, vector<16xf32>,
        %add3A_659 = arith.addf %add3A_655, %get3A_658 : vector<16xf32>
        %swap3A_660 = arith.index_cast %scan3A_513 : i32 to index
        %swap3A_661 = arith.constant 80 : index
        %swap3A_662 = tpu.vector_load %arg16[%swap3A_660, %swap3A_661] {strides = array<i32>} : memref<128x128xf32, #tpu.memory_space<vmem>>, vector<16xf32>,
        tpu.vector_store %arg16[%swap3A_660, %swap3A_661], %add3A_659 {strides = array<i32>} : memref<128x128xf32, #tpu.memory_space<vmem>>, vector<16xf32>,
        %get3A_663 = arith.index_cast %scan3A_513 : i32 to index
        %get3A_664 = arith.constant 96 : index
        %get3A_665 = tpu.vector_load %arg17[%get3A_663, %get3A_664] {strides = array<i32>} : memref<256x128xf32, #tpu.memory_space<vmem>>, vector<16xf32>,
        %mul3A_666 = arith.mulf %gather3A_547, %get3A_665 : vector<16xf32>
        %add3A_667 = arith.constant 128 : i32
        %add3A_668 = arith.addi %add3A_667, %scan3A_513 : i32
        %get3A_669 = arith.index_cast %add3A_668 : i32 to index
        %get3A_670 = arith.constant 96 : index
        %get3A_671 = tpu.vector_load %arg17[%get3A_669, %get3A_670] {strides = array<i32>} : memref<256x128xf32, #tpu.memory_space<vmem>>, vector<16xf32>,
        %mul3A_672 = arith.mulf %gather3A_554, %get3A_671 : vector<16xf32>
        %add3A_673 = arith.addf %mul3A_666, %mul3A_672 : vector<16xf32>
        %get3A_674 = arith.index_cast %scan3A_513 : i32 to index
        %get3A_675 = arith.constant 96 : index
        %get3A_676 = tpu.vector_load %arg16[%get3A_674, %get3A_675] {strides = array<i32>} : memref<128x128xf32, #tpu.memory_space<vmem>>, vector<16xf32>,
        %add3A_677 = arith.addf %add3A_673, %get3A_676 : vector<16xf32>
        %swap3A_678 = arith.index_cast %scan3A_513 : i32 to index
        %swap3A_679 = arith.constant 96 : index
        %swap3A_680 = tpu.vector_load %arg16[%swap3A_678, %swap3A_679] {strides = array<i32>} : memref<128x128xf32, #tpu.memory_space<vmem>>, vector<16xf32>,
        tpu.vector_store %arg16[%swap3A_678, %swap3A_679], %add3A_677 {strides = array<i32>} : memref<128x128xf32, #tpu.memory_space<vmem>>, vector<16xf32>,
        %get3A_681 = arith.index_cast %scan3A_513 : i32 to index
        %get3A_682 = arith.constant 112 : index
        %get3A_683 = tpu.vector_load %arg17[%get3A_681, %get3A_682] {strides = array<i32>} : memref<256x128xf32, #tpu.memory_space<vmem>>, vector<16xf32>,
        %mul3A_684 = arith.mulf %gather3A_547, %get3A_683 : vector<16xf32>
        %add3A_685 = arith.constant 128 : i32
        %add3A_686 = arith.addi %add3A_685, %scan3A_513 : i32
        %get3A_687 = arith.index_cast %add3A_686 : i32 to index
        %get3A_688 = arith.constant 112 : index
        %get3A_689 = tpu.vector_load %arg17[%get3A_687, %get3A_688] {strides = array<i32>} : memref<256x128xf32, #tpu.memory_space<vmem>>, vector<16xf32>,
        %mul3A_690 = arith.mulf %gather3A_554, %get3A_689 : vector<16xf32>
        %add3A_691 = arith.addf %mul3A_684, %mul3A_690 : vector<16xf32>
        %get3A_692 = arith.index_cast %scan3A_513 : i32 to index
        %get3A_693 = arith.constant 112 : index
        %get3A_694 = tpu.vector_load %arg16[%get3A_692, %get3A_693] {strides = array<i32>} : memref<128x128xf32, #tpu.memory_space<vmem>>, vector<16xf32>,
        %add3A_695 = arith.addf %add3A_691, %get3A_694 : vector<16xf32>
        %swap3A_696 = arith.index_cast %scan3A_513 : i32 to index
        %swap3A_697 = arith.constant 112 : index
        %swap3A_698 = tpu.vector_load %arg16[%swap3A_696, %swap3A_697] {strides = array<i32>} : memref<128x128xf32, #tpu.memory_space<vmem>>, vector<16xf32>,
        tpu.vector_store %arg16[%swap3A_696, %swap3A_697], %add3A_695 {strides = array<i32>} : memref<128x128xf32, #tpu.memory_space<vmem>>, vector<16xf32>,
        %scan3A_699 = arith.constant 0 : i32
        %scan3A_700 = arith.constant 3 : i32
        %scan3A_701 = arith.addi %scan3A_148, %scan3A_700 : i32
        %jit3A_702 = arith.constant 16 : i32
        %div3A_703 = arith.divsi %scan3A_701, %jit3A_702 : i32
        %sign3A_704 = arith.constant 0 : i32
        %sign3A_705 = arith.cmpi sgt, %scan3A_701, %sign3A_704 : i32
        %sign3A_706 = arith.extui %sign3A_705 : i1 to i32
        %sign3A_707 = arith.constant 0 : i32
        %sign3A_708 = arith.cmpi slt, %scan3A_701, %sign3A_707 : i32
        %sign3A_709 = arith.extui %sign3A_708 : i1 to i32
        %sign3A_710 = arith.subi %sign3A_706, %sign3A_709 : i32
        %sign3A_711 = arith.constant 0 : i32
        %sign3A_712 = arith.cmpi sgt, %jit3A_702, %sign3A_711 : i32
        %sign3A_713 = arith.extui %sign3A_712 : i1 to i32
        %sign3A_714 = arith.constant 0 : i32
        %sign3A_715 = arith.cmpi slt, %jit3A_702, %sign3A_714 : i32
        %sign3A_716 = arith.extui %sign3A_715 : i1 to i32
        %sign3A_717 = arith.subi %sign3A_713, %sign3A_716 : i32
        %ne3A_718 = arith.cmpi ne, %sign3A_710, %sign3A_717 : i32
        %rem3A_719 = arith.remsi %scan3A_701, %jit3A_702 : i32
        %ne3A_720 = arith.constant 0 : i32
        %ne3A_721 = arith.cmpi ne, %rem3A_719, %ne3A_720 : i32
        %and3A_722 = arith.andi %ne3A_718, %ne3A_721 : i1
        %sub3A_723 = arith.constant 1 : i32
        %sub3A_724 = arith.subi %div3A_703, %sub3A_723 : i32
        %select_n3A_725 = arith.select %and3A_722, %sub3A_724, %div3A_703 : i32
        %mul3A_726 = arith.constant 16 : i32
        %mul3A_727 = arith.muli %select_n3A_725, %mul3A_726 : i32
        %sub3A_728 = arith.subi %scan3A_701, %mul3A_727 : i32
        %add3A_729 = arith.constant 256 : i32
        %add3A_730 = arith.addi %add3A_729, %mul3A_727 : i32
        %get3A_731 = arith.index_cast %add3A_730 : i32 to index
        %get3A_732 = tpu.vector_load %arg23[%get3A_731] {strides = array<i32>} : memref<512xf32, #tpu.memory_space<vmem>>, vector<16xf32>,
        %broadcast_in_dim3A_733 = vector.broadcast %sub3A_728 : i32 to vector<16x1xi32>
        %gather3A_734 = vector.shape_cast %broadcast_in_dim3A_733 : vector<16x1xi32> to vector<16xi32>
        %gather3A_735 = tpu.dynamic_gather %get3A_732[%gather3A_734] in [0] : vector<16xf32>, vector<16xi32> -> vector<16xf32>
        %add3A_736 = arith.constant 384 : i32
        %add3A_737 = arith.addi %add3A_736, %mul3A_727 : i32
        %get3A_738 = arith.index_cast %add3A_737 : i32 to index
        %get3A_739 = tpu.vector_load %arg23[%get3A_738] {strides = array<i32>} : memref<512xf32, #tpu.memory_space<vmem>>, vector<16xf32>,
        %broadcast_in_dim3A_740 = vector.broadcast %sub3A_728 : i32 to vector<16x1xi32>
        %gather3A_741 = vector.shape_cast %broadcast_in_dim3A_740 : vector<16x1xi32> to vector<16xi32>
        %gather3A_742 = tpu.dynamic_gather %get3A_739[%gather3A_741] in [0] : vector<16xf32>, vector<16xi32> -> vector<16xf32>
        %get3A_743 = arith.index_cast %scan3A_701 : i32 to index
        %get3A_744 = arith.constant 0 : index
        %get3A_745 = tpu.vector_load %arg17[%get3A_743, %get3A_744] {strides = array<i32>} : memref<256x128xf32, #tpu.memory_space<vmem>>, vector<16xf32>,
        %mul3A_746 = arith.mulf %gather3A_735, %get3A_745 : vector<16xf32>
        %add3A_747 = arith.constant 128 : i32
        %add3A_748 = arith.addi %add3A_747, %scan3A_701 : i32
        %get3A_749 = arith.index_cast %add3A_748 : i32 to index
        %get3A_750 = arith.constant 0 : index
        %get3A_751 = tpu.vector_load %arg17[%get3A_749, %get3A_750] {strides = array<i32>} : memref<256x128xf32, #tpu.memory_space<vmem>>, vector<16xf32>,
        %mul3A_752 = arith.mulf %gather3A_742, %get3A_751 : vector<16xf32>
        %add3A_753 = arith.addf %mul3A_746, %mul3A_752 : vector<16xf32>
        %get3A_754 = arith.index_cast %scan3A_701 : i32 to index
        %get3A_755 = arith.constant 0 : index
        %get3A_756 = tpu.vector_load %arg16[%get3A_754, %get3A_755] {strides = array<i32>} : memref<128x128xf32, #tpu.memory_space<vmem>>, vector<16xf32>,
        %add3A_757 = arith.addf %add3A_753, %get3A_756 : vector<16xf32>
        %swap3A_758 = arith.index_cast %scan3A_701 : i32 to index
        %swap3A_759 = arith.constant 0 : index
        %swap3A_760 = tpu.vector_load %arg16[%swap3A_758, %swap3A_759] {strides = array<i32>} : memref<128x128xf32, #tpu.memory_space<vmem>>, vector<16xf32>,
        tpu.vector_store %arg16[%swap3A_758, %swap3A_759], %add3A_757 {strides = array<i32>} : memref<128x128xf32, #tpu.memory_space<vmem>>, vector<16xf32>,
        %get3A_761 = arith.index_cast %scan3A_701 : i32 to index
        %get3A_762 = arith.constant 16 : index
        %get3A_763 = tpu.vector_load %arg17[%get3A_761, %get3A_762] {strides = array<i32>} : memref<256x128xf32, #tpu.memory_space<vmem>>, vector<16xf32>,
        %mul3A_764 = arith.mulf %gather3A_735, %get3A_763 : vector<16xf32>
        %add3A_765 = arith.constant 128 : i32
        %add3A_766 = arith.addi %add3A_765, %scan3A_701 : i32
        %get3A_767 = arith.index_cast %add3A_766 : i32 to index
        %get3A_768 = arith.constant 16 : index
        %get3A_769 = tpu.vector_load %arg17[%get3A_767, %get3A_768] {strides = array<i32>} : memref<256x128xf32, #tpu.memory_space<vmem>>, vector<16xf32>,
        %mul3A_770 = arith.mulf %gather3A_742, %get3A_769 : vector<16xf32>
        %add3A_771 = arith.addf %mul3A_764, %mul3A_770 : vector<16xf32>
        %get3A_772 = arith.index_cast %scan3A_701 : i32 to index
        %get3A_773 = arith.constant 16 : index
        %get3A_774 = tpu.vector_load %arg16[%get3A_772, %get3A_773] {strides = array<i32>} : memref<128x128xf32, #tpu.memory_space<vmem>>, vector<16xf32>,
        %add3A_775 = arith.addf %add3A_771, %get3A_774 : vector<16xf32>
        %swap3A_776 = arith.index_cast %scan3A_701 : i32 to index
        %swap3A_777 = arith.constant 16 : index
        %swap3A_778 = tpu.vector_load %arg16[%swap3A_776, %swap3A_777] {strides = array<i32>} : memref<128x128xf32, #tpu.memory_space<vmem>>, vector<16xf32>,
        tpu.vector_store %arg16[%swap3A_776, %swap3A_777], %add3A_775 {strides = array<i32>} : memref<128x128xf32, #tpu.memory_space<vmem>>, vector<16xf32>,
        %get3A_779 = arith.index_cast %scan3A_701 : i32 to index
        %get3A_780 = arith.constant 32 : index
        %get3A_781 = tpu.vector_load %arg17[%get3A_779, %get3A_780] {strides = array<i32>} : memref<256x128xf32, #tpu.memory_space<vmem>>, vector<16xf32>,
        %mul3A_782 = arith.mulf %gather3A_735, %get3A_781 : vector<16xf32>
        %add3A_783 = arith.constant 128 : i32
        %add3A_784 = arith.addi %add3A_783, %scan3A_701 : i32
        %get3A_785 = arith.index_cast %add3A_784 : i32 to index
        %get3A_786 = arith.constant 32 : index
        %get3A_787 = tpu.vector_load %arg17[%get3A_785, %get3A_786] {strides = array<i32>} : memref<256x128xf32, #tpu.memory_space<vmem>>, vector<16xf32>,
        %mul3A_788 = arith.mulf %gather3A_742, %get3A_787 : vector<16xf32>
        %add3A_789 = arith.addf %mul3A_782, %mul3A_788 : vector<16xf32>
        %get3A_790 = arith.index_cast %scan3A_701 : i32 to index
        %get3A_791 = arith.constant 32 : index
        %get3A_792 = tpu.vector_load %arg16[%get3A_790, %get3A_791] {strides = array<i32>} : memref<128x128xf32, #tpu.memory_space<vmem>>, vector<16xf32>,
        %add3A_793 = arith.addf %add3A_789, %get3A_792 : vector<16xf32>
        %swap3A_794 = arith.index_cast %scan3A_701 : i32 to index
        %swap3A_795 = arith.constant 32 : index
        %swap3A_796 = tpu.vector_load %arg16[%swap3A_794, %swap3A_795] {strides = array<i32>} : memref<128x128xf32, #tpu.memory_space<vmem>>, vector<16xf32>,
        tpu.vector_store %arg16[%swap3A_794, %swap3A_795], %add3A_793 {strides = array<i32>} : memref<128x128xf32, #tpu.memory_space<vmem>>, vector<16xf32>,
        %get3A_797 = arith.index_cast %scan3A_701 : i32 to index
        %get3A_798 = arith.constant 48 : index
        %get3A_799 = tpu.vector_load %arg17[%get3A_797, %get3A_798] {strides = array<i32>} : memref<256x128xf32, #tpu.memory_space<vmem>>, vector<16xf32>,
        %mul3A_800 = arith.mulf %gather3A_735, %get3A_799 : vector<16xf32>
        %add3A_801 = arith.constant 128 : i32
        %add3A_802 = arith.addi %add3A_801, %scan3A_701 : i32
        %get3A_803 = arith.index_cast %add3A_802 : i32 to index
        %get3A_804 = arith.constant 48 : index
        %get3A_805 = tpu.vector_load %arg17[%get3A_803, %get3A_804] {strides = array<i32>} : memref<256x128xf32, #tpu.memory_space<vmem>>, vector<16xf32>,
        %mul3A_806 = arith.mulf %gather3A_742, %get3A_805 : vector<16xf32>
        %add3A_807 = arith.addf %mul3A_800, %mul3A_806 : vector<16xf32>
        %get3A_808 = arith.index_cast %scan3A_701 : i32 to index
        %get3A_809 = arith.constant 48 : index
        %get3A_810 = tpu.vector_load %arg16[%get3A_808, %get3A_809] {strides = array<i32>} : memref<128x128xf32, #tpu.memory_space<vmem>>, vector<16xf32>,
        %add3A_811 = arith.addf %add3A_807, %get3A_810 : vector<16xf32>
        %swap3A_812 = arith.index_cast %scan3A_701 : i32 to index
        %swap3A_813 = arith.constant 48 : index
        %swap3A_814 = tpu.vector_load %arg16[%swap3A_812, %swap3A_813] {strides = array<i32>} : memref<128x128xf32, #tpu.memory_space<vmem>>, vector<16xf32>,
        tpu.vector_store %arg16[%swap3A_812, %swap3A_813], %add3A_811 {strides = array<i32>} : memref<128x128xf32, #tpu.memory_space<vmem>>, vector<16xf32>,
        %get3A_815 = arith.index_cast %scan3A_701 : i32 to index
        %get3A_816 = arith.constant 64 : index
        %get3A_817 = tpu.vector_load %arg17[%get3A_815, %get3A_816] {strides = array<i32>} : memref<256x128xf32, #tpu.memory_space<vmem>>, vector<16xf32>,
        %mul3A_818 = arith.mulf %gather3A_735, %get3A_817 : vector<16xf32>
        %add3A_819 = arith.constant 128 : i32
        %add3A_820 = arith.addi %add3A_819, %scan3A_701 : i32
        %get3A_821 = arith.index_cast %add3A_820 : i32 to index
        %get3A_822 = arith.constant 64 : index
        %get3A_823 = tpu.vector_load %arg17[%get3A_821, %get3A_822] {strides = array<i32>} : memref<256x128xf32, #tpu.memory_space<vmem>>, vector<16xf32>,
        %mul3A_824 = arith.mulf %gather3A_742, %get3A_823 : vector<16xf32>
        %add3A_825 = arith.addf %mul3A_818, %mul3A_824 : vector<16xf32>
        %get3A_826 = arith.index_cast %scan3A_701 : i32 to index
        %get3A_827 = arith.constant 64 : index
        %get3A_828 = tpu.vector_load %arg16[%get3A_826, %get3A_827] {strides = array<i32>} : memref<128x128xf32, #tpu.memory_space<vmem>>, vector<16xf32>,
        %add3A_829 = arith.addf %add3A_825, %get3A_828 : vector<16xf32>
        %swap3A_830 = arith.index_cast %scan3A_701 : i32 to index
        %swap3A_831 = arith.constant 64 : index
        %swap3A_832 = tpu.vector_load %arg16[%swap3A_830, %swap3A_831] {strides = array<i32>} : memref<128x128xf32, #tpu.memory_space<vmem>>, vector<16xf32>,
        tpu.vector_store %arg16[%swap3A_830, %swap3A_831], %add3A_829 {strides = array<i32>} : memref<128x128xf32, #tpu.memory_space<vmem>>, vector<16xf32>,
        %get3A_833 = arith.index_cast %scan3A_701 : i32 to index
        %get3A_834 = arith.constant 80 : index
        %get3A_835 = tpu.vector_load %arg17[%get3A_833, %get3A_834] {strides = array<i32>} : memref<256x128xf32, #tpu.memory_space<vmem>>, vector<16xf32>,
        %mul3A_836 = arith.mulf %gather3A_735, %get3A_835 : vector<16xf32>
        %add3A_837 = arith.constant 128 : i32
        %add3A_838 = arith.addi %add3A_837, %scan3A_701 : i32
        %get3A_839 = arith.index_cast %add3A_838 : i32 to index
        %get3A_840 = arith.constant 80 : index
        %get3A_841 = tpu.vector_load %arg17[%get3A_839, %get3A_840] {strides = array<i32>} : memref<256x128xf32, #tpu.memory_space<vmem>>, vector<16xf32>,
        %mul3A_842 = arith.mulf %gather3A_742, %get3A_841 : vector<16xf32>
        %add3A_843 = arith.addf %mul3A_836, %mul3A_842 : vector<16xf32>
        %get3A_844 = arith.index_cast %scan3A_701 : i32 to index
        %get3A_845 = arith.constant 80 : index
        %get3A_846 = tpu.vector_load %arg16[%get3A_844, %get3A_845] {strides = array<i32>} : memref<128x128xf32, #tpu.memory_space<vmem>>, vector<16xf32>,
        %add3A_847 = arith.addf %add3A_843, %get3A_846 : vector<16xf32>
        %swap3A_848 = arith.index_cast %scan3A_701 : i32 to index
        %swap3A_849 = arith.constant 80 : index
        %swap3A_850 = tpu.vector_load %arg16[%swap3A_848, %swap3A_849] {strides = array<i32>} : memref<128x128xf32, #tpu.memory_space<vmem>>, vector<16xf32>,
        tpu.vector_store %arg16[%swap3A_848, %swap3A_849], %add3A_847 {strides = array<i32>} : memref<128x128xf32, #tpu.memory_space<vmem>>, vector<16xf32>,
        %get3A_851 = arith.index_cast %scan3A_701 : i32 to index
        %get3A_852 = arith.constant 96 : index
        %get3A_853 = tpu.vector_load %arg17[%get3A_851, %get3A_852] {strides = array<i32>} : memref<256x128xf32, #tpu.memory_space<vmem>>, vector<16xf32>,
        %mul3A_854 = arith.mulf %gather3A_735, %get3A_853 : vector<16xf32>
        %add3A_855 = arith.constant 128 : i32
        %add3A_856 = arith.addi %add3A_855, %scan3A_701 : i32
        %get3A_857 = arith.index_cast %add3A_856 : i32 to index
        %get3A_858 = arith.constant 96 : index
        %get3A_859 = tpu.vector_load %arg17[%get3A_857, %get3A_858] {strides = array<i32>} : memref<256x128xf32, #tpu.memory_space<vmem>>, vector<16xf32>,
        %mul3A_860 = arith.mulf %gather3A_742, %get3A_859 : vector<16xf32>
        %add3A_861 = arith.addf %mul3A_854, %mul3A_860 : vector<16xf32>
        %get3A_862 = arith.index_cast %scan3A_701 : i32 to index
        %get3A_863 = arith.constant 96 : index
        %get3A_864 = tpu.vector_load %arg16[%get3A_862, %get3A_863] {strides = array<i32>} : memref<128x128xf32, #tpu.memory_space<vmem>>, vector<16xf32>,
        %add3A_865 = arith.addf %add3A_861, %get3A_864 : vector<16xf32>
        %swap3A_866 = arith.index_cast %scan3A_701 : i32 to index
        %swap3A_867 = arith.constant 96 : index
        %swap3A_868 = tpu.vector_load %arg16[%swap3A_866, %swap3A_867] {strides = array<i32>} : memref<128x128xf32, #tpu.memory_space<vmem>>, vector<16xf32>,
        tpu.vector_store %arg16[%swap3A_866, %swap3A_867], %add3A_865 {strides = array<i32>} : memref<128x128xf32, #tpu.memory_space<vmem>>, vector<16xf32>,
        %get3A_869 = arith.index_cast %scan3A_701 : i32 to index
        %get3A_870 = arith.constant 112 : index
        %get3A_871 = tpu.vector_load %arg17[%get3A_869, %get3A_870] {strides = array<i32>} : memref<256x128xf32, #tpu.memory_space<vmem>>, vector<16xf32>,
        %mul3A_872 = arith.mulf %gather3A_735, %get3A_871 : vector<16xf32>
        %add3A_873 = arith.constant 128 : i32
        %add3A_874 = arith.addi %add3A_873, %scan3A_701 : i32
        %get3A_875 = arith.index_cast %add3A_874 : i32 to index
        %get3A_876 = arith.constant 112 : index
        %get3A_877 = tpu.vector_load %arg17[%get3A_875, %get3A_876] {strides = array<i32>} : memref<256x128xf32, #tpu.memory_space<vmem>>, vector<16xf32>,
        %mul3A_878 = arith.mulf %gather3A_742, %get3A_877 : vector<16xf32>
        %add3A_879 = arith.addf %mul3A_872, %mul3A_878 : vector<16xf32>
        %get3A_880 = arith.index_cast %scan3A_701 : i32 to index
        %get3A_881 = arith.constant 112 : index
        %get3A_882 = tpu.vector_load %arg16[%get3A_880, %get3A_881] {strides = array<i32>} : memref<128x128xf32, #tpu.memory_space<vmem>>, vector<16xf32>,
        %add3A_883 = arith.addf %add3A_879, %get3A_882 : vector<16xf32>
        %swap3A_884 = arith.index_cast %scan3A_701 : i32 to index
        %swap3A_885 = arith.constant 112 : index
        %swap3A_886 = tpu.vector_load %arg16[%swap3A_884, %swap3A_885] {strides = array<i32>} : memref<128x128xf32, #tpu.memory_space<vmem>>, vector<16xf32>,
        tpu.vector_store %arg16[%swap3A_884, %swap3A_885], %add3A_883 {strides = array<i32>} : memref<128x128xf32, #tpu.memory_space<vmem>>, vector<16xf32>,
        %scan3A_887 = arith.constant 0 : i32
        scf.yield %scan3A_887 : i32
      }
      %scan3A_135 = arith.constant 128 : i32
      %scan3A_136 = arith.constant 0 : i32
      %scan3A_137 = arith.constant 0 : i32
      %scan3A_138 = arith.constant 8 : i32
      %scan3A_139 = arith.addi %scan3A_137, %scan3A_138 : i32
      %scan3A_140 = arith.constant 1 : i32
      %scan3A_141 = scf.for %scan3A_148 = %scan3A_137 to %scan3A_139 step %scan3A_140 iter_args(%scan3A_149 = %scan3A_136) -> (i32)  : i32 {
        %mul3A_150 = arith.constant 16 : i32
        %mul3A_151 = arith.muli %scan3A_148, %mul3A_150 : i32
        %get3A = arith.index_cast %mul3A_151 : i32 to index
        %get3A_152 = tpu.vector_load %arg18[%get3A] {strides = array<i32>} : memref<128xi32, #tpu.memory_space<vmem>>, vector<16xi32>,
        %swap3A = arith.index_cast %mul3A_151 : i32 to index
        %swap3A_153 = tpu.vector_load %arg26[%swap3A] {strides = array<i32>} : memref<128xi32, #tpu.memory_space<vmem>>, vector<16xi32>,
        tpu.vector_store %arg26[%swap3A], %get3A_152 {strides = array<i32>} : memref<128xi32, #tpu.memory_space<vmem>>, vector<16xi32>,
        %scan3A_154 = arith.constant 0 : i32
        scf.yield %scan3A_154 : i32
      }
      %scan3A_142 = arith.constant 8 : i32
      "tpu.region"() ({
        %run_scoped3A = tpu.sem_alloc : memref<!tpu.dma_semaphore, #tpu.memory_space<semaphore_mem>>
        %dma_start3A_148 = arith.constant 0 : i32
        %dma_start3A_149 = arith.constant 0 : i32
        %dma_start3A_150 = tpu.memref_slice %arg14[%dma_start3A_148, %dma_start3A_149] : memref<1024x128xf32, #tpu.memory_space<vmem_shared>> -> memref<1024x128xf32, #tpu.memory_space<vmem_shared>>
        tpu.enqueue_indirect_dma source(%arg16 : memref<128x128xf32, #tpu.memory_space<vmem>>) target(%dma_start3A_150 : memref<1024x128xf32, #tpu.memory_space<vmem_shared>>) offsets(%arg26 : memref<128xi32, #tpu.memory_space<vmem>>) semaphore(%run_scoped3A : memref<!tpu.dma_semaphore, #tpu.memory_space<semaphore_mem>>) {add = true}
        %dma_wait3A_151 = arith.constant 0 : i32
        %dma_wait3A_152 = arith.constant 0 : i32
        %dma_wait3A_153 = tpu.memref_slice %arg14[%dma_wait3A_151, %dma_wait3A_152] : memref<1024x128xf32, #tpu.memory_space<vmem_shared>> -> memref<1024x128xf32, #tpu.memory_space<vmem_shared>>
        tpu.wait_indirect_dma semaphore(%run_scoped3A : memref<!tpu.dma_semaphore, #tpu.memory_space<semaphore_mem>>) src(%arg16 : memref<128x128xf32, #tpu.memory_space<vmem>>) dst(%dma_wait3A_153 : memref<1024x128xf32, #tpu.memory_space<vmem_shared>>)
        tpu.yield
      }) : () -> ()
      %barrier3A_143 = arith.constant 0 : index
      tpu.barrier barrier_id(%barrier3A_143)
      %mul3A_144 = arith.constant 64 : i32
      %mul3A_145 = arith.muli %arg1, %mul3A_144 : i32
      %mul3A_146 = arith.constant 64 : i32
      %mul3A_147 = arith.muli %arg1, %mul3A_146 : i32
      "tpu.region"() ({
        %run_scoped3A = tpu.sem_alloc : memref<!tpu.dma_semaphore, #tpu.memory_space<semaphore_mem>>
        %dma_start3A_148 = arith.constant 0 : i32
        %dma_start3A_149 = tpu.memref_slice %arg12[%mul3A_147, %dma_start3A_148] : memref<1024x128xf32, #tpu.memory_space<hbm>> -> memref<64x128xf32, #tpu.memory_space<hbm>>
        %dma_start3A_150 = arith.constant 0 : i32
        %dma_start3A_151 = tpu.memref_slice %arg14[%mul3A_145, %dma_start3A_150] : memref<1024x128xf32, #tpu.memory_space<vmem_shared>> -> memref<64x128xf32, #tpu.memory_space<vmem_shared>>
        tpu.enqueue_dma source(%dma_start3A_151 : memref<64x128xf32, #tpu.memory_space<vmem_shared>>) target(%dma_start3A_149 : memref<64x128xf32, #tpu.memory_space<hbm>>) target_semaphore(%run_scoped3A : memref<!tpu.dma_semaphore, #tpu.memory_space<semaphore_mem>>)
        %dma_wait3A_152 = arith.constant 0 : i32
        %dma_wait3A_153 = tpu.memref_slice %arg12[%mul3A_147, %dma_wait3A_152] : memref<1024x128xf32, #tpu.memory_space<hbm>> -> memref<64x128xf32, #tpu.memory_space<hbm>>
        %dma_wait3A_154 = arith.constant 0 : i32
        %dma_wait3A_155 = tpu.memref_slice %arg14[%mul3A_145, %dma_wait3A_154] : memref<1024x128xf32, #tpu.memory_space<vmem_shared>> -> memref<64x128xf32, #tpu.memory_space<vmem_shared>>
        tpu.wait_dma2 semaphore(%run_scoped3A : memref<!tpu.dma_semaphore, #tpu.memory_space<semaphore_mem>>) src(%dma_wait3A_155 : memref<64x128xf32, #tpu.memory_space<vmem_shared>>) dst(%dma_wait3A_153 : memref<64x128xf32, #tpu.memory_space<hbm>>)
        tpu.yield
      }) : () -> ()
    } else {
    }
    %eq3A_2 = arith.constant 1 : i32
    %eq3A_3 = arith.cmpi eq, %arg0, %eq3A_2 : i32
    %convert_element_type3A_4 = arith.extui %eq3A_3 : i1 to i32
    %cond3A_5 = arith.constant 0 : i32
    %cond3A_6 = arith.cmpi ne, %convert_element_type3A_4, %cond3A_5 : i32
    scf.if %cond3A_6 {
      %scan3A = arith.constant 0 : i32
      %scan3A_7 = arith.constant 0 : i32
      %scan3A_8 = arith.constant 128 : i32
      %scan3A_9 = arith.addi %scan3A_7, %scan3A_8 : i32
      %scan3A_10 = arith.constant 1 : i32
      %scan3A_11 = scf.for %scan3A_285 = %scan3A_7 to %scan3A_9 step %scan3A_10 iter_args(%scan3A_286 = %scan3A) -> (i32)  : i32 {
        %broadcast_in_dim3A = arith.constant 0.000000e+00 : f32
        %broadcast_in_dim3A_287 = vector.broadcast %broadcast_in_dim3A : f32 to vector<16xf32>
        %swap3A = arith.index_cast %scan3A_285 : i32 to index
        %swap3A_288 = arith.constant 0 : index
        %swap3A_289 = tpu.vector_load %arg16[%swap3A, %swap3A_288] {strides = array<i32>} : memref<128x128xf32, #tpu.memory_space<vmem>>, vector<16xf32>,
        tpu.vector_store %arg16[%swap3A, %swap3A_288], %broadcast_in_dim3A_287 {strides = array<i32>} : memref<128x128xf32, #tpu.memory_space<vmem>>, vector<16xf32>,
        %broadcast_in_dim3A_290 = arith.constant 0.000000e+00 : f32
        %broadcast_in_dim3A_291 = vector.broadcast %broadcast_in_dim3A_290 : f32 to vector<16xf32>
        %swap3A_292 = arith.index_cast %scan3A_285 : i32 to index
        %swap3A_293 = arith.constant 16 : index
        %swap3A_294 = tpu.vector_load %arg16[%swap3A_292, %swap3A_293] {strides = array<i32>} : memref<128x128xf32, #tpu.memory_space<vmem>>, vector<16xf32>,
        tpu.vector_store %arg16[%swap3A_292, %swap3A_293], %broadcast_in_dim3A_291 {strides = array<i32>} : memref<128x128xf32, #tpu.memory_space<vmem>>, vector<16xf32>,
        %broadcast_in_dim3A_295 = arith.constant 0.000000e+00 : f32
        %broadcast_in_dim3A_296 = vector.broadcast %broadcast_in_dim3A_295 : f32 to vector<16xf32>
        %swap3A_297 = arith.index_cast %scan3A_285 : i32 to index
        %swap3A_298 = arith.constant 32 : index
        %swap3A_299 = tpu.vector_load %arg16[%swap3A_297, %swap3A_298] {strides = array<i32>} : memref<128x128xf32, #tpu.memory_space<vmem>>, vector<16xf32>,
        tpu.vector_store %arg16[%swap3A_297, %swap3A_298], %broadcast_in_dim3A_296 {strides = array<i32>} : memref<128x128xf32, #tpu.memory_space<vmem>>, vector<16xf32>,
        %broadcast_in_dim3A_300 = arith.constant 0.000000e+00 : f32
        %broadcast_in_dim3A_301 = vector.broadcast %broadcast_in_dim3A_300 : f32 to vector<16xf32>
        %swap3A_302 = arith.index_cast %scan3A_285 : i32 to index
        %swap3A_303 = arith.constant 48 : index
        %swap3A_304 = tpu.vector_load %arg16[%swap3A_302, %swap3A_303] {strides = array<i32>} : memref<128x128xf32, #tpu.memory_space<vmem>>, vector<16xf32>,
        tpu.vector_store %arg16[%swap3A_302, %swap3A_303], %broadcast_in_dim3A_301 {strides = array<i32>} : memref<128x128xf32, #tpu.memory_space<vmem>>, vector<16xf32>,
        %broadcast_in_dim3A_305 = arith.constant 0.000000e+00 : f32
        %broadcast_in_dim3A_306 = vector.broadcast %broadcast_in_dim3A_305 : f32 to vector<16xf32>
        %swap3A_307 = arith.index_cast %scan3A_285 : i32 to index
        %swap3A_308 = arith.constant 64 : index
        %swap3A_309 = tpu.vector_load %arg16[%swap3A_307, %swap3A_308] {strides = array<i32>} : memref<128x128xf32, #tpu.memory_space<vmem>>, vector<16xf32>,
        tpu.vector_store %arg16[%swap3A_307, %swap3A_308], %broadcast_in_dim3A_306 {strides = array<i32>} : memref<128x128xf32, #tpu.memory_space<vmem>>, vector<16xf32>,
        %broadcast_in_dim3A_310 = arith.constant 0.000000e+00 : f32
        %broadcast_in_dim3A_311 = vector.broadcast %broadcast_in_dim3A_310 : f32 to vector<16xf32>
        %swap3A_312 = arith.index_cast %scan3A_285 : i32 to index
        %swap3A_313 = arith.constant 80 : index
        %swap3A_314 = tpu.vector_load %arg16[%swap3A_312, %swap3A_313] {strides = array<i32>} : memref<128x128xf32, #tpu.memory_space<vmem>>, vector<16xf32>,
        tpu.vector_store %arg16[%swap3A_312, %swap3A_313], %broadcast_in_dim3A_311 {strides = array<i32>} : memref<128x128xf32, #tpu.memory_space<vmem>>, vector<16xf32>,
        %broadcast_in_dim3A_315 = arith.constant 0.000000e+00 : f32
        %broadcast_in_dim3A_316 = vector.broadcast %broadcast_in_dim3A_315 : f32 to vector<16xf32>
        %swap3A_317 = arith.index_cast %scan3A_285 : i32 to index
        %swap3A_318 = arith.constant 96 : index
        %swap3A_319 = tpu.vector_load %arg16[%swap3A_317, %swap3A_318] {strides = array<i32>} : memref<128x128xf32, #tpu.memory_space<vmem>>, vector<16xf32>,
        tpu.vector_store %arg16[%swap3A_317, %swap3A_318], %broadcast_in_dim3A_316 {strides = array<i32>} : memref<128x128xf32, #tpu.memory_space<vmem>>, vector<16xf32>,
        %broadcast_in_dim3A_320 = arith.constant 0.000000e+00 : f32
        %broadcast_in_dim3A_321 = vector.broadcast %broadcast_in_dim3A_320 : f32 to vector<16xf32>
        %swap3A_322 = arith.index_cast %scan3A_285 : i32 to index
        %swap3A_323 = arith.constant 112 : index
        %swap3A_324 = tpu.vector_load %arg16[%swap3A_322, %swap3A_323] {strides = array<i32>} : memref<128x128xf32, #tpu.memory_space<vmem>>, vector<16xf32>,
        tpu.vector_store %arg16[%swap3A_322, %swap3A_323], %broadcast_in_dim3A_321 {strides = array<i32>} : memref<128x128xf32, #tpu.memory_space<vmem>>, vector<16xf32>,
        %scan3A_325 = arith.constant 0 : i32
        scf.yield %scan3A_325 : i32
      }
      %scan3A_12 = arith.constant 128 : i32
      %mul3A = arith.constant 128 : i32
      %mul3A_13 = arith.muli %arg1, %mul3A : i32
      "tpu.region"() ({
        %run_scoped3A = tpu.sem_alloc : memref<!tpu.dma_semaphore, #tpu.memory_space<semaphore_mem>>
        %dma_start3A_285 = arith.constant 0 : i32
        %dma_start3A_286 = tpu.memref_slice %arg15[%mul3A_13, %dma_start3A_285] : memref<2048x128xf32, #tpu.memory_space<vmem_shared>> -> memref<128x128xf32, #tpu.memory_space<vmem_shared>>
        %dma_start3A_287 = arith.constant 0 : i32
        %dma_start3A_288 = tpu.memref_slice %arg15[%mul3A_13, %dma_start3A_287] : memref<2048x128xf32, #tpu.memory_space<vmem_shared>> -> memref<128x128xf32, #tpu.memory_space<vmem_shared>>
        tpu.enqueue_dma source(%arg16 : memref<128x128xf32, #tpu.memory_space<vmem>>) target(%dma_start3A_288 : memref<128x128xf32, #tpu.memory_space<vmem_shared>>) target_semaphore(%run_scoped3A : memref<!tpu.dma_semaphore, #tpu.memory_space<semaphore_mem>>)
        %dma_wait3A_289 = arith.constant 0 : i32
        %dma_wait3A_290 = tpu.memref_slice %arg15[%mul3A_13, %dma_wait3A_289] : memref<2048x128xf32, #tpu.memory_space<vmem_shared>> -> memref<128x128xf32, #tpu.memory_space<vmem_shared>>
        %dma_wait3A_291 = arith.constant 0 : i32
        %dma_wait3A_292 = tpu.memref_slice %arg15[%mul3A_13, %dma_wait3A_291] : memref<2048x128xf32, #tpu.memory_space<vmem_shared>> -> memref<128x128xf32, #tpu.memory_space<vmem_shared>>
        tpu.wait_dma2 semaphore(%run_scoped3A : memref<!tpu.dma_semaphore, #tpu.memory_space<semaphore_mem>>) src(%arg16 : memref<128x128xf32, #tpu.memory_space<vmem>>) dst(%dma_wait3A_292 : memref<128x128xf32, #tpu.memory_space<vmem_shared>>)
        tpu.yield
      }) : () -> ()
      %mul3A_14 = arith.constant 512 : i32
      %mul3A_15 = arith.muli %arg1, %mul3A_14 : i32
      "tpu.region"() ({
        %run_scoped3A = tpu.sem_alloc : memref<!tpu.dma_semaphore, #tpu.memory_space<semaphore_mem>>
        %dma_start3A_285 = tpu.memref_slice %arg4[%mul3A_15] : memref<8192xi32, #tpu.memory_space<hbm>> -> memref<512xi32, #tpu.memory_space<hbm>>
        %dma_start3A_286 = tpu.memref_slice %arg4[%mul3A_15] : memref<8192xi32, #tpu.memory_space<hbm>> -> memref<512xi32, #tpu.memory_space<hbm>>
        tpu.enqueue_dma source(%dma_start3A_286 : memref<512xi32, #tpu.memory_space<hbm>>) target(%arg27 : memref<512xi32, #tpu.memory_space<vmem>>) target_semaphore(%run_scoped3A : memref<!tpu.dma_semaphore, #tpu.memory_space<semaphore_mem>>)
        %dma_wait3A_287 = tpu.memref_slice %arg4[%mul3A_15] : memref<8192xi32, #tpu.memory_space<hbm>> -> memref<512xi32, #tpu.memory_space<hbm>>
        %dma_wait3A_288 = tpu.memref_slice %arg4[%mul3A_15] : memref<8192xi32, #tpu.memory_space<hbm>> -> memref<512xi32, #tpu.memory_space<hbm>>
        tpu.wait_dma2 semaphore(%run_scoped3A : memref<!tpu.dma_semaphore, #tpu.memory_space<semaphore_mem>>) src(%dma_wait3A_288 : memref<512xi32, #tpu.memory_space<hbm>>) dst(%arg27 : memref<512xi32, #tpu.memory_space<vmem>>)
        tpu.yield
      }) : () -> ()
      "tpu.region"() ({
        %run_scoped3A = tpu.sem_alloc : memref<!tpu.dma_semaphore, #tpu.memory_space<semaphore_mem>>
        %dma_start3A_285 = tpu.memref_slice %arg5[%mul3A_15] : memref<8192xi32, #tpu.memory_space<hbm>> -> memref<512xi32, #tpu.memory_space<hbm>>
        %dma_start3A_286 = tpu.memref_slice %arg5[%mul3A_15] : memref<8192xi32, #tpu.memory_space<hbm>> -> memref<512xi32, #tpu.memory_space<hbm>>
        tpu.enqueue_dma source(%dma_start3A_286 : memref<512xi32, #tpu.memory_space<hbm>>) target(%arg28 : memref<512xi32, #tpu.memory_space<vmem>>) target_semaphore(%run_scoped3A : memref<!tpu.dma_semaphore, #tpu.memory_space<semaphore_mem>>)
        %dma_wait3A_287 = tpu.memref_slice %arg5[%mul3A_15] : memref<8192xi32, #tpu.memory_space<hbm>> -> memref<512xi32, #tpu.memory_space<hbm>>
        %dma_wait3A_288 = tpu.memref_slice %arg5[%mul3A_15] : memref<8192xi32, #tpu.memory_space<hbm>> -> memref<512xi32, #tpu.memory_space<hbm>>
        tpu.wait_dma2 semaphore(%run_scoped3A : memref<!tpu.dma_semaphore, #tpu.memory_space<semaphore_mem>>) src(%dma_wait3A_288 : memref<512xi32, #tpu.memory_space<hbm>>) dst(%arg28 : memref<512xi32, #tpu.memory_space<vmem>>)
        tpu.yield
      }) : () -> ()
      "tpu.region"() ({
        %run_scoped3A = tpu.sem_alloc : memref<!tpu.dma_semaphore, #tpu.memory_space<semaphore_mem>>
        tpu.enqueue_dma source(%arg8 : memref<4096xf32, #tpu.memory_space<hbm>>) target(%arg34 : memref<4096xf32, #tpu.memory_space<vmem>>) target_semaphore(%run_scoped3A : memref<!tpu.dma_semaphore, #tpu.memory_space<semaphore_mem>>)
        tpu.wait_dma2 semaphore(%run_scoped3A : memref<!tpu.dma_semaphore, #tpu.memory_space<semaphore_mem>>) src(%arg8 : memref<4096xf32, #tpu.memory_space<hbm>>) dst(%arg34 : memref<4096xf32, #tpu.memory_space<vmem>>)
        tpu.yield
      }) : () -> ()
      %barrier3A = arith.constant 0 : index
      tpu.barrier barrier_id(%barrier3A)
      %scan3A_16 = arith.constant 0 : i32
      %scan3A_17 = arith.constant 0 : i32
      %scan3A_18 = arith.constant 32 : i32
      %scan3A_19 = arith.addi %scan3A_17, %scan3A_18 : i32
      %scan3A_20 = arith.constant 1 : i32
      %scan3A_21 = scf.for %scan3A_285 = %scan3A_17 to %scan3A_19 step %scan3A_20 iter_args(%scan3A_286 = %scan3A_16) -> (i32)  : i32 {
        %mul3A_287 = arith.constant 16 : i32
        %mul3A_288 = arith.muli %scan3A_285, %mul3A_287 : i32
        %jit3A = arith.constant 8 : i32
        %div3A = arith.divsi %scan3A_285, %jit3A : i32
        %sign3A = arith.constant 0 : i32
        %sign3A_289 = arith.cmpi sgt, %scan3A_285, %sign3A : i32
        %sign3A_290 = arith.extui %sign3A_289 : i1 to i32
        %sign3A_291 = arith.constant 0 : i32
        %sign3A_292 = arith.cmpi slt, %scan3A_285, %sign3A_291 : i32
        %sign3A_293 = arith.extui %sign3A_292 : i1 to i32
        %sign3A_294 = arith.subi %sign3A_290, %sign3A_293 : i32
        %sign3A_295 = arith.constant 0 : i32
        %sign3A_296 = arith.cmpi sgt, %jit3A, %sign3A_295 : i32
        %sign3A_297 = arith.extui %sign3A_296 : i1 to i32
        %sign3A_298 = arith.constant 0 : i32
        %sign3A_299 = arith.cmpi slt, %jit3A, %sign3A_298 : i32
        %sign3A_300 = arith.extui %sign3A_299 : i1 to i32
        %sign3A_301 = arith.subi %sign3A_297, %sign3A_300 : i32
        %ne3A = arith.cmpi ne, %sign3A_294, %sign3A_301 : i32
        %rem3A = arith.remsi %scan3A_285, %jit3A : i32
        %ne3A_302 = arith.constant 0 : i32
        %ne3A_303 = arith.cmpi ne, %rem3A, %ne3A_302 : i32
        %and3A = arith.andi %ne3A, %ne3A_303 : i1
        %sub3A = arith.constant 1 : i32
        %sub3A_304 = arith.subi %div3A, %sub3A : i32
        %select_n3A = arith.select %and3A, %sub3A_304, %div3A : i32
        %mul3A_305 = arith.constant 128 : i32
        %mul3A_306 = arith.muli %select_n3A, %mul3A_305 : i32
        %sub3A_307 = arith.subi %mul3A_288, %mul3A_306 : i32
        %get3A = arith.index_cast %mul3A_288 : i32 to index
        %get3A_308 = tpu.vector_load %arg27[%get3A] {strides = array<i32>} : memref<512xi32, #tpu.memory_space<vmem>>, vector<16xi32>,
        %mul3A_309 = arith.constant 2048 : i32
        %mul3A_310 = vector.broadcast %mul3A_309 : i32 to vector<16xi32>
        %mul3A_311 = arith.muli %get3A_308, %mul3A_310 : vector<16xi32>
        %get3A_312 = arith.index_cast %mul3A_288 : i32 to index
        %get3A_313 = tpu.vector_load %arg28[%get3A_312] {strides = array<i32>} : memref<512xi32, #tpu.memory_space<vmem>>, vector<16xi32>,
        %add3A = arith.addi %mul3A_311, %get3A_313 : vector<16xi32>
        %swap3A = arith.index_cast %select_n3A : i32 to index
        %swap3A_314 = arith.index_cast %sub3A_307 : i32 to index
        %swap3A_315 = tpu.vector_load %arg29[%swap3A, %swap3A_314] {strides = array<i32>} : memref<4x128xi32, #tpu.memory_space<vmem>>, vector<16xi32>,
        tpu.vector_store %arg29[%swap3A, %swap3A_314], %add3A {strides = array<i32>} : memref<4x128xi32, #tpu.memory_space<vmem>>, vector<16xi32>,
        %get3A_316 = arith.index_cast %mul3A_288 : i32 to index
        %get3A_317 = tpu.vector_load %arg27[%get3A_316] {strides = array<i32>} : memref<512xi32, #tpu.memory_space<vmem>>, vector<16xi32>,
        %swap3A_318 = arith.index_cast %select_n3A : i32 to index
        %swap3A_319 = arith.index_cast %sub3A_307 : i32 to index
        %swap3A_320 = tpu.vector_load %arg32[%swap3A_318, %swap3A_319] {strides = array<i32>} : memref<4x128xi32, #tpu.memory_space<vmem>>, vector<16xi32>,
        tpu.vector_store %arg32[%swap3A_318, %swap3A_319], %get3A_317 {strides = array<i32>} : memref<4x128xi32, #tpu.memory_space<vmem>>, vector<16xi32>,
        %scan3A_321 = arith.constant 0 : i32
        scf.yield %scan3A_321 : i32
      }
      %scan3A_22 = arith.constant 32 : i32
      %dma_start3A = arith.constant 0 : i32
      %dma_start3A_23 = arith.constant 0 : i32
      %dma_start3A_24 = arith.constant 0 : i32
      %dma_start3A_25 = tpu.memref_slice %arg30[%dma_start3A_23, %dma_start3A_24] : memref<4x128xi32, #tpu.memory_space<vmem>> -> memref<1x128xi32, #tpu.memory_space<vmem>>
      %dma_start3A_26 = tpu.memref_squeeze %dma_start3A_25 : memref<1x128xi32, #tpu.memory_space<vmem>> -> memref<128xi32, #tpu.memory_space<vmem>>
      %dma_start3A_27 = arith.constant 0 : i32
      %dma_start3A_28 = tpu.memref_slice %arg29[%dma_start3A, %dma_start3A_27] : memref<4x128xi32, #tpu.memory_space<vmem>> -> memref<1x128xi32, #tpu.memory_space<vmem>>
      %dma_start3A_29 = tpu.memref_squeeze %dma_start3A_28 : memref<1x128xi32, #tpu.memory_space<vmem>> -> memref<128xi32, #tpu.memory_space<vmem>>
      %dma_start3A_30 = arith.constant 0 : i32
      %dma_start3A_31 = tpu.memref_slice %arg7[%dma_start3A_30] : memref<4194304xi32, #tpu.memory_space<hbm>> -> memref<4194304xi32, #tpu.memory_space<hbm>>
      tpu.enqueue_indirect_dma source(%dma_start3A_31 : memref<4194304xi32, #tpu.memory_space<hbm>>) target(%dma_start3A_26 : memref<128xi32, #tpu.memory_space<vmem>>) offsets(%dma_start3A_29 : memref<128xi32, #tpu.memory_space<vmem>>) semaphore(%arg37 : memref<!tpu.dma_semaphore, #tpu.memory_space<semaphore_mem>>)
      %dma_start3A_32 = arith.constant 1 : i32
      %dma_start3A_33 = arith.constant 1 : i32
      %dma_start3A_34 = arith.constant 0 : i32
      %dma_start3A_35 = tpu.memref_slice %arg30[%dma_start3A_33, %dma_start3A_34] : memref<4x128xi32, #tpu.memory_space<vmem>> -> memref<1x128xi32, #tpu.memory_space<vmem>>
      %dma_start3A_36 = tpu.memref_squeeze %dma_start3A_35 : memref<1x128xi32, #tpu.memory_space<vmem>> -> memref<128xi32, #tpu.memory_space<vmem>>
      %dma_start3A_37 = arith.constant 0 : i32
      %dma_start3A_38 = tpu.memref_slice %arg29[%dma_start3A_32, %dma_start3A_37] : memref<4x128xi32, #tpu.memory_space<vmem>> -> memref<1x128xi32, #tpu.memory_space<vmem>>
      %dma_start3A_39 = tpu.memref_squeeze %dma_start3A_38 : memref<1x128xi32, #tpu.memory_space<vmem>> -> memref<128xi32, #tpu.memory_space<vmem>>
      %dma_start3A_40 = arith.constant 0 : i32
      %dma_start3A_41 = tpu.memref_slice %arg7[%dma_start3A_40] : memref<4194304xi32, #tpu.memory_space<hbm>> -> memref<4194304xi32, #tpu.memory_space<hbm>>
      tpu.enqueue_indirect_dma source(%dma_start3A_41 : memref<4194304xi32, #tpu.memory_space<hbm>>) target(%dma_start3A_36 : memref<128xi32, #tpu.memory_space<vmem>>) offsets(%dma_start3A_39 : memref<128xi32, #tpu.memory_space<vmem>>) semaphore(%arg37 : memref<!tpu.dma_semaphore, #tpu.memory_space<semaphore_mem>>)
      %dma_start3A_42 = arith.constant 2 : i32
      %dma_start3A_43 = arith.constant 2 : i32
      %dma_start3A_44 = arith.constant 0 : i32
      %dma_start3A_45 = tpu.memref_slice %arg30[%dma_start3A_43, %dma_start3A_44] : memref<4x128xi32, #tpu.memory_space<vmem>> -> memref<1x128xi32, #tpu.memory_space<vmem>>
      %dma_start3A_46 = tpu.memref_squeeze %dma_start3A_45 : memref<1x128xi32, #tpu.memory_space<vmem>> -> memref<128xi32, #tpu.memory_space<vmem>>
      %dma_start3A_47 = arith.constant 0 : i32
      %dma_start3A_48 = tpu.memref_slice %arg29[%dma_start3A_42, %dma_start3A_47] : memref<4x128xi32, #tpu.memory_space<vmem>> -> memref<1x128xi32, #tpu.memory_space<vmem>>
      %dma_start3A_49 = tpu.memref_squeeze %dma_start3A_48 : memref<1x128xi32, #tpu.memory_space<vmem>> -> memref<128xi32, #tpu.memory_space<vmem>>
      %dma_start3A_50 = arith.constant 0 : i32
      %dma_start3A_51 = tpu.memref_slice %arg7[%dma_start3A_50] : memref<4194304xi32, #tpu.memory_space<hbm>> -> memref<4194304xi32, #tpu.memory_space<hbm>>
      tpu.enqueue_indirect_dma source(%dma_start3A_51 : memref<4194304xi32, #tpu.memory_space<hbm>>) target(%dma_start3A_46 : memref<128xi32, #tpu.memory_space<vmem>>) offsets(%dma_start3A_49 : memref<128xi32, #tpu.memory_space<vmem>>) semaphore(%arg37 : memref<!tpu.dma_semaphore, #tpu.memory_space<semaphore_mem>>)
      %dma_start3A_52 = arith.constant 3 : i32
      %dma_start3A_53 = arith.constant 3 : i32
      %dma_start3A_54 = arith.constant 0 : i32
      %dma_start3A_55 = tpu.memref_slice %arg30[%dma_start3A_53, %dma_start3A_54] : memref<4x128xi32, #tpu.memory_space<vmem>> -> memref<1x128xi32, #tpu.memory_space<vmem>>
      %dma_start3A_56 = tpu.memref_squeeze %dma_start3A_55 : memref<1x128xi32, #tpu.memory_space<vmem>> -> memref<128xi32, #tpu.memory_space<vmem>>
      %dma_start3A_57 = arith.constant 0 : i32
      %dma_start3A_58 = tpu.memref_slice %arg29[%dma_start3A_52, %dma_start3A_57] : memref<4x128xi32, #tpu.memory_space<vmem>> -> memref<1x128xi32, #tpu.memory_space<vmem>>
      %dma_start3A_59 = tpu.memref_squeeze %dma_start3A_58 : memref<1x128xi32, #tpu.memory_space<vmem>> -> memref<128xi32, #tpu.memory_space<vmem>>
      %dma_start3A_60 = arith.constant 0 : i32
      %dma_start3A_61 = tpu.memref_slice %arg7[%dma_start3A_60] : memref<4194304xi32, #tpu.memory_space<hbm>> -> memref<4194304xi32, #tpu.memory_space<hbm>>
      tpu.enqueue_indirect_dma source(%dma_start3A_61 : memref<4194304xi32, #tpu.memory_space<hbm>>) target(%dma_start3A_56 : memref<128xi32, #tpu.memory_space<vmem>>) offsets(%dma_start3A_59 : memref<128xi32, #tpu.memory_space<vmem>>) semaphore(%arg37 : memref<!tpu.dma_semaphore, #tpu.memory_space<semaphore_mem>>)
      %dma_wait3A = arith.constant 0 : i32
      %dma_wait3A_62 = arith.constant 0 : i32
      %dma_wait3A_63 = arith.constant 0 : i32
      %dma_wait3A_64 = tpu.memref_slice %arg30[%dma_wait3A_62, %dma_wait3A_63] : memref<4x128xi32, #tpu.memory_space<vmem>> -> memref<1x128xi32, #tpu.memory_space<vmem>>
      %dma_wait3A_65 = tpu.memref_squeeze %dma_wait3A_64 : memref<1x128xi32, #tpu.memory_space<vmem>> -> memref<128xi32, #tpu.memory_space<vmem>>
      %dma_wait3A_66 = arith.constant 0 : i32
      %dma_wait3A_67 = tpu.memref_slice %arg29[%dma_wait3A, %dma_wait3A_66] : memref<4x128xi32, #tpu.memory_space<vmem>> -> memref<1x128xi32, #tpu.memory_space<vmem>>
      %dma_wait3A_68 = tpu.memref_squeeze %dma_wait3A_67 : memref<1x128xi32, #tpu.memory_space<vmem>> -> memref<128xi32, #tpu.memory_space<vmem>>
      %dma_wait3A_69 = arith.constant 0 : i32
      %dma_wait3A_70 = tpu.memref_slice %arg7[%dma_wait3A_69] : memref<4194304xi32, #tpu.memory_space<hbm>> -> memref<4194304xi32, #tpu.memory_space<hbm>>
      tpu.wait_indirect_dma semaphore(%arg37 : memref<!tpu.dma_semaphore, #tpu.memory_space<semaphore_mem>>) src(%dma_wait3A_70 : memref<4194304xi32, #tpu.memory_space<hbm>>) dst(%dma_wait3A_65 : memref<128xi32, #tpu.memory_space<vmem>>)
      %dma_wait3A_71 = arith.constant 1 : i32
      %dma_wait3A_72 = arith.constant 1 : i32
      %dma_wait3A_73 = arith.constant 0 : i32
      %dma_wait3A_74 = tpu.memref_slice %arg30[%dma_wait3A_72, %dma_wait3A_73] : memref<4x128xi32, #tpu.memory_space<vmem>> -> memref<1x128xi32, #tpu.memory_space<vmem>>
      %dma_wait3A_75 = tpu.memref_squeeze %dma_wait3A_74 : memref<1x128xi32, #tpu.memory_space<vmem>> -> memref<128xi32, #tpu.memory_space<vmem>>
      %dma_wait3A_76 = arith.constant 0 : i32
      %dma_wait3A_77 = tpu.memref_slice %arg29[%dma_wait3A_71, %dma_wait3A_76] : memref<4x128xi32, #tpu.memory_space<vmem>> -> memref<1x128xi32, #tpu.memory_space<vmem>>
      %dma_wait3A_78 = tpu.memref_squeeze %dma_wait3A_77 : memref<1x128xi32, #tpu.memory_space<vmem>> -> memref<128xi32, #tpu.memory_space<vmem>>
      %dma_wait3A_79 = arith.constant 0 : i32
      %dma_wait3A_80 = tpu.memref_slice %arg7[%dma_wait3A_79] : memref<4194304xi32, #tpu.memory_space<hbm>> -> memref<4194304xi32, #tpu.memory_space<hbm>>
      tpu.wait_indirect_dma semaphore(%arg37 : memref<!tpu.dma_semaphore, #tpu.memory_space<semaphore_mem>>) src(%dma_wait3A_80 : memref<4194304xi32, #tpu.memory_space<hbm>>) dst(%dma_wait3A_75 : memref<128xi32, #tpu.memory_space<vmem>>)
      %dma_wait3A_81 = arith.constant 2 : i32
      %dma_wait3A_82 = arith.constant 2 : i32
      %dma_wait3A_83 = arith.constant 0 : i32
      %dma_wait3A_84 = tpu.memref_slice %arg30[%dma_wait3A_82, %dma_wait3A_83] : memref<4x128xi32, #tpu.memory_space<vmem>> -> memref<1x128xi32, #tpu.memory_space<vmem>>
      %dma_wait3A_85 = tpu.memref_squeeze %dma_wait3A_84 : memref<1x128xi32, #tpu.memory_space<vmem>> -> memref<128xi32, #tpu.memory_space<vmem>>
      %dma_wait3A_86 = arith.constant 0 : i32
      %dma_wait3A_87 = tpu.memref_slice %arg29[%dma_wait3A_81, %dma_wait3A_86] : memref<4x128xi32, #tpu.memory_space<vmem>> -> memref<1x128xi32, #tpu.memory_space<vmem>>
      %dma_wait3A_88 = tpu.memref_squeeze %dma_wait3A_87 : memref<1x128xi32, #tpu.memory_space<vmem>> -> memref<128xi32, #tpu.memory_space<vmem>>
      %dma_wait3A_89 = arith.constant 0 : i32
      %dma_wait3A_90 = tpu.memref_slice %arg7[%dma_wait3A_89] : memref<4194304xi32, #tpu.memory_space<hbm>> -> memref<4194304xi32, #tpu.memory_space<hbm>>
      tpu.wait_indirect_dma semaphore(%arg37 : memref<!tpu.dma_semaphore, #tpu.memory_space<semaphore_mem>>) src(%dma_wait3A_90 : memref<4194304xi32, #tpu.memory_space<hbm>>) dst(%dma_wait3A_85 : memref<128xi32, #tpu.memory_space<vmem>>)
      %dma_wait3A_91 = arith.constant 3 : i32
      %dma_wait3A_92 = arith.constant 3 : i32
      %dma_wait3A_93 = arith.constant 0 : i32
      %dma_wait3A_94 = tpu.memref_slice %arg30[%dma_wait3A_92, %dma_wait3A_93] : memref<4x128xi32, #tpu.memory_space<vmem>> -> memref<1x128xi32, #tpu.memory_space<vmem>>
      %dma_wait3A_95 = tpu.memref_squeeze %dma_wait3A_94 : memref<1x128xi32, #tpu.memory_space<vmem>> -> memref<128xi32, #tpu.memory_space<vmem>>
      %dma_wait3A_96 = arith.constant 0 : i32
      %dma_wait3A_97 = tpu.memref_slice %arg29[%dma_wait3A_91, %dma_wait3A_96] : memref<4x128xi32, #tpu.memory_space<vmem>> -> memref<1x128xi32, #tpu.memory_space<vmem>>
      %dma_wait3A_98 = tpu.memref_squeeze %dma_wait3A_97 : memref<1x128xi32, #tpu.memory_space<vmem>> -> memref<128xi32, #tpu.memory_space<vmem>>
      %dma_wait3A_99 = arith.constant 0 : i32
      %dma_wait3A_100 = tpu.memref_slice %arg7[%dma_wait3A_99] : memref<4194304xi32, #tpu.memory_space<hbm>> -> memref<4194304xi32, #tpu.memory_space<hbm>>
      tpu.wait_indirect_dma semaphore(%arg37 : memref<!tpu.dma_semaphore, #tpu.memory_space<semaphore_mem>>) src(%dma_wait3A_100 : memref<4194304xi32, #tpu.memory_space<hbm>>) dst(%dma_wait3A_95 : memref<128xi32, #tpu.memory_space<vmem>>)
      %scan3A_101 = arith.constant 0 : i32
      %scan3A_102 = arith.constant 0 : i32
      %scan3A_103 = arith.constant 32 : i32
      %scan3A_104 = arith.addi %scan3A_102, %scan3A_103 : i32
      %scan3A_105 = arith.constant 1 : i32
      %scan3A_106 = scf.for %scan3A_285 = %scan3A_102 to %scan3A_104 step %scan3A_105 iter_args(%scan3A_286 = %scan3A_101) -> (i32)  : i32 {
        %mul3A_287 = arith.constant 16 : i32
        %mul3A_288 = arith.muli %scan3A_285, %mul3A_287 : i32
        %jit3A = arith.constant 8 : i32
        %div3A = arith.divsi %scan3A_285, %jit3A : i32
        %sign3A = arith.constant 0 : i32
        %sign3A_289 = arith.cmpi sgt, %scan3A_285, %sign3A : i32
        %sign3A_290 = arith.extui %sign3A_289 : i1 to i32
        %sign3A_291 = arith.constant 0 : i32
        %sign3A_292 = arith.cmpi slt, %scan3A_285, %sign3A_291 : i32
        %sign3A_293 = arith.extui %sign3A_292 : i1 to i32
        %sign3A_294 = arith.subi %sign3A_290, %sign3A_293 : i32
        %sign3A_295 = arith.constant 0 : i32
        %sign3A_296 = arith.cmpi sgt, %jit3A, %sign3A_295 : i32
        %sign3A_297 = arith.extui %sign3A_296 : i1 to i32
        %sign3A_298 = arith.constant 0 : i32
        %sign3A_299 = arith.cmpi slt, %jit3A, %sign3A_298 : i32
        %sign3A_300 = arith.extui %sign3A_299 : i1 to i32
        %sign3A_301 = arith.subi %sign3A_297, %sign3A_300 : i32
        %ne3A = arith.cmpi ne, %sign3A_294, %sign3A_301 : i32
        %rem3A = arith.remsi %scan3A_285, %jit3A : i32
        %ne3A_302 = arith.constant 0 : i32
        %ne3A_303 = arith.cmpi ne, %rem3A, %ne3A_302 : i32
        %and3A = arith.andi %ne3A, %ne3A_303 : i1
        %sub3A = arith.constant 1 : i32
        %sub3A_304 = arith.subi %div3A, %sub3A : i32
        %select_n3A = arith.select %and3A, %sub3A_304, %div3A : i32
        %mul3A_305 = arith.constant 128 : i32
        %mul3A_306 = arith.muli %select_n3A, %mul3A_305 : i32
        %sub3A_307 = arith.subi %mul3A_288, %mul3A_306 : i32
        %iota3A = tpu.iota {dimensions = array<i32: 0>} : vector<16xi32>
        %add3A = arith.addi %mul3A_15, %mul3A_288 : i32
        %add3A_308 = vector.broadcast %add3A : i32 to vector<16xi32>
        %add3A_309 = arith.addi %iota3A, %add3A_308 : vector<16xi32>
        %get3A = arith.index_cast %select_n3A : i32 to index
        %get3A_310 = arith.index_cast %sub3A_307 : i32 to index
        %get3A_311 = tpu.vector_load %arg30[%get3A, %get3A_310] {strides = array<i32>} : memref<4x128xi32, #tpu.memory_space<vmem>>, vector<16xi32>,
        %eq3A_312 = arith.cmpi eq, %get3A_311, %add3A_309 : vector<16xi32>
        %get3A_313 = arith.index_cast %mul3A_288 : i32 to index
        %get3A_314 = tpu.vector_load %arg28[%get3A_313] {strides = array<i32>} : memref<512xi32, #tpu.memory_space<vmem>>, vector<16xi32>,
        %broadcast_in_dim3A = arith.constant 2048 : i32
        %broadcast_in_dim3A_315 = vector.broadcast %broadcast_in_dim3A : i32 to vector<16xi32>
        %select_n3A_316 = arith.select %eq3A_312, %get3A_314, %broadcast_in_dim3A_315 : vector<16xi1>, vector<16xi32>
        %swap3A = arith.index_cast %select_n3A : i32 to index
        %swap3A_317 = arith.index_cast %sub3A_307 : i32 to index
        %swap3A_318 = tpu.vector_load %arg31[%swap3A, %swap3A_317] {strides = array<i32>} : memref<4x128xi32, #tpu.memory_space<vmem>>, vector<16xi32>,
        tpu.vector_store %arg31[%swap3A, %swap3A_317], %select_n3A_316 {strides = array<i32>} : memref<4x128xi32, #tpu.memory_space<vmem>>, vector<16xi32>,
        %scan3A_319 = arith.constant 0 : i32
        scf.yield %scan3A_319 : i32
      }
      %scan3A_107 = arith.constant 32 : i32
      %dma_start3A_108 = arith.constant 0 : i32
      %dma_start3A_109 = arith.constant 0 : i32
      %dma_start3A_110 = arith.constant 0 : i32
      %dma_start3A_111 = tpu.memref_slice %arg17[%dma_start3A_109, %dma_start3A_110] : memref<256x128xf32, #tpu.memory_space<vmem>> -> memref<128x128xf32, #tpu.memory_space<vmem>>
      %dma_start3A_112 = arith.constant 0 : i32
      %dma_start3A_113 = tpu.memref_slice %arg31[%dma_start3A_108, %dma_start3A_112] : memref<4x128xi32, #tpu.memory_space<vmem>> -> memref<1x128xi32, #tpu.memory_space<vmem>>
      %dma_start3A_114 = tpu.memref_squeeze %dma_start3A_113 : memref<1x128xi32, #tpu.memory_space<vmem>> -> memref<128xi32, #tpu.memory_space<vmem>>
      %dma_start3A_115 = arith.constant 0 : i32
      %dma_start3A_116 = arith.constant 0 : i32
      %dma_start3A_117 = tpu.memref_slice %arg11[%dma_start3A_115, %dma_start3A_116] : memref<2056x128xf32, #tpu.memory_space<hbm>> -> memref<2056x128xf32, #tpu.memory_space<hbm>>
      tpu.enqueue_indirect_dma source(%dma_start3A_117 : memref<2056x128xf32, #tpu.memory_space<hbm>>) target(%dma_start3A_111 : memref<128x128xf32, #tpu.memory_space<vmem>>) offsets(%dma_start3A_114 : memref<128xi32, #tpu.memory_space<vmem>>) semaphore(%arg37 : memref<!tpu.dma_semaphore, #tpu.memory_space<semaphore_mem>>)
      %dma_start3A_118 = arith.constant 1 : i32
      %dma_start3A_119 = arith.constant 128 : i32
      %dma_start3A_120 = arith.constant 0 : i32
      %dma_start3A_121 = tpu.memref_slice %arg17[%dma_start3A_119, %dma_start3A_120] : memref<256x128xf32, #tpu.memory_space<vmem>> -> memref<128x128xf32, #tpu.memory_space<vmem>>
      %dma_start3A_122 = arith.constant 0 : i32
      %dma_start3A_123 = tpu.memref_slice %arg31[%dma_start3A_118, %dma_start3A_122] : memref<4x128xi32, #tpu.memory_space<vmem>> -> memref<1x128xi32, #tpu.memory_space<vmem>>
      %dma_start3A_124 = tpu.memref_squeeze %dma_start3A_123 : memref<1x128xi32, #tpu.memory_space<vmem>> -> memref<128xi32, #tpu.memory_space<vmem>>
      %dma_start3A_125 = arith.constant 0 : i32
      %dma_start3A_126 = arith.constant 0 : i32
      %dma_start3A_127 = tpu.memref_slice %arg11[%dma_start3A_125, %dma_start3A_126] : memref<2056x128xf32, #tpu.memory_space<hbm>> -> memref<2056x128xf32, #tpu.memory_space<hbm>>
      tpu.enqueue_indirect_dma source(%dma_start3A_127 : memref<2056x128xf32, #tpu.memory_space<hbm>>) target(%dma_start3A_121 : memref<128x128xf32, #tpu.memory_space<vmem>>) offsets(%dma_start3A_124 : memref<128xi32, #tpu.memory_space<vmem>>) semaphore(%arg37 : memref<!tpu.dma_semaphore, #tpu.memory_space<semaphore_mem>>)
      %dma_wait3A_128 = arith.constant 0 : i32
      %dma_wait3A_129 = arith.constant 0 : i32
      %dma_wait3A_130 = arith.constant 0 : i32
      %dma_wait3A_131 = tpu.memref_slice %arg17[%dma_wait3A_129, %dma_wait3A_130] : memref<256x128xf32, #tpu.memory_space<vmem>> -> memref<128x128xf32, #tpu.memory_space<vmem>>
      %dma_wait3A_132 = arith.constant 0 : i32
      %dma_wait3A_133 = tpu.memref_slice %arg31[%dma_wait3A_128, %dma_wait3A_132] : memref<4x128xi32, #tpu.memory_space<vmem>> -> memref<1x128xi32, #tpu.memory_space<vmem>>
      %dma_wait3A_134 = tpu.memref_squeeze %dma_wait3A_133 : memref<1x128xi32, #tpu.memory_space<vmem>> -> memref<128xi32, #tpu.memory_space<vmem>>
      %dma_wait3A_135 = arith.constant 0 : i32
      %dma_wait3A_136 = arith.constant 0 : i32
      %dma_wait3A_137 = tpu.memref_slice %arg11[%dma_wait3A_135, %dma_wait3A_136] : memref<2056x128xf32, #tpu.memory_space<hbm>> -> memref<2056x128xf32, #tpu.memory_space<hbm>>
      tpu.wait_indirect_dma semaphore(%arg37 : memref<!tpu.dma_semaphore, #tpu.memory_space<semaphore_mem>>) src(%dma_wait3A_137 : memref<2056x128xf32, #tpu.memory_space<hbm>>) dst(%dma_wait3A_131 : memref<128x128xf32, #tpu.memory_space<vmem>>)
      %dma_wait3A_138 = arith.constant 1 : i32
      %dma_wait3A_139 = arith.constant 128 : i32
      %dma_wait3A_140 = arith.constant 0 : i32
      %dma_wait3A_141 = tpu.memref_slice %arg17[%dma_wait3A_139, %dma_wait3A_140] : memref<256x128xf32, #tpu.memory_space<vmem>> -> memref<128x128xf32, #tpu.memory_space<vmem>>
      %dma_wait3A_142 = arith.constant 0 : i32
      %dma_wait3A_143 = tpu.memref_slice %arg31[%dma_wait3A_138, %dma_wait3A_142] : memref<4x128xi32, #tpu.memory_space<vmem>> -> memref<1x128xi32, #tpu.memory_space<vmem>>
      %dma_wait3A_144 = tpu.memref_squeeze %dma_wait3A_143 : memref<1x128xi32, #tpu.memory_space<vmem>> -> memref<128xi32, #tpu.memory_space<vmem>>
      %dma_wait3A_145 = arith.constant 0 : i32
      %dma_wait3A_146 = arith.constant 0 : i32
      %dma_wait3A_147 = tpu.memref_slice %arg11[%dma_wait3A_145, %dma_wait3A_146] : memref<2056x128xf32, #tpu.memory_space<hbm>> -> memref<2056x128xf32, #tpu.memory_space<hbm>>
      tpu.wait_indirect_dma semaphore(%arg37 : memref<!tpu.dma_semaphore, #tpu.memory_space<semaphore_mem>>) src(%dma_wait3A_147 : memref<2056x128xf32, #tpu.memory_space<hbm>>) dst(%dma_wait3A_141 : memref<128x128xf32, #tpu.memory_space<vmem>>)
      %dma_start3A_148 = arith.constant 0 : i32
      %dma_start3A_149 = arith.constant 0 : i32
      %dma_start3A_150 = arith.constant 0 : i32
      %dma_start3A_151 = tpu.memref_slice %arg17[%dma_start3A_149, %dma_start3A_150] : memref<256x128xf32, #tpu.memory_space<vmem>> -> memref<128x128xf32, #tpu.memory_space<vmem>>
      %dma_start3A_152 = arith.constant 0 : i32
      %dma_start3A_153 = tpu.memref_slice %arg32[%dma_start3A_148, %dma_start3A_152] : memref<4x128xi32, #tpu.memory_space<vmem>> -> memref<1x128xi32, #tpu.memory_space<vmem>>
      %dma_start3A_154 = tpu.memref_squeeze %dma_start3A_153 : memref<1x128xi32, #tpu.memory_space<vmem>> -> memref<128xi32, #tpu.memory_space<vmem>>
      %dma_start3A_155 = arith.constant 0 : i32
      %dma_start3A_156 = arith.constant 0 : i32
      %dma_start3A_157 = tpu.memref_slice %arg15[%dma_start3A_155, %dma_start3A_156] : memref<2048x128xf32, #tpu.memory_space<vmem_shared>> -> memref<2048x128xf32, #tpu.memory_space<vmem_shared>>
      tpu.enqueue_indirect_dma source(%dma_start3A_151 : memref<128x128xf32, #tpu.memory_space<vmem>>) target(%dma_start3A_157 : memref<2048x128xf32, #tpu.memory_space<vmem_shared>>) offsets(%dma_start3A_154 : memref<128xi32, #tpu.memory_space<vmem>>) semaphore(%arg37 : memref<!tpu.dma_semaphore, #tpu.memory_space<semaphore_mem>>) {add = true}
      %dma_start3A_158 = arith.constant 1 : i32
      %dma_start3A_159 = arith.constant 128 : i32
      %dma_start3A_160 = arith.constant 0 : i32
      %dma_start3A_161 = tpu.memref_slice %arg17[%dma_start3A_159, %dma_start3A_160] : memref<256x128xf32, #tpu.memory_space<vmem>> -> memref<128x128xf32, #tpu.memory_space<vmem>>
      %dma_start3A_162 = arith.constant 0 : i32
      %dma_start3A_163 = tpu.memref_slice %arg32[%dma_start3A_158, %dma_start3A_162] : memref<4x128xi32, #tpu.memory_space<vmem>> -> memref<1x128xi32, #tpu.memory_space<vmem>>
      %dma_start3A_164 = tpu.memref_squeeze %dma_start3A_163 : memref<1x128xi32, #tpu.memory_space<vmem>> -> memref<128xi32, #tpu.memory_space<vmem>>
      %dma_start3A_165 = arith.constant 0 : i32
      %dma_start3A_166 = arith.constant 0 : i32
      %dma_start3A_167 = tpu.memref_slice %arg15[%dma_start3A_165, %dma_start3A_166] : memref<2048x128xf32, #tpu.memory_space<vmem_shared>> -> memref<2048x128xf32, #tpu.memory_space<vmem_shared>>
      tpu.enqueue_indirect_dma source(%dma_start3A_161 : memref<128x128xf32, #tpu.memory_space<vmem>>) target(%dma_start3A_167 : memref<2048x128xf32, #tpu.memory_space<vmem_shared>>) offsets(%dma_start3A_164 : memref<128xi32, #tpu.memory_space<vmem>>) semaphore(%arg37 : memref<!tpu.dma_semaphore, #tpu.memory_space<semaphore_mem>>) {add = true}
      %dma_wait3A_168 = arith.constant 0 : i32
      %dma_wait3A_169 = arith.constant 0 : i32
      %dma_wait3A_170 = arith.constant 0 : i32
      %dma_wait3A_171 = tpu.memref_slice %arg17[%dma_wait3A_169, %dma_wait3A_170] : memref<256x128xf32, #tpu.memory_space<vmem>> -> memref<128x128xf32, #tpu.memory_space<vmem>>
      %dma_wait3A_172 = arith.constant 0 : i32
      %dma_wait3A_173 = tpu.memref_slice %arg32[%dma_wait3A_168, %dma_wait3A_172] : memref<4x128xi32, #tpu.memory_space<vmem>> -> memref<1x128xi32, #tpu.memory_space<vmem>>
      %dma_wait3A_174 = tpu.memref_squeeze %dma_wait3A_173 : memref<1x128xi32, #tpu.memory_space<vmem>> -> memref<128xi32, #tpu.memory_space<vmem>>
      %dma_wait3A_175 = arith.constant 0 : i32
      %dma_wait3A_176 = arith.constant 0 : i32
      %dma_wait3A_177 = tpu.memref_slice %arg15[%dma_wait3A_175, %dma_wait3A_176] : memref<2048x128xf32, #tpu.memory_space<vmem_shared>> -> memref<2048x128xf32, #tpu.memory_space<vmem_shared>>
      tpu.wait_indirect_dma semaphore(%arg37 : memref<!tpu.dma_semaphore, #tpu.memory_space<semaphore_mem>>) src(%dma_wait3A_171 : memref<128x128xf32, #tpu.memory_space<vmem>>) dst(%dma_wait3A_177 : memref<2048x128xf32, #tpu.memory_space<vmem_shared>>)
      %dma_wait3A_178 = arith.constant 1 : i32
      %dma_wait3A_179 = arith.constant 128 : i32
      %dma_wait3A_180 = arith.constant 0 : i32
      %dma_wait3A_181 = tpu.memref_slice %arg17[%dma_wait3A_179, %dma_wait3A_180] : memref<256x128xf32, #tpu.memory_space<vmem>> -> memref<128x128xf32, #tpu.memory_space<vmem>>
      %dma_wait3A_182 = arith.constant 0 : i32
      %dma_wait3A_183 = tpu.memref_slice %arg32[%dma_wait3A_178, %dma_wait3A_182] : memref<4x128xi32, #tpu.memory_space<vmem>> -> memref<1x128xi32, #tpu.memory_space<vmem>>
      %dma_wait3A_184 = tpu.memref_squeeze %dma_wait3A_183 : memref<1x128xi32, #tpu.memory_space<vmem>> -> memref<128xi32, #tpu.memory_space<vmem>>
      %dma_wait3A_185 = arith.constant 0 : i32
      %dma_wait3A_186 = arith.constant 0 : i32
      %dma_wait3A_187 = tpu.memref_slice %arg15[%dma_wait3A_185, %dma_wait3A_186] : memref<2048x128xf32, #tpu.memory_space<vmem_shared>> -> memref<2048x128xf32, #tpu.memory_space<vmem_shared>>
      tpu.wait_indirect_dma semaphore(%arg37 : memref<!tpu.dma_semaphore, #tpu.memory_space<semaphore_mem>>) src(%dma_wait3A_181 : memref<128x128xf32, #tpu.memory_space<vmem>>) dst(%dma_wait3A_187 : memref<2048x128xf32, #tpu.memory_space<vmem_shared>>)
      %dma_start3A_188 = arith.constant 2 : i32
      %dma_start3A_189 = arith.constant 0 : i32
      %dma_start3A_190 = arith.constant 0 : i32
      %dma_start3A_191 = tpu.memref_slice %arg17[%dma_start3A_189, %dma_start3A_190] : memref<256x128xf32, #tpu.memory_space<vmem>> -> memref<128x128xf32, #tpu.memory_space<vmem>>
      %dma_start3A_192 = arith.constant 0 : i32
      %dma_start3A_193 = tpu.memref_slice %arg31[%dma_start3A_188, %dma_start3A_192] : memref<4x128xi32, #tpu.memory_space<vmem>> -> memref<1x128xi32, #tpu.memory_space<vmem>>
      %dma_start3A_194 = tpu.memref_squeeze %dma_start3A_193 : memref<1x128xi32, #tpu.memory_space<vmem>> -> memref<128xi32, #tpu.memory_space<vmem>>
      %dma_start3A_195 = arith.constant 0 : i32
      %dma_start3A_196 = arith.constant 0 : i32
      %dma_start3A_197 = tpu.memref_slice %arg11[%dma_start3A_195, %dma_start3A_196] : memref<2056x128xf32, #tpu.memory_space<hbm>> -> memref<2056x128xf32, #tpu.memory_space<hbm>>
      tpu.enqueue_indirect_dma source(%dma_start3A_197 : memref<2056x128xf32, #tpu.memory_space<hbm>>) target(%dma_start3A_191 : memref<128x128xf32, #tpu.memory_space<vmem>>) offsets(%dma_start3A_194 : memref<128xi32, #tpu.memory_space<vmem>>) semaphore(%arg37 : memref<!tpu.dma_semaphore, #tpu.memory_space<semaphore_mem>>)
      %dma_start3A_198 = arith.constant 3 : i32
      %dma_start3A_199 = arith.constant 128 : i32
      %dma_start3A_200 = arith.constant 0 : i32
      %dma_start3A_201 = tpu.memref_slice %arg17[%dma_start3A_199, %dma_start3A_200] : memref<256x128xf32, #tpu.memory_space<vmem>> -> memref<128x128xf32, #tpu.memory_space<vmem>>
      %dma_start3A_202 = arith.constant 0 : i32
      %dma_start3A_203 = tpu.memref_slice %arg31[%dma_start3A_198, %dma_start3A_202] : memref<4x128xi32, #tpu.memory_space<vmem>> -> memref<1x128xi32, #tpu.memory_space<vmem>>
      %dma_start3A_204 = tpu.memref_squeeze %dma_start3A_203 : memref<1x128xi32, #tpu.memory_space<vmem>> -> memref<128xi32, #tpu.memory_space<vmem>>
      %dma_start3A_205 = arith.constant 0 : i32
      %dma_start3A_206 = arith.constant 0 : i32
      %dma_start3A_207 = tpu.memref_slice %arg11[%dma_start3A_205, %dma_start3A_206] : memref<2056x128xf32, #tpu.memory_space<hbm>> -> memref<2056x128xf32, #tpu.memory_space<hbm>>
      tpu.enqueue_indirect_dma source(%dma_start3A_207 : memref<2056x128xf32, #tpu.memory_space<hbm>>) target(%dma_start3A_201 : memref<128x128xf32, #tpu.memory_space<vmem>>) offsets(%dma_start3A_204 : memref<128xi32, #tpu.memory_space<vmem>>) semaphore(%arg37 : memref<!tpu.dma_semaphore, #tpu.memory_space<semaphore_mem>>)
      %dma_wait3A_208 = arith.constant 2 : i32
      %dma_wait3A_209 = arith.constant 0 : i32
      %dma_wait3A_210 = arith.constant 0 : i32
      %dma_wait3A_211 = tpu.memref_slice %arg17[%dma_wait3A_209, %dma_wait3A_210] : memref<256x128xf32, #tpu.memory_space<vmem>> -> memref<128x128xf32, #tpu.memory_space<vmem>>
      %dma_wait3A_212 = arith.constant 0 : i32
      %dma_wait3A_213 = tpu.memref_slice %arg31[%dma_wait3A_208, %dma_wait3A_212] : memref<4x128xi32, #tpu.memory_space<vmem>> -> memref<1x128xi32, #tpu.memory_space<vmem>>
      %dma_wait3A_214 = tpu.memref_squeeze %dma_wait3A_213 : memref<1x128xi32, #tpu.memory_space<vmem>> -> memref<128xi32, #tpu.memory_space<vmem>>
      %dma_wait3A_215 = arith.constant 0 : i32
      %dma_wait3A_216 = arith.constant 0 : i32
      %dma_wait3A_217 = tpu.memref_slice %arg11[%dma_wait3A_215, %dma_wait3A_216] : memref<2056x128xf32, #tpu.memory_space<hbm>> -> memref<2056x128xf32, #tpu.memory_space<hbm>>
      tpu.wait_indirect_dma semaphore(%arg37 : memref<!tpu.dma_semaphore, #tpu.memory_space<semaphore_mem>>) src(%dma_wait3A_217 : memref<2056x128xf32, #tpu.memory_space<hbm>>) dst(%dma_wait3A_211 : memref<128x128xf32, #tpu.memory_space<vmem>>)
      %dma_wait3A_218 = arith.constant 3 : i32
      %dma_wait3A_219 = arith.constant 128 : i32
      %dma_wait3A_220 = arith.constant 0 : i32
      %dma_wait3A_221 = tpu.memref_slice %arg17[%dma_wait3A_219, %dma_wait3A_220] : memref<256x128xf32, #tpu.memory_space<vmem>> -> memref<128x128xf32, #tpu.memory_space<vmem>>
      %dma_wait3A_222 = arith.constant 0 : i32
      %dma_wait3A_223 = tpu.memref_slice %arg31[%dma_wait3A_218, %dma_wait3A_222] : memref<4x128xi32, #tpu.memory_space<vmem>> -> memref<1x128xi32, #tpu.memory_space<vmem>>
      %dma_wait3A_224 = tpu.memref_squeeze %dma_wait3A_223 : memref<1x128xi32, #tpu.memory_space<vmem>> -> memref<128xi32, #tpu.memory_space<vmem>>
      %dma_wait3A_225 = arith.constant 0 : i32
      %dma_wait3A_226 = arith.constant 0 : i32
      %dma_wait3A_227 = tpu.memref_slice %arg11[%dma_wait3A_225, %dma_wait3A_226] : memref<2056x128xf32, #tpu.memory_space<hbm>> -> memref<2056x128xf32, #tpu.memory_space<hbm>>
      tpu.wait_indirect_dma semaphore(%arg37 : memref<!tpu.dma_semaphore, #tpu.memory_space<semaphore_mem>>) src(%dma_wait3A_227 : memref<2056x128xf32, #tpu.memory_space<hbm>>) dst(%dma_wait3A_221 : memref<128x128xf32, #tpu.memory_space<vmem>>)
      %dma_start3A_228 = arith.constant 2 : i32
      %dma_start3A_229 = arith.constant 0 : i32
      %dma_start3A_230 = arith.constant 0 : i32
      %dma_start3A_231 = tpu.memref_slice %arg17[%dma_start3A_229, %dma_start3A_230] : memref<256x128xf32, #tpu.memory_space<vmem>> -> memref<128x128xf32, #tpu.memory_space<vmem>>
      %dma_start3A_232 = arith.constant 0 : i32
      %dma_start3A_233 = tpu.memref_slice %arg32[%dma_start3A_228, %dma_start3A_232] : memref<4x128xi32, #tpu.memory_space<vmem>> -> memref<1x128xi32, #tpu.memory_space<vmem>>
      %dma_start3A_234 = tpu.memref_squeeze %dma_start3A_233 : memref<1x128xi32, #tpu.memory_space<vmem>> -> memref<128xi32, #tpu.memory_space<vmem>>
      %dma_start3A_235 = arith.constant 0 : i32
      %dma_start3A_236 = arith.constant 0 : i32
      %dma_start3A_237 = tpu.memref_slice %arg15[%dma_start3A_235, %dma_start3A_236] : memref<2048x128xf32, #tpu.memory_space<vmem_shared>> -> memref<2048x128xf32, #tpu.memory_space<vmem_shared>>
      tpu.enqueue_indirect_dma source(%dma_start3A_231 : memref<128x128xf32, #tpu.memory_space<vmem>>) target(%dma_start3A_237 : memref<2048x128xf32, #tpu.memory_space<vmem_shared>>) offsets(%dma_start3A_234 : memref<128xi32, #tpu.memory_space<vmem>>) semaphore(%arg37 : memref<!tpu.dma_semaphore, #tpu.memory_space<semaphore_mem>>) {add = true}
      %dma_start3A_238 = arith.constant 3 : i32
      %dma_start3A_239 = arith.constant 128 : i32
      %dma_start3A_240 = arith.constant 0 : i32
      %dma_start3A_241 = tpu.memref_slice %arg17[%dma_start3A_239, %dma_start3A_240] : memref<256x128xf32, #tpu.memory_space<vmem>> -> memref<128x128xf32, #tpu.memory_space<vmem>>
      %dma_start3A_242 = arith.constant 0 : i32
      %dma_start3A_243 = tpu.memref_slice %arg32[%dma_start3A_238, %dma_start3A_242] : memref<4x128xi32, #tpu.memory_space<vmem>> -> memref<1x128xi32, #tpu.memory_space<vmem>>
      %dma_start3A_244 = tpu.memref_squeeze %dma_start3A_243 : memref<1x128xi32, #tpu.memory_space<vmem>> -> memref<128xi32, #tpu.memory_space<vmem>>
      %dma_start3A_245 = arith.constant 0 : i32
      %dma_start3A_246 = arith.constant 0 : i32
      %dma_start3A_247 = tpu.memref_slice %arg15[%dma_start3A_245, %dma_start3A_246] : memref<2048x128xf32, #tpu.memory_space<vmem_shared>> -> memref<2048x128xf32, #tpu.memory_space<vmem_shared>>
      tpu.enqueue_indirect_dma source(%dma_start3A_241 : memref<128x128xf32, #tpu.memory_space<vmem>>) target(%dma_start3A_247 : memref<2048x128xf32, #tpu.memory_space<vmem_shared>>) offsets(%dma_start3A_244 : memref<128xi32, #tpu.memory_space<vmem>>) semaphore(%arg37 : memref<!tpu.dma_semaphore, #tpu.memory_space<semaphore_mem>>) {add = true}
      %dma_wait3A_248 = arith.constant 2 : i32
      %dma_wait3A_249 = arith.constant 0 : i32
      %dma_wait3A_250 = arith.constant 0 : i32
      %dma_wait3A_251 = tpu.memref_slice %arg17[%dma_wait3A_249, %dma_wait3A_250] : memref<256x128xf32, #tpu.memory_space<vmem>> -> memref<128x128xf32, #tpu.memory_space<vmem>>
      %dma_wait3A_252 = arith.constant 0 : i32
      %dma_wait3A_253 = tpu.memref_slice %arg32[%dma_wait3A_248, %dma_wait3A_252] : memref<4x128xi32, #tpu.memory_space<vmem>> -> memref<1x128xi32, #tpu.memory_space<vmem>>
      %dma_wait3A_254 = tpu.memref_squeeze %dma_wait3A_253 : memref<1x128xi32, #tpu.memory_space<vmem>> -> memref<128xi32, #tpu.memory_space<vmem>>
      %dma_wait3A_255 = arith.constant 0 : i32
      %dma_wait3A_256 = arith.constant 0 : i32
      %dma_wait3A_257 = tpu.memref_slice %arg15[%dma_wait3A_255, %dma_wait3A_256] : memref<2048x128xf32, #tpu.memory_space<vmem_shared>> -> memref<2048x128xf32, #tpu.memory_space<vmem_shared>>
      tpu.wait_indirect_dma semaphore(%arg37 : memref<!tpu.dma_semaphore, #tpu.memory_space<semaphore_mem>>) src(%dma_wait3A_251 : memref<128x128xf32, #tpu.memory_space<vmem>>) dst(%dma_wait3A_257 : memref<2048x128xf32, #tpu.memory_space<vmem_shared>>)
      %dma_wait3A_258 = arith.constant 3 : i32
      %dma_wait3A_259 = arith.constant 128 : i32
      %dma_wait3A_260 = arith.constant 0 : i32
      %dma_wait3A_261 = tpu.memref_slice %arg17[%dma_wait3A_259, %dma_wait3A_260] : memref<256x128xf32, #tpu.memory_space<vmem>> -> memref<128x128xf32, #tpu.memory_space<vmem>>
      %dma_wait3A_262 = arith.constant 0 : i32
      %dma_wait3A_263 = tpu.memref_slice %arg32[%dma_wait3A_258, %dma_wait3A_262] : memref<4x128xi32, #tpu.memory_space<vmem>> -> memref<1x128xi32, #tpu.memory_space<vmem>>
      %dma_wait3A_264 = tpu.memref_squeeze %dma_wait3A_263 : memref<1x128xi32, #tpu.memory_space<vmem>> -> memref<128xi32, #tpu.memory_space<vmem>>
      %dma_wait3A_265 = arith.constant 0 : i32
      %dma_wait3A_266 = arith.constant 0 : i32
      %dma_wait3A_267 = tpu.memref_slice %arg15[%dma_wait3A_265, %dma_wait3A_266] : memref<2048x128xf32, #tpu.memory_space<vmem_shared>> -> memref<2048x128xf32, #tpu.memory_space<vmem_shared>>
      tpu.wait_indirect_dma semaphore(%arg37 : memref<!tpu.dma_semaphore, #tpu.memory_space<semaphore_mem>>) src(%dma_wait3A_261 : memref<128x128xf32, #tpu.memory_space<vmem>>) dst(%dma_wait3A_267 : memref<2048x128xf32, #tpu.memory_space<vmem_shared>>)
      %barrier3A_268 = arith.constant 0 : index
      tpu.barrier barrier_id(%barrier3A_268)
      %mul3A_269 = arith.constant 128 : i32
      %mul3A_270 = arith.muli %arg1, %mul3A_269 : i32
      "tpu.region"() ({
        %run_scoped3A = tpu.sem_alloc : memref<!tpu.dma_semaphore, #tpu.memory_space<semaphore_mem>>
        %dma_start3A_285 = arith.constant 128 : i32
        %dma_start3A_286 = arith.constant 0 : i32
        %dma_start3A_287 = tpu.memref_slice %arg17[%dma_start3A_285, %dma_start3A_286] : memref<256x128xf32, #tpu.memory_space<vmem>> -> memref<128x128xf32, #tpu.memory_space<vmem>>
        %dma_start3A_288 = arith.constant 0 : i32
        %dma_start3A_289 = tpu.memref_slice %arg15[%mul3A_270, %dma_start3A_288] : memref<2048x128xf32, #tpu.memory_space<vmem_shared>> -> memref<128x128xf32, #tpu.memory_space<vmem_shared>>
        %dma_start3A_290 = arith.constant 128 : i32
        %dma_start3A_291 = arith.constant 0 : i32
        %dma_start3A_292 = tpu.memref_slice %arg17[%dma_start3A_290, %dma_start3A_291] : memref<256x128xf32, #tpu.memory_space<vmem>> -> memref<128x128xf32, #tpu.memory_space<vmem>>
        %dma_start3A_293 = arith.constant 0 : i32
        %dma_start3A_294 = tpu.memref_slice %arg15[%mul3A_270, %dma_start3A_293] : memref<2048x128xf32, #tpu.memory_space<vmem_shared>> -> memref<128x128xf32, #tpu.memory_space<vmem_shared>>
        tpu.enqueue_dma source(%dma_start3A_294 : memref<128x128xf32, #tpu.memory_space<vmem_shared>>) target(%dma_start3A_292 : memref<128x128xf32, #tpu.memory_space<vmem>>) target_semaphore(%run_scoped3A : memref<!tpu.dma_semaphore, #tpu.memory_space<semaphore_mem>>)
        %dma_wait3A_295 = arith.constant 128 : i32
        %dma_wait3A_296 = arith.constant 0 : i32
        %dma_wait3A_297 = tpu.memref_slice %arg17[%dma_wait3A_295, %dma_wait3A_296] : memref<256x128xf32, #tpu.memory_space<vmem>> -> memref<128x128xf32, #tpu.memory_space<vmem>>
        %dma_wait3A_298 = arith.constant 0 : i32
        %dma_wait3A_299 = tpu.memref_slice %arg15[%mul3A_270, %dma_wait3A_298] : memref<2048x128xf32, #tpu.memory_space<vmem_shared>> -> memref<128x128xf32, #tpu.memory_space<vmem_shared>>
        %dma_wait3A_300 = arith.constant 128 : i32
        %dma_wait3A_301 = arith.constant 0 : i32
        %dma_wait3A_302 = tpu.memref_slice %arg17[%dma_wait3A_300, %dma_wait3A_301] : memref<256x128xf32, #tpu.memory_space<vmem>> -> memref<128x128xf32, #tpu.memory_space<vmem>>
        %dma_wait3A_303 = arith.constant 0 : i32
        %dma_wait3A_304 = tpu.memref_slice %arg15[%mul3A_270, %dma_wait3A_303] : memref<2048x128xf32, #tpu.memory_space<vmem_shared>> -> memref<128x128xf32, #tpu.memory_space<vmem_shared>>
        tpu.wait_dma2 semaphore(%run_scoped3A : memref<!tpu.dma_semaphore, #tpu.memory_space<semaphore_mem>>) src(%dma_wait3A_304 : memref<128x128xf32, #tpu.memory_space<vmem_shared>>) dst(%dma_wait3A_302 : memref<128x128xf32, #tpu.memory_space<vmem>>)
        tpu.yield
      }) : () -> ()
      "tpu.region"() ({
        %run_scoped3A = tpu.sem_alloc : memref<!tpu.dma_semaphore, #tpu.memory_space<semaphore_mem>>
        %dma_start3A_285 = tpu.memref_slice %arg3[%mul3A_270] : memref<2048xi32, #tpu.memory_space<hbm>> -> memref<128xi32, #tpu.memory_space<hbm>>
        %dma_start3A_286 = tpu.memref_slice %arg3[%mul3A_270] : memref<2048xi32, #tpu.memory_space<hbm>> -> memref<128xi32, #tpu.memory_space<hbm>>
        tpu.enqueue_dma source(%dma_start3A_286 : memref<128xi32, #tpu.memory_space<hbm>>) target(%arg35 : memref<128xi32, #tpu.memory_space<vmem>>) target_semaphore(%run_scoped3A : memref<!tpu.dma_semaphore, #tpu.memory_space<semaphore_mem>>)
        %dma_wait3A_287 = tpu.memref_slice %arg3[%mul3A_270] : memref<2048xi32, #tpu.memory_space<hbm>> -> memref<128xi32, #tpu.memory_space<hbm>>
        %dma_wait3A_288 = tpu.memref_slice %arg3[%mul3A_270] : memref<2048xi32, #tpu.memory_space<hbm>> -> memref<128xi32, #tpu.memory_space<hbm>>
        tpu.wait_dma2 semaphore(%run_scoped3A : memref<!tpu.dma_semaphore, #tpu.memory_space<semaphore_mem>>) src(%dma_wait3A_288 : memref<128xi32, #tpu.memory_space<hbm>>) dst(%arg35 : memref<128xi32, #tpu.memory_space<vmem>>)
        tpu.yield
      }) : () -> ()
      %scan3A_271 = arith.constant 0 : i32
      %scan3A_272 = arith.constant 0 : i32
      %scan3A_273 = arith.constant 8 : i32
      %scan3A_274 = arith.addi %scan3A_272, %scan3A_273 : i32
      %scan3A_275 = arith.constant 1 : i32
      %scan3A_276 = scf.for %scan3A_285 = %scan3A_272 to %scan3A_274 step %scan3A_275 iter_args(%scan3A_286 = %scan3A_271) -> (i32)  : i32 {
        %mul3A_287 = arith.constant 16 : i32
        %mul3A_288 = arith.muli %scan3A_285, %mul3A_287 : i32
        %get3A = arith.index_cast %mul3A_288 : i32 to index
        %get3A_289 = tpu.vector_load %arg35[%get3A] {strides = array<i32>} : memref<128xi32, #tpu.memory_space<vmem>>, vector<16xi32>,
        %add3A = arith.constant 0 : i32
        %add3A_290 = vector.broadcast %add3A : i32 to vector<16xi32>
        %add3A_291 = arith.addi %get3A_289, %add3A_290 : vector<16xi32>
        %gather3A = tpu.vector_load_idx %arg34[%add3A_291] : memref<4096xf32, #tpu.memory_space<vmem>>[vector<16xi32>], vector<16xf32>,
        %mul3A_292 = arith.constant 16 : i32
        %mul3A_293 = arith.muli %scan3A_285, %mul3A_292 : i32
        %add3A_294 = arith.constant 0 : i32
        %add3A_295 = arith.addi %add3A_294, %mul3A_293 : i32
        %swap3A = arith.index_cast %add3A_295 : i32 to index
        %swap3A_296 = tpu.vector_load %arg33[%swap3A] {strides = array<i32>} : memref<512xf32, #tpu.memory_space<vmem>>, vector<16xf32>,
        tpu.vector_store %arg33[%swap3A], %gather3A {strides = array<i32>} : memref<512xf32, #tpu.memory_space<vmem>>, vector<16xf32>,
        %add3A_297 = arith.constant 1024 : i32
        %add3A_298 = vector.broadcast %add3A_297 : i32 to vector<16xi32>
        %add3A_299 = arith.addi %get3A_289, %add3A_298 : vector<16xi32>
        %gather3A_300 = tpu.vector_load_idx %arg34[%add3A_299] : memref<4096xf32, #tpu.memory_space<vmem>>[vector<16xi32>], vector<16xf32>,
        %mul3A_301 = arith.constant 16 : i32
        %mul3A_302 = arith.muli %scan3A_285, %mul3A_301 : i32
        %add3A_303 = arith.constant 128 : i32
        %add3A_304 = arith.addi %add3A_303, %mul3A_302 : i32
        %swap3A_305 = arith.index_cast %add3A_304 : i32 to index
        %swap3A_306 = tpu.vector_load %arg33[%swap3A_305] {strides = array<i32>} : memref<512xf32, #tpu.memory_space<vmem>>, vector<16xf32>,
        tpu.vector_store %arg33[%swap3A_305], %gather3A_300 {strides = array<i32>} : memref<512xf32, #tpu.memory_space<vmem>>, vector<16xf32>,
        %add3A_307 = arith.constant 2048 : i32
        %add3A_308 = vector.broadcast %add3A_307 : i32 to vector<16xi32>
        %add3A_309 = arith.addi %get3A_289, %add3A_308 : vector<16xi32>
        %gather3A_310 = tpu.vector_load_idx %arg34[%add3A_309] : memref<4096xf32, #tpu.memory_space<vmem>>[vector<16xi32>], vector<16xf32>,
        %mul3A_311 = arith.constant 16 : i32
        %mul3A_312 = arith.muli %scan3A_285, %mul3A_311 : i32
        %add3A_313 = arith.constant 256 : i32
        %add3A_314 = arith.addi %add3A_313, %mul3A_312 : i32
        %swap3A_315 = arith.index_cast %add3A_314 : i32 to index
        %swap3A_316 = tpu.vector_load %arg33[%swap3A_315] {strides = array<i32>} : memref<512xf32, #tpu.memory_space<vmem>>, vector<16xf32>,
        tpu.vector_store %arg33[%swap3A_315], %gather3A_310 {strides = array<i32>} : memref<512xf32, #tpu.memory_space<vmem>>, vector<16xf32>,
        %add3A_317 = arith.constant 3072 : i32
        %add3A_318 = vector.broadcast %add3A_317 : i32 to vector<16xi32>
        %add3A_319 = arith.addi %get3A_289, %add3A_318 : vector<16xi32>
        %gather3A_320 = tpu.vector_load_idx %arg34[%add3A_319] : memref<4096xf32, #tpu.memory_space<vmem>>[vector<16xi32>], vector<16xf32>,
        %mul3A_321 = arith.constant 16 : i32
        %mul3A_322 = arith.muli %scan3A_285, %mul3A_321 : i32
        %add3A_323 = arith.constant 384 : i32
        %add3A_324 = arith.addi %add3A_323, %mul3A_322 : i32
        %swap3A_325 = arith.index_cast %add3A_324 : i32 to index
        %swap3A_326 = tpu.vector_load %arg33[%swap3A_325] {strides = array<i32>} : memref<512xf32, #tpu.memory_space<vmem>>, vector<16xf32>,
        tpu.vector_store %arg33[%swap3A_325], %gather3A_320 {strides = array<i32>} : memref<512xf32, #tpu.memory_space<vmem>>, vector<16xf32>,
        %scan3A_327 = arith.constant 0 : i32
        scf.yield %scan3A_327 : i32
      }
      %scan3A_277 = arith.constant 8 : i32
      %scan3A_278 = arith.constant 0 : i32
      %scan3A_279 = arith.constant 0 : i32
      %scan3A_280 = arith.constant 128 : i32
      %scan3A_281 = arith.addi %scan3A_279, %scan3A_280 : i32
      %scan3A_282 = arith.constant 4 : i32
      %scan3A_283 = scf.for %scan3A_285 = %scan3A_279 to %scan3A_281 step %scan3A_282 iter_args(%scan3A_286 = %scan3A_278) -> (i32)  : i32 {
        %jit3A = arith.constant 16 : i32
        %div3A = arith.divsi %scan3A_285, %jit3A : i32
        %sign3A = arith.constant 0 : i32
        %sign3A_287 = arith.cmpi sgt, %scan3A_285, %sign3A : i32
        %sign3A_288 = arith.extui %sign3A_287 : i1 to i32
        %sign3A_289 = arith.constant 0 : i32
        %sign3A_290 = arith.cmpi slt, %scan3A_285, %sign3A_289 : i32
        %sign3A_291 = arith.extui %sign3A_290 : i1 to i32
        %sign3A_292 = arith.subi %sign3A_288, %sign3A_291 : i32
        %sign3A_293 = arith.constant 0 : i32
        %sign3A_294 = arith.cmpi sgt, %jit3A, %sign3A_293 : i32
        %sign3A_295 = arith.extui %sign3A_294 : i1 to i32
        %sign3A_296 = arith.constant 0 : i32
        %sign3A_297 = arith.cmpi slt, %jit3A, %sign3A_296 : i32
        %sign3A_298 = arith.extui %sign3A_297 : i1 to i32
        %sign3A_299 = arith.subi %sign3A_295, %sign3A_298 : i32
        %ne3A = arith.cmpi ne, %sign3A_292, %sign3A_299 : i32
        %rem3A = arith.remsi %scan3A_285, %jit3A : i32
        %ne3A_300 = arith.constant 0 : i32
        %ne3A_301 = arith.cmpi ne, %rem3A, %ne3A_300 : i32
        %and3A = arith.andi %ne3A, %ne3A_301 : i1
        %sub3A = arith.constant 1 : i32
        %sub3A_302 = arith.subi %div3A, %sub3A : i32
        %select_n3A = arith.select %and3A, %sub3A_302, %div3A : i32
        %mul3A_303 = arith.constant 16 : i32
        %mul3A_304 = arith.muli %select_n3A, %mul3A_303 : i32
        %sub3A_305 = arith.subi %scan3A_285, %mul3A_304 : i32
        %broadcast_in_dim3A = arith.constant 0.000000e+00 : f32
        %broadcast_in_dim3A_306 = vector.broadcast %broadcast_in_dim3A : f32 to vector<16xf32>
        %add3A = arith.constant 0 : i32
        %add3A_307 = arith.addi %add3A, %mul3A_304 : i32
        %get3A = arith.index_cast %add3A_307 : i32 to index
        %get3A_308 = tpu.vector_load %arg33[%get3A] {strides = array<i32>} : memref<512xf32, #tpu.memory_space<vmem>>, vector<16xf32>,
        %broadcast_in_dim3A_309 = vector.broadcast %sub3A_305 : i32 to vector<16x1xi32>
        %gather3A = vector.shape_cast %broadcast_in_dim3A_309 : vector<16x1xi32> to vector<16xi32>
        %gather3A_310 = tpu.dynamic_gather %get3A_308[%gather3A] in [0] : vector<16xf32>, vector<16xi32> -> vector<16xf32>
        %add3A_311 = arith.constant 128 : i32
        %add3A_312 = arith.addi %add3A_311, %scan3A_285 : i32
        %get3A_313 = arith.index_cast %add3A_312 : i32 to index
        %get3A_314 = arith.constant 0 : index
        %get3A_315 = tpu.vector_load %arg17[%get3A_313, %get3A_314] {strides = array<i32>} : memref<256x128xf32, #tpu.memory_space<vmem>>, vector<16xf32>,
        %mul3A_316 = arith.mulf %gather3A_310, %get3A_315 : vector<16xf32>
        %add3A_317 = arith.addf %broadcast_in_dim3A_306, %mul3A_316 : vector<16xf32>
        %add3A_318 = arith.constant 128 : i32
        %add3A_319 = arith.addi %add3A_318, %mul3A_304 : i32
        %get3A_320 = arith.index_cast %add3A_319 : i32 to index
        %get3A_321 = tpu.vector_load %arg33[%get3A_320] {strides = array<i32>} : memref<512xf32, #tpu.memory_space<vmem>>, vector<16xf32>,
        %broadcast_in_dim3A_322 = vector.broadcast %sub3A_305 : i32 to vector<16x1xi32>
        %gather3A_323 = vector.shape_cast %broadcast_in_dim3A_322 : vector<16x1xi32> to vector<16xi32>
        %gather3A_324 = tpu.dynamic_gather %get3A_321[%gather3A_323] in [0] : vector<16xf32>, vector<16xi32> -> vector<16xf32>
        %add3A_325 = arith.constant 128 : i32
        %add3A_326 = arith.addi %add3A_325, %scan3A_285 : i32
        %get3A_327 = arith.index_cast %add3A_326 : i32 to index
        %get3A_328 = arith.constant 16 : index
        %get3A_329 = tpu.vector_load %arg17[%get3A_327, %get3A_328] {strides = array<i32>} : memref<256x128xf32, #tpu.memory_space<vmem>>, vector<16xf32>,
        %mul3A_330 = arith.mulf %gather3A_324, %get3A_329 : vector<16xf32>
        %add3A_331 = arith.addf %add3A_317, %mul3A_330 : vector<16xf32>
        %add3A_332 = arith.constant 256 : i32
        %add3A_333 = arith.addi %add3A_332, %mul3A_304 : i32
        %get3A_334 = arith.index_cast %add3A_333 : i32 to index
        %get3A_335 = tpu.vector_load %arg33[%get3A_334] {strides = array<i32>} : memref<512xf32, #tpu.memory_space<vmem>>, vector<16xf32>,
        %broadcast_in_dim3A_336 = vector.broadcast %sub3A_305 : i32 to vector<16x1xi32>
        %gather3A_337 = vector.shape_cast %broadcast_in_dim3A_336 : vector<16x1xi32> to vector<16xi32>
        %gather3A_338 = tpu.dynamic_gather %get3A_335[%gather3A_337] in [0] : vector<16xf32>, vector<16xi32> -> vector<16xf32>
        %add3A_339 = arith.constant 128 : i32
        %add3A_340 = arith.addi %add3A_339, %scan3A_285 : i32
        %get3A_341 = arith.index_cast %add3A_340 : i32 to index
        %get3A_342 = arith.constant 32 : index
        %get3A_343 = tpu.vector_load %arg17[%get3A_341, %get3A_342] {strides = array<i32>} : memref<256x128xf32, #tpu.memory_space<vmem>>, vector<16xf32>,
        %mul3A_344 = arith.mulf %gather3A_338, %get3A_343 : vector<16xf32>
        %add3A_345 = arith.addf %add3A_331, %mul3A_344 : vector<16xf32>
        %add3A_346 = arith.constant 384 : i32
        %add3A_347 = arith.addi %add3A_346, %mul3A_304 : i32
        %get3A_348 = arith.index_cast %add3A_347 : i32 to index
        %get3A_349 = tpu.vector_load %arg33[%get3A_348] {strides = array<i32>} : memref<512xf32, #tpu.memory_space<vmem>>, vector<16xf32>,
        %broadcast_in_dim3A_350 = vector.broadcast %sub3A_305 : i32 to vector<16x1xi32>
        %gather3A_351 = vector.shape_cast %broadcast_in_dim3A_350 : vector<16x1xi32> to vector<16xi32>
        %gather3A_352 = tpu.dynamic_gather %get3A_349[%gather3A_351] in [0] : vector<16xf32>, vector<16xi32> -> vector<16xf32>
        %add3A_353 = arith.constant 128 : i32
        %add3A_354 = arith.addi %add3A_353, %scan3A_285 : i32
        %get3A_355 = arith.index_cast %add3A_354 : i32 to index
        %get3A_356 = arith.constant 48 : index
        %get3A_357 = tpu.vector_load %arg17[%get3A_355, %get3A_356] {strides = array<i32>} : memref<256x128xf32, #tpu.memory_space<vmem>>, vector<16xf32>,
        %mul3A_358 = arith.mulf %gather3A_352, %get3A_357 : vector<16xf32>
        %add3A_359 = arith.addf %add3A_345, %mul3A_358 : vector<16xf32>
        %swap3A = arith.index_cast %scan3A_285 : i32 to index
        %swap3A_360 = arith.constant 0 : index
        %swap3A_361 = tpu.vector_load %arg36[%swap3A, %swap3A_360] {strides = array<i32>} : memref<128x16xf32, #tpu.memory_space<vmem>>, vector<16xf32>,
        tpu.vector_store %arg36[%swap3A, %swap3A_360], %add3A_359 {strides = array<i32>} : memref<128x16xf32, #tpu.memory_space<vmem>>, vector<16xf32>,
        %scan3A_362 = arith.constant 0 : i32
        %scan3A_363 = arith.constant 1 : i32
        %scan3A_364 = arith.addi %scan3A_285, %scan3A_363 : i32
        %jit3A_365 = arith.constant 16 : i32
        %div3A_366 = arith.divsi %scan3A_364, %jit3A_365 : i32
        %sign3A_367 = arith.constant 0 : i32
        %sign3A_368 = arith.cmpi sgt, %scan3A_364, %sign3A_367 : i32
        %sign3A_369 = arith.extui %sign3A_368 : i1 to i32
        %sign3A_370 = arith.constant 0 : i32
        %sign3A_371 = arith.cmpi slt, %scan3A_364, %sign3A_370 : i32
        %sign3A_372 = arith.extui %sign3A_371 : i1 to i32
        %sign3A_373 = arith.subi %sign3A_369, %sign3A_372 : i32
        %sign3A_374 = arith.constant 0 : i32
        %sign3A_375 = arith.cmpi sgt, %jit3A_365, %sign3A_374 : i32
        %sign3A_376 = arith.extui %sign3A_375 : i1 to i32
        %sign3A_377 = arith.constant 0 : i32
        %sign3A_378 = arith.cmpi slt, %jit3A_365, %sign3A_377 : i32
        %sign3A_379 = arith.extui %sign3A_378 : i1 to i32
        %sign3A_380 = arith.subi %sign3A_376, %sign3A_379 : i32
        %ne3A_381 = arith.cmpi ne, %sign3A_373, %sign3A_380 : i32
        %rem3A_382 = arith.remsi %scan3A_364, %jit3A_365 : i32
        %ne3A_383 = arith.constant 0 : i32
        %ne3A_384 = arith.cmpi ne, %rem3A_382, %ne3A_383 : i32
        %and3A_385 = arith.andi %ne3A_381, %ne3A_384 : i1
        %sub3A_386 = arith.constant 1 : i32
        %sub3A_387 = arith.subi %div3A_366, %sub3A_386 : i32
        %select_n3A_388 = arith.select %and3A_385, %sub3A_387, %div3A_366 : i32
        %mul3A_389 = arith.constant 16 : i32
        %mul3A_390 = arith.muli %select_n3A_388, %mul3A_389 : i32
        %sub3A_391 = arith.subi %scan3A_364, %mul3A_390 : i32
        %broadcast_in_dim3A_392 = arith.constant 0.000000e+00 : f32
        %broadcast_in_dim3A_393 = vector.broadcast %broadcast_in_dim3A_392 : f32 to vector<16xf32>
        %add3A_394 = arith.constant 0 : i32
        %add3A_395 = arith.addi %add3A_394, %mul3A_390 : i32
        %get3A_396 = arith.index_cast %add3A_395 : i32 to index
        %get3A_397 = tpu.vector_load %arg33[%get3A_396] {strides = array<i32>} : memref<512xf32, #tpu.memory_space<vmem>>, vector<16xf32>,
        %broadcast_in_dim3A_398 = vector.broadcast %sub3A_391 : i32 to vector<16x1xi32>
        %gather3A_399 = vector.shape_cast %broadcast_in_dim3A_398 : vector<16x1xi32> to vector<16xi32>
        %gather3A_400 = tpu.dynamic_gather %get3A_397[%gather3A_399] in [0] : vector<16xf32>, vector<16xi32> -> vector<16xf32>
        %add3A_401 = arith.constant 128 : i32
        %add3A_402 = arith.addi %add3A_401, %scan3A_364 : i32
        %get3A_403 = arith.index_cast %add3A_402 : i32 to index
        %get3A_404 = arith.constant 0 : index
        %get3A_405 = tpu.vector_load %arg17[%get3A_403, %get3A_404] {strides = array<i32>} : memref<256x128xf32, #tpu.memory_space<vmem>>, vector<16xf32>,
        %mul3A_406 = arith.mulf %gather3A_400, %get3A_405 : vector<16xf32>
        %add3A_407 = arith.addf %broadcast_in_dim3A_393, %mul3A_406 : vector<16xf32>
        %add3A_408 = arith.constant 128 : i32
        %add3A_409 = arith.addi %add3A_408, %mul3A_390 : i32
        %get3A_410 = arith.index_cast %add3A_409 : i32 to index
        %get3A_411 = tpu.vector_load %arg33[%get3A_410] {strides = array<i32>} : memref<512xf32, #tpu.memory_space<vmem>>, vector<16xf32>,
        %broadcast_in_dim3A_412 = vector.broadcast %sub3A_391 : i32 to vector<16x1xi32>
        %gather3A_413 = vector.shape_cast %broadcast_in_dim3A_412 : vector<16x1xi32> to vector<16xi32>
        %gather3A_414 = tpu.dynamic_gather %get3A_411[%gather3A_413] in [0] : vector<16xf32>, vector<16xi32> -> vector<16xf32>
        %add3A_415 = arith.constant 128 : i32
        %add3A_416 = arith.addi %add3A_415, %scan3A_364 : i32
        %get3A_417 = arith.index_cast %add3A_416 : i32 to index
        %get3A_418 = arith.constant 16 : index
        %get3A_419 = tpu.vector_load %arg17[%get3A_417, %get3A_418] {strides = array<i32>} : memref<256x128xf32, #tpu.memory_space<vmem>>, vector<16xf32>,
        %mul3A_420 = arith.mulf %gather3A_414, %get3A_419 : vector<16xf32>
        %add3A_421 = arith.addf %add3A_407, %mul3A_420 : vector<16xf32>
        %add3A_422 = arith.constant 256 : i32
        %add3A_423 = arith.addi %add3A_422, %mul3A_390 : i32
        %get3A_424 = arith.index_cast %add3A_423 : i32 to index
        %get3A_425 = tpu.vector_load %arg33[%get3A_424] {strides = array<i32>} : memref<512xf32, #tpu.memory_space<vmem>>, vector<16xf32>,
        %broadcast_in_dim3A_426 = vector.broadcast %sub3A_391 : i32 to vector<16x1xi32>
        %gather3A_427 = vector.shape_cast %broadcast_in_dim3A_426 : vector<16x1xi32> to vector<16xi32>
        %gather3A_428 = tpu.dynamic_gather %get3A_425[%gather3A_427] in [0] : vector<16xf32>, vector<16xi32> -> vector<16xf32>
        %add3A_429 = arith.constant 128 : i32
        %add3A_430 = arith.addi %add3A_429, %scan3A_364 : i32
        %get3A_431 = arith.index_cast %add3A_430 : i32 to index
        %get3A_432 = arith.constant 32 : index
        %get3A_433 = tpu.vector_load %arg17[%get3A_431, %get3A_432] {strides = array<i32>} : memref<256x128xf32, #tpu.memory_space<vmem>>, vector<16xf32>,
        %mul3A_434 = arith.mulf %gather3A_428, %get3A_433 : vector<16xf32>
        %add3A_435 = arith.addf %add3A_421, %mul3A_434 : vector<16xf32>
        %add3A_436 = arith.constant 384 : i32
        %add3A_437 = arith.addi %add3A_436, %mul3A_390 : i32
        %get3A_438 = arith.index_cast %add3A_437 : i32 to index
        %get3A_439 = tpu.vector_load %arg33[%get3A_438] {strides = array<i32>} : memref<512xf32, #tpu.memory_space<vmem>>, vector<16xf32>,
        %broadcast_in_dim3A_440 = vector.broadcast %sub3A_391 : i32 to vector<16x1xi32>
        %gather3A_441 = vector.shape_cast %broadcast_in_dim3A_440 : vector<16x1xi32> to vector<16xi32>
        %gather3A_442 = tpu.dynamic_gather %get3A_439[%gather3A_441] in [0] : vector<16xf32>, vector<16xi32> -> vector<16xf32>
        %add3A_443 = arith.constant 128 : i32
        %add3A_444 = arith.addi %add3A_443, %scan3A_364 : i32
        %get3A_445 = arith.index_cast %add3A_444 : i32 to index
        %get3A_446 = arith.constant 48 : index
        %get3A_447 = tpu.vector_load %arg17[%get3A_445, %get3A_446] {strides = array<i32>} : memref<256x128xf32, #tpu.memory_space<vmem>>, vector<16xf32>,
        %mul3A_448 = arith.mulf %gather3A_442, %get3A_447 : vector<16xf32>
        %add3A_449 = arith.addf %add3A_435, %mul3A_448 : vector<16xf32>
        %swap3A_450 = arith.index_cast %scan3A_364 : i32 to index
        %swap3A_451 = arith.constant 0 : index
        %swap3A_452 = tpu.vector_load %arg36[%swap3A_450, %swap3A_451] {strides = array<i32>} : memref<128x16xf32, #tpu.memory_space<vmem>>, vector<16xf32>,
        tpu.vector_store %arg36[%swap3A_450, %swap3A_451], %add3A_449 {strides = array<i32>} : memref<128x16xf32, #tpu.memory_space<vmem>>, vector<16xf32>,
        %scan3A_453 = arith.constant 0 : i32
        %scan3A_454 = arith.constant 2 : i32
        %scan3A_455 = arith.addi %scan3A_285, %scan3A_454 : i32
        %jit3A_456 = arith.constant 16 : i32
        %div3A_457 = arith.divsi %scan3A_455, %jit3A_456 : i32
        %sign3A_458 = arith.constant 0 : i32
        %sign3A_459 = arith.cmpi sgt, %scan3A_455, %sign3A_458 : i32
        %sign3A_460 = arith.extui %sign3A_459 : i1 to i32
        %sign3A_461 = arith.constant 0 : i32
        %sign3A_462 = arith.cmpi slt, %scan3A_455, %sign3A_461 : i32
        %sign3A_463 = arith.extui %sign3A_462 : i1 to i32
        %sign3A_464 = arith.subi %sign3A_460, %sign3A_463 : i32
        %sign3A_465 = arith.constant 0 : i32
        %sign3A_466 = arith.cmpi sgt, %jit3A_456, %sign3A_465 : i32
        %sign3A_467 = arith.extui %sign3A_466 : i1 to i32
        %sign3A_468 = arith.constant 0 : i32
        %sign3A_469 = arith.cmpi slt, %jit3A_456, %sign3A_468 : i32
        %sign3A_470 = arith.extui %sign3A_469 : i1 to i32
        %sign3A_471 = arith.subi %sign3A_467, %sign3A_470 : i32
        %ne3A_472 = arith.cmpi ne, %sign3A_464, %sign3A_471 : i32
        %rem3A_473 = arith.remsi %scan3A_455, %jit3A_456 : i32
        %ne3A_474 = arith.constant 0 : i32
        %ne3A_475 = arith.cmpi ne, %rem3A_473, %ne3A_474 : i32
        %and3A_476 = arith.andi %ne3A_472, %ne3A_475 : i1
        %sub3A_477 = arith.constant 1 : i32
        %sub3A_478 = arith.subi %div3A_457, %sub3A_477 : i32
        %select_n3A_479 = arith.select %and3A_476, %sub3A_478, %div3A_457 : i32
        %mul3A_480 = arith.constant 16 : i32
        %mul3A_481 = arith.muli %select_n3A_479, %mul3A_480 : i32
        %sub3A_482 = arith.subi %scan3A_455, %mul3A_481 : i32
        %broadcast_in_dim3A_483 = arith.constant 0.000000e+00 : f32
        %broadcast_in_dim3A_484 = vector.broadcast %broadcast_in_dim3A_483 : f32 to vector<16xf32>
        %add3A_485 = arith.constant 0 : i32
        %add3A_486 = arith.addi %add3A_485, %mul3A_481 : i32
        %get3A_487 = arith.index_cast %add3A_486 : i32 to index
        %get3A_488 = tpu.vector_load %arg33[%get3A_487] {strides = array<i32>} : memref<512xf32, #tpu.memory_space<vmem>>, vector<16xf32>,
        %broadcast_in_dim3A_489 = vector.broadcast %sub3A_482 : i32 to vector<16x1xi32>
        %gather3A_490 = vector.shape_cast %broadcast_in_dim3A_489 : vector<16x1xi32> to vector<16xi32>
        %gather3A_491 = tpu.dynamic_gather %get3A_488[%gather3A_490] in [0] : vector<16xf32>, vector<16xi32> -> vector<16xf32>
        %add3A_492 = arith.constant 128 : i32
        %add3A_493 = arith.addi %add3A_492, %scan3A_455 : i32
        %get3A_494 = arith.index_cast %add3A_493 : i32 to index
        %get3A_495 = arith.constant 0 : index
        %get3A_496 = tpu.vector_load %arg17[%get3A_494, %get3A_495] {strides = array<i32>} : memref<256x128xf32, #tpu.memory_space<vmem>>, vector<16xf32>,
        %mul3A_497 = arith.mulf %gather3A_491, %get3A_496 : vector<16xf32>
        %add3A_498 = arith.addf %broadcast_in_dim3A_484, %mul3A_497 : vector<16xf32>
        %add3A_499 = arith.constant 128 : i32
        %add3A_500 = arith.addi %add3A_499, %mul3A_481 : i32
        %get3A_501 = arith.index_cast %add3A_500 : i32 to index
        %get3A_502 = tpu.vector_load %arg33[%get3A_501] {strides = array<i32>} : memref<512xf32, #tpu.memory_space<vmem>>, vector<16xf32>,
        %broadcast_in_dim3A_503 = vector.broadcast %sub3A_482 : i32 to vector<16x1xi32>
        %gather3A_504 = vector.shape_cast %broadcast_in_dim3A_503 : vector<16x1xi32> to vector<16xi32>
        %gather3A_505 = tpu.dynamic_gather %get3A_502[%gather3A_504] in [0] : vector<16xf32>, vector<16xi32> -> vector<16xf32>
        %add3A_506 = arith.constant 128 : i32
        %add3A_507 = arith.addi %add3A_506, %scan3A_455 : i32
        %get3A_508 = arith.index_cast %add3A_507 : i32 to index
        %get3A_509 = arith.constant 16 : index
        %get3A_510 = tpu.vector_load %arg17[%get3A_508, %get3A_509] {strides = array<i32>} : memref<256x128xf32, #tpu.memory_space<vmem>>, vector<16xf32>,
        %mul3A_511 = arith.mulf %gather3A_505, %get3A_510 : vector<16xf32>
        %add3A_512 = arith.addf %add3A_498, %mul3A_511 : vector<16xf32>
        %add3A_513 = arith.constant 256 : i32
        %add3A_514 = arith.addi %add3A_513, %mul3A_481 : i32
        %get3A_515 = arith.index_cast %add3A_514 : i32 to index
        %get3A_516 = tpu.vector_load %arg33[%get3A_515] {strides = array<i32>} : memref<512xf32, #tpu.memory_space<vmem>>, vector<16xf32>,
        %broadcast_in_dim3A_517 = vector.broadcast %sub3A_482 : i32 to vector<16x1xi32>
        %gather3A_518 = vector.shape_cast %broadcast_in_dim3A_517 : vector<16x1xi32> to vector<16xi32>
        %gather3A_519 = tpu.dynamic_gather %get3A_516[%gather3A_518] in [0] : vector<16xf32>, vector<16xi32> -> vector<16xf32>
        %add3A_520 = arith.constant 128 : i32
        %add3A_521 = arith.addi %add3A_520, %scan3A_455 : i32
        %get3A_522 = arith.index_cast %add3A_521 : i32 to index
        %get3A_523 = arith.constant 32 : index
        %get3A_524 = tpu.vector_load %arg17[%get3A_522, %get3A_523] {strides = array<i32>} : memref<256x128xf32, #tpu.memory_space<vmem>>, vector<16xf32>,
        %mul3A_525 = arith.mulf %gather3A_519, %get3A_524 : vector<16xf32>
        %add3A_526 = arith.addf %add3A_512, %mul3A_525 : vector<16xf32>
        %add3A_527 = arith.constant 384 : i32
        %add3A_528 = arith.addi %add3A_527, %mul3A_481 : i32
        %get3A_529 = arith.index_cast %add3A_528 : i32 to index
        %get3A_530 = tpu.vector_load %arg33[%get3A_529] {strides = array<i32>} : memref<512xf32, #tpu.memory_space<vmem>>, vector<16xf32>,
        %broadcast_in_dim3A_531 = vector.broadcast %sub3A_482 : i32 to vector<16x1xi32>
        %gather3A_532 = vector.shape_cast %broadcast_in_dim3A_531 : vector<16x1xi32> to vector<16xi32>
        %gather3A_533 = tpu.dynamic_gather %get3A_530[%gather3A_532] in [0] : vector<16xf32>, vector<16xi32> -> vector<16xf32>
        %add3A_534 = arith.constant 128 : i32
        %add3A_535 = arith.addi %add3A_534, %scan3A_455 : i32
        %get3A_536 = arith.index_cast %add3A_535 : i32 to index
        %get3A_537 = arith.constant 48 : index
        %get3A_538 = tpu.vector_load %arg17[%get3A_536, %get3A_537] {strides = array<i32>} : memref<256x128xf32, #tpu.memory_space<vmem>>, vector<16xf32>,
        %mul3A_539 = arith.mulf %gather3A_533, %get3A_538 : vector<16xf32>
        %add3A_540 = arith.addf %add3A_526, %mul3A_539 : vector<16xf32>
        %swap3A_541 = arith.index_cast %scan3A_455 : i32 to index
        %swap3A_542 = arith.constant 0 : index
        %swap3A_543 = tpu.vector_load %arg36[%swap3A_541, %swap3A_542] {strides = array<i32>} : memref<128x16xf32, #tpu.memory_space<vmem>>, vector<16xf32>,
        tpu.vector_store %arg36[%swap3A_541, %swap3A_542], %add3A_540 {strides = array<i32>} : memref<128x16xf32, #tpu.memory_space<vmem>>, vector<16xf32>,
        %scan3A_544 = arith.constant 0 : i32
        %scan3A_545 = arith.constant 3 : i32
        %scan3A_546 = arith.addi %scan3A_285, %scan3A_545 : i32
        %jit3A_547 = arith.constant 16 : i32
        %div3A_548 = arith.divsi %scan3A_546, %jit3A_547 : i32
        %sign3A_549 = arith.constant 0 : i32
        %sign3A_550 = arith.cmpi sgt, %scan3A_546, %sign3A_549 : i32
        %sign3A_551 = arith.extui %sign3A_550 : i1 to i32
        %sign3A_552 = arith.constant 0 : i32
        %sign3A_553 = arith.cmpi slt, %scan3A_546, %sign3A_552 : i32
        %sign3A_554 = arith.extui %sign3A_553 : i1 to i32
        %sign3A_555 = arith.subi %sign3A_551, %sign3A_554 : i32
        %sign3A_556 = arith.constant 0 : i32
        %sign3A_557 = arith.cmpi sgt, %jit3A_547, %sign3A_556 : i32
        %sign3A_558 = arith.extui %sign3A_557 : i1 to i32
        %sign3A_559 = arith.constant 0 : i32
        %sign3A_560 = arith.cmpi slt, %jit3A_547, %sign3A_559 : i32
        %sign3A_561 = arith.extui %sign3A_560 : i1 to i32
        %sign3A_562 = arith.subi %sign3A_558, %sign3A_561 : i32
        %ne3A_563 = arith.cmpi ne, %sign3A_555, %sign3A_562 : i32
        %rem3A_564 = arith.remsi %scan3A_546, %jit3A_547 : i32
        %ne3A_565 = arith.constant 0 : i32
        %ne3A_566 = arith.cmpi ne, %rem3A_564, %ne3A_565 : i32
        %and3A_567 = arith.andi %ne3A_563, %ne3A_566 : i1
        %sub3A_568 = arith.constant 1 : i32
        %sub3A_569 = arith.subi %div3A_548, %sub3A_568 : i32
        %select_n3A_570 = arith.select %and3A_567, %sub3A_569, %div3A_548 : i32
        %mul3A_571 = arith.constant 16 : i32
        %mul3A_572 = arith.muli %select_n3A_570, %mul3A_571 : i32
        %sub3A_573 = arith.subi %scan3A_546, %mul3A_572 : i32
        %broadcast_in_dim3A_574 = arith.constant 0.000000e+00 : f32
        %broadcast_in_dim3A_575 = vector.broadcast %broadcast_in_dim3A_574 : f32 to vector<16xf32>
        %add3A_576 = arith.constant 0 : i32
        %add3A_577 = arith.addi %add3A_576, %mul3A_572 : i32
        %get3A_578 = arith.index_cast %add3A_577 : i32 to index
        %get3A_579 = tpu.vector_load %arg33[%get3A_578] {strides = array<i32>} : memref<512xf32, #tpu.memory_space<vmem>>, vector<16xf32>,
        %broadcast_in_dim3A_580 = vector.broadcast %sub3A_573 : i32 to vector<16x1xi32>
        %gather3A_581 = vector.shape_cast %broadcast_in_dim3A_580 : vector<16x1xi32> to vector<16xi32>
        %gather3A_582 = tpu.dynamic_gather %get3A_579[%gather3A_581] in [0] : vector<16xf32>, vector<16xi32> -> vector<16xf32>
        %add3A_583 = arith.constant 128 : i32
        %add3A_584 = arith.addi %add3A_583, %scan3A_546 : i32
        %get3A_585 = arith.index_cast %add3A_584 : i32 to index
        %get3A_586 = arith.constant 0 : index
        %get3A_587 = tpu.vector_load %arg17[%get3A_585, %get3A_586] {strides = array<i32>} : memref<256x128xf32, #tpu.memory_space<vmem>>, vector<16xf32>,
        %mul3A_588 = arith.mulf %gather3A_582, %get3A_587 : vector<16xf32>
        %add3A_589 = arith.addf %broadcast_in_dim3A_575, %mul3A_588 : vector<16xf32>
        %add3A_590 = arith.constant 128 : i32
        %add3A_591 = arith.addi %add3A_590, %mul3A_572 : i32
        %get3A_592 = arith.index_cast %add3A_591 : i32 to index
        %get3A_593 = tpu.vector_load %arg33[%get3A_592] {strides = array<i32>} : memref<512xf32, #tpu.memory_space<vmem>>, vector<16xf32>,
        %broadcast_in_dim3A_594 = vector.broadcast %sub3A_573 : i32 to vector<16x1xi32>
        %gather3A_595 = vector.shape_cast %broadcast_in_dim3A_594 : vector<16x1xi32> to vector<16xi32>
        %gather3A_596 = tpu.dynamic_gather %get3A_593[%gather3A_595] in [0] : vector<16xf32>, vector<16xi32> -> vector<16xf32>
        %add3A_597 = arith.constant 128 : i32
        %add3A_598 = arith.addi %add3A_597, %scan3A_546 : i32
        %get3A_599 = arith.index_cast %add3A_598 : i32 to index
        %get3A_600 = arith.constant 16 : index
        %get3A_601 = tpu.vector_load %arg17[%get3A_599, %get3A_600] {strides = array<i32>} : memref<256x128xf32, #tpu.memory_space<vmem>>, vector<16xf32>,
        %mul3A_602 = arith.mulf %gather3A_596, %get3A_601 : vector<16xf32>
        %add3A_603 = arith.addf %add3A_589, %mul3A_602 : vector<16xf32>
        %add3A_604 = arith.constant 256 : i32
        %add3A_605 = arith.addi %add3A_604, %mul3A_572 : i32
        %get3A_606 = arith.index_cast %add3A_605 : i32 to index
        %get3A_607 = tpu.vector_load %arg33[%get3A_606] {strides = array<i32>} : memref<512xf32, #tpu.memory_space<vmem>>, vector<16xf32>,
        %broadcast_in_dim3A_608 = vector.broadcast %sub3A_573 : i32 to vector<16x1xi32>
        %gather3A_609 = vector.shape_cast %broadcast_in_dim3A_608 : vector<16x1xi32> to vector<16xi32>
        %gather3A_610 = tpu.dynamic_gather %get3A_607[%gather3A_609] in [0] : vector<16xf32>, vector<16xi32> -> vector<16xf32>
        %add3A_611 = arith.constant 128 : i32
        %add3A_612 = arith.addi %add3A_611, %scan3A_546 : i32
        %get3A_613 = arith.index_cast %add3A_612 : i32 to index
        %get3A_614 = arith.constant 32 : index
        %get3A_615 = tpu.vector_load %arg17[%get3A_613, %get3A_614] {strides = array<i32>} : memref<256x128xf32, #tpu.memory_space<vmem>>, vector<16xf32>,
        %mul3A_616 = arith.mulf %gather3A_610, %get3A_615 : vector<16xf32>
        %add3A_617 = arith.addf %add3A_603, %mul3A_616 : vector<16xf32>
        %add3A_618 = arith.constant 384 : i32
        %add3A_619 = arith.addi %add3A_618, %mul3A_572 : i32
        %get3A_620 = arith.index_cast %add3A_619 : i32 to index
        %get3A_621 = tpu.vector_load %arg33[%get3A_620] {strides = array<i32>} : memref<512xf32, #tpu.memory_space<vmem>>, vector<16xf32>,
        %broadcast_in_dim3A_622 = vector.broadcast %sub3A_573 : i32 to vector<16x1xi32>
        %gather3A_623 = vector.shape_cast %broadcast_in_dim3A_622 : vector<16x1xi32> to vector<16xi32>
        %gather3A_624 = tpu.dynamic_gather %get3A_621[%gather3A_623] in [0] : vector<16xf32>, vector<16xi32> -> vector<16xf32>
        %add3A_625 = arith.constant 128 : i32
        %add3A_626 = arith.addi %add3A_625, %scan3A_546 : i32
        %get3A_627 = arith.index_cast %add3A_626 : i32 to index
        %get3A_628 = arith.constant 48 : index
        %get3A_629 = tpu.vector_load %arg17[%get3A_627, %get3A_628] {strides = array<i32>} : memref<256x128xf32, #tpu.memory_space<vmem>>, vector<16xf32>,
        %mul3A_630 = arith.mulf %gather3A_624, %get3A_629 : vector<16xf32>
        %add3A_631 = arith.addf %add3A_617, %mul3A_630 : vector<16xf32>
        %swap3A_632 = arith.index_cast %scan3A_546 : i32 to index
        %swap3A_633 = arith.constant 0 : index
        %swap3A_634 = tpu.vector_load %arg36[%swap3A_632, %swap3A_633] {strides = array<i32>} : memref<128x16xf32, #tpu.memory_space<vmem>>, vector<16xf32>,
        tpu.vector_store %arg36[%swap3A_632, %swap3A_633], %add3A_631 {strides = array<i32>} : memref<128x16xf32, #tpu.memory_space<vmem>>, vector<16xf32>,
        %scan3A_635 = arith.constant 0 : i32
        scf.yield %scan3A_635 : i32
      }
      %scan3A_284 = arith.constant 128 : i32
      "tpu.region"() ({
        %run_scoped3A = tpu.sem_alloc : memref<!tpu.dma_semaphore, #tpu.memory_space<semaphore_mem>>
        %dma_start3A_285 = arith.constant 0 : i32
        %dma_start3A_286 = tpu.memref_slice %arg13[%mul3A_270, %dma_start3A_285] : memref<2048x16xf32, #tpu.memory_space<hbm>> -> memref<128x16xf32, #tpu.memory_space<hbm>>
        %dma_start3A_287 = arith.constant 0 : i32
        %dma_start3A_288 = tpu.memref_slice %arg13[%mul3A_270, %dma_start3A_287] : memref<2048x16xf32, #tpu.memory_space<hbm>> -> memref<128x16xf32, #tpu.memory_space<hbm>>
        tpu.enqueue_dma source(%arg36 : memref<128x16xf32, #tpu.memory_space<vmem>>) target(%dma_start3A_288 : memref<128x16xf32, #tpu.memory_space<hbm>>) target_semaphore(%run_scoped3A : memref<!tpu.dma_semaphore, #tpu.memory_space<semaphore_mem>>)
        %dma_wait3A_289 = arith.constant 0 : i32
        %dma_wait3A_290 = tpu.memref_slice %arg13[%mul3A_270, %dma_wait3A_289] : memref<2048x16xf32, #tpu.memory_space<hbm>> -> memref<128x16xf32, #tpu.memory_space<hbm>>
        %dma_wait3A_291 = arith.constant 0 : i32
        %dma_wait3A_292 = tpu.memref_slice %arg13[%mul3A_270, %dma_wait3A_291] : memref<2048x16xf32, #tpu.memory_space<hbm>> -> memref<128x16xf32, #tpu.memory_space<hbm>>
        tpu.wait_dma2 semaphore(%run_scoped3A : memref<!tpu.dma_semaphore, #tpu.memory_space<semaphore_mem>>) src(%arg36 : memref<128x16xf32, #tpu.memory_space<vmem>>) dst(%dma_wait3A_292 : memref<128x16xf32, #tpu.memory_space<hbm>>)
        tpu.yield
      }) : () -> ()
    } else {
    }
    return
  }
}

module attributes {stable_mosaic.version = 14 : i64} {
  func.func @_mlp_body(%arg0: memref<1024x128xf32, #tpu.memory_space<vmem>>, %arg1: memref<2048x16xf32, #tpu.memory_space<vmem>>, %arg2: memref<16x128xf32, #tpu.memory_space<vmem>>, %arg3: memref<1x16xf32, #tpu.memory_space<vmem>>, %arg4: memref<4x16xf32, #tpu.memory_space<vmem>>, %arg5: memref<1x4xf32, #tpu.memory_space<vmem>>, %arg6: memref<2048x128xf32, #tpu.memory_space<vmem>>, %arg7: memref<1x2048xf32, #tpu.memory_space<vmem>>, %arg8: memref<512x2048xf32, #tpu.memory_space<vmem>>, %arg9: memref<1x512xf32, #tpu.memory_space<vmem>>, %arg10: memref<16x16xf32, #tpu.memory_space<vmem>>, %arg11: memref<1x16xf32, #tpu.memory_space<vmem>>, %arg12: memref<4x16xf32, #tpu.memory_space<vmem>>, %arg13: memref<1x4xf32, #tpu.memory_space<vmem>>, %arg14: memref<256x16xf32, #tpu.memory_space<vmem>>, %arg15: memref<1x256xf32, #tpu.memory_space<vmem>>, %arg16: memref<64x256xf32, #tpu.memory_space<vmem>>, %arg17: memref<1x64xf32, #tpu.memory_space<vmem>>, %arg18: memref<1024x4xf32, #tpu.memory_space<vmem>>, %arg19: memref<1024x512xf32, #tpu.memory_space<vmem>>, %arg20: memref<2048x4xf32, #tpu.memory_space<vmem>>, %arg21: memref<2048x64xf32, #tpu.memory_space<vmem>>) attributes {dimension_semantics = [], scalar_prefetch = 0 : i64, scratch_operands = 0 : i64, tpu.core_type = #tpu.core_type<tc>} {
    %get3A = arith.constant 0 : index
    %get3A_0 = arith.constant 0 : index
    %get3A_1 = vector.load %arg0[%get3A, %get3A_0] : memref<1024x128xf32, #tpu.memory_space<vmem>>, vector<1024x128xf32>
    %get3A_2 = arith.constant 0 : index
    %get3A_3 = arith.constant 0 : index
    %get3A_4 = vector.load %arg1[%get3A_2, %get3A_3] : memref<2048x16xf32, #tpu.memory_space<vmem>>, vector<2048x16xf32>
    %get3A_5 = arith.constant 0 : index
    %get3A_6 = arith.constant 0 : index
    %get3A_7 = vector.load %arg2[%get3A_5, %get3A_6] : memref<16x128xf32, #tpu.memory_space<vmem>>, vector<16x128xf32>
    %dot_general3A = arith.constant dense<0.000000e+00> : vector<1024x16xf32>
    %dot_general3A_8 = tpu.matmul %get3A_1, %get3A_7, %dot_general3A {dimension_numbers = #tpu.dot_dimension_numbers<[1], [1], [0], [0], [0, 0, 1, 0], [], []>, transpose_lhs_hint = false} : vector<1024x128xf32>, vector<16x128xf32>, vector<1024x16xf32> -> vector<1024x16xf32>
    %get3A_9 = arith.constant 0 : index
    %get3A_10 = arith.constant 0 : index
    %get3A_11 = vector.load %arg3[%get3A_9, %get3A_10] : memref<1x16xf32, #tpu.memory_space<vmem>>, vector<1x16xf32>
    %add3A = vector.broadcast %get3A_11 : vector<1x16xf32> to vector<1024x16xf32>
    %add3A_12 = arith.addf %dot_general3A_8, %add3A : vector<1024x16xf32>
    %max3A = arith.constant 0.000000e+00 : f32
    %max3A_13 = vector.broadcast %max3A : f32 to vector<1024x16xf32>
    %max3A_14 = arith.maximumf %add3A_12, %max3A_13 : vector<1024x16xf32>
    %get3A_15 = arith.constant 0 : index
    %get3A_16 = arith.constant 0 : index
    %get3A_17 = vector.load %arg4[%get3A_15, %get3A_16] : memref<4x16xf32, #tpu.memory_space<vmem>>, vector<4x16xf32>
    %dot_general3A_18 = arith.constant dense<0.000000e+00> : vector<1024x4xf32>
    %dot_general3A_19 = tpu.matmul %max3A_14, %get3A_17, %dot_general3A_18 {dimension_numbers = #tpu.dot_dimension_numbers<[1], [1], [0], [0], [0, 0, 1, 0], [], []>, transpose_lhs_hint = false} : vector<1024x16xf32>, vector<4x16xf32>, vector<1024x4xf32> -> vector<1024x4xf32>
    %get3A_20 = arith.constant 0 : index
    %get3A_21 = arith.constant 0 : index
    %get3A_22 = vector.load %arg5[%get3A_20, %get3A_21] : memref<1x4xf32, #tpu.memory_space<vmem>>, vector<1x4xf32>
    %add3A_23 = vector.broadcast %get3A_22 : vector<1x4xf32> to vector<1024x4xf32>
    %add3A_24 = arith.addf %dot_general3A_19, %add3A_23 : vector<1024x4xf32>
    %max3A_25 = arith.constant 0.000000e+00 : f32
    %max3A_26 = vector.broadcast %max3A_25 : f32 to vector<1024x4xf32>
    %max3A_27 = arith.maximumf %add3A_24, %max3A_26 : vector<1024x4xf32>
    %get3A_28 = arith.constant 0 : index
    %get3A_29 = arith.constant 0 : index
    %get3A_30 = vector.load %arg10[%get3A_28, %get3A_29] : memref<16x16xf32, #tpu.memory_space<vmem>>, vector<16x16xf32>
    %dot_general3A_31 = arith.constant dense<0.000000e+00> : vector<2048x16xf32>
    %dot_general3A_32 = tpu.matmul %get3A_4, %get3A_30, %dot_general3A_31 {dimension_numbers = #tpu.dot_dimension_numbers<[1], [1], [0], [0], [0, 0, 1, 0], [], []>, transpose_lhs_hint = false} : vector<2048x16xf32>, vector<16x16xf32>, vector<2048x16xf32> -> vector<2048x16xf32>
    %get3A_33 = arith.constant 0 : index
    %get3A_34 = arith.constant 0 : index
    %get3A_35 = vector.load %arg11[%get3A_33, %get3A_34] : memref<1x16xf32, #tpu.memory_space<vmem>>, vector<1x16xf32>
    %add3A_36 = vector.broadcast %get3A_35 : vector<1x16xf32> to vector<2048x16xf32>
    %add3A_37 = arith.addf %dot_general3A_32, %add3A_36 : vector<2048x16xf32>
    %max3A_38 = arith.constant 0.000000e+00 : f32
    %max3A_39 = vector.broadcast %max3A_38 : f32 to vector<2048x16xf32>
    %max3A_40 = arith.maximumf %add3A_37, %max3A_39 : vector<2048x16xf32>
    %get3A_41 = arith.constant 0 : index
    %get3A_42 = arith.constant 0 : index
    %get3A_43 = vector.load %arg12[%get3A_41, %get3A_42] : memref<4x16xf32, #tpu.memory_space<vmem>>, vector<4x16xf32>
    %dot_general3A_44 = arith.constant dense<0.000000e+00> : vector<2048x4xf32>
    %dot_general3A_45 = tpu.matmul %max3A_40, %get3A_43, %dot_general3A_44 {dimension_numbers = #tpu.dot_dimension_numbers<[1], [1], [0], [0], [0, 0, 1, 0], [], []>, transpose_lhs_hint = false} : vector<2048x16xf32>, vector<4x16xf32>, vector<2048x4xf32> -> vector<2048x4xf32>
    %get3A_46 = arith.constant 0 : index
    %get3A_47 = arith.constant 0 : index
    %get3A_48 = vector.load %arg13[%get3A_46, %get3A_47] : memref<1x4xf32, #tpu.memory_space<vmem>>, vector<1x4xf32>
    %add3A_49 = vector.broadcast %get3A_48 : vector<1x4xf32> to vector<2048x4xf32>
    %add3A_50 = arith.addf %dot_general3A_45, %add3A_49 : vector<2048x4xf32>
    %max3A_51 = arith.constant 0.000000e+00 : f32
    %max3A_52 = vector.broadcast %max3A_51 : f32 to vector<2048x4xf32>
    %max3A_53 = arith.maximumf %add3A_50, %max3A_52 : vector<2048x4xf32>
    %get3A_54 = arith.constant 0 : index
    %get3A_55 = arith.constant 0 : index
    %get3A_56 = vector.load %arg6[%get3A_54, %get3A_55] : memref<2048x128xf32, #tpu.memory_space<vmem>>, vector<2048x128xf32>
    %dot_general3A_57 = arith.constant dense<0.000000e+00> : vector<1024x2048xf32>
    %dot_general3A_58 = tpu.matmul %get3A_1, %get3A_56, %dot_general3A_57 {dimension_numbers = #tpu.dot_dimension_numbers<[1], [1], [0], [0], [0, 0, 1, 0], [], []>, transpose_lhs_hint = false} : vector<1024x128xf32>, vector<2048x128xf32>, vector<1024x2048xf32> -> vector<1024x2048xf32>
    %get3A_59 = arith.constant 0 : index
    %get3A_60 = arith.constant 0 : index
    %get3A_61 = vector.load %arg7[%get3A_59, %get3A_60] : memref<1x2048xf32, #tpu.memory_space<vmem>>, vector<1x2048xf32>
    %add3A_62 = vector.broadcast %get3A_61 : vector<1x2048xf32> to vector<1024x2048xf32>
    %add3A_63 = arith.addf %dot_general3A_58, %add3A_62 : vector<1024x2048xf32>
    %max3A_64 = arith.constant 0.000000e+00 : f32
    %max3A_65 = vector.broadcast %max3A_64 : f32 to vector<1024x2048xf32>
    %max3A_66 = arith.maximumf %add3A_63, %max3A_65 : vector<1024x2048xf32>
    %get3A_67 = arith.constant 0 : index
    %get3A_68 = arith.constant 0 : index
    %get3A_69 = vector.load %arg8[%get3A_67, %get3A_68] : memref<512x2048xf32, #tpu.memory_space<vmem>>, vector<512x2048xf32>
    %dot_general3A_70 = arith.constant dense<0.000000e+00> : vector<1024x512xf32>
    %dot_general3A_71 = tpu.matmul %max3A_66, %get3A_69, %dot_general3A_70 {dimension_numbers = #tpu.dot_dimension_numbers<[1], [1], [0], [0], [0, 0, 1, 0], [], []>, transpose_lhs_hint = false} : vector<1024x2048xf32>, vector<512x2048xf32>, vector<1024x512xf32> -> vector<1024x512xf32>
    %get3A_72 = arith.constant 0 : index
    %get3A_73 = arith.constant 0 : index
    %get3A_74 = vector.load %arg9[%get3A_72, %get3A_73] : memref<1x512xf32, #tpu.memory_space<vmem>>, vector<1x512xf32>
    %add3A_75 = vector.broadcast %get3A_74 : vector<1x512xf32> to vector<1024x512xf32>
    %add3A_76 = arith.addf %dot_general3A_71, %add3A_75 : vector<1024x512xf32>
    %max3A_77 = arith.constant 0.000000e+00 : f32
    %max3A_78 = vector.broadcast %max3A_77 : f32 to vector<1024x512xf32>
    %max3A_79 = arith.maximumf %add3A_76, %max3A_78 : vector<1024x512xf32>
    %swap3A = arith.constant 0 : index
    %swap3A_80 = arith.constant 0 : index
    %swap3A_81 = vector.load %arg19[%swap3A, %swap3A_80] : memref<1024x512xf32, #tpu.memory_space<vmem>>, vector<1024x512xf32>
    tpu.vector_store %arg19[%swap3A, %swap3A_80], %max3A_79 {strides = array<i32>} : memref<1024x512xf32, #tpu.memory_space<vmem>>, vector<1024x512xf32>,
    %get3A_82 = arith.constant 0 : index
    %get3A_83 = arith.constant 0 : index
    %get3A_84 = vector.load %arg14[%get3A_82, %get3A_83] : memref<256x16xf32, #tpu.memory_space<vmem>>, vector<256x16xf32>
    %dot_general3A_85 = arith.constant dense<0.000000e+00> : vector<2048x256xf32>
    %dot_general3A_86 = tpu.matmul %get3A_4, %get3A_84, %dot_general3A_85 {dimension_numbers = #tpu.dot_dimension_numbers<[1], [1], [0], [0], [0, 0, 1, 0], [], []>, transpose_lhs_hint = false} : vector<2048x16xf32>, vector<256x16xf32>, vector<2048x256xf32> -> vector<2048x256xf32>
    %get3A_87 = arith.constant 0 : index
    %get3A_88 = arith.constant 0 : index
    %get3A_89 = vector.load %arg15[%get3A_87, %get3A_88] : memref<1x256xf32, #tpu.memory_space<vmem>>, vector<1x256xf32>
    %add3A_90 = vector.broadcast %get3A_89 : vector<1x256xf32> to vector<2048x256xf32>
    %add3A_91 = arith.addf %dot_general3A_86, %add3A_90 : vector<2048x256xf32>
    %max3A_92 = arith.constant 0.000000e+00 : f32
    %max3A_93 = vector.broadcast %max3A_92 : f32 to vector<2048x256xf32>
    %max3A_94 = arith.maximumf %add3A_91, %max3A_93 : vector<2048x256xf32>
    %get3A_95 = arith.constant 0 : index
    %get3A_96 = arith.constant 0 : index
    %get3A_97 = vector.load %arg16[%get3A_95, %get3A_96] : memref<64x256xf32, #tpu.memory_space<vmem>>, vector<64x256xf32>
    %dot_general3A_98 = arith.constant dense<0.000000e+00> : vector<2048x64xf32>
    %dot_general3A_99 = tpu.matmul %max3A_94, %get3A_97, %dot_general3A_98 {dimension_numbers = #tpu.dot_dimension_numbers<[1], [1], [0], [0], [0, 0, 1, 0], [], []>, transpose_lhs_hint = false} : vector<2048x256xf32>, vector<64x256xf32>, vector<2048x64xf32> -> vector<2048x64xf32>
    %get3A_100 = arith.constant 0 : index
    %get3A_101 = arith.constant 0 : index
    %get3A_102 = vector.load %arg17[%get3A_100, %get3A_101] : memref<1x64xf32, #tpu.memory_space<vmem>>, vector<1x64xf32>
    %add3A_103 = vector.broadcast %get3A_102 : vector<1x64xf32> to vector<2048x64xf32>
    %add3A_104 = arith.addf %dot_general3A_99, %add3A_103 : vector<2048x64xf32>
    %max3A_105 = arith.constant 0.000000e+00 : f32
    %max3A_106 = vector.broadcast %max3A_105 : f32 to vector<2048x64xf32>
    %max3A_107 = arith.maximumf %add3A_104, %max3A_106 : vector<2048x64xf32>
    %swap3A_108 = arith.constant 0 : index
    %swap3A_109 = arith.constant 0 : index
    %swap3A_110 = vector.load %arg21[%swap3A_108, %swap3A_109] : memref<2048x64xf32, #tpu.memory_space<vmem>>, vector<2048x64xf32>
    tpu.vector_store %arg21[%swap3A_108, %swap3A_109], %max3A_107 {strides = array<i32>} : memref<2048x64xf32, #tpu.memory_space<vmem>>, vector<2048x64xf32>,
    %slice3A = vector.extract_strided_slice %max3A_27 {offsets = [0, 0], sizes = [256, 4], strides = [1, 1]} : vector<1024x4xf32> to vector<256x4xf32>
    %mul3A = arith.constant 0.0883883461 : f32
    %mul3A_111 = vector.broadcast %mul3A : f32 to vector<256x4xf32>
    %mul3A_112 = arith.mulf %slice3A, %mul3A_111 : vector<256x4xf32>
    %reduce_max3A = vector.shape_cast %mul3A_112 : vector<256x4xf32> to vector<1x256x4xf32>
    %reduce_max3A_113 = arith.constant dense<0xFF800000> : vector<1xf32>
    %reduce_max3A_114 = vector.multi_reduction <maximumf>, %reduce_max3A, %reduce_max3A_113 [1, 2] : vector<1x256x4xf32> to vector<1xf32>
    %reduce_max3A_115 = vector.shape_cast %reduce_max3A_114 : vector<1xf32> to vector<1x1x1xf32>
    %reduce_max3A_116 = vector.extract %reduce_max3A_115[0, 0, 0] : f32 from vector<1x1x1xf32>
    %sub3A = vector.broadcast %reduce_max3A_116 : f32 to vector<256x4xf32>
    %sub3A_117 = arith.subf %mul3A_112, %sub3A : vector<256x4xf32>
    %exp3A = math.exp %sub3A_117 : vector<256x4xf32>
    %reduce_sum3A = vector.shape_cast %exp3A : vector<256x4xf32> to vector<1x256x4xf32>
    %reduce_sum3A_118 = arith.constant dense<0.000000e+00> : vector<1xf32>
    %reduce_sum3A_119 = vector.multi_reduction <add>, %reduce_sum3A, %reduce_sum3A_118 [1, 2] : vector<1x256x4xf32> to vector<1xf32>
    %reduce_sum3A_120 = vector.shape_cast %reduce_sum3A_119 : vector<1xf32> to vector<1x1x1xf32>
    %reduce_sum3A_121 = vector.extract %reduce_sum3A_120[0, 0, 0] : f32 from vector<1x1x1xf32>
    %div3A = vector.broadcast %reduce_sum3A_121 : f32 to vector<256x4xf32>
    %div3A_122 = arith.divf %exp3A, %div3A : vector<256x4xf32>
    %swap3A_123 = arith.constant 0 : index
    %swap3A_124 = arith.constant 0 : index
    %swap3A_125 = vector.load %arg18[%swap3A_123, %swap3A_124] : memref<1024x4xf32, #tpu.memory_space<vmem>>, vector<256x4xf32>
    tpu.vector_store %arg18[%swap3A_123, %swap3A_124], %div3A_122 {strides = array<i32>} : memref<1024x4xf32, #tpu.memory_space<vmem>>, vector<256x4xf32>,
    %slice3A_126 = vector.extract_strided_slice %max3A_53 {offsets = [0, 0], sizes = [512, 4], strides = [1, 1]} : vector<2048x4xf32> to vector<512x4xf32>
    %mul3A_127 = arith.constant 2.500000e-01 : f32
    %mul3A_128 = vector.broadcast %mul3A_127 : f32 to vector<512x4xf32>
    %mul3A_129 = arith.mulf %slice3A_126, %mul3A_128 : vector<512x4xf32>
    %reduce_max3A_130 = vector.shape_cast %mul3A_129 : vector<512x4xf32> to vector<1x512x4xf32>
    %reduce_max3A_131 = arith.constant dense<0xFF800000> : vector<1xf32>
    %reduce_max3A_132 = vector.multi_reduction <maximumf>, %reduce_max3A_130, %reduce_max3A_131 [1, 2] : vector<1x512x4xf32> to vector<1xf32>
    %reduce_max3A_133 = vector.shape_cast %reduce_max3A_132 : vector<1xf32> to vector<1x1x1xf32>
    %reduce_max3A_134 = vector.extract %reduce_max3A_133[0, 0, 0] : f32 from vector<1x1x1xf32>
    %sub3A_135 = vector.broadcast %reduce_max3A_134 : f32 to vector<512x4xf32>
    %sub3A_136 = arith.subf %mul3A_129, %sub3A_135 : vector<512x4xf32>
    %exp3A_137 = math.exp %sub3A_136 : vector<512x4xf32>
    %reduce_sum3A_138 = vector.shape_cast %exp3A_137 : vector<512x4xf32> to vector<1x512x4xf32>
    %reduce_sum3A_139 = arith.constant dense<0.000000e+00> : vector<1xf32>
    %reduce_sum3A_140 = vector.multi_reduction <add>, %reduce_sum3A_138, %reduce_sum3A_139 [1, 2] : vector<1x512x4xf32> to vector<1xf32>
    %reduce_sum3A_141 = vector.shape_cast %reduce_sum3A_140 : vector<1xf32> to vector<1x1x1xf32>
    %reduce_sum3A_142 = vector.extract %reduce_sum3A_141[0, 0, 0] : f32 from vector<1x1x1xf32>
    %div3A_143 = vector.broadcast %reduce_sum3A_142 : f32 to vector<512x4xf32>
    %div3A_144 = arith.divf %exp3A_137, %div3A_143 : vector<512x4xf32>
    %swap3A_145 = arith.constant 0 : index
    %swap3A_146 = arith.constant 0 : index
    %swap3A_147 = vector.load %arg20[%swap3A_145, %swap3A_146] : memref<2048x4xf32, #tpu.memory_space<vmem>>, vector<512x4xf32>
    tpu.vector_store %arg20[%swap3A_145, %swap3A_146], %div3A_144 {strides = array<i32>} : memref<2048x4xf32, #tpu.memory_space<vmem>>, vector<512x4xf32>,
    %slice3A_148 = vector.extract_strided_slice %max3A_27 {offsets = [256, 0], sizes = [256, 4], strides = [1, 1]} : vector<1024x4xf32> to vector<256x4xf32>
    %mul3A_149 = arith.constant 0.0883883461 : f32
    %mul3A_150 = vector.broadcast %mul3A_149 : f32 to vector<256x4xf32>
    %mul3A_151 = arith.mulf %slice3A_148, %mul3A_150 : vector<256x4xf32>
    %reduce_max3A_152 = vector.shape_cast %mul3A_151 : vector<256x4xf32> to vector<1x256x4xf32>
    %reduce_max3A_153 = arith.constant dense<0xFF800000> : vector<1xf32>
    %reduce_max3A_154 = vector.multi_reduction <maximumf>, %reduce_max3A_152, %reduce_max3A_153 [1, 2] : vector<1x256x4xf32> to vector<1xf32>
    %reduce_max3A_155 = vector.shape_cast %reduce_max3A_154 : vector<1xf32> to vector<1x1x1xf32>
    %reduce_max3A_156 = vector.extract %reduce_max3A_155[0, 0, 0] : f32 from vector<1x1x1xf32>
    %sub3A_157 = vector.broadcast %reduce_max3A_156 : f32 to vector<256x4xf32>
    %sub3A_158 = arith.subf %mul3A_151, %sub3A_157 : vector<256x4xf32>
    %exp3A_159 = math.exp %sub3A_158 : vector<256x4xf32>
    %reduce_sum3A_160 = vector.shape_cast %exp3A_159 : vector<256x4xf32> to vector<1x256x4xf32>
    %reduce_sum3A_161 = arith.constant dense<0.000000e+00> : vector<1xf32>
    %reduce_sum3A_162 = vector.multi_reduction <add>, %reduce_sum3A_160, %reduce_sum3A_161 [1, 2] : vector<1x256x4xf32> to vector<1xf32>
    %reduce_sum3A_163 = vector.shape_cast %reduce_sum3A_162 : vector<1xf32> to vector<1x1x1xf32>
    %reduce_sum3A_164 = vector.extract %reduce_sum3A_163[0, 0, 0] : f32 from vector<1x1x1xf32>
    %div3A_165 = vector.broadcast %reduce_sum3A_164 : f32 to vector<256x4xf32>
    %div3A_166 = arith.divf %exp3A_159, %div3A_165 : vector<256x4xf32>
    %swap3A_167 = arith.constant 256 : index
    %swap3A_168 = arith.constant 0 : index
    %swap3A_169 = vector.load %arg18[%swap3A_167, %swap3A_168] : memref<1024x4xf32, #tpu.memory_space<vmem>>, vector<256x4xf32>
    tpu.vector_store %arg18[%swap3A_167, %swap3A_168], %div3A_166 {strides = array<i32>} : memref<1024x4xf32, #tpu.memory_space<vmem>>, vector<256x4xf32>,
    %slice3A_170 = vector.extract_strided_slice %max3A_53 {offsets = [512, 0], sizes = [512, 4], strides = [1, 1]} : vector<2048x4xf32> to vector<512x4xf32>
    %mul3A_171 = arith.constant 2.500000e-01 : f32
    %mul3A_172 = vector.broadcast %mul3A_171 : f32 to vector<512x4xf32>
    %mul3A_173 = arith.mulf %slice3A_170, %mul3A_172 : vector<512x4xf32>
    %reduce_max3A_174 = vector.shape_cast %mul3A_173 : vector<512x4xf32> to vector<1x512x4xf32>
    %reduce_max3A_175 = arith.constant dense<0xFF800000> : vector<1xf32>
    %reduce_max3A_176 = vector.multi_reduction <maximumf>, %reduce_max3A_174, %reduce_max3A_175 [1, 2] : vector<1x512x4xf32> to vector<1xf32>
    %reduce_max3A_177 = vector.shape_cast %reduce_max3A_176 : vector<1xf32> to vector<1x1x1xf32>
    %reduce_max3A_178 = vector.extract %reduce_max3A_177[0, 0, 0] : f32 from vector<1x1x1xf32>
    %sub3A_179 = vector.broadcast %reduce_max3A_178 : f32 to vector<512x4xf32>
    %sub3A_180 = arith.subf %mul3A_173, %sub3A_179 : vector<512x4xf32>
    %exp3A_181 = math.exp %sub3A_180 : vector<512x4xf32>
    %reduce_sum3A_182 = vector.shape_cast %exp3A_181 : vector<512x4xf32> to vector<1x512x4xf32>
    %reduce_sum3A_183 = arith.constant dense<0.000000e+00> : vector<1xf32>
    %reduce_sum3A_184 = vector.multi_reduction <add>, %reduce_sum3A_182, %reduce_sum3A_183 [1, 2] : vector<1x512x4xf32> to vector<1xf32>
    %reduce_sum3A_185 = vector.shape_cast %reduce_sum3A_184 : vector<1xf32> to vector<1x1x1xf32>
    %reduce_sum3A_186 = vector.extract %reduce_sum3A_185[0, 0, 0] : f32 from vector<1x1x1xf32>
    %div3A_187 = vector.broadcast %reduce_sum3A_186 : f32 to vector<512x4xf32>
    %div3A_188 = arith.divf %exp3A_181, %div3A_187 : vector<512x4xf32>
    %swap3A_189 = arith.constant 512 : index
    %swap3A_190 = arith.constant 0 : index
    %swap3A_191 = vector.load %arg20[%swap3A_189, %swap3A_190] : memref<2048x4xf32, #tpu.memory_space<vmem>>, vector<512x4xf32>
    tpu.vector_store %arg20[%swap3A_189, %swap3A_190], %div3A_188 {strides = array<i32>} : memref<2048x4xf32, #tpu.memory_space<vmem>>, vector<512x4xf32>,
    %slice3A_192 = vector.extract_strided_slice %max3A_27 {offsets = [512, 0], sizes = [256, 4], strides = [1, 1]} : vector<1024x4xf32> to vector<256x4xf32>
    %mul3A_193 = arith.constant 0.0883883461 : f32
    %mul3A_194 = vector.broadcast %mul3A_193 : f32 to vector<256x4xf32>
    %mul3A_195 = arith.mulf %slice3A_192, %mul3A_194 : vector<256x4xf32>
    %reduce_max3A_196 = vector.shape_cast %mul3A_195 : vector<256x4xf32> to vector<1x256x4xf32>
    %reduce_max3A_197 = arith.constant dense<0xFF800000> : vector<1xf32>
    %reduce_max3A_198 = vector.multi_reduction <maximumf>, %reduce_max3A_196, %reduce_max3A_197 [1, 2] : vector<1x256x4xf32> to vector<1xf32>
    %reduce_max3A_199 = vector.shape_cast %reduce_max3A_198 : vector<1xf32> to vector<1x1x1xf32>
    %reduce_max3A_200 = vector.extract %reduce_max3A_199[0, 0, 0] : f32 from vector<1x1x1xf32>
    %sub3A_201 = vector.broadcast %reduce_max3A_200 : f32 to vector<256x4xf32>
    %sub3A_202 = arith.subf %mul3A_195, %sub3A_201 : vector<256x4xf32>
    %exp3A_203 = math.exp %sub3A_202 : vector<256x4xf32>
    %reduce_sum3A_204 = vector.shape_cast %exp3A_203 : vector<256x4xf32> to vector<1x256x4xf32>
    %reduce_sum3A_205 = arith.constant dense<0.000000e+00> : vector<1xf32>
    %reduce_sum3A_206 = vector.multi_reduction <add>, %reduce_sum3A_204, %reduce_sum3A_205 [1, 2] : vector<1x256x4xf32> to vector<1xf32>
    %reduce_sum3A_207 = vector.shape_cast %reduce_sum3A_206 : vector<1xf32> to vector<1x1x1xf32>
    %reduce_sum3A_208 = vector.extract %reduce_sum3A_207[0, 0, 0] : f32 from vector<1x1x1xf32>
    %div3A_209 = vector.broadcast %reduce_sum3A_208 : f32 to vector<256x4xf32>
    %div3A_210 = arith.divf %exp3A_203, %div3A_209 : vector<256x4xf32>
    %swap3A_211 = arith.constant 512 : index
    %swap3A_212 = arith.constant 0 : index
    %swap3A_213 = vector.load %arg18[%swap3A_211, %swap3A_212] : memref<1024x4xf32, #tpu.memory_space<vmem>>, vector<256x4xf32>
    tpu.vector_store %arg18[%swap3A_211, %swap3A_212], %div3A_210 {strides = array<i32>} : memref<1024x4xf32, #tpu.memory_space<vmem>>, vector<256x4xf32>,
    %slice3A_214 = vector.extract_strided_slice %max3A_53 {offsets = [1024, 0], sizes = [512, 4], strides = [1, 1]} : vector<2048x4xf32> to vector<512x4xf32>
    %mul3A_215 = arith.constant 2.500000e-01 : f32
    %mul3A_216 = vector.broadcast %mul3A_215 : f32 to vector<512x4xf32>
    %mul3A_217 = arith.mulf %slice3A_214, %mul3A_216 : vector<512x4xf32>
    %reduce_max3A_218 = vector.shape_cast %mul3A_217 : vector<512x4xf32> to vector<1x512x4xf32>
    %reduce_max3A_219 = arith.constant dense<0xFF800000> : vector<1xf32>
    %reduce_max3A_220 = vector.multi_reduction <maximumf>, %reduce_max3A_218, %reduce_max3A_219 [1, 2] : vector<1x512x4xf32> to vector<1xf32>
    %reduce_max3A_221 = vector.shape_cast %reduce_max3A_220 : vector<1xf32> to vector<1x1x1xf32>
    %reduce_max3A_222 = vector.extract %reduce_max3A_221[0, 0, 0] : f32 from vector<1x1x1xf32>
    %sub3A_223 = vector.broadcast %reduce_max3A_222 : f32 to vector<512x4xf32>
    %sub3A_224 = arith.subf %mul3A_217, %sub3A_223 : vector<512x4xf32>
    %exp3A_225 = math.exp %sub3A_224 : vector<512x4xf32>
    %reduce_sum3A_226 = vector.shape_cast %exp3A_225 : vector<512x4xf32> to vector<1x512x4xf32>
    %reduce_sum3A_227 = arith.constant dense<0.000000e+00> : vector<1xf32>
    %reduce_sum3A_228 = vector.multi_reduction <add>, %reduce_sum3A_226, %reduce_sum3A_227 [1, 2] : vector<1x512x4xf32> to vector<1xf32>
    %reduce_sum3A_229 = vector.shape_cast %reduce_sum3A_228 : vector<1xf32> to vector<1x1x1xf32>
    %reduce_sum3A_230 = vector.extract %reduce_sum3A_229[0, 0, 0] : f32 from vector<1x1x1xf32>
    %div3A_231 = vector.broadcast %reduce_sum3A_230 : f32 to vector<512x4xf32>
    %div3A_232 = arith.divf %exp3A_225, %div3A_231 : vector<512x4xf32>
    %swap3A_233 = arith.constant 1024 : index
    %swap3A_234 = arith.constant 0 : index
    %swap3A_235 = vector.load %arg20[%swap3A_233, %swap3A_234] : memref<2048x4xf32, #tpu.memory_space<vmem>>, vector<512x4xf32>
    tpu.vector_store %arg20[%swap3A_233, %swap3A_234], %div3A_232 {strides = array<i32>} : memref<2048x4xf32, #tpu.memory_space<vmem>>, vector<512x4xf32>,
    %slice3A_236 = vector.extract_strided_slice %max3A_27 {offsets = [768, 0], sizes = [256, 4], strides = [1, 1]} : vector<1024x4xf32> to vector<256x4xf32>
    %mul3A_237 = arith.constant 0.0883883461 : f32
    %mul3A_238 = vector.broadcast %mul3A_237 : f32 to vector<256x4xf32>
    %mul3A_239 = arith.mulf %slice3A_236, %mul3A_238 : vector<256x4xf32>
    %reduce_max3A_240 = vector.shape_cast %mul3A_239 : vector<256x4xf32> to vector<1x256x4xf32>
    %reduce_max3A_241 = arith.constant dense<0xFF800000> : vector<1xf32>
    %reduce_max3A_242 = vector.multi_reduction <maximumf>, %reduce_max3A_240, %reduce_max3A_241 [1, 2] : vector<1x256x4xf32> to vector<1xf32>
    %reduce_max3A_243 = vector.shape_cast %reduce_max3A_242 : vector<1xf32> to vector<1x1x1xf32>
    %reduce_max3A_244 = vector.extract %reduce_max3A_243[0, 0, 0] : f32 from vector<1x1x1xf32>
    %sub3A_245 = vector.broadcast %reduce_max3A_244 : f32 to vector<256x4xf32>
    %sub3A_246 = arith.subf %mul3A_239, %sub3A_245 : vector<256x4xf32>
    %exp3A_247 = math.exp %sub3A_246 : vector<256x4xf32>
    %reduce_sum3A_248 = vector.shape_cast %exp3A_247 : vector<256x4xf32> to vector<1x256x4xf32>
    %reduce_sum3A_249 = arith.constant dense<0.000000e+00> : vector<1xf32>
    %reduce_sum3A_250 = vector.multi_reduction <add>, %reduce_sum3A_248, %reduce_sum3A_249 [1, 2] : vector<1x256x4xf32> to vector<1xf32>
    %reduce_sum3A_251 = vector.shape_cast %reduce_sum3A_250 : vector<1xf32> to vector<1x1x1xf32>
    %reduce_sum3A_252 = vector.extract %reduce_sum3A_251[0, 0, 0] : f32 from vector<1x1x1xf32>
    %div3A_253 = vector.broadcast %reduce_sum3A_252 : f32 to vector<256x4xf32>
    %div3A_254 = arith.divf %exp3A_247, %div3A_253 : vector<256x4xf32>
    %swap3A_255 = arith.constant 768 : index
    %swap3A_256 = arith.constant 0 : index
    %swap3A_257 = vector.load %arg18[%swap3A_255, %swap3A_256] : memref<1024x4xf32, #tpu.memory_space<vmem>>, vector<256x4xf32>
    tpu.vector_store %arg18[%swap3A_255, %swap3A_256], %div3A_254 {strides = array<i32>} : memref<1024x4xf32, #tpu.memory_space<vmem>>, vector<256x4xf32>,
    %slice3A_258 = vector.extract_strided_slice %max3A_53 {offsets = [1536, 0], sizes = [512, 4], strides = [1, 1]} : vector<2048x4xf32> to vector<512x4xf32>
    %mul3A_259 = arith.constant 2.500000e-01 : f32
    %mul3A_260 = vector.broadcast %mul3A_259 : f32 to vector<512x4xf32>
    %mul3A_261 = arith.mulf %slice3A_258, %mul3A_260 : vector<512x4xf32>
    %reduce_max3A_262 = vector.shape_cast %mul3A_261 : vector<512x4xf32> to vector<1x512x4xf32>
    %reduce_max3A_263 = arith.constant dense<0xFF800000> : vector<1xf32>
    %reduce_max3A_264 = vector.multi_reduction <maximumf>, %reduce_max3A_262, %reduce_max3A_263 [1, 2] : vector<1x512x4xf32> to vector<1xf32>
    %reduce_max3A_265 = vector.shape_cast %reduce_max3A_264 : vector<1xf32> to vector<1x1x1xf32>
    %reduce_max3A_266 = vector.extract %reduce_max3A_265[0, 0, 0] : f32 from vector<1x1x1xf32>
    %sub3A_267 = vector.broadcast %reduce_max3A_266 : f32 to vector<512x4xf32>
    %sub3A_268 = arith.subf %mul3A_261, %sub3A_267 : vector<512x4xf32>
    %exp3A_269 = math.exp %sub3A_268 : vector<512x4xf32>
    %reduce_sum3A_270 = vector.shape_cast %exp3A_269 : vector<512x4xf32> to vector<1x512x4xf32>
    %reduce_sum3A_271 = arith.constant dense<0.000000e+00> : vector<1xf32>
    %reduce_sum3A_272 = vector.multi_reduction <add>, %reduce_sum3A_270, %reduce_sum3A_271 [1, 2] : vector<1x512x4xf32> to vector<1xf32>
    %reduce_sum3A_273 = vector.shape_cast %reduce_sum3A_272 : vector<1xf32> to vector<1x1x1xf32>
    %reduce_sum3A_274 = vector.extract %reduce_sum3A_273[0, 0, 0] : f32 from vector<1x1x1xf32>
    %div3A_275 = vector.broadcast %reduce_sum3A_274 : f32 to vector<512x4xf32>
    %div3A_276 = arith.divf %exp3A_269, %div3A_275 : vector<512x4xf32>
    %swap3A_277 = arith.constant 1536 : index
    %swap3A_278 = arith.constant 0 : index
    %swap3A_279 = vector.load %arg20[%swap3A_277, %swap3A_278] : memref<2048x4xf32, #tpu.memory_space<vmem>>, vector<512x4xf32>
    tpu.vector_store %arg20[%swap3A_277, %swap3A_278], %div3A_276 {strides = array<i32>} : memref<2048x4xf32, #tpu.memory_space<vmem>>, vector<512x4xf32>,
    return
  }
}

</mosaic_0001>

<sc_bundles>
// kernel: kernel.5.cloned.1.call-start
scs
__scs_entry_jumppad:
0x0: {  	(pc) =	sbr.rel $0x88, $3  }
0x1: {  	(tag) =	ssettag $0x0;
	lr =	simm.s32 $0x1  }
0x2: {  	[smem:$0x3F8D] =	sst lr;
	_ =	strace $0xD0000000  }
0x3: {  	_ = 	snop  }
0x4: {  	_ = 	snop  }
0x5: {  	_ = 	snop  }
0x6: {  	_ = 	snop  }
0x7: {  	_ = 	snop  }
__scs_overlays_trampoline_lowered:
0x8: {  	[smem:$0x3F9C] =	sst s0  }
0x9: {  	[smem:$0x3F9D] =	sst s1  }
0xa: {  	[smem:$0x3F9E] =	sst s2  }
0xb: {  	[smem:$0x3F9F] =	sst s3  }
0xc: {  	[smem:$0x3FA0] =	sst s4  }
0xd: {  	[smem:$0x3FA1] =	sst s5  }
0xe: {  	[smem:$0x3FA2] =	sst s6  }
0xf: {  	[smem:$0x3FA3] =	sst s7  }
0x10: {  	[smem:$0x3FA4] =	sst s8  }
0x11: {  	[smem:$0x3FA5] =	sst s9;
	s0 =	simm.s32 @!p0 $0x0  }
0x12: {  	s1 =	sld [smem:$0x3F8B];
	s0 =	simm.s32 @p0 $0x1  }
0x13: {  	[smem:$0x3FA6] =	sst s0;
	s0 =	simm.s32 @!p1 $0x0  }
0x14: {  	s2 =	sld [smem:$0x3F8A];
	s0 =	simm.s32 @p1 $0x1  }
0x15: {  	[smem:$0x3FA7] =	sst s0;
	s0 =	simm.s32 @!p2 $0x0  }
0x16: {  	s3 =	sld [smem:$0x3FDB];
	s0 =	simm.s32 @p2 $0x1  }
0x17: {  	s4 =	simm.s32 $0x1BF5;
	[smem:$0x3FA9] =	sst s0  }
0x18: {  	s0 =	sld [smem:$0x3F8C];
	_ =	swait.ge [sflag:s4], $0x0  }
0x19: {  	s7 =	sld [smem:$0x3F8D]  }
0x1a: {  	s8 =	sadd.s32 $0xFFFFE003, lr  }
0x1b: {  	s9 =	sadd.s32 $0xFFFFFEF7, lr;
	s5 =	simm.s32 $0xFFFFFFFF;
	p2 =	slt.u32 s8, $0xFFFFF086  }
0x1c: {  	p1 =	slt.u32 s9, $0xF7A;
	s5 =	simm.s32 @!p2 $0x0  }
0x1d: {  	s5 =	simm.s32 @p1 $0x1;
	p0 =	seq.s32 s7, s2  }
0x1e: {  	s7 =	smul.u32 @!p0 $0xF7A, s2;
	p2 =	seq.s32 @!p0 s5, $0x0  }
0x1f: {  	s9 =	smul.u32 $0xF7A, s1;
	s8 =	simm.s32 @!p0 $0x1BF5;
	p2 =	por !p2, p0  }
0x20: {  	[sflag:s8] =	ssyncset.s32 @!p0 $0xFFFFF086;
	s6 =	sadd.s32 @!p0 s3, s7;
	s7 =	simm.s32 @!p0 $0x108  }
0x21: {  	s3 =	sadd.s32 s3, s9;
	s6 =	sadd.s32 @!p0 $0x88, s6;
	s7 =	simm.s32 @p2 $0x1082  }
0x22: {  	[simem:s7], [sflag:s8] =	dma.local @!p0 [hbm:s6], $0xF7A  }
0x23: {  	s9 =	sor.u32 $0xD0000000, s2;
	s6 =	simm.s32 $0x108;
	_ =	swait.ge @!p0 [sflag:s8], $0x0  }
0x24: {  	s3 =	sadd.s32 $0x88, s3;
	s6 =	simm.s32 @!p1 $0x1082;
	[sflag:s4] =	ssyncset.s32 $0xFFFFF086  }
0x25: {  	[simem:s6], [sflag:s4] =	dma.local [hbm:s3], $0xF7A  }
0x26: {  	[smem:$0x3F8D] =	sst s1;
	(tag) =	ssettag s2;
	_ =	strace s9  }
0x27: {  	s1 =	sld [smem:$0x3F9D]  }
0x28: {  	s2 =	sld [smem:$0x3F9E]  }
0x29: {  	s4 =	sld [smem:$0x3FA0]  }
0x2a: {  	p0 =	seq.s32 s5, $0x0;
	s5 =	sld [smem:$0x3FA1]  }
0x2b: {  	s6 =	sld [smem:$0x3FA2]  }
0x2c: {  	s7 =	sld [smem:$0x3FA3]  }
0x2d: {  	s3 =	simm.s32 $0x108;
	s8 =	sld [smem:$0x3FA4]  }
0x2e: {  	s3 =	simm.s32 @!p0 $0x1082;
	s9 =	sld [smem:$0x3FA5]  }
0x2f: {  	lr =	sadd.s32 s0, s3;
	s0 =	sld [smem:$0x3F9C]  }
0x30: {  	s3 =	sld [smem:$0x3F9F]  }
0x31: {  	[smem:$0x3FA8] =	sst s10  }
0x32: {  	s10 =	sld [smem:$0x3FA6];
	_ =	sdelay $0x3  }
0x33: {  	p0 =	seq.s32 s10, $0x1;
	s10 =	sld [smem:$0x3FA8];
	_ =	sdelay $0x3  }
0x34: {  	[smem:$0x3FA8] =	sst s10  }
0x35: {  	s10 =	sld [smem:$0x3FA7];
	_ =	sdelay $0x3  }
0x36: {  	p1 =	seq.s32 s10, $0x1;
	s10 =	sld [smem:$0x3FA8];
	_ =	sdelay $0x3  }
0x37: {  	[smem:$0x3FA8] =	sst s10  }
0x38: {  	s10 =	sld [smem:$0x3FA9]  }
0x39: {  	_ = 	snop;
	(pc) =	sbr.ind lr, $3  }
0x3a: {  	_ = 	snop  }
0x3b: {  	_ = 	snop  }
0x3c: {  	p2 =	seq.s32 s10, $0x1;
	s10 =	sld [smem:$0x3FA8]  }
0x3d: {  	_ =	shalt  }
0x3e: {  	_ =	shalt  }
0x3f: {  	_ =	shalt  }
0x40: {  	_ =	shalt  }
0x41: {  	_ =	shalt  }
0x42: {  	_ =	shalt  }
0x43: {  	_ =	shalt  }
0x44: {  	_ =	shalt  }
0x45: {  	_ =	shalt  }
0x46: {  	_ =	shalt  }
0x47: {  	_ =	shalt  }
0x48: {  	_ =	shalt  }
0x49: {  	_ =	shalt  }
0x4a: {  	_ =	shalt  }
0x4b: {  	_ =	shalt  }
0x4c: {  	_ =	shalt  }
0x4d: {  	_ =	shalt  }
0x4e: {  	_ =	shalt  }
0x4f: {  	_ =	shalt  }
0x50: {  	_ =	shalt  }
0x51: {  	_ =	shalt  }
0x52: {  	_ =	shalt  }
0x53: {  	_ =	shalt  }
0x54: {  	_ =	shalt  }
0x55: {  	_ =	shalt  }
0x56: {  	_ =	shalt  }
0x57: {  	_ =	shalt  }
0x58: {  	_ =	shalt  }
0x59: {  	_ =	shalt  }
0x5a: {  	_ =	shalt  }
0x5b: {  	_ =	shalt  }
0x5c: {  	_ =	shalt  }
0x5d: {  	_ =	shalt  }
0x5e: {  	_ =	shalt  }
0x5f: {  	_ =	shalt  }
0x60: {  	_ =	shalt  }
0x61: {  	_ =	shalt  }
0x62: {  	_ =	shalt  }
0x63: {  	_ =	shalt  }
0x64: {  	_ =	shalt  }
0x65: {  	_ =	shalt  }
0x66: {  	_ =	shalt  }
0x67: {  	_ =	shalt  }
0x68: {  	_ =	shalt  }
0x69: {  	_ =	shalt  }
0x6a: {  	_ =	shalt  }
0x6b: {  	_ =	shalt  }
0x6c: {  	_ =	shalt  }
0x6d: {  	_ =	shalt  }
0x6e: {  	_ =	shalt  }
0x6f: {  	_ =	shalt  }
0x70: {  	_ =	shalt  }
0x71: {  	_ =	shalt  }
0x72: {  	_ =	shalt  }
0x73: {  	_ =	shalt  }
0x74: {  	_ =	shalt  }
0x75: {  	_ =	shalt  }
0x76: {  	_ =	shalt  }
0x77: {  	_ =	shalt  }
0x78: {  	_ =	shalt  }
0x79: {  	_ =	shalt  }
0x7a: {  	_ =	shalt  }
0x7b: {  	_ =	shalt  }
0x7c: {  	_ =	shalt  }
0x7d: {  	_ =	shalt  }
0x7e: {  	_ =	shalt  }
0x7f: {  	_ =	shalt  }
0x80: {  	_ =	shalt  }
0x81: {  	_ =	shalt  }
0x82: {  	_ =	shalt  }
0x83: {  	_ =	shalt  }
0x84: {  	_ =	shalt  }
0x85: {  	_ =	shalt  }
0x86: {  	_ =	shalt  }
0x87: {  	_ =	shalt  }
.Lfunc_end0:
.L_simem_size_0:
called_computation_lowered:
.L_overlay_start_0:
0x88: {  	s0 =	sld [smem:$0x3FD9]  }
0x89: {  	s1 =	sld [smem:$0x3FFE];
	_ =	sdelay $0x3  }
0x8a: {  	s0 =	sadd.s32 s1, s0  }
0x8b: {  	[smem:$0x3FB4] =	sst s0  }
0x8c: {  	_ = 	snop  }
0x8d: {  	s0 =	sld [smem:$0x3FD0];
	_ =	sdelay $0x2  }
0x8e: {  	s13 =	simm.s32 $0xA;
	s2 =	simm.s32 $0x10  }
0x8f: {  	[smem:s2], [sflag:s13] =	dma.local [hbm:s0], $0x1  }
0x90: {  	_ =	swait.eq [sflag:s13], $0x1  }
0x91: {  	[sflag:s13] =	ssyncset.done $0x0  }
0x92: {  	[sflag:s13] =	ssyncadd.s32 $0xFFFFFFFF  }
0x93: {  	s14 =	sld [smem:$0x11];
	(tm) =	ssettm $0x1  }
0x94: {  	s15 =	sld [smem:$0x3FFB];
	_ =	sdelay $0x3  }
0x95: {  	_ =	strace s15  }
0x96: {  	s1 =	sld [smem:$0x3FFC];
	_ =	sdelay $0x3  }
0x97: {  	_ =	strace s1  }
0x98: {  	s1 =	sld [smem:$0x3FFD];
	_ =	sdelay $0x3  }
0x99: {  	_ =	strace s1  }
0x9a: {  	_ =	strace $0x8FFFFFFF  }
0x9b: {  	s16 =	sld [smem:$0x3FDB];
	_ =	sdelay $0x1  }
0x9c: {  	s17 =	simm.s32 $_scs_section_size  }
0x9d: {  	s3 =	simm.s32 $_size__tile_overlayer_lowered;
	s4 =	simm.s32 $_tile_overlayer_lowered  }
0x9e: {  	s20 =	simm.s32 $0x1BFF;
	s19 =	sshll.u32 s4, $0x1;
	s1 =	sadd.s32 s17, s16  }
0x9f: {  	s5 =	simm.s32 $0x0;
	s18 =	sshll.u32 s3, $0x1;
	s3 =	sadd.s32 s19, s1  }
0xa0: {  	[timem:s5], [sflag:s20] =	dma.local [hbm:s3], s18  }
0xa1: {  	_ =	swait.ge [sflag:s20], s18  }
0xa2: {  	s2 =	ssub.s32 $0x0, s18;
	[sflag:s20] =	ssyncset.done $0x0  }
0xa3: {  	[sflag:s20] =	ssyncadd.s32 s2;
	_ =	sdelay $0x1  }
0xa4: {  	s21 =	simm.s32 $0x1B8B  }
0xa5: {  	_ =	swait.ge [sflag:s21], $0x1  }
0xa6: {  	[sflag:s21] =	ssyncset.done $0x0  }
0xa7: {  	s23 =	simm.s32 $0x1B8E;
	s22 =	sld [smem:$0x3FFE];
	[sflag:s21] =	ssyncadd.s32 $0xFFFFFFFF  }
0xa8: {  	s24 =	simm.s32 $execute0_lowered;
	[smem:$0x3FD2] =	sst s23  }
0xa9: {  	s3 =	sshll.u32 s24, $0x1;
	_ =	strace $0x80000046;
	[dreg:$0x1] =	wrdreg $0xFFFFFFFF  }
0xaa: {  	s25 =	simm.s32 $_size_execute0_lowered;
	s1 =	sadd.s32 s1, s3;
	[dreg:$0x0] =	wrdreg $0x0  }
0xab: {  	s3 =	sshll.u32 s25, $0x1;
	[dreg:$0x2] =	wrdreg s1  }
0xac: {  	[dreg:$0x3] =	wrdreg s3  }
0xad: {  	[dreg:$0x4] =	wrdreg $0xC0  }
0xae: {  	_ =	task [dreg:s5], $0x5FFFF  }
0xaf: {  	[dreg:$0x1] =	wrdreg $0xFFFFFFFF  }
0xb0: {  	[dreg:$0x0] =	wrdreg $0x60  }
0xb1: {  	[dreg:$0x2] =	wrdreg s22  }
0xb2: {  	[dreg:$0x3] =	wrdreg s14  }
0xb3: {  	[dreg:$0x4] =	wrdreg $0x9  }
0xb4: {  	_ =	task.clear_ibuf [dreg:s5], $0x5FFFF;
	_ =	strace $0x90000046  }
0xb5: {  	s26 =	simm.s32 $0x9;
	_ =	strace $0x80000048  }
0xb6: {  	_ =	swait.ge [sflag:s26], $0x1  }
0xb7: {  	[sflag:s26] =	ssyncadd.s32 $0xFFFFFFFF  }
0xb8: {  	_ =	strace $0x90000048  }
0xb9: {  	_ =	sfence  }
0xba: {  	s28 =	sld [smem:$0x0];
	_ =	sdelay $0x1  }
0xbb: {  	s29 =	srdreg.scid  }
0xbc: {  	s30 =	sshll.u32 s29, $0xD;
	s31 =	sshrl.u32 s29, $0x2  }
0xbd: {  	s2 =	sand.u32 $0x4000, s30;
	s1 =	sand.u32 $0x1, s29;
	s0 =	sadd.s32 s31, s28  }
0xbe: {  	s1 =	sor.u32 s2, s1;
	s0 =	sshll.u32 s0, $0x11  }
0xbf: {  	s0 =	sor.u32 s0, s1  }
0xc0: {  	s0 =	sadd.s32 $0x8F2B, s0  }
0xc1: {  	[sflag:s0] =	ssyncadd.remote.s32 $0x1  }
0xc2: {  	_ =	sfence.sel $0xFFFF  }
0xc3: {  	[dreg:$0x0] =	wrdreg $0xFFFFFFFF;
	(pc) =	sbr.abs _section_cstart, $3  }
0xc4: {  	[dreg:$0x1] =	wrdreg $0xFFFFFFFF  }
0xc5: {  	_ =	task.clear_ibuf [dreg:s5], $0x2FFFF;
	_ =	strace $0x9FFFFFFF  }
0xc6: {  	(tm) =	ssettm $0x7FFFFFFF  }
0xc7: {  	_ =	shalt  }
tec
execute0_lowered:
.L_overlay_start_1:
0x0: {  	(tag) =	ssettag $0x1  }
0x1: {  	s5 =	rddreg [dreg:$0x0]  }
0x2: {  	s2 =	rddreg [dreg:$0x1];
	s1 =	stileid.u32  }
0x3: {  	s0 =	rddreg [dreg:$0x2];
	s3 =	simm.s32 $0x0;
	s4 =	sshll.u32 s1, $0x6  }
0x4: {  	[smem:$0x7FF] =	sst s3;
	s6 =	sadd.s32 s4, s5  }
0x5: {  	s7 =	simm.s32 $0x200;
	_ =	strace $0x80000047;
	s6 =	sadd.s32 $0x3C00, s6  }
0x6: {  	[tilespmem:s7], [sflag:$0x1] =	stream.linear.gather [hbm4b:s6+s3], $0x200, $0x38;
	[tilespmem:$0xA00] =	vst v63  }
0x7: {  	s30 =	simm.s32 $0x400;
	s31 =	simm.s32 $0x1;
	s2 =	sadd.s32 s2, s4  }
0x8: {  	[tilespmem:s30], [sflag:$0x1] =	stream.linear.gather [hbm4b:s2+s3], $0x200, $0x38;
	[tilespmem:$0xA00] =	vst v63  }
0x9: {  	_ =	swait.ge [sflag:s31], $0x200  }
0xa: {  	[sflag:s31] =	ssyncset.done $0x0  }
0xb: {  	[sflag:s31] =	ssyncadd.s32 $0xFFFFFE00  }
0xc: {  	_ =	swait.ge [sflag:s31], $0x200  }
0xd: {  	[sflag:s31] =	ssyncset.done $0x0  }
0xe: {  	v0 =	vlaneseq.u32;
	s8 =	sshll.u32 s1, $0x9;
	s6 =	simm.s32 $0x0;
	[sflag:s31] =	ssyncadd.s32 $0xFFFFFE00  }
0xf: {  	v2 =	vor.u32 s8, v0;
	v1 =	vld [tilespmem:s6+$0x200]  }
0x10: {  	[tilespmem:s6+$0x800] =	vst v2;
	v2 =	vld [tilespmem:s6+$0x400];
	_ =	sdelay $0x1  }
0x11: {  	s4 =	sadd.s32 $0x3A00, s5;
	s8 =	sadd.s32 $0x10, s8;
	s7 =	simm.s32 $0x40  }
0x12: {  	s3 =	sadd.s32 $0x3800, s5;
	s2 =	sadd.s32 $0x4000, s5;
	s5 =	sadd.s32 $0x24000, s5  }
.LBB2_1:
0x13: {  	s9 =	sshra.s32 s7, $0x2;
	v3 =	vor.u32 s8, v0;
	p0 =	sne.s32 s7, $0x7C0;
	s7 =	sadd.s32 $0x40, s7;
	v4 =	vshll.u32 v1, $0xB  }
.Ltmp0:
0x14: {  	v1 =	vld [tilespmem:s9+$0x200];
	[tilespmem:s9+$0x800] =	vst v3;
	v3 =	vadd.s32 v2, v4;
	(pc) =	sbr.rel @p0 .LBB2_1-.Ltmp0, $2  }
0x15: {  	v2 =	vld [tilespmem:s9+$0x400];
	[tilespmem:s6+$0x600] =	vst v3;
	s6 =	smov.u32 s9;
	_ =	sdelay $0x2  }
0x16: {  	s8 =	sadd.s32 $0x10, s8  }
0x17: {  	v0 =	vshll.u32 v1, $0xB  }
0x18: {  	v0 =	vadd.s32 v2, v0  }
0x19: {  	s19 =	simm.s32 $0x80;
	s7 =	simm.s32 $0x600;
	s8 =	simm.s32 $0x800;
	[tilespmem:s6+$0x600] =	vst v0  }
0x1a: {  	[hbm4b:s5+s19] =	stream.indirect.scatter [tilespmem:s8], [sflag:$0x1], $0x1, s7, s19, $0xb8;
	[tilespmem:$0xA00] =	vst v63  }
0x1b: {  	s20 =	simm.s32 $0x680;
	s21 =	simm.s32 $0x880  }
0x1c: {  	[hbm4b:s5+s19] =	stream.indirect.scatter [tilespmem:s21], [sflag:$0x1], $0x1, s20, s19, $0xb8;
	[tilespmem:$0xA00] =	vst v63  }
0x1d: {  	s22 =	simm.s32 $0x700;
	s23 =	simm.s32 $0x900;
	s24 =	sshll.u32 s1, $0x4  }
0x1e: {  	[hbm4b:s5+s19] =	stream.indirect.scatter [tilespmem:s23], [sflag:$0x1], $0x1, s22, s19, $0xb8;
	[tilespmem:$0xA00] =	vst v63  }
0x1f: {  	s25 =	simm.s32 $0x780;
	s9 =	simm.s32 $0x980;
	s26 =	simm.s32 $0x0  }
0x20: {  	[hbm4b:s5+s19] =	stream.indirect.scatter [tilespmem:s9], [sflag:$0x1], $0x1, s25, s19, $0xb8;
	[tilespmem:$0xA00] =	vst v63  }
0x21: {  	s28 =	simm.s32 $0x100;
	s29 =	simm.s32 $0x2;
	s4 =	sadd.s32 s4, s24  }
0x22: {  	[tilespmem:s28], [sflag:$0x2] =	stream.linear.gather [hbm4b:s4+s26], $0x80, $0x38;
	[tilespmem:$0xA00] =	vst v63  }
0x23: {  	_ =	swait.ge [sflag:s29], $0x80  }
0x24: {  	[sflag:s29] =	ssyncset.done $0x0  }
0x25: {  	s30 =	simm.s32 $0x180;
	s3 =	sadd.s32 s3, s24;
	[sflag:s29] =	ssyncadd.s32 $0xFFFFFF80  }
0x26: {  	[tilespmem:s30], [sflag:$0x2] =	stream.linear.gather [hbm4b:s3+s26], $0x80, $0x38;
	[tilespmem:$0xA00] =	vst v63  }
0x27: {  	_ =	swait.ge [sflag:s29], $0x80  }
0x28: {  	[sflag:s29] =	ssyncset.done $0x0  }
0x29: {  	s31 =	sshll.u32 s1, $0x7;
	v0 =	vlaneseq.u32;
	s3 =	simm.s32 $0x0;
	[sflag:s29] =	ssyncadd.s32 $0xFFFFFF80  }
0x2a: {  	v2 =	vor.u32 s31, v0;
	v1 =	vld [tilespmem:s3+$0x100]  }
0x2b: {  	[tilespmem:s3+$0x80] =	vst v2;
	v2 =	vld [tilespmem:s3+$0x180];
	_ =	sdelay $0x2  }
0x2c: {  	s5 =	sadd.s32 $0x10, s31;
	s4 =	simm.s32 $0x40  }
.LBB2_3:
0x2d: {  	s6 =	sshra.s32 s4, $0x2;
	v3 =	vor.u32 s5, v0;
	p0 =	sne.s32 s4, $0x1C0;
	s4 =	sadd.s32 $0x40, s4;
	v4 =	vshll.u32 v1, $0xA  }
.Ltmp1:
0x2e: {  	v1 =	vld [tilespmem:s6+$0x100];
	[tilespmem:s6+$0x80] =	vst v3;
	v3 =	vadd.s32 v2, v4;
	(pc) =	sbr.rel @p0 .LBB2_3-.Ltmp1, $2  }
0x2f: {  	v2 =	vld [tilespmem:s6+$0x180];
	[tilespmem:s3+$0x0] =	vst v3;
	s3 =	smov.u32 s6;
	_ =	sdelay $0x2  }
0x30: {  	s5 =	sadd.s32 $0x10, s5  }
0x31: {  	v0 =	vshll.u32 v1, $0xA  }
0x32: {  	v0 =	vadd.s32 v2, v0  }
0x33: {  	s29 =	simm.s32 $0x0;
	s4 =	simm.s32 $0x80;
	s30 =	simm.s32 $0x2;
	[tilespmem:s3+$0x0] =	vst v0  }
0x34: {  	[hbm4b:s2+s4] =	stream.indirect.scatter [tilespmem:s4], [sflag:$0x2], $0x1, s29, s4, $0xb8;
	[tilespmem:$0xA00] =	vst v63  }
0x35: {  	_ =	swait.ge [sflag:s30], $0x80  }
0x36: {  	[sflag:s30] =	ssyncset.done $0x0  }
0x37: {  	s31 =	simm.s32 $0x1;
	[sflag:s30] =	ssyncadd.s32 $0xFFFFFF80  }
0x38: {  	_ =	swait.ge [sflag:s31], $0x80  }
0x39: {  	[sflag:s31] =	ssyncset.done $0x0  }
0x3a: {  	[sflag:s31] =	ssyncadd.s32 $0xFFFFFF80  }
0x3b: {  	_ =	swait.ge [sflag:s31], $0x80  }
0x3c: {  	[sflag:s31] =	ssyncset.done $0x0  }
0x3d: {  	[sflag:s31] =	ssyncadd.s32 $0xFFFFFF80  }
0x3e: {  	_ =	swait.ge [sflag:s31], $0x80  }
0x3f: {  	[sflag:s31] =	ssyncset.done $0x0  }
0x40: {  	[sflag:s31] =	ssyncadd.s32 $0xFFFFFF80  }
0x41: {  	_ =	swait.ge [sflag:s31], $0x80  }
0x42: {  	[sflag:s31] =	ssyncset.done $0x0  }
0x43: {  	[sflag:s31] =	ssyncadd.s32 $0xFFFFFF80  }
0x44: {  	_ =	sfence.sel $0x180000  }
0x45: {  	[bflag:$0x0] =	sbarrier.arrive $0xFFFF  }
0x46: {  	p0 =	sne.s32 s1, $0x0;
	_ =	strace $0x90000047  }
0x47: {  	s0 =	sadd.s32 @!p0 $0x100000, s0;
	[bflag:$0x2] =	sbarrier.arrive $0xFFFF  }
0x48: {  	[sflag:s0] =	ssyncadd.tile.s32 @!p0 $0x1;
	_ =	shalt  }
.Lfunc_end2:
_tile_overlayer_lowered:
.L_overlay_start_2:
0x49: {  	(tag) =	ssettag $0x2  }
0x4a: {  	s0 =	rddreg [dreg:$0x0];
	s2 =	stileid.u32  }
0x4b: {  	s1 =	rddreg [dreg:$0x1];
	p0 =	sne.s32 s2, $0x0  }
0x4c: {  	s3 =	rddreg [dreg:$0x2];
	[bflag:$0x3] =	sbarrier.arrive $0xFFFF;
	s2 =	simm.s32 @!p0 $0x1C02  }
0x4d: {  	[timem:s3], [sflag:s2] =	dma.local @!p0 [hbm:s0], s1  }
0x4e: {  	s0 =	simm.s32 @!p0 $0x2  }
0x4f: {  	_ =	swait.ge @!p0 [sflag:s0], s1  }
0x50: {  	s1 =	ssub.s32 @!p0 $0x0, s1;
	[sflag:s0] =	ssyncset.done @!p0 $0x0  }
0x51: {  	[sflag:s0] =	ssyncadd.s32 @!p0 s1  }
0x52: {  	[bflag:$0x3] =	sbarrier.arrive $0xFFFF  }
0x53: {  	_ =	shalt  }

// kernel: kernel.8.cloned.1.call-start
scs
__scs_entry_jumppad:
0x0: {  	(pc) =	sbr.rel $0x88, $3  }
0x1: {  	(tag) =	ssettag $0x0;
	lr =	simm.s32 $0x1  }
0x2: {  	[smem:$0x3F8D] =	sst lr;
	_ =	strace $0xD0000000  }
0x3: {  	_ = 	snop  }
0x4: {  	_ = 	snop  }
0x5: {  	_ = 	snop  }
0x6: {  	_ = 	snop  }
0x7: {  	_ = 	snop  }
__scs_overlays_trampoline_lowered:
0x8: {  	[smem:$0x3F9C] =	sst s0  }
0x9: {  	[smem:$0x3F9D] =	sst s1  }
0xa: {  	[smem:$0x3F9E] =	sst s2  }
0xb: {  	[smem:$0x3F9F] =	sst s3  }
0xc: {  	[smem:$0x3FA0] =	sst s4  }
0xd: {  	[smem:$0x3FA1] =	sst s5  }
0xe: {  	[smem:$0x3FA2] =	sst s6  }
0xf: {  	[smem:$0x3FA3] =	sst s7  }
0x10: {  	[smem:$0x3FA4] =	sst s8  }
0x11: {  	[smem:$0x3FA5] =	sst s9;
	s0 =	simm.s32 @!p0 $0x0  }
0x12: {  	s1 =	sld [smem:$0x3F8B];
	s0 =	simm.s32 @p0 $0x1  }
0x13: {  	[smem:$0x3FA6] =	sst s0;
	s0 =	simm.s32 @!p1 $0x0  }
0x14: {  	s2 =	sld [smem:$0x3F8A];
	s0 =	simm.s32 @p1 $0x1  }
0x15: {  	[smem:$0x3FA7] =	sst s0;
	s0 =	simm.s32 @!p2 $0x0  }
0x16: {  	s3 =	sld [smem:$0x3FDB];
	s0 =	simm.s32 @p2 $0x1  }
0x17: {  	s4 =	simm.s32 $0x1BF5;
	[smem:$0x3FA9] =	sst s0  }
0x18: {  	s0 =	sld [smem:$0x3F8C];
	_ =	swait.ge [sflag:s4], $0x0  }
0x19: {  	s7 =	sld [smem:$0x3F8D]  }
0x1a: {  	s8 =	sadd.s32 $0xFFFFE003, lr  }
0x1b: {  	s9 =	sadd.s32 $0xFFFFFEF7, lr;
	s5 =	simm.s32 $0xFFFFFFFF;
	p2 =	slt.u32 s8, $0xFFFFF086  }
0x1c: {  	p1 =	slt.u32 s9, $0xF7A;
	s5 =	simm.s32 @!p2 $0x0  }
0x1d: {  	s5 =	simm.s32 @p1 $0x1;
	p0 =	seq.s32 s7, s2  }
0x1e: {  	s7 =	smul.u32 @!p0 $0xF7A, s2;
	p2 =	seq.s32 @!p0 s5, $0x0  }
0x1f: {  	s9 =	smul.u32 $0xF7A, s1;
	s8 =	simm.s32 @!p0 $0x1BF5;
	p2 =	por !p2, p0  }
0x20: {  	[sflag:s8] =	ssyncset.s32 @!p0 $0xFFFFF086;
	s6 =	sadd.s32 @!p0 s3, s7;
	s7 =	simm.s32 @!p0 $0x108  }
0x21: {  	s3 =	sadd.s32 s3, s9;
	s6 =	sadd.s32 @!p0 $0x88, s6;
	s7 =	simm.s32 @p2 $0x1082  }
0x22: {  	[simem:s7], [sflag:s8] =	dma.local @!p0 [hbm:s6], $0xF7A  }
0x23: {  	s9 =	sor.u32 $0xD0000000, s2;
	s6 =	simm.s32 $0x108;
	_ =	swait.ge @!p0 [sflag:s8], $0x0  }
0x24: {  	s3 =	sadd.s32 $0x88, s3;
	s6 =	simm.s32 @!p1 $0x1082;
	[sflag:s4] =	ssyncset.s32 $0xFFFFF086  }
0x25: {  	[simem:s6], [sflag:s4] =	dma.local [hbm:s3], $0xF7A  }
0x26: {  	[smem:$0x3F8D] =	sst s1;
	(tag) =	ssettag s2;
	_ =	strace s9  }
0x27: {  	s1 =	sld [smem:$0x3F9D]  }
0x28: {  	s2 =	sld [smem:$0x3F9E]  }
0x29: {  	s4 =	sld [smem:$0x3FA0]  }
0x2a: {  	p0 =	seq.s32 s5, $0x0;
	s5 =	sld [smem:$0x3FA1]  }
0x2b: {  	s6 =	sld [smem:$0x3FA2]  }
0x2c: {  	s7 =	sld [smem:$0x3FA3]  }
0x2d: {  	s3 =	simm.s32 $0x108;
	s8 =	sld [smem:$0x3FA4]  }
0x2e: {  	s3 =	simm.s32 @!p0 $0x1082;
	s9 =	sld [smem:$0x3FA5]  }
0x2f: {  	lr =	sadd.s32 s0, s3;
	s0 =	sld [smem:$0x3F9C]  }
0x30: {  	s3 =	sld [smem:$0x3F9F]  }
0x31: {  	[smem:$0x3FA8] =	sst s10  }
0x32: {  	s10 =	sld [smem:$0x3FA6];
	_ =	sdelay $0x3  }
0x33: {  	p0 =	seq.s32 s10, $0x1;
	s10 =	sld [smem:$0x3FA8];
	_ =	sdelay $0x3  }
0x34: {  	[smem:$0x3FA8] =	sst s10  }
0x35: {  	s10 =	sld [smem:$0x3FA7];
	_ =	sdelay $0x3  }
0x36: {  	p1 =	seq.s32 s10, $0x1;
	s10 =	sld [smem:$0x3FA8];
	_ =	sdelay $0x3  }
0x37: {  	[smem:$0x3FA8] =	sst s10  }
0x38: {  	s10 =	sld [smem:$0x3FA9]  }
0x39: {  	_ = 	snop;
	(pc) =	sbr.ind lr, $3  }
0x3a: {  	_ = 	snop  }
0x3b: {  	_ = 	snop  }
0x3c: {  	p2 =	seq.s32 s10, $0x1;
	s10 =	sld [smem:$0x3FA8]  }
0x3d: {  	_ =	shalt  }
0x3e: {  	_ =	shalt  }
0x3f: {  	_ =	shalt  }
0x40: {  	_ =	shalt  }
0x41: {  	_ =	shalt  }
0x42: {  	_ =	shalt  }
0x43: {  	_ =	shalt  }
0x44: {  	_ =	shalt  }
0x45: {  	_ =	shalt  }
0x46: {  	_ =	shalt  }
0x47: {  	_ =	shalt  }
0x48: {  	_ =	shalt  }
0x49: {  	_ =	shalt  }
0x4a: {  	_ =	shalt  }
0x4b: {  	_ =	shalt  }
0x4c: {  	_ =	shalt  }
0x4d: {  	_ =	shalt  }
0x4e: {  	_ =	shalt  }
0x4f: {  	_ =	shalt  }
0x50: {  	_ =	shalt  }
0x51: {  	_ =	shalt  }
0x52: {  	_ =	shalt  }
0x53: {  	_ =	shalt  }
0x54: {  	_ =	shalt  }
0x55: {  	_ =	shalt  }
0x56: {  	_ =	shalt  }
0x57: {  	_ =	shalt  }
0x58: {  	_ =	shalt  }
0x59: {  	_ =	shalt  }
0x5a: {  	_ =	shalt  }
0x5b: {  	_ =	shalt  }
0x5c: {  	_ =	shalt  }
0x5d: {  	_ =	shalt  }
0x5e: {  	_ =	shalt  }
0x5f: {  	_ =	shalt  }
0x60: {  	_ =	shalt  }
0x61: {  	_ =	shalt  }
0x62: {  	_ =	shalt  }
0x63: {  	_ =	shalt  }
0x64: {  	_ =	shalt  }
0x65: {  	_ =	shalt  }
0x66: {  	_ =	shalt  }
0x67: {  	_ =	shalt  }
0x68: {  	_ =	shalt  }
0x69: {  	_ =	shalt  }
0x6a: {  	_ =	shalt  }
0x6b: {  	_ =	shalt  }
0x6c: {  	_ =	shalt  }
0x6d: {  	_ =	shalt  }
0x6e: {  	_ =	shalt  }
0x6f: {  	_ =	shalt  }
0x70: {  	_ =	shalt  }
0x71: {  	_ =	shalt  }
0x72: {  	_ =	shalt  }
0x73: {  	_ =	shalt  }
0x74: {  	_ =	shalt  }
0x75: {  	_ =	shalt  }
0x76: {  	_ =	shalt  }
0x77: {  	_ =	shalt  }
0x78: {  	_ =	shalt  }
0x79: {  	_ =	shalt  }
0x7a: {  	_ =	shalt  }
0x7b: {  	_ =	shalt  }
0x7c: {  	_ =	shalt  }
0x7d: {  	_ =	shalt  }
0x7e: {  	_ =	shalt  }
0x7f: {  	_ =	shalt  }
0x80: {  	_ =	shalt  }
0x81: {  	_ =	shalt  }
0x82: {  	_ =	shalt  }
0x83: {  	_ =	shalt  }
0x84: {  	_ =	shalt  }
0x85: {  	_ =	shalt  }
0x86: {  	_ =	shalt  }
0x87: {  	_ =	shalt  }
.Lfunc_end0:
.L_simem_size_0:
called_computation.1_lowered:
.L_overlay_start_0:
0x88: {  	s2 =	sld [smem:$0x3FD9]  }
0x89: {  	s3 =	sld [smem:$0x3FFE];
	_ =	sdelay $0x1  }
0x8a: {  	s1 =	srdreg.scid  }
0x8b: {  	s0 =	sand.u32 $0x1, s1  }
0x8c: {  	s14 =	sshll.u32 s0, $0xA;
	s2 =	sadd.s32 s3, s2  }
0x8d: {  	s2 =	sadd.s32 s2, s14  }
0x8e: {  	[smem:$0x3FB4] =	sst s2  }
0x8f: {  	_ = 	snop  }
0x90: {  	s2 =	sld [smem:$0x3FD0];
	_ =	sdelay $0x2  }
0x91: {  	s15 =	simm.s32 $0xA;
	s4 =	simm.s32 $0x10  }
0x92: {  	[smem:s4], [sflag:s15] =	dma.local [hbm:s2], $0x1  }
0x93: {  	_ =	swait.eq [sflag:s15], $0x1  }
0x94: {  	[sflag:s15] =	ssyncset.done $0x0  }
0x95: {  	s16 =	sld [smem:$0x10];
	[sflag:s15] =	ssyncadd.s32 $0xFFFFFFFF  }
0x96: {  	s17 =	sld [smem:$0x11];
	(tm) =	ssettm $0x1  }
0x97: {  	s18 =	sld [smem:$0x3FFB];
	_ =	sdelay $0x3  }
0x98: {  	_ =	strace s18  }
0x99: {  	s4 =	sld [smem:$0x3FFC];
	_ =	sdelay $0x3  }
0x9a: {  	_ =	strace s4  }
0x9b: {  	s4 =	sld [smem:$0x3FFD];
	_ =	sdelay $0x3  }
0x9c: {  	_ =	strace s4  }
0x9d: {  	_ =	strace $0x8FFFFFFF  }
0x9e: {  	s19 =	sld [smem:$0x3FDB];
	_ =	sdelay $0x1  }
0x9f: {  	s5 =	simm.s32 $_scs_section_size  }
0xa0: {  	s6 =	simm.s32 $_size__tile_overlayer_lowered;
	s7 =	simm.s32 $_tile_overlayer_lowered  }
0xa1: {  	s22 =	simm.s32 $0x1BFF;
	s21 =	sshll.u32 s7, $0x1;
	s4 =	sadd.s32 s5, s19  }
0xa2: {  	s8 =	simm.s32 $0x0;
	s20 =	sshll.u32 s6, $0x1;
	s6 =	sadd.s32 s21, s4  }
0xa3: {  	[timem:s8], [sflag:s22] =	dma.local [hbm:s6], s20  }
0xa4: {  	_ =	swait.ge [sflag:s22], s20  }
0xa5: {  	s5 =	ssub.s32 $0x0, s20;
	[sflag:s22] =	ssyncset.done $0x0  }
0xa6: {  	[sflag:s22] =	ssyncadd.s32 s5;
	_ =	sdelay $0x1  }
0xa7: {  	s23 =	simm.s32 $0x1B8B  }
0xa8: {  	_ =	swait.ge [sflag:s23], $0x1  }
0xa9: {  	[sflag:s23] =	ssyncset.done $0x0  }
0xaa: {  	s25 =	simm.s32 $0x1B8E;
	s24 =	sld [smem:$0x3FFE];
	[sflag:s23] =	ssyncadd.s32 $0xFFFFFFFF  }
0xab: {  	s26 =	simm.s32 $execute0_lowered;
	[smem:$0x3FD2] =	sst s25  }
0xac: {  	s6 =	sshll.u32 s26, $0x1;
	_ =	strace $0x80000049;
	[dreg:$0x1] =	wrdreg $0xFFFFFFFF  }
0xad: {  	s28 =	simm.s32 $_size_execute0_lowered;
	s4 =	sadd.s32 s4, s6;
	[dreg:$0x0] =	wrdreg $0x0  }
0xae: {  	s6 =	sshll.u32 s28, $0x1;
	[dreg:$0x2] =	wrdreg s4  }
0xaf: {  	[dreg:$0x3] =	wrdreg s6  }
0xb0: {  	[dreg:$0x4] =	wrdreg $0xC0  }
0xb1: {  	_ =	task [dreg:s8], $0x5FFFF  }
0xb2: {  	[dreg:$0x1] =	wrdreg $0xFFFFFFFF  }
0xb3: {  	[dreg:$0x0] =	wrdreg $0x60  }
0xb4: {  	[dreg:$0x2] =	wrdreg s24  }
0xb5: {  	[dreg:$0x3] =	wrdreg s17  }
0xb6: {  	[dreg:$0x4] =	wrdreg s16  }
0xb7: {  	[dreg:$0x5] =	wrdreg $0x0  }
0xb8: {  	[dreg:$0x6] =	wrdreg $0x20000  }
0xb9: {  	[dreg:$0x7] =	wrdreg $0x9  }
0xba: {  	_ =	task.clear_ibuf [dreg:s8], $0x8FFFF;
	_ =	strace $0x90000049  }
0xbb: {  	s29 =	simm.s32 $0x9;
	_ =	strace $0x8000004B  }
0xbc: {  	_ =	swait.ge [sflag:s29], $0x1  }
0xbd: {  	[sflag:s29] =	ssyncadd.s32 $0xFFFFFFFF  }
0xbe: {  	_ =	strace $0x9000004B  }
0xbf: {  	_ =	sfence  }
0xc0: {  	s30 =	sld [smem:$0x0];
	_ =	sdelay $0x2  }
0xc1: {  	s31 =	sshll.u32 s1, $0xD;
	s1 =	sshrl.u32 s1, $0x2  }
0xc2: {  	s3 =	sand.u32 $0x4000, s31;
	s1 =	sadd.s32 s1, s30  }
0xc3: {  	s0 =	sor.u32 s3, s0;
	s1 =	sshll.u32 s1, $0x11  }
0xc4: {  	s0 =	sor.u32 s1, s0  }
0xc5: {  	s0 =	sadd.s32 $0x8F2B, s0  }
0xc6: {  	[sflag:s0] =	ssyncadd.remote.s32 $0x1  }
0xc7: {  	_ =	sfence.sel $0xFFFF  }
0xc8: {  	[dreg:$0x0] =	wrdreg $0xFFFFFFFF;
	(pc) =	sbr.abs _section_cstart, $3  }
0xc9: {  	[dreg:$0x1] =	wrdreg $0xFFFFFFFF  }
0xca: {  	_ =	task.clear_ibuf [dreg:s8], $0x2FFFF;
	_ =	strace $0x9FFFFFFF  }
0xcb: {  	(tm) =	ssettm $0x7FFFFFFF  }
tec
execute0_lowered:
.L_overlay_start_1:
0x0: {  	(tag) =	ssettag $0x1  }
0x1: {  	s0 =	rddreg [dreg:$0x0]  }
0x2: {  	s1 =	rddreg [dreg:$0x1]  }
0x3: {  	s2 =	rddreg [dreg:$0x2]  }
0x4: {  	s15 =	rddreg [dreg:$0x3]  }
0x5: {  	s3 =	rddreg [dreg:$0x4];
	s4 =	simm.s32 $0x0;
	s16 =	stileid.u32  }
0x6: {  	s10 =	srdreg.scid;
	s28 =	simm.s32 $0x2;
	s31 =	simm.s32 $0x13680  }
0x7: {  	s30 =	simm.s32 $0x1;
	s29 =	simm.s32 $0xA000;
	[smem:$0x7FF] =	sst s4  }
0x8: {  	s5 =	sshll.u32 s16, $0x6;
	s7 =	sadd.s32 $0x4000, s0;
	s8 =	sadd.s32 $0xA4000, s0  }
0x9: {  	s19 =	sshll.u32 s16, $0x4;
	s9 =	sadd.s32 $0xA4600, s0;
	s11 =	sand.u32 $0x1, s10  }
0xa: {  	s10 =	sadd.s32 $0xB4600, s0;
	s12 =	sshll.u32 s16, $0xB;
	s14 =	sshll.u32 s16, $0xD  }
0xb: {  	s25 =	sshll.u32 s16, $0xA;
	s26 =	sshll.u32 s16, $0xE;
	_ =	strace $0x8000004A  }
0xc: {  	s6 =	sadd.s32 s5, s0;
	[dreg:$0x6] =	wrdreg s7;
	s7 =	sadd.s32 $0x24000, s0  }
0xd: {  	[dreg:$0x7] =	wrdreg s8;
	s8 =	sadd.s32 s19, s0;
	s13 =	ssub.s32 $0x2, s11  }
0xe: {  	s0 =	sadd.s32 s12, s0;
	p0 =	seq.s32 s11, $0x1;
	s2 =	sadd.s32 s2, s25  }
0xf: {  	s11 =	sadd.s32 s14, s15;
	s21 =	sadd.s32 $0x3A00, s8;
	[dreg:$0xd] =	wrdreg s2  }
0x10: {  	s12 =	sshll.u32 s16, $0x7;
	s22 =	sadd.s32 $0xA4200, s8;
	[dreg:$0x8] =	wrdreg s21  }
0x11: {  	s20 =	sshrl.u32 s13, $0x1;
	s23 =	sadd.s32 $0xA4300, s8;
	[dreg:$0x9] =	wrdreg s22  }
0x12: {  	s14 =	sadd.s32 $0x3800, s8;
	s24 =	sadd.s32 $0xA4400, s8;
	[dreg:$0xa] =	wrdreg s23  }
.Ltmp0:
0x13: {  	s8 =	sadd.s32 $0xA4500, s8;
	[dreg:$0xb] =	wrdreg s24;
	(pc) =	sbr.rel .LBB2_1-.Ltmp0, $4  }
0x14: {  	s2 =	simm.s32 $0xE000;
	s13 =	ssub.s32 s13, s20;
	[dreg:$0xc] =	wrdreg s8  }
0x15: {  	s20 =	sadd.s32 s26, s3;
	s21 =	sshll.u32 s16, $0x9;
	s22 =	sadd.s32 $0x3C00, s6  }
0x16: {  	s23 =	sadd.s32 s1, s5;
	s24 =	sadd.s32 $0xBC800, s0;
	s26 =	simm.s32 $0x6000  }
0x17: {  	v0 =	vimm.f32 $0.0e+00;
	v1 =	vlaneseq.u32;
	s0 =	simm.s32 $0x80;
	s1 =	simm.s32 $0x0;
	s25 =	smax.u32 s13, $0x1  }
.LBB2_17:
0x18: {  	[tilespmem:s13+$0x14880] =	vst v2;
	s6 =	simm.s32 $0x14700  }
0x19: {  	[hbm4b:s24+s4] =	stream.linear.scatter [tilespmem:s6], [sflag:$0x2], $0x4000, $0x38;
	[tilespmem:$0x18700] =	vst v63  }
0x1a: {  	_ =	swait.ge [sflag:s28], $0x4000  }
0x1b: {  	[sflag:s28] =	ssyncset.done $0x0  }
0x1c: {  	[sflag:s28] =	ssyncadd.s32 $0xFFFFC000  }
.LBB2_18:
0x1d: {  	s1 =	sadd.s32 $0x1, s1  }
0x1e: {  	p1 =	sne.s32 s1, s25  }
.Ltmp1:
0x1f: {  	_ = 	snop;
	(pc) =	sbr.rel @!p1 .LBB2_19-.Ltmp1, $1  }
0x20: {  	_ =	sdelay $0x3  }
.LBB2_1:
.Ltmp2:
0x21: {  	(pc) =	sbr.rel @!p0 .LBB2_2-.Ltmp2, $2  }
0x22: {  	_ =	sdelay $0x2  }
0x23: {  	s6 =	sshra.s32 s4, $0x2;
	s8 =	sadd.s32 $0x200, s4  }
.LBB2_10:
0x24: {  	p1 =	sne.s32 s8, $0xFE00;
	[tilespmem:s6+$0x6070] =	vst v0  }
0x25: {  	[tilespmem:s6+$0x6000] =	vst v0  }
0x26: {  	[tilespmem:s6+$0x6010] =	vst v0  }
.Ltmp3:
0x27: {  	[tilespmem:s6+$0x6020] =	vst v0;
	(pc) =	sbr.rel @p1 .LBB2_10-.Ltmp3, $4  }
0x28: {  	[tilespmem:s6+$0x6030] =	vst v0  }
0x29: {  	[tilespmem:s6+$0x6040] =	vst v0  }
0x2a: {  	[tilespmem:s6+$0x6050] =	vst v0  }
0x2b: {  	[tilespmem:s6+$0x6060] =	vst v0;
	s6 =	sshra.s32 s8, $0x2;
	s8 =	sadd.s32 $0x200, s8  }
0x2c: {  	[tilespmem:s6+$0x6070] =	vst v0  }
0x2d: {  	[tilespmem:s6+$0x6000] =	vst v0  }
0x2e: {  	[tilespmem:s6+$0x6010] =	vst v0  }
0x2f: {  	[tilespmem:s6+$0x6020] =	vst v0  }
0x30: {  	[tilespmem:s6+$0x6030] =	vst v0  }
0x31: {  	[tilespmem:s6+$0x6040] =	vst v0  }
0x32: {  	[tilespmem:s6+$0x6050] =	vst v0  }
0x33: {  	[tilespmem:s6+$0x6060] =	vst v0  }
0x34: {  	[spmem:s20] =	stream.linear.scatter [tilespmem:s26], [sflag:$0x2], $0x4000, $0x38;
	[tilespmem:$0x18700] =	vst v63  }
0x35: {  	_ =	swait.ge [sflag:s28], $0x4000  }
0x36: {  	[sflag:s28] =	ssyncset.done $0x0  }
0x37: {  	s17 =	simm.s32 $0x0;
	s8 =	simm.s32 $0x12880;
	[sflag:s28] =	ssyncadd.s32 $0xFFFFC000  }
0x38: {  	[tilespmem:s8], [sflag:$0x2] =	stream.linear.gather [hbm4b:s22+s17], $0x200, $0x38;
	[tilespmem:$0x18700] =	vst v63  }
0x39: {  	_ =	swait.ge [sflag:s28], $0x200  }
0x3a: {  	[sflag:s28] =	ssyncset.done $0x0  }
0x3b: {  	s18 =	simm.s32 $0x12A80;
	[sflag:s28] =	ssyncadd.s32 $0xFFFFFE00  }
0x3c: {  	[tilespmem:s18], [sflag:$0x2] =	stream.linear.gather [hbm4b:s23+s17], $0x200, $0x38;
	[tilespmem:$0x18700] =	vst v63  }
0x3d: {  	_ =	swait.ge [sflag:s28], $0x200  }
0x3e: {  	[sflag:s28] =	ssyncset.done $0x0  }
0x3f: {  	s19 =	rddreg [dreg:$0x7];
	[sflag:s28] =	ssyncadd.s32 $0xFFFFFE00  }
0x40: {  	[tilespmem:s31], [sflag:$0x2] =	stream.linear.gather [hbm4b:s19+s17], $0x1000, $0x38;
	[tilespmem:$0x18700] =	vst v63  }
0x41: {  	_ =	swait.ge [sflag:s28], $0x1000  }
0x42: {  	[sflag:s28] =	ssyncset.done $0x0  }
0x43: {  	[sflag:s28] =	ssyncadd.s32 $0xFFFFF000  }
0x44: {  	s6 =	simm.s32 $0x0;
	[bflag:$0x0] =	sbarrier.arrive $0xFFFF  }
0x45: {  	v2 =	vld [tilespmem:s6+$0x12880]  }
0x46: {  	s8 =	simm.s32 $0x40;
	v3 =	vld [tilespmem:s6+$0x12A80]  }
.LBB2_12:
0x47: {  	p1 =	sne.s32 s8, $0x7C0  }
.Ltmp4:
0x48: {  	_ = 	snop;
	(pc) =	sbr.rel @p1 .LBB2_12-.Ltmp4, $4  }
0x49: {  	_ = 	snop  }
0x4a: {  	s13 =	sshra.s32 s8, $0x2;
	s8 =	sadd.s32 $0x40, s8;
	v4 =	vshll.u32 v2, $0xB;
	[tilespmem:s6+$0x13280] =	vst v2  }
0x4b: {  	v2 =	vld [tilespmem:s13+$0x12880];
	v4 =	vadd.s32 v3, v4  }
0x4c: {  	v3 =	vld [tilespmem:s13+$0x12A80];
	[tilespmem:s6+$0x12C80] =	vst v4;
	s6 =	smov.u32 s13  }
0x4d: {  	_ =	sdelay $0x2  }
0x4e: {  	v4 =	vshll.u32 v2, $0xB  }
0x4f: {  	[tilespmem:s6+$0x13280] =	vst v2;
	v2 =	vadd.s32 v3, v4  }
0x50: {  	s19 =	simm.s32 $0x12C80;
	s8 =	simm.s32 $0x12E80;
	[tilespmem:s6+$0x12C80] =	vst v2  }
0x51: {  	[tilespmem:s8], [sflag:$0x1] =	stream.indirect.gather [hbm4b:s7+s0], $0x1, s19, s0, $0xb8;
	[tilespmem:$0x18700] =	vst v63  }
0x52: {  	s13 =	simm.s32 $0x12D00;
	s15 =	simm.s32 $0x12F00  }
0x53: {  	[tilespmem:s15], [sflag:$0x1] =	stream.indirect.gather [hbm4b:s7+s0], $0x1, s13, s0, $0xb8;
	[tilespmem:$0x18700] =	vst v63  }
0x54: {  	s16 =	simm.s32 $0x12D80;
	s17 =	simm.s32 $0x12F80  }
0x55: {  	[tilespmem:s17], [sflag:$0x1] =	stream.indirect.gather [hbm4b:s7+s0], $0x1, s16, s0, $0xb8;
	[tilespmem:$0x18700] =	vst v63  }
0x56: {  	s18 =	simm.s32 $0x12E00;
	s19 =	simm.s32 $0x13000  }
0x57: {  	[tilespmem:s19], [sflag:$0x1] =	stream.indirect.gather [hbm4b:s7+s0], $0x1, s18, s0, $0xb8;
	[tilespmem:$0x18700] =	vst v63  }
0x58: {  	_ =	swait.ge [sflag:s30], $0x80  }
0x59: {  	[sflag:s30] =	ssyncset.done $0x0  }
0x5a: {  	[sflag:s30] =	ssyncadd.s32 $0xFFFFFF80  }
0x5b: {  	_ =	swait.ge [sflag:s30], $0x80  }
0x5c: {  	[sflag:s30] =	ssyncset.done $0x0  }
0x5d: {  	[sflag:s30] =	ssyncadd.s32 $0xFFFFFF80  }
0x5e: {  	_ =	swait.ge [sflag:s30], $0x80  }
0x5f: {  	[sflag:s30] =	ssyncset.done $0x0  }
0x60: {  	[sflag:s30] =	ssyncadd.s32 $0xFFFFFF80  }
0x61: {  	_ =	swait.ge [sflag:s30], $0x80  }
0x62: {  	[sflag:s30] =	ssyncset.done $0x0  }
0x63: {  	s6 =	simm.s32 $0x0;
	[sflag:s30] =	ssyncadd.s32 $0xFFFFFF80  }
0x64: {  	v2 =	vld [tilespmem:s6+$0x12E80]  }
0x65: {  	v3 =	vld [tilespmem:s6+$0x12A80];
	_ =	sdelay $0x2  }
0x66: {  	v4 =	vor.u32 s21, v1;
	s8 =	simm.s32 $0x40;
	s13 =	smov.u32 s21  }
.LBB2_14:
0x67: {  	s15 =	sshra.s32 s8, $0x2;
	p1 =	sne.s32 s8, $0x7C0;
	s8 =	sadd.s32 $0x40, s8;
	vm0 =	veq.s32 v2, v4  }
.Ltmp5:
0x68: {  	v2 =	vld [tilespmem:s15+$0x12E80];
	v4 =	vnsel vm0, $0x800, v3;
	(pc) =	sbr.rel @p1 .LBB2_14-.Ltmp5, $3  }
0x69: {  	v3 =	vld [tilespmem:s15+$0x12A80];
	[tilespmem:s6+$0x13080] =	vst v4;
	s6 =	smov.u32 s15;
	_ =	sdelay $0x1  }
0x6a: {  	s13 =	sadd.s32 $0x10, s13  }
0x6b: {  	v4 =	vor.u32 s13, v1  }
0x6c: {  	vm0 =	veq.s32 v2, v4  }
0x6d: {  	v2 =	vnsel vm0, $0x800, v3  }
0x6e: {  	s17 =	simm.s32 $0x13080;
	[tilespmem:s6+$0x13080] =	vst v2  }
0x6f: {  	[tilespmem:s29], [sflag:$0x1] =	stream.indirect.gather [hbm4b:s10+s0], $0x80, s17, s0, $0xb8;
	[tilespmem:$0x18700] =	vst v63  }
0x70: {  	s18 =	simm.s32 $0x13100  }
0x71: {  	[tilespmem:s2], [sflag:$0x1] =	stream.indirect.gather [hbm4b:s10+s0], $0x80, s18, s0, $0xb8;
	[tilespmem:$0x18700] =	vst v63  }
0x72: {  	_ =	swait.ge [sflag:s30], $0x4000  }
0x73: {  	[sflag:s30] =	ssyncset.done $0x0  }
0x74: {  	[sflag:s30] =	ssyncadd.s32 $0xFFFFC000  }
0x75: {  	_ =	swait.ge [sflag:s30], $0x4000  }
0x76: {  	[sflag:s30] =	ssyncset.done $0x0  }
0x77: {  	s19 =	simm.s32 $0x13280;
	[sflag:s30] =	ssyncadd.s32 $0xFFFFC000  }
0x78: {  	[spmem:s3] =	stream.indirect.scatter.add.f32 [tilespmem:s29], [sflag:$0x1], $0x80, s19, s0, $0xb8;
	[tilespmem:$0x18700] =	vst v63  }
0x79: {  	s8 =	simm.s32 $0x13300  }
0x7a: {  	[spmem:s3] =	stream.indirect.scatter.add.f32 [tilespmem:s2], [sflag:$0x1], $0x80, s8, s0, $0xb8;
	[tilespmem:$0x18700] =	vst v63  }
0x7b: {  	_ =	swait.ge [sflag:s30], $0x4000  }
0x7c: {  	[sflag:s30] =	ssyncset.done $0x0  }
0x7d: {  	[sflag:s30] =	ssyncadd.s32 $0xFFFFC000  }
0x7e: {  	_ =	swait.ge [sflag:s30], $0x4000  }
0x7f: {  	[sflag:s30] =	ssyncset.done $0x0  }
0x80: {  	s13 =	simm.s32 $0x13180;
	[sflag:s30] =	ssyncadd.s32 $0xFFFFC000  }
0x81: {  	[tilespmem:s29], [sflag:$0x1] =	stream.indirect.gather [hbm4b:s10+s0], $0x80, s13, s0, $0xb8;
	[tilespmem:$0x18700] =	vst v63  }
0x82: {  	s15 =	simm.s32 $0x13200  }
0x83: {  	[tilespmem:s2], [sflag:$0x1] =	stream.indirect.gather [hbm4b:s10+s0], $0x80, s15, s0, $0xb8;
	[tilespmem:$0x18700] =	vst v63  }
0x84: {  	_ =	swait.ge [sflag:s30], $0x4000  }
0x85: {  	[sflag:s30] =	ssyncset.done $0x0  }
0x86: {  	[sflag:s30] =	ssyncadd.s32 $0xFFFFC000  }
0x87: {  	_ =	swait.ge [sflag:s30], $0x4000  }
0x88: {  	[sflag:s30] =	ssyncset.done $0x0  }
0x89: {  	s16 =	simm.s32 $0x13380;
	[sflag:s30] =	ssyncadd.s32 $0xFFFFC000  }
0x8a: {  	[spmem:s3] =	stream.indirect.scatter.add.f32 [tilespmem:s29], [sflag:$0x1], $0x80, s16, s0, $0xb8;
	[tilespmem:$0x18700] =	vst v63  }
0x8b: {  	s17 =	simm.s32 $0x13400  }
0x8c: {  	[spmem:s3] =	stream.indirect.scatter.add.f32 [tilespmem:s2], [sflag:$0x1], $0x80, s17, s0, $0xb8;
	[tilespmem:$0x18700] =	vst v63  }
0x8d: {  	_ =	swait.ge [sflag:s30], $0x4000  }
0x8e: {  	[sflag:s30] =	ssyncset.done $0x0  }
0x8f: {  	[sflag:s30] =	ssyncadd.s32 $0xFFFFC000  }
0x90: {  	_ =	swait.ge [sflag:s30], $0x4000  }
0x91: {  	[sflag:s30] =	ssyncset.done $0x0  }
0x92: {  	[sflag:s30] =	ssyncadd.s32 $0xFFFFC000  }
0x93: {  	[bflag:$0x0] =	sbarrier.arrive $0xFFFF  }
0x94: {  	[tilespmem:s2], [sflag:$0x2] =	stream.linear.gather [spmem:s20], $0x4000, $0x38;
	[tilespmem:$0x18700] =	vst v63  }
0x95: {  	_ =	swait.ge [sflag:s28], $0x4000  }
0x96: {  	[sflag:s28] =	ssyncset.done $0x0  }
0x97: {  	s6 =	simm.s32 $0x0;
	s8 =	simm.s32 $0x14680;
	[sflag:s28] =	ssyncadd.s32 $0xFFFFC000  }
0x98: {  	[tilespmem:s8], [sflag:$0x2] =	stream.linear.gather [hbm4b:s14+s6], $0x80, $0x38;
	[tilespmem:$0x18700] =	vst v63  }
0x99: {  	_ =	swait.ge [sflag:s28], $0x80  }
0x9a: {  	[sflag:s28] =	ssyncset.done $0x0  }
0x9b: {  	[sflag:s28] =	ssyncadd.s32 $0xFFFFFF80  }
0x9c: {  	v2 =	vld [tilespmem:$0x14680];
	_ =	sdelay $0x7  }
0x9d: {  	v3 =	vld.idx.msk [tilespmem:v2+s31+$0x0], $0xffff  }
0x9e: {  	v26 =	vadd.s32 $0x400, v2;
	_ =	sdelay $0x3  }
0x9f: {  	[tilespmem:$0x13480] =	vst v3  }
0xa0: {  	v3 =	vld.idx.msk [tilespmem:v26+s31+$0x0], $0xffff  }
0xa1: {  	v27 =	vadd.s32 $0x800, v2;
	_ =	sdelay $0x3  }
0xa2: {  	[tilespmem:$0x13500] =	vst v3  }
0xa3: {  	v3 =	vld.idx.msk [tilespmem:v27+s31+$0x0], $0xffff  }
0xa4: {  	v2 =	vadd.s32 $0xC00, v2;
	_ =	sdelay $0x2  }
0xa5: {  	v28 =	vld [tilespmem:$0x14690]  }
0xa6: {  	[tilespmem:$0x13580] =	vst v3  }
0xa7: {  	v2 =	vld.idx.msk [tilespmem:v2+s31+$0x0], $0xffff;
	_ =	sdelay $0x4  }
0xa8: {  	[tilespmem:$0x13600] =	vst v2  }
0xa9: {  	v2 =	vld.idx.msk [tilespmem:v28+s31+$0x0], $0xffff  }
0xaa: {  	v3 =	vadd.s32 $0x400, v28;
	_ =	sdelay $0x3  }
0xab: {  	[tilespmem:$0x13490] =	vst v2  }
0xac: {  	v2 =	vld.idx.msk [tilespmem:v3+s31+$0x0], $0xffff  }
0xad: {  	v3 =	vadd.s32 $0x800, v28;
	_ =	sdelay $0x3  }
0xae: {  	[tilespmem:$0x13510] =	vst v2  }
0xaf: {  	v2 =	vld.idx.msk [tilespmem:v3+s31+$0x0], $0xffff  }
0xb0: {  	v3 =	vadd.s32 $0xC00, v28;
	_ =	sdelay $0x2  }
0xb1: {  	v29 =	vld [tilespmem:$0x146A0]  }
0xb2: {  	[tilespmem:$0x13590] =	vst v2  }
0xb3: {  	v2 =	vld.idx.msk [tilespmem:v3+s31+$0x0], $0xffff;
	_ =	sdelay $0x4  }
0xb4: {  	[tilespmem:$0x13610] =	vst v2  }
0xb5: {  	v2 =	vld.idx.msk [tilespmem:v29+s31+$0x0], $0xffff  }
0xb6: {  	v3 =	vadd.s32 $0x400, v29;
	_ =	sdelay $0x3  }
0xb7: {  	[tilespmem:$0x134A0] =	vst v2  }
0xb8: {  	v2 =	vld.idx.msk [tilespmem:v3+s31+$0x0], $0xffff  }
0xb9: {  	v3 =	vadd.s32 $0x800, v29;
	_ =	sdelay $0x3  }
0xba: {  	[tilespmem:$0x13520] =	vst v2  }
0xbb: {  	v2 =	vld.idx.msk [tilespmem:v3+s31+$0x0], $0xffff  }
0xbc: {  	v3 =	vadd.s32 $0xC00, v29;
	_ =	sdelay $0x2  }
0xbd: {  	v30 =	vld [tilespmem:$0x146B0]  }
0xbe: {  	[tilespmem:$0x135A0] =	vst v2  }
0xbf: {  	v2 =	vld.idx.msk [tilespmem:v3+s31+$0x0], $0xffff;
	_ =	sdelay $0x4  }
0xc0: {  	[tilespmem:$0x13620] =	vst v2  }
0xc1: {  	v2 =	vld.idx.msk [tilespmem:v30+s31+$0x0], $0xffff  }
0xc2: {  	v3 =	vadd.s32 $0x400, v30;
	_ =	sdelay $0x3  }
0xc3: {  	[tilespmem:$0x134B0] =	vst v2  }
0xc4: {  	v2 =	vld.idx.msk [tilespmem:v3+s31+$0x0], $0xffff  }
0xc5: {  	v3 =	vadd.s32 $0x800, v30;
	_ =	sdelay $0x3  }
0xc6: {  	[tilespmem:$0x13530] =	vst v2  }
0xc7: {  	v2 =	vld.idx.msk [tilespmem:v3+s31+$0x0], $0xffff  }
0xc8: {  	v3 =	vadd.s32 $0xC00, v30;
	_ =	sdelay $0x2  }
0xc9: {  	v31 =	vld [tilespmem:$0x146C0]  }
0xca: {  	[tilespmem:$0x135B0] =	vst v2  }
0xcb: {  	v2 =	vld.idx.msk [tilespmem:v3+s31+$0x0], $0xffff;
	_ =	sdelay $0x4  }
0xcc: {  	[tilespmem:$0x13630] =	vst v2  }
0xcd: {  	v2 =	vld.idx.msk [tilespmem:v31+s31+$0x0], $0xffff  }
0xce: {  	v3 =	vadd.s32 $0x400, v31;
	_ =	sdelay $0x3  }
0xcf: {  	[tilespmem:$0x134C0] =	vst v2  }
0xd0: {  	v2 =	vld.idx.msk [tilespmem:v3+s31+$0x0], $0xffff  }
0xd1: {  	v3 =	vadd.s32 $0x800, v31;
	_ =	sdelay $0x3  }
0xd2: {  	[tilespmem:$0x13540] =	vst v2  }
0xd3: {  	v2 =	vld.idx.msk [tilespmem:v3+s31+$0x0], $0xffff  }
0xd4: {  	v3 =	vadd.s32 $0xC00, v31;
	_ =	sdelay $0x2  }
0xd5: {  	v32 =	vld [tilespmem:$0x146D0]  }
0xd6: {  	[tilespmem:$0x135C0] =	vst v2  }
0xd7: {  	v2 =	vld.idx.msk [tilespmem:v3+s31+$0x0], $0xffff;
	_ =	sdelay $0x4  }
0xd8: {  	[tilespmem:$0x13640] =	vst v2  }
0xd9: {  	v2 =	vld.idx.msk [tilespmem:v32+s31+$0x0], $0xffff  }
0xda: {  	v3 =	vadd.s32 $0x400, v32;
	_ =	sdelay $0x3  }
0xdb: {  	[tilespmem:$0x134D0] =	vst v2  }
0xdc: {  	v2 =	vld.idx.msk [tilespmem:v3+s31+$0x0], $0xffff  }
0xdd: {  	v3 =	vadd.s32 $0x800, v32;
	_ =	sdelay $0x3  }
0xde: {  	[tilespmem:$0x13550] =	vst v2  }
0xdf: {  	v2 =	vld.idx.msk [tilespmem:v3+s31+$0x0], $0xffff  }
0xe0: {  	v3 =	vadd.s32 $0xC00, v32;
	_ =	sdelay $0x2  }
0xe1: {  	v33 =	vld [tilespmem:$0x146E0]  }
0xe2: {  	[tilespmem:$0x135D0] =	vst v2  }
0xe3: {  	v2 =	vld.idx.msk [tilespmem:v3+s31+$0x0], $0xffff;
	_ =	sdelay $0x4  }
0xe4: {  	[tilespmem:$0x13650] =	vst v2  }
0xe5: {  	v2 =	vld.idx.msk [tilespmem:v33+s31+$0x0], $0xffff  }
0xe6: {  	v3 =	vadd.s32 $0x400, v33;
	_ =	sdelay $0x3  }
0xe7: {  	[tilespmem:$0x134E0] =	vst v2  }
0xe8: {  	v2 =	vld.idx.msk [tilespmem:v3+s31+$0x0], $0xffff  }
0xe9: {  	v3 =	vadd.s32 $0x800, v33;
	_ =	sdelay $0x3  }
0xea: {  	[tilespmem:$0x13560] =	vst v2  }
0xeb: {  	v2 =	vld.idx.msk [tilespmem:v3+s31+$0x0], $0xffff  }
0xec: {  	v3 =	vadd.s32 $0xC00, v33;
	_ =	sdelay $0x2  }
0xed: {  	v34 =	vld [tilespmem:$0x146F0]  }
0xee: {  	[tilespmem:$0x135E0] =	vst v2  }
0xef: {  	v2 =	vld.idx.msk [tilespmem:v3+s31+$0x0], $0xffff;
	_ =	sdelay $0x4  }
0xf0: {  	[tilespmem:$0x13660] =	vst v2  }
0xf1: {  	v2 =	vld.idx.msk [tilespmem:v34+s31+$0x0], $0xffff  }
0xf2: {  	v3 =	vadd.s32 $0x400, v34;
	_ =	sdelay $0x3  }
0xf3: {  	[tilespmem:$0x134F0] =	vst v2  }
0xf4: {  	v2 =	vld.idx.msk [tilespmem:v3+s31+$0x0], $0xffff  }
0xf5: {  	v3 =	vadd.s32 $0x800, v34;
	_ =	sdelay $0x3  }
0xf6: {  	[tilespmem:$0x13570] =	vst v2  }
0xf7: {  	v2 =	vld.idx.msk [tilespmem:v3+s31+$0x0], $0xffff  }
0xf8: {  	v3 =	vadd.s32 $0xC00, v34;
	_ =	sdelay $0x3  }
0xf9: {  	[tilespmem:$0x135F0] =	vst v2  }
0xfa: {  	v2 =	vld.idx.msk [tilespmem:v3+s31+$0x0], $0xffff;
	_ =	sdelay $0x2  }
0xfb: {  	s8 =	simm.s32 $0x0  }
0xfc: {  	s15 =	sand.u32 $0x70, s8  }
0xfd: {  	[tilespmem:$0x13670] =	vst v2;
	v2 =	vld [tilespmem:s15+$0x13480]  }
0xfe: {  	s13 =	simm.s32 $0x0;
	v35 =	vld [tilespmem:s15+$0x13500]  }
0xff: {  	v3 =	vld [tilespmem:s13+$0xE000]  }
0x100: {  	s16 =	sand.u32 $0xC, s8;
	v5 =	vld [tilespmem:s15+$0x13580]  }
0x101: {  	v6 =	vmov s16;
	v7 =	vld [tilespmem:s13+$0xE010]  }
0x102: {  	v8 =	vld [tilespmem:s15+$0x13600];
	v2 =	vperm.xlane v2, v6  }
0x103: {  	v9 =	vld [tilespmem:s13+$0xE020]  }
0x104: {  	v2 =	vmul.f32 v3, v2;
	v3 =	vperm.xlane v35, v6  }
0x105: {  	v36 =	vld [tilespmem:s13+$0xE030]  }
0x106: {  	v5 =	vperm.xlane v5, v6;
	v2 =	vadd.f32 $0.0e+00, v2;
	v3 =	vmul.f32 v7, v3;
	_ =	sdelay $0x1  }
0x107: {  	v37 =	vperm.xlane v8, v6;
	v2 =	vadd.f32 v3, v2;
	v3 =	vmul.f32 v9, v5;
	_ =	sdelay $0x1  }
0x108: {  	v2 =	vadd.f32 v3, v2;
	v3 =	vmul.f32 v36, v37;
	_ =	sdelay $0x1  }
0x109: {  	v2 =	vadd.f32 v3, v2;
	_ =	sdelay $0x1  }
0x10a: {  	[tilespmem:s13+$0x14700] =	vst v2  }
0x10b: {  	v2 =	vld [tilespmem:s15+$0x13480]  }
0x10c: {  	s18 =	sand.u32 $0xFFFFFFF0, s6;
	v3 =	vld [tilespmem:s13+$0xE080]  }
0x10d: {  	s16 =	ssub.s32 $0xFFFFFFFC, s18;
	v38 =	vld [tilespmem:s15+$0x13500]  }
0x10e: {  	s17 =	sadd.s32 $0x5, s16;
	v39 =	vld [tilespmem:s13+$0xE090]  }
0x10f: {  	v40 =	vmov s17;
	v41 =	vld [tilespmem:s15+$0x13580]  }
0x110: {  	v42 =	vld [tilespmem:s13+$0xE0A0];
	v2 =	vperm.xlane v2, v40  }
0x111: {  	v43 =	vld [tilespmem:s15+$0x13600]  }
0x112: {  	v2 =	vmul.f32 v3, v2;
	v3 =	vperm.xlane v38, v40  }
0x113: {  	v44 =	vld [tilespmem:s13+$0xE0B0]  }
0x114: {  	v45 =	vperm.xlane v41, v40;
	v2 =	vadd.f32 $0.0e+00, v2;
	v3 =	vmul.f32 v39, v3;
	_ =	sdelay $0x1  }
0x115: {  	v46 =	vperm.xlane v43, v40;
	v2 =	vadd.f32 v3, v2;
	v3 =	vmul.f32 v42, v45;
	_ =	sdelay $0x1  }
0x116: {  	v2 =	vadd.f32 v3, v2;
	v3 =	vmul.f32 v44, v46;
	_ =	sdelay $0x1  }
0x117: {  	v2 =	vadd.f32 v3, v2;
	_ =	sdelay $0x1  }
0x118: {  	[tilespmem:s13+$0x14780] =	vst v2  }
0x119: {  	v2 =	vld [tilespmem:s15+$0x13480]  }
0x11a: {  	v3 =	vld [tilespmem:s13+$0xE100]  }
0x11b: {  	v47 =	vld [tilespmem:s15+$0x13500]  }
0x11c: {  	s19 =	sadd.s32 $0x6, s16;
	v48 =	vld [tilespmem:s13+$0xE110]  }
0x11d: {  	v49 =	vmov s19;
	v50 =	vld [tilespmem:s15+$0x13580]  }
0x11e: {  	v51 =	vld [tilespmem:s13+$0xE120];
	v2 =	vperm.xlane v2, v49  }
0x11f: {  	v52 =	vld [tilespmem:s15+$0x13600]  }
0x120: {  	v2 =	vmul.f32 v3, v2;
	v3 =	vperm.xlane v47, v49  }
0x121: {  	v53 =	vld [tilespmem:s13+$0xE130]  }
0x122: {  	v54 =	vperm.xlane v50, v49;
	v2 =	vadd.f32 $0.0e+00, v2;
	v3 =	vmul.f32 v48, v3;
	_ =	sdelay $0x1  }
0x123: {  	v55 =	vperm.xlane v52, v49;
	v2 =	vadd.f32 v3, v2;
	v3 =	vmul.f32 v51, v54;
	_ =	sdelay $0x1  }
0x124: {  	v2 =	vadd.f32 v3, v2;
	v3 =	vmul.f32 v53, v55;
	_ =	sdelay $0x1  }
0x125: {  	v2 =	vadd.f32 v3, v2;
	_ =	sdelay $0x1  }
0x126: {  	[tilespmem:s13+$0x14800] =	vst v2  }
0x127: {  	v2 =	vld [tilespmem:s15+$0x13480]  }
0x128: {  	v3 =	vld [tilespmem:s13+$0xE180]  }
0x129: {  	v56 =	vld [tilespmem:s15+$0x13500]  }
0x12a: {  	s16 =	sadd.s32 $0x7, s16;
	v59 =	vld [tilespmem:s13+$0xE190]  }
0x12b: {  	v58 =	vmov s16;
	v57 =	vld [tilespmem:s15+$0x13580]  }
0x12c: {  	v61 =	vld [tilespmem:s13+$0xE1A0];
	v2 =	vperm.xlane v2, v58  }
0x12d: {  	v60 =	vld [tilespmem:s15+$0x13600]  }
0x12e: {  	v2 =	vmul.f32 v3, v2;
	v3 =	vperm.xlane v56, v58  }
0x12f: {  	v62 =	vld [tilespmem:s13+$0xE1B0]  }
0x130: {  	v5 =	vperm.xlane v57, v58;
	v2 =	vadd.f32 $0.0e+00, v2;
	v3 =	vmul.f32 v59, v3;
	_ =	sdelay $0x1  }
0x131: {  	v63 =	vperm.xlane v60, v58;
	v2 =	vadd.f32 v3, v2;
	v3 =	vmul.f32 v61, v5;
	_ =	sdelay $0x1  }
0x132: {  	v2 =	vadd.f32 v3, v2;
	v3 =	vmul.f32 v62, v63;
	_ =	sdelay $0x1  }
0x133: {  	s15 =	simm.s32 $0x800;
	v2 =	vadd.f32 v3, v2  }
.LBB2_16:
0x134: {  	s17 =	sshra.s32 s15, $0x2;
	s18 =	smov.u32 s8;
	s8 =	sadd.s32 $0x4, s8  }
0x135: {  	s16 =	sand.u32 $0x70, s8;
	v3 =	vld [tilespmem:s17+$0xE000];
	p1 =	slt.u32 s8, $0x7C;
	[tilespmem:s13+$0x14880] =	vst v2;
	s13 =	smov.u32 s17  }
0x136: {  	v2 =	vld [tilespmem:s16+$0x13480]  }
0x137: {  	v4 =	vld [tilespmem:s16+$0x13500]  }
0x138: {  	v5 =	vld [tilespmem:s16+$0x13580]  }
0x139: {  	s17 =	sand.u32 $0xC, s8;
	v6 =	vld [tilespmem:s16+$0x13600]  }
0x13a: {  	v7 =	vmov s17;
	v8 =	vld [tilespmem:s13+$0xE010]  }
0x13b: {  	v2 =	vperm.xlane v2, v7  }
0x13c: {  	v9 =	vld [tilespmem:s13+$0xE020]  }
0x13d: {  	v2 =	vmul.f32 v3, v2;
	v3 =	vperm.xlane v4, v7  }
0x13e: {  	v4 =	vld [tilespmem:s13+$0xE030]  }
0x13f: {  	v5 =	vperm.xlane v5, v7;
	v2 =	vadd.f32 $0.0e+00, v2;
	v3 =	vmul.f32 v8, v3;
	_ =	sdelay $0x1  }
0x140: {  	v2 =	vadd.f32 v3, v2;
	v3 =	vmul.f32 v9, v5;
	v5 =	vperm.xlane v6, v7;
	_ =	sdelay $0x1  }
0x141: {  	v2 =	vadd.f32 v3, v2;
	v3 =	vmul.f32 v4, v5;
	_ =	sdelay $0x1  }
0x142: {  	v2 =	vadd.f32 v3, v2;
	_ =	sdelay $0x1  }
0x143: {  	[tilespmem:s13+$0x14700] =	vst v2  }
0x144: {  	s6 =	sadd.s32 $0x4, s6;
	v2 =	vld [tilespmem:s16+$0x13480]  }
0x145: {  	s17 =	sand.u32 $0xFFFFFFF0, s6;
	v3 =	vld [tilespmem:s13+$0xE080]  }
0x146: {  	s17 =	ssub.s32 s18, s17;
	v4 =	vld [tilespmem:s16+$0x13500]  }
0x147: {  	s18 =	sadd.s32 $0x5, s17;
	v5 =	vld [tilespmem:s13+$0xE090]  }
0x148: {  	v6 =	vmov s18;
	v7 =	vld [tilespmem:s16+$0x13580]  }
0x149: {  	v2 =	vperm.xlane v2, v6;
	v8 =	vld [tilespmem:s13+$0xE0A0]  }
0x14a: {  	v9 =	vld [tilespmem:s16+$0x13600]  }
0x14b: {  	v2 =	vmul.f32 v3, v2;
	v3 =	vperm.xlane v4, v6  }
0x14c: {  	v4 =	vld [tilespmem:s13+$0xE0B0]  }
0x14d: {  	v2 =	vadd.f32 $0.0e+00, v2;
	v3 =	vmul.f32 v5, v3;
	v5 =	vperm.xlane v7, v6;
	_ =	sdelay $0x1  }
0x14e: {  	v2 =	vadd.f32 v3, v2;
	v3 =	vmul.f32 v8, v5;
	v5 =	vperm.xlane v9, v6;
	_ =	sdelay $0x1  }
0x14f: {  	v2 =	vadd.f32 v3, v2;
	v3 =	vmul.f32 v4, v5;
	_ =	sdelay $0x1  }
0x150: {  	v2 =	vadd.f32 v3, v2;
	_ =	sdelay $0x1  }
0x151: {  	[tilespmem:s13+$0x14780] =	vst v2  }
0x152: {  	v2 =	vld [tilespmem:s16+$0x13480]  }
0x153: {  	v3 =	vld [tilespmem:s13+$0xE100]  }
0x154: {  	v4 =	vld [tilespmem:s16+$0x13500]  }
0x155: {  	s18 =	sadd.s32 $0x6, s17;
	v5 =	vld [tilespmem:s13+$0xE110]  }
0x156: {  	v6 =	vmov s18;
	v7 =	vld [tilespmem:s16+$0x13580]  }
0x157: {  	v2 =	vperm.xlane v2, v6;
	v8 =	vld [tilespmem:s13+$0xE120]  }
0x158: {  	v9 =	vld [tilespmem:s16+$0x13600]  }
0x159: {  	v2 =	vmul.f32 v3, v2;
	v3 =	vperm.xlane v4, v6  }
0x15a: {  	v4 =	vld [tilespmem:s13+$0xE130]  }
0x15b: {  	v2 =	vadd.f32 $0.0e+00, v2;
	v3 =	vmul.f32 v5, v3;
	v5 =	vperm.xlane v7, v6;
	_ =	sdelay $0x1  }
0x15c: {  	v2 =	vadd.f32 v3, v2;
	v3 =	vmul.f32 v8, v5;
	v5 =	vperm.xlane v9, v6;
	_ =	sdelay $0x1  }
0x15d: {  	v2 =	vadd.f32 v3, v2;
	v3 =	vmul.f32 v4, v5;
	_ =	sdelay $0x1  }
0x15e: {  	v2 =	vadd.f32 v3, v2;
	_ =	sdelay $0x1  }
0x15f: {  	[tilespmem:s13+$0x14800] =	vst v2;
	v2 =	vld [tilespmem:s13+$0xE180]  }
0x160: {  	v3 =	vld [tilespmem:s16+$0x13480]  }
0x161: {  	v4 =	vld [tilespmem:s16+$0x13500]  }
0x162: {  	v5 =	vld [tilespmem:s16+$0x13580]  }
0x163: {  	s17 =	sadd.s32 $0x7, s17;
	v6 =	vld [tilespmem:s16+$0x13600]  }
0x164: {  	v7 =	vmov s17;
	v8 =	vld [tilespmem:s13+$0xE190]  }
0x165: {  	v3 =	vperm.xlane v3, v7  }
0x166: {  	v9 =	vld [tilespmem:s13+$0xE1A0]  }
0x167: {  	v2 =	vmul.f32 v2, v3;
	v3 =	vperm.xlane v4, v7  }
0x168: {  	v4 =	vld [tilespmem:s13+$0xE1B0]  }
0x169: {  	v5 =	vperm.xlane v5, v7;
	v2 =	vadd.f32 $0.0e+00, v2;
	v3 =	vmul.f32 v8, v3;
	_ =	sdelay $0x1  }
.Ltmp6:
0x16a: {  	v2 =	vadd.f32 v3, v2;
	v3 =	vmul.f32 v9, v5;
	v5 =	vperm.xlane v6, v7;
	(pc) =	sbr.rel @p1 .LBB2_16-.Ltmp6, $3  }
0x16b: {  	_ = 	snop  }
0x16c: {  	v2 =	vadd.f32 v3, v2;
	v3 =	vmul.f32 v4, v5;
	_ =	sdelay $0x1  }
0x16d: {  	s15 =	sadd.s32 $0x800, s15;
	v2 =	vadd.f32 v3, v2  }
.Ltmp7:
0x16e: {  	_ = 	snop;
	(pc) =	sbr.rel .LBB2_17-.Ltmp7, $1  }
0x16f: {  	_ =	sdelay $0x3  }
.LBB2_2:
0x170: {  	p1 =	sne.s32 s8, $0x7E00;
	[tilespmem:s6+$0x6070] =	vst v0  }
0x171: {  	[tilespmem:s6+$0x6000] =	vst v0  }
0x172: {  	[tilespmem:s6+$0x6010] =	vst v0  }
.Ltmp8:
0x173: {  	[tilespmem:s6+$0x6020] =	vst v0;
	(pc) =	sbr.rel @p1 .LBB2_2-.Ltmp8, $4  }
0x174: {  	[tilespmem:s6+$0x6030] =	vst v0  }
0x175: {  	[tilespmem:s6+$0x6040] =	vst v0  }
0x176: {  	[tilespmem:s6+$0x6050] =	vst v0  }
0x177: {  	[tilespmem:s6+$0x6060] =	vst v0;
	s6 =	sshra.s32 s8, $0x2;
	s8 =	sadd.s32 $0x200, s8  }
0x178: {  	[tilespmem:s6+$0x6070] =	vst v0  }
0x179: {  	[tilespmem:s6+$0x6000] =	vst v0  }
0x17a: {  	[tilespmem:s6+$0x6010] =	vst v0  }
0x17b: {  	[tilespmem:s6+$0x6020] =	vst v0  }
0x17c: {  	[tilespmem:s6+$0x6030] =	vst v0  }
0x17d: {  	[tilespmem:s6+$0x6040] =	vst v0  }
0x17e: {  	[tilespmem:s6+$0x6050] =	vst v0  }
0x17f: {  	[tilespmem:s6+$0x6060] =	vst v0  }
0x180: {  	[spmem:s11] =	stream.linear.scatter [tilespmem:s26], [sflag:$0x2], $0x2000, $0x38;
	[tilespmem:$0x18700] =	vst v63  }
0x181: {  	_ =	swait.ge [sflag:s28], $0x2000  }
0x182: {  	s6 =	simm.s32 $0x0;
	[sflag:s28] =	ssyncset.done $0x0  }
0x183: {  	s13 =	simm.s32 $0x12000;
	s8 =	rddreg [dreg:$0x8];
	[sflag:s28] =	ssyncadd.s32 $0xFFFFE000  }
0x184: {  	[tilespmem:s13], [sflag:$0x2] =	stream.linear.gather [hbm4b:s8+s6], $0x80, $0x38;
	[tilespmem:$0x18700] =	vst v63  }
0x185: {  	_ =	swait.ge [sflag:s28], $0x80  }
0x186: {  	[sflag:s28] =	ssyncset.done $0x0  }
0x187: {  	s19 =	simm.s32 $0x12080;
	[sflag:s28] =	ssyncadd.s32 $0xFFFFFF80  }
0x188: {  	[tilespmem:s19], [sflag:$0x2] =	stream.linear.gather [hbm4b:s14+s6], $0x80, $0x38;
	[tilespmem:$0x18700] =	vst v63  }
0x189: {  	_ =	swait.ge [sflag:s28], $0x80  }
0x18a: {  	[sflag:s28] =	ssyncset.done $0x0  }
0x18b: {  	s15 =	simm.s32 $0x12400;
	s13 =	rddreg [dreg:$0x9];
	[sflag:s28] =	ssyncadd.s32 $0xFFFFFF80  }
0x18c: {  	[tilespmem:s15], [sflag:$0x2] =	stream.linear.gather [hbm4b:s13+s6], $0x80, $0x38;
	[tilespmem:$0x18700] =	vst v63  }
0x18d: {  	_ =	swait.ge [sflag:s28], $0x80  }
0x18e: {  	[sflag:s28] =	ssyncset.done $0x0  }
0x18f: {  	s17 =	simm.s32 $0x12480;
	s16 =	rddreg [dreg:$0xa];
	[sflag:s28] =	ssyncadd.s32 $0xFFFFFF80  }
0x190: {  	[tilespmem:s17], [sflag:$0x2] =	stream.linear.gather [hbm4b:s16+s6], $0x80, $0x38;
	[tilespmem:$0x18700] =	vst v63  }
0x191: {  	_ =	swait.ge [sflag:s28], $0x80  }
0x192: {  	[sflag:s28] =	ssyncset.done $0x0  }
0x193: {  	s19 =	simm.s32 $0x12500;
	s18 =	rddreg [dreg:$0xb];
	[sflag:s28] =	ssyncadd.s32 $0xFFFFFF80  }
0x194: {  	[tilespmem:s19], [sflag:$0x2] =	stream.linear.gather [hbm4b:s18+s6], $0x80, $0x38;
	[tilespmem:$0x18700] =	vst v63  }
0x195: {  	_ =	swait.ge [sflag:s28], $0x80  }
0x196: {  	[sflag:s28] =	ssyncset.done $0x0  }
0x197: {  	s16 =	simm.s32 $0x12580;
	s15 =	rddreg [dreg:$0xc];
	[sflag:s28] =	ssyncadd.s32 $0xFFFFFF80  }
0x198: {  	[tilespmem:s16], [sflag:$0x2] =	stream.linear.gather [hbm4b:s15+s6], $0x80, $0x38;
	[tilespmem:$0x18700] =	vst v63  }
0x199: {  	_ =	swait.ge [sflag:s28], $0x80  }
0x19a: {  	[sflag:s28] =	ssyncset.done $0x0  }
0x19b: {  	[sflag:s28] =	ssyncadd.s32 $0xFFFFFF80  }
0x19c: {  	v2 =	vld [tilespmem:$0x12000]  }
0x19d: {  	v3 =	vld [tilespmem:$0x12080]  }
0x19e: {  	v4 =	vld [tilespmem:$0x12010]  }
0x19f: {  	v5 =	vld [tilespmem:$0x12090]  }
0x1a0: {  	v6 =	vld [tilespmem:$0x12020]  }
0x1a1: {  	v7 =	vld [tilespmem:$0x120A0]  }
0x1a2: {  	v8 =	vld [tilespmem:$0x12030]  }
0x1a3: {  	v9 =	vld [tilespmem:$0x120B0]  }
0x1a4: {  	v10 =	vld [tilespmem:$0x12040]  }
0x1a5: {  	v11 =	vld [tilespmem:$0x120C0]  }
0x1a6: {  	v12 =	vld [tilespmem:$0x12050]  }
0x1a7: {  	v13 =	vld [tilespmem:$0x120D0]  }
0x1a8: {  	v14 =	vld [tilespmem:$0x12060];
	v2 =	vshll.u32 v2, $0xA  }
0x1a9: {  	v2 =	vadd.s32 v3, v2;
	v3 =	vshll.u32 v4, $0xA;
	v4 =	vld [tilespmem:$0x120E0]  }
0x1aa: {  	[tilespmem:$0x12100] =	vst v2;
	v2 =	vadd.s32 v5, v3;
	v3 =	vshll.u32 v6, $0xA;
	v5 =	vld [tilespmem:$0x12070]  }
0x1ab: {  	v6 =	vld [tilespmem:$0x120F0];
	[tilespmem:$0x12110] =	vst v2;
	v2 =	vadd.s32 v7, v3;
	v3 =	vshll.u32 v8, $0xA  }
0x1ac: {  	[tilespmem:$0x12120] =	vst v2;
	v2 =	vadd.s32 v9, v3;
	v3 =	vshll.u32 v10, $0xA  }
0x1ad: {  	[tilespmem:$0x12130] =	vst v2;
	v2 =	vadd.s32 v11, v3;
	v3 =	vshll.u32 v12, $0xA  }
0x1ae: {  	[tilespmem:$0x12140] =	vst v2;
	v2 =	vadd.s32 v13, v3;
	v3 =	vshll.u32 v14, $0xA  }
0x1af: {  	[tilespmem:$0x12150] =	vst v2;
	v2 =	vadd.s32 v4, v3;
	v3 =	vshll.u32 v5, $0xA  }
0x1b0: {  	[tilespmem:$0x12160] =	vst v2;
	v2 =	vadd.s32 v6, v3  }
0x1b1: {  	[tilespmem:$0x12170] =	vst v2  }
0x1b2: {  	[bflag:$0x0] =	sbarrier.arrive $0xFFFF  }
0x1b3: {  	s18 =	simm.s32 $0x12100;
	s19 =	simm.s32 $0x12180;
	s17 =	rddreg [dreg:$0x6]  }
0x1b4: {  	[tilespmem:s19], [sflag:$0x2] =	stream.indirect.gather [hbm4b:s17+s0], $0x1, s18, s0, $0xb8;
	[tilespmem:$0x18700] =	vst v63  }
0x1b5: {  	_ =	swait.ge [sflag:s28], $0x80  }
0x1b6: {  	[sflag:s28] =	ssyncset.done $0x0  }
0x1b7: {  	s6 =	simm.s32 $0x0;
	[sflag:s28] =	ssyncadd.s32 $0xFFFFFF80  }
0x1b8: {  	v2 =	vld [tilespmem:s6+$0x12180];
	_ =	sdelay $0x1  }
0x1b9: {  	v3 =	vld [tilespmem:s6+$0x12580]  }
0x1ba: {  	v6 =	vld [tilespmem:s6+$0x12400]  }
0x1bb: {  	v4 =	vor.u32 s12, v1;
	v7 =	vld [tilespmem:s6+$0x12480]  }
0x1bc: {  	s8 =	simm.s32 $0x10;
	v9 =	vld [tilespmem:s6+$0x12500];
	vm0 =	veq.s32 v2, v4  }
0x1bd: {  	v4 =	vld [tilespmem:s8+$0x12180];
	v10 =	vsel vm0, $0x3F800000, v0  }
0x1be: {  	v5 =	vld [tilespmem:s8+$0x12580];
	v8 =	vmul.f32 v3, v10  }
0x1bf: {  	v2 =	vld [tilespmem:s8+$0x12400];
	v11 =	vmul.f32 v10, v6  }
0x1c0: {  	s13 =	sadd.s32 $0x10, s12;
	v3 =	vld [tilespmem:s8+$0x12480];
	[tilespmem:s6+$0x12380] =	vst v8;
	v8 =	vmul.f32 v7, v10  }
0x1c1: {  	s15 =	simm.s32 $0x80;
	v7 =	vmul.f32 v9, v10;
	v9 =	vor.u32 s13, v1;
	v6 =	vld [tilespmem:s8+$0x12500];
	[tilespmem:s6+$0x12200] =	vst v11  }
.LBB2_4:
0x1c2: {  	s16 =	sshra.s32 s15, $0x2;
	p1 =	sne.s32 s15, $0x1C0;
	s15 =	sadd.s32 $0x40, s15;
	vm0 =	veq.s32 v4, v9;
	[tilespmem:s6+$0x12280] =	vst v8  }
.Ltmp9:
0x1c3: {  	v4 =	vld [tilespmem:s16+$0x12180];
	v9 =	vsel vm0, $0x3F800000, v0;
	[tilespmem:s6+$0x12300] =	vst v7;
	s6 =	smov.u32 s8;
	s8 =	smov.u32 s16;
	(pc) =	sbr.rel @p1 .LBB2_4-.Ltmp9, $4  }
0x1c4: {  	v10 =	vmul.f32 v9, v2;
	v2 =	vld [tilespmem:s8+$0x12400];
	v11 =	vmul.f32 v5, v9  }
0x1c5: {  	v5 =	vld [tilespmem:s8+$0x12580];
	v8 =	vmul.f32 v3, v9  }
0x1c6: {  	s13 =	sadd.s32 $0x10, s13;
	v3 =	vld [tilespmem:s8+$0x12480];
	v7 =	vmul.f32 v6, v9;
	[tilespmem:s6+$0x12380] =	vst v11  }
0x1c7: {  	v9 =	vor.u32 s13, v1;
	v6 =	vld [tilespmem:s8+$0x12500];
	[tilespmem:s6+$0x12200] =	vst v10  }
0x1c8: {  	vm0 =	veq.s32 v4, v9  }
0x1c9: {  	v4 =	vsel vm0, $0x3F800000, v0  }
0x1ca: {  	[tilespmem:s6+$0x12280] =	vst v8;
	v5 =	vmul.f32 v5, v4  }
0x1cb: {  	[tilespmem:s6+$0x12300] =	vst v7;
	v2 =	vmul.f32 v4, v2  }
0x1cc: {  	v3 =	vmul.f32 v3, v4;
	[tilespmem:s8+$0x12380] =	vst v5  }
0x1cd: {  	v4 =	vmul.f32 v6, v4;
	[tilespmem:s8+$0x12200] =	vst v2  }
0x1ce: {  	[tilespmem:s8+$0x12280] =	vst v3  }
0x1cf: {  	[tilespmem:s8+$0x12300] =	vst v4  }
0x1d0: {  	v2 =	vld [tilespmem:$0x12080]  }
0x1d1: {  	v3 =	vld [tilespmem:$0x12090];
	_ =	sdelay $0x3  }
0x1d2: {  	[tilespmem:$0x12600] =	vst v2  }
0x1d3: {  	v4 =	vadd.s32 $0x400, v2;
	[tilespmem:$0x12610] =	vst v3  }
0x1d4: {  	[tilespmem:$0x12680] =	vst v4;
	v4 =	vadd.s32 $0x800, v2;
	v2 =	vadd.s32 $0xC00, v2  }
0x1d5: {  	[tilespmem:$0x12780] =	vst v2;
	v2 =	vld [tilespmem:$0x120A0]  }
0x1d6: {  	[tilespmem:$0x12700] =	vst v4;
	v4 =	vadd.s32 $0x400, v3  }
0x1d7: {  	[tilespmem:$0x12690] =	vst v4;
	v4 =	vadd.s32 $0x800, v3  }
0x1d8: {  	v3 =	vadd.s32 $0xC00, v3;
	[tilespmem:$0x12710] =	vst v4  }
0x1d9: {  	[tilespmem:$0x12790] =	vst v3;
	v3 =	vld [tilespmem:$0x120B0]  }
0x1da: {  	[tilespmem:$0x12620] =	vst v2;
	v4 =	vadd.s32 $0x400, v2  }
0x1db: {  	[tilespmem:$0x126A0] =	vst v4;
	v4 =	vadd.s32 $0x800, v2  }
0x1dc: {  	v2 =	vadd.s32 $0xC00, v2;
	[tilespmem:$0x12720] =	vst v4  }
0x1dd: {  	[tilespmem:$0x127A0] =	vst v2;
	v2 =	vld [tilespmem:$0x120C0]  }
0x1de: {  	[tilespmem:$0x12630] =	vst v3;
	v4 =	vadd.s32 $0x400, v3  }
0x1df: {  	[tilespmem:$0x126B0] =	vst v4;
	v4 =	vadd.s32 $0x800, v3  }
0x1e0: {  	v3 =	vadd.s32 $0xC00, v3;
	[tilespmem:$0x12730] =	vst v4  }
0x1e1: {  	[tilespmem:$0x127B0] =	vst v3;
	v3 =	vld [tilespmem:$0x120D0]  }
0x1e2: {  	[tilespmem:$0x12640] =	vst v2;
	v4 =	vadd.s32 $0x400, v2  }
0x1e3: {  	[tilespmem:$0x126C0] =	vst v4;
	v4 =	vadd.s32 $0x800, v2  }
0x1e4: {  	v2 =	vadd.s32 $0xC00, v2;
	[tilespmem:$0x12740] =	vst v4  }
0x1e5: {  	[tilespmem:$0x127C0] =	vst v2;
	v2 =	vld [tilespmem:$0x120E0]  }
0x1e6: {  	[tilespmem:$0x12650] =	vst v3;
	v4 =	vadd.s32 $0x400, v3  }
0x1e7: {  	[tilespmem:$0x126D0] =	vst v4;
	v4 =	vadd.s32 $0x800, v3  }
0x1e8: {  	v3 =	vadd.s32 $0xC00, v3;
	[tilespmem:$0x12750] =	vst v4  }
0x1e9: {  	[tilespmem:$0x127D0] =	vst v3;
	v3 =	vld [tilespmem:$0x120F0]  }
0x1ea: {  	[tilespmem:$0x12660] =	vst v2;
	v4 =	vadd.s32 $0x400, v2  }
0x1eb: {  	[tilespmem:$0x126E0] =	vst v4;
	v4 =	vadd.s32 $0x800, v2  }
0x1ec: {  	v2 =	vadd.s32 $0xC00, v2;
	[tilespmem:$0x12760] =	vst v4  }
0x1ed: {  	[tilespmem:$0x127E0] =	vst v2  }
0x1ee: {  	[tilespmem:$0x12670] =	vst v3;
	v2 =	vadd.s32 $0x400, v3  }
0x1ef: {  	[tilespmem:$0x126F0] =	vst v2;
	v2 =	vadd.s32 $0x800, v3  }
0x1f0: {  	[tilespmem:$0x12770] =	vst v2;
	v2 =	vadd.s32 $0xC00, v3  }
0x1f1: {  	s16 =	simm.s32 $0x12600;
	[tilespmem:$0x127F0] =	vst v2  }
0x1f2: {  	[tilespmem:s29], [sflag:$0x1] =	stream.indirect.gather [hbm4b:s9+s0], $0x80, s16, s0, $0xb8;
	[tilespmem:$0x18700] =	vst v63  }
0x1f3: {  	s17 =	simm.s32 $0x12680  }
0x1f4: {  	[tilespmem:s2], [sflag:$0x1] =	stream.indirect.gather [hbm4b:s9+s0], $0x80, s17, s0, $0xb8;
	[tilespmem:$0x18700] =	vst v63  }
0x1f5: {  	_ =	swait.ge [sflag:s30], $0x4000  }
0x1f6: {  	[sflag:s30] =	ssyncset.done $0x0  }
0x1f7: {  	[sflag:s30] =	ssyncadd.s32 $0xFFFFC000  }
0x1f8: {  	_ =	swait.ge [sflag:s30], $0x4000  }
0x1f9: {  	[sflag:s30] =	ssyncset.done $0x0  }
0x1fa: {  	s6 =	simm.s32 $0x0;
	[sflag:s30] =	ssyncadd.s32 $0xFFFFC000  }
0x1fb: {  	v4 =	vld [tilespmem:s6+$0xA030]  }
0x1fc: {  	v5 =	vld [tilespmem:s6+$0xE030]  }
0x1fd: {  	v2 =	vld [tilespmem:s6+$0xE060]  }
0x1fe: {  	v3 =	vld [tilespmem:s6+$0xA050]  }
0x1ff: {  	v6 =	vld [tilespmem:s6+$0xA060]  }
0x200: {  	s8 =	simm.s32 $0x0;
	v7 =	vld [tilespmem:s6+$0xA020]  }
0x201: {  	s15 =	sand.u32 $0x70, s8;
	v8 =	vld [tilespmem:s6+$0xE040]  }
0x202: {  	v9 =	vld [tilespmem:s15+$0x12200]  }
0x203: {  	v10 =	vld [tilespmem:s15+$0x12280]  }
0x204: {  	v11 =	vld [tilespmem:s6+$0xE050]  }
0x205: {  	v13 =	vld [tilespmem:s6+$0xE020]  }
0x206: {  	s13 =	sand.u32 $0xC, s8;
	v12 =	vld [tilespmem:s6+$0xA040]  }
0x207: {  	v15 =	vmov s13;
	v17 =	vld [tilespmem:s6+$0xE000]  }
0x208: {  	v9 =	vperm.xlane v9, v15;
	v10 =	vperm.xlane v10, v15;
	v15 =	vld [tilespmem:s6+$0xA000]  }
0x209: {  	v14 =	vld [tilespmem:s6+$0xA010]  }
0x20a: {  	v16 =	vld [tilespmem:s6+$0xE010];
	v7 =	vmul.f32 v7, v9;
	v13 =	vmul.f32 v13, v10  }
0x20b: {  	v18 =	vld [tilespmem:s6+$0xE070];
	v3 =	vmul.f32 v3, v9;
	v11 =	vmul.f32 v11, v10  }
0x20c: {  	v19 =	vld [tilespmem:s6+$0xA070];
	v6 =	vmul.f32 v6, v9;
	v20 =	vmul.f32 v2, v10;
	v7 =	vadd.f32 v13, v7  }
0x20d: {  	v11 =	vadd.f32 v11, v3;
	v13 =	vmul.f32 v15, v9;
	v15 =	vmul.f32 v17, v10  }
0x20e: {  	v4 =	vmul.f32 v4, v9;
	v5 =	vmul.f32 v5, v10;
	v6 =	vadd.f32 v20, v6;
	[tilespmem:s6+$0x6020] =	vst v7  }
0x20f: {  	v8 =	vmul.f32 v8, v10;
	[tilespmem:s6+$0x6050] =	vst v11;
	v7 =	vmul.f32 v12, v9;
	v11 =	vadd.f32 v15, v13  }
0x210: {  	v4 =	vadd.f32 v5, v4;
	v5 =	vld [tilespmem:s6+$0xA0C0];
	[tilespmem:s6+$0x6060] =	vst v6;
	v12 =	vmul.f32 v14, v9;
	v13 =	vmul.f32 v16, v10  }
0x211: {  	v17 =	vld [tilespmem:s6+$0xA090];
	v14 =	vmul.f32 v18, v10;
	v7 =	vadd.f32 v8, v7;
	[tilespmem:s6+$0x6000] =	vst v11;
	v11 =	vmul.f32 v19, v9  }
0x212: {  	v6 =	vld [tilespmem:s6+$0xE0D0];
	[tilespmem:s6+$0x6030] =	vst v4;
	v12 =	vadd.f32 v13, v12  }
0x213: {  	v4 =	vld [tilespmem:s6+$0xA0D0];
	[tilespmem:s6+$0x6040] =	vst v7;
	v9 =	vadd.f32 v14, v11  }
0x214: {  	v18 =	vld [tilespmem:s6+$0xA0E0];
	[tilespmem:s6+$0x6010] =	vst v12  }
0x215: {  	v10 =	vld [tilespmem:s6+$0xA0F0];
	[tilespmem:s6+$0x6070] =	vst v9  }
0x216: {  	v9 =	vld [tilespmem:s15+$0x12200]  }
0x217: {  	s13 =	simm.s32 $0x0;
	v11 =	vld [tilespmem:s15+$0x12280]  }
0x218: {  	s16 =	sand.u32 $0xFFFFFFF0, s13;
	v16 =	vld [tilespmem:s6+$0xE0A0]  }
0x219: {  	s16 =	ssub.s32 $0xFFFFFFFC, s16;
	v7 =	vld [tilespmem:s6+$0xE0F0]  }
0x21a: {  	s17 =	sadd.s32 $0x5, s16;
	v14 =	vld [tilespmem:s6+$0xA0A0]  }
0x21b: {  	v15 =	vmov s17;
	v12 =	vld [tilespmem:s6+$0xA0B0]  }
0x21c: {  	v13 =	vld [tilespmem:s6+$0xA080];
	v9 =	vperm.xlane v9, v15;
	v11 =	vperm.xlane v11, v15  }
0x21d: {  	v8 =	vld [tilespmem:s6+$0xE0E0]  }
0x21e: {  	v19 =	vld [tilespmem:s6+$0xE0B0];
	v10 =	vmul.f32 v10, v9;
	v7 =	vmul.f32 v7, v11  }
0x21f: {  	v15 =	vld [tilespmem:s6+$0xE090];
	v14 =	vmul.f32 v14, v9;
	v16 =	vmul.f32 v16, v11  }
0x220: {  	v17 =	vmul.f32 v17, v9;
	v12 =	vmul.f32 v12, v9  }
0x221: {  	v20 =	vld [tilespmem:s6+$0xE080];
	v13 =	vmul.f32 v13, v9;
	v4 =	vmul.f32 v4, v9  }
0x222: {  	v6 =	vmul.f32 v6, v11;
	v5 =	vmul.f32 v5, v9;
	v7 =	vadd.f32 v7, v10;
	v10 =	vld [tilespmem:s6+$0xE0C0]  }
0x223: {  	v9 =	vmul.f32 v18, v9;
	v8 =	vmul.f32 v8, v11;
	v14 =	vadd.f32 v16, v14  }
0x224: {  	v16 =	vmul.f32 v19, v11;
	v4 =	vadd.f32 v6, v4;
	v15 =	vmul.f32 v15, v11;
	[tilespmem:s6+$0x60F0] =	vst v7  }
0x225: {  	v8 =	vadd.f32 v8, v9;
	[tilespmem:s6+$0x60A0] =	vst v14  }
0x226: {  	v12 =	vadd.f32 v16, v12;
	[tilespmem:s6+$0x60D0] =	vst v4;
	v15 =	vadd.f32 v15, v17;
	v17 =	vmul.f32 v20, v11  }
0x227: {  	v18 =	vld [tilespmem:s6+$0xE110];
	[tilespmem:s6+$0x60E0] =	vst v8;
	v10 =	vmul.f32 v10, v11  }
0x228: {  	v6 =	vld [tilespmem:s6+$0xE170];
	[tilespmem:s6+$0x60B0] =	vst v12;
	v13 =	vadd.f32 v17, v13  }
0x229: {  	v19 =	vld [tilespmem:s6+$0xE130];
	[tilespmem:s6+$0x6090] =	vst v15;
	v5 =	vadd.f32 v10, v5  }
0x22a: {  	v7 =	vld [tilespmem:s6+$0xE150];
	[tilespmem:s6+$0x6080] =	vst v13  }
0x22b: {  	v14 =	vld [tilespmem:s6+$0xE160];
	[tilespmem:s6+$0x60C0] =	vst v5  }
0x22c: {  	v8 =	vld [tilespmem:s15+$0x12200]  }
0x22d: {  	v9 =	vld [tilespmem:s15+$0x12280]  }
0x22e: {  	v4 =	vld [tilespmem:s6+$0xA140]  }
0x22f: {  	v5 =	vld [tilespmem:s6+$0xE140]  }
0x230: {  	s18 =	sadd.s32 $0x6, s16;
	v11 =	vld [tilespmem:s6+$0xA170]  }
0x231: {  	v16 =	vld [tilespmem:s6+$0xE100];
	v13 =	vmov s18  }
0x232: {  	v17 =	vld [tilespmem:s6+$0xA110];
	v8 =	vperm.xlane v8, v13;
	v9 =	vperm.xlane v9, v13  }
0x233: {  	v20 =	vld [tilespmem:s6+$0xA150]  }
0x234: {  	v10 =	vld [tilespmem:s6+$0xA160];
	v5 =	vmul.f32 v5, v9;
	v4 =	vmul.f32 v4, v8  }
0x235: {  	v13 =	vld [tilespmem:s6+$0xA100];
	v11 =	vmul.f32 v11, v8;
	v6 =	vmul.f32 v6, v9  }
0x236: {  	v12 =	vld [tilespmem:s6+$0xA120];
	v4 =	vadd.f32 v5, v4;
	v5 =	vmul.f32 v16, v9  }
0x237: {  	v16 =	vld [tilespmem:s6+$0xE120];
	v6 =	vadd.f32 v6, v11;
	v11 =	vmul.f32 v17, v8;
	v17 =	vmul.f32 v18, v9  }
0x238: {  	v15 =	vld [tilespmem:s6+$0xA130]  }
0x239: {  	v2 =	vld [tilespmem:s6+$0xA190];
	[tilespmem:s6+$0x6170] =	vst v6;
	v6 =	vmul.f32 v10, v8;
	v10 =	vmul.f32 v14, v9;
	v11 =	vadd.f32 v17, v11  }
0x23a: {  	v3 =	vld [tilespmem:s6+$0xE190];
	v13 =	vmul.f32 v13, v8;
	[tilespmem:s6+$0x6140] =	vst v4  }
0x23b: {  	v4 =	vld [tilespmem:s6+$0xE1F0];
	v14 =	vmul.f32 v7, v9;
	v10 =	vadd.f32 v10, v6;
	[tilespmem:s6+$0x6110] =	vst v11;
	v11 =	vmul.f32 v20, v8  }
0x23c: {  	v12 =	vmul.f32 v12, v8;
	v7 =	vld [tilespmem:s6+$0xE1D0];
	v5 =	vadd.f32 v5, v13;
	v13 =	vmul.f32 v16, v9  }
0x23d: {  	v17 =	vld [tilespmem:s6+$0xA1C0];
	v8 =	vmul.f32 v15, v8;
	v9 =	vmul.f32 v19, v9;
	[tilespmem:s6+$0x6160] =	vst v10;
	v10 =	vadd.f32 v14, v11  }
0x23e: {  	v6 =	vld [tilespmem:s6+$0xE1E0];
	[tilespmem:s6+$0x6100] =	vst v5;
	v12 =	vadd.f32 v13, v12  }
0x23f: {  	v15 =	vld [tilespmem:s6+$0xA1E0];
	v8 =	vadd.f32 v9, v8;
	[tilespmem:s6+$0x6150] =	vst v10  }
0x240: {  	v19 =	vld [tilespmem:s6+$0xA1A0];
	[tilespmem:s6+$0x6120] =	vst v12  }
0x241: {  	v13 =	vld [tilespmem:s6+$0xE1A0];
	[tilespmem:s6+$0x6130] =	vst v8  }
0x242: {  	v8 =	vld [tilespmem:s15+$0x12280]  }
0x243: {  	v9 =	vld [tilespmem:s15+$0x12200]  }
0x244: {  	v12 =	vld [tilespmem:s6+$0xE180]  }
0x245: {  	s19 =	sadd.s32 $0x7, s16;
	v10 =	vld [tilespmem:s6+$0xE1B0]  }
0x246: {  	v5 =	vld [tilespmem:s6+$0xA1B0];
	v14 =	vmov s19  }
0x247: {  	v11 =	vld [tilespmem:s6+$0xE1C0];
	v8 =	vperm.xlane v8, v14  }
0x248: {  	v16 =	vld [tilespmem:s6+$0xA1D0];
	v9 =	vperm.xlane v9, v14  }
0x249: {  	v14 =	vld [tilespmem:s6+$0xA180];
	v12 =	vmul.f32 v12, v8;
	v18 =	vmul.f32 v13, v8  }
0x24a: {  	s15 =	simm.s32 $0x0;
	v19 =	vmul.f32 v19, v9;
	v10 =	vmul.f32 v10, v8;
	v13 =	vld [tilespmem:s6+$0xA1F0]  }
.LBB2_6:
0x24b: {  	s13 =	sadd.s32 $0x4, s13  }
0x24c: {  	v17 =	vmul.f32 v17, v9;
	v11 =	vmul.f32 v11, v8;
	s15 =	sadd.s32 $0x800, s15;
	s17 =	smov.u32 s8;
	s8 =	sadd.s32 $0x4, s8  }
0x24d: {  	v7 =	vmul.f32 v7, v8;
	s16 =	sand.u32 $0x70, s8;
	s18 =	sand.u32 $0xC, s8;
	p1 =	slt.u32 s8, $0x7C;
	v18 =	vadd.f32 v18, v19;
	v16 =	vmul.f32 v16, v9  }
0x24e: {  	v6 =	vmul.f32 v6, v8;
	v11 =	vadd.f32 v11, v17;
	v15 =	vmul.f32 v15, v9  }
0x24f: {  	v5 =	vmul.f32 v5, v9;
	s19 =	sshra.s32 s15, $0x2;
	v14 =	vmul.f32 v14, v9;
	[tilespmem:s6+$0x61A0] =	vst v18;
	v7 =	vadd.f32 v7, v16  }
0x250: {  	v4 =	vmul.f32 v4, v8;
	v16 =	vld [tilespmem:s19+$0xA030];
	[tilespmem:s6+$0x61C0] =	vst v11;
	v6 =	vadd.f32 v6, v15;
	v11 =	vmul.f32 v13, v9  }
0x251: {  	v2 =	vmul.f32 v2, v9;
	v3 =	vmul.f32 v3, v8;
	v13 =	vld [tilespmem:s19+$0xE030];
	v12 =	vadd.f32 v12, v14;
	[tilespmem:s6+$0x61D0] =	vst v7  }
0x252: {  	v5 =	vadd.f32 v10, v5;
	v7 =	vmov s18;
	v8 =	vld [tilespmem:s19+$0xE060];
	[tilespmem:s6+$0x61E0] =	vst v6;
	v4 =	vadd.f32 v4, v11  }
0x253: {  	v2 =	vadd.f32 v3, v2;
	v6 =	vld [tilespmem:s19+$0xA050];
	[tilespmem:s6+$0x6180] =	vst v12  }
0x254: {  	v3 =	vld [tilespmem:s19+$0xA060];
	[tilespmem:s6+$0x61B0] =	vst v5  }
0x255: {  	v5 =	vld [tilespmem:s19+$0xA020];
	[tilespmem:s6+$0x6190] =	vst v2  }
0x256: {  	v9 =	vld [tilespmem:s19+$0xE040];
	[tilespmem:s6+$0x61F0] =	vst v4;
	s6 =	smov.u32 s19  }
0x257: {  	v2 =	vld [tilespmem:s16+$0x12200]  }
0x258: {  	v4 =	vld [tilespmem:s16+$0x12280]  }
0x259: {  	v10 =	vld [tilespmem:s6+$0xE050]  }
0x25a: {  	v11 =	vld [tilespmem:s6+$0xA040]  }
0x25b: {  	v12 =	vld [tilespmem:s6+$0xA010]  }
0x25c: {  	v14 =	vld [tilespmem:s6+$0xE020]  }
0x25d: {  	v15 =	vperm.xlane v2, v7;
	v17 =	vld [tilespmem:s6+$0xE010]  }
0x25e: {  	v4 =	vperm.xlane v4, v7;
	v7 =	vld [tilespmem:s6+$0xA000]  }
0x25f: {  	v5 =	vmul.f32 v5, v15;
	v18 =	vld [tilespmem:s6+$0xE000];
	v11 =	vmul.f32 v11, v15  }
0x260: {  	v19 =	vmul.f32 v3, v15;
	v8 =	vmul.f32 v8, v4;
	v20 =	vld [tilespmem:s6+$0xE070]  }
0x261: {  	v3 =	vmul.f32 v6, v15;
	v6 =	vmul.f32 v10, v4;
	v10 =	vld [tilespmem:s6+$0xA070]  }
0x262: {  	v12 =	vmul.f32 v12, v15;
	v14 =	vmul.f32 v14, v4;
	v2 =	vld [tilespmem:s6+$0xA190]  }
0x263: {  	v16 =	vmul.f32 v16, v15;
	v6 =	vadd.f32 v6, v3;
	v17 =	vmul.f32 v17, v4;
	v3 =	vld [tilespmem:s6+$0xE190]  }
0x264: {  	v7 =	vmul.f32 v7, v15;
	v5 =	vadd.f32 v14, v5;
	v18 =	vmul.f32 v18, v4  }
0x265: {  	v13 =	vmul.f32 v13, v4;
	v9 =	vmul.f32 v9, v4;
	v8 =	vadd.f32 v8, v19  }
0x266: {  	v4 =	vmul.f32 v20, v4;
	v7 =	vadd.f32 v18, v7;
	[tilespmem:s6+$0x6020] =	vst v5;
	v5 =	vmul.f32 v10, v15  }
0x267: {  	v9 =	vadd.f32 v9, v11;
	v10 =	vadd.f32 v13, v16;
	[tilespmem:s6+$0x6050] =	vst v6  }
0x268: {  	v6 =	vadd.f32 v17, v12;
	[tilespmem:s6+$0x6060] =	vst v8;
	v4 =	vadd.f32 v4, v5;
	v5 =	vld [tilespmem:s6+$0xE0D0]  }
0x269: {  	[tilespmem:s6+$0x6000] =	vst v7;
	v7 =	vld [tilespmem:s6+$0xE0E0]  }
0x26a: {  	[tilespmem:s6+$0x6040] =	vst v9;
	v8 =	vld [tilespmem:s6+$0xE0F0]  }
0x26b: {  	[tilespmem:s6+$0x6010] =	vst v6;
	v6 =	vld [tilespmem:s6+$0xA0F0]  }
0x26c: {  	[tilespmem:s6+$0x6070] =	vst v4;
	v4 =	vld [tilespmem:s6+$0xA0C0]  }
0x26d: {  	[tilespmem:s6+$0x6030] =	vst v10;
	v9 =	vld [tilespmem:s6+$0xA0D0]  }
0x26e: {  	v10 =	vld [tilespmem:s16+$0x12200]  }
0x26f: {  	s18 =	sand.u32 $0xFFFFFFF0, s13;
	v11 =	vld [tilespmem:s6+$0xA0B0]  }
0x270: {  	s17 =	ssub.s32 s17, s18;
	v12 =	vld [tilespmem:s6+$0xA080]  }
0x271: {  	s18 =	sadd.s32 $0x6, s17;
	s19 =	sadd.s32 $0x5, s17;
	s17 =	sadd.s32 $0x7, s17;
	v13 =	vld [tilespmem:s6+$0xA090]  }
0x272: {  	v14 =	vmov s19;
	v15 =	vld [tilespmem:s6+$0xA0A0]  }
0x273: {  	v10 =	vperm.xlane v10, v14;
	v16 =	vld [tilespmem:s16+$0x12280]  }
0x274: {  	v17 =	vld [tilespmem:s6+$0xA0E0]  }
0x275: {  	v12 =	vmul.f32 v12, v10;
	v18 =	vld [tilespmem:s6+$0xE080];
	v11 =	vmul.f32 v11, v10  }
0x276: {  	v13 =	vmul.f32 v13, v10;
	v19 =	vld [tilespmem:s6+$0xE0A0]  }
0x277: {  	v9 =	vmul.f32 v9, v10;
	v20 =	vld [tilespmem:s6+$0xE090];
	v15 =	vmul.f32 v15, v10  }
0x278: {  	v4 =	vmul.f32 v4, v10;
	v14 =	vperm.xlane v16, v14;
	v16 =	vld [tilespmem:s6+$0xE0B0]  }
0x279: {  	v6 =	vmul.f32 v6, v10;
	v21 =	vld [tilespmem:s6+$0xE0C0];
	v17 =	vmul.f32 v17, v10  }
0x27a: {  	v10 =	vmul.f32 v18, v14;
	v8 =	vmul.f32 v8, v14  }
0x27b: {  	v7 =	vmul.f32 v7, v14;
	v18 =	vmul.f32 v19, v14  }
0x27c: {  	v10 =	vadd.f32 v10, v12;
	v12 =	vmul.f32 v20, v14;
	v6 =	vadd.f32 v8, v6  }
0x27d: {  	v7 =	vadd.f32 v7, v17;
	v8 =	vadd.f32 v18, v15;
	v15 =	vmul.f32 v16, v14  }
0x27e: {  	v5 =	vmul.f32 v5, v14;
	v12 =	vadd.f32 v12, v13;
	v13 =	vmul.f32 v21, v14;
	[tilespmem:s6+$0x60F0] =	vst v6;
	v6 =	vld [tilespmem:s6+$0xE150]  }
0x27f: {  	[tilespmem:s6+$0x60A0] =	vst v8;
	v8 =	vadd.f32 v15, v11;
	v11 =	vld [tilespmem:s6+$0xE160]  }
0x280: {  	v5 =	vadd.f32 v5, v9;
	[tilespmem:s6+$0x6090] =	vst v12;
	v4 =	vadd.f32 v13, v4;
	v9 =	vld [tilespmem:s6+$0xA130]  }
0x281: {  	[tilespmem:s6+$0x60B0] =	vst v8;
	v8 =	vld [tilespmem:s6+$0xA120]  }
0x282: {  	[tilespmem:s6+$0x6080] =	vst v10;
	v10 =	vld [tilespmem:s6+$0xE170]  }
0x283: {  	[tilespmem:s6+$0x60D0] =	vst v5;
	v5 =	vld [tilespmem:s6+$0xA140]  }
0x284: {  	[tilespmem:s6+$0x60C0] =	vst v4;
	v4 =	vld [tilespmem:s6+$0xE140]  }
0x285: {  	[tilespmem:s6+$0x60E0] =	vst v7;
	v7 =	vld [tilespmem:s6+$0xA160]  }
0x286: {  	v12 =	vld [tilespmem:s16+$0x12200]  }
0x287: {  	v13 =	vld [tilespmem:s16+$0x12280]  }
0x288: {  	v14 =	vld [tilespmem:s6+$0xA110]  }
0x289: {  	v15 =	vld [tilespmem:s6+$0xE130]  }
0x28a: {  	v16 =	vmov s18;
	v17 =	vld [tilespmem:s6+$0xE100]  }
0x28b: {  	v12 =	vperm.xlane v12, v16;
	v18 =	vld [tilespmem:s6+$0xA170]  }
0x28c: {  	v13 =	vperm.xlane v13, v16;
	v16 =	vld [tilespmem:s6+$0xA100]  }
0x28d: {  	v14 =	vmul.f32 v14, v12;
	v19 =	vld [tilespmem:s6+$0xE110];
	v7 =	vmul.f32 v7, v12  }
0x28e: {  	v15 =	vmul.f32 v15, v13;
	v4 =	vmul.f32 v4, v13;
	v20 =	vld [tilespmem:s6+$0xA150]  }
0x28f: {  	v5 =	vmul.f32 v5, v12;
	v17 =	vmul.f32 v17, v13;
	v21 =	vld [tilespmem:s6+$0xE120]  }
0x290: {  	v10 =	vmul.f32 v10, v13;
	v18 =	vmul.f32 v18, v12  }
0x291: {  	v8 =	vmul.f32 v8, v12;
	v4 =	vadd.f32 v4, v5;
	v16 =	vmul.f32 v16, v12  }
0x292: {  	v9 =	vmul.f32 v9, v12;
	v5 =	vmul.f32 v19, v13;
	v10 =	vadd.f32 v10, v18  }
0x293: {  	v11 =	vmul.f32 v11, v13;
	v16 =	vadd.f32 v17, v16;
	[tilespmem:s6+$0x6140] =	vst v4;
	v12 =	vmul.f32 v20, v12  }
0x294: {  	v6 =	vmul.f32 v6, v13;
	v14 =	vadd.f32 v5, v14;
	v17 =	vmul.f32 v21, v13;
	[tilespmem:s6+$0x6170] =	vst v10;
	v4 =	vld [tilespmem:s6+$0xE1F0]  }
0x295: {  	v9 =	vadd.f32 v15, v9;
	v7 =	vadd.f32 v11, v7;
	[tilespmem:s6+$0x6100] =	vst v16;
	v5 =	vld [tilespmem:s6+$0xA1B0]  }
0x296: {  	v10 =	vadd.f32 v6, v12;
	[tilespmem:s6+$0x6110] =	vst v14;
	v8 =	vadd.f32 v17, v8;
	v6 =	vld [tilespmem:s6+$0xE1E0]  }
0x297: {  	[tilespmem:s6+$0x6160] =	vst v7;
	v7 =	vld [tilespmem:s6+$0xE1D0]  }
0x298: {  	[tilespmem:s6+$0x6120] =	vst v8;
	v11 =	vld [tilespmem:s6+$0xE1C0]  }
0x299: {  	[tilespmem:s6+$0x6150] =	vst v10;
	v10 =	vld [tilespmem:s6+$0xE1B0]  }
0x29a: {  	[tilespmem:s6+$0x6130] =	vst v9;
	v13 =	vld [tilespmem:s6+$0xE1A0]  }
0x29b: {  	v8 =	vld [tilespmem:s16+$0x12280]  }
0x29c: {  	v9 =	vld [tilespmem:s16+$0x12200]  }
0x29d: {  	v12 =	vld [tilespmem:s6+$0xE180]  }
0x29e: {  	v19 =	vld [tilespmem:s6+$0xA1A0]  }
.Ltmp10:
0x29f: {  	v14 =	vmov s17;
	v17 =	vld [tilespmem:s6+$0xA1C0];
	(pc) =	sbr.rel @p1 .LBB2_6-.Ltmp10, $4  }
0x2a0: {  	v8 =	vperm.xlane v8, v14;
	v16 =	vld [tilespmem:s6+$0xA1D0]  }
0x2a1: {  	v9 =	vperm.xlane v9, v14;
	v15 =	vld [tilespmem:s6+$0xA1E0]  }
0x2a2: {  	v14 =	vld [tilespmem:s6+$0xA180];
	v12 =	vmul.f32 v12, v8;
	v18 =	vmul.f32 v13, v8  }
0x2a3: {  	v10 =	vmul.f32 v10, v8;
	v19 =	vmul.f32 v19, v9;
	v13 =	vld [tilespmem:s6+$0xA1F0]  }
0x2a4: {  	v17 =	vmul.f32 v17, v9;
	v11 =	vmul.f32 v11, v8  }
0x2a5: {  	v5 =	vmul.f32 v5, v9;
	v18 =	vadd.f32 v18, v19  }
0x2a6: {  	v7 =	vmul.f32 v7, v8;
	v16 =	vmul.f32 v16, v9;
	v11 =	vadd.f32 v11, v17  }
0x2a7: {  	v2 =	vmul.f32 v2, v9;
	v3 =	vmul.f32 v3, v8;
	v5 =	vadd.f32 v10, v5;
	[tilespmem:s6+$0x61A0] =	vst v18  }
0x2a8: {  	v6 =	vmul.f32 v6, v8;
	v15 =	vmul.f32 v15, v9;
	v7 =	vadd.f32 v7, v16;
	[tilespmem:s6+$0x61C0] =	vst v11  }
0x2a9: {  	v2 =	vadd.f32 v3, v2;
	v14 =	vmul.f32 v14, v9;
	[tilespmem:s6+$0x61B0] =	vst v5  }
0x2aa: {  	v4 =	vmul.f32 v4, v8;
	v6 =	vadd.f32 v6, v15;
	[tilespmem:s6+$0x61D0] =	vst v7;
	v7 =	vmul.f32 v13, v9  }
0x2ab: {  	[tilespmem:s6+$0x6190] =	vst v2;
	v11 =	vadd.f32 v12, v14  }
0x2ac: {  	[tilespmem:s6+$0x61E0] =	vst v6;
	v3 =	vadd.f32 v4, v7  }
0x2ad: {  	[tilespmem:s6+$0x6180] =	vst v11  }
0x2ae: {  	s16 =	simm.s32 $0x12700;
	[tilespmem:s6+$0x61F0] =	vst v3  }
0x2af: {  	[tilespmem:s29], [sflag:$0x1] =	stream.indirect.gather [hbm4b:s9+s0], $0x80, s16, s0, $0xb8;
	[tilespmem:$0x18700] =	vst v63  }
0x2b0: {  	s17 =	simm.s32 $0x12780  }
0x2b1: {  	[tilespmem:s2], [sflag:$0x1] =	stream.indirect.gather [hbm4b:s9+s0], $0x80, s17, s0, $0xb8;
	[tilespmem:$0x18700] =	vst v63  }
0x2b2: {  	_ =	swait.ge [sflag:s30], $0x4000  }
0x2b3: {  	[sflag:s30] =	ssyncset.done $0x0  }
0x2b4: {  	[sflag:s30] =	ssyncadd.s32 $0xFFFFC000  }
0x2b5: {  	_ =	swait.ge [sflag:s30], $0x4000  }
0x2b6: {  	[sflag:s30] =	ssyncset.done $0x0  }
0x2b7: {  	s6 =	simm.s32 $0x0;
	[sflag:s30] =	ssyncadd.s32 $0xFFFFC000  }
0x2b8: {  	v5 =	vld [tilespmem:s6+$0xE060]  }
0x2b9: {  	v6 =	vld [tilespmem:s6+$0xA060]  }
0x2ba: {  	v2 =	vld [tilespmem:s6+$0xE070]  }
0x2bb: {  	v3 =	vld [tilespmem:s6+$0xA070]  }
0x2bc: {  	v4 =	vld [tilespmem:s6+$0xA040]  }
0x2bd: {  	v7 =	vld [tilespmem:s6+$0xE020]  }
0x2be: {  	v8 =	vld [tilespmem:s6+$0xE030]  }
0x2bf: {  	v9 =	vld [tilespmem:s6+$0xE010]  }
0x2c0: {  	s8 =	simm.s32 $0x0;
	v10 =	vld [tilespmem:s6+$0xE000]  }
0x2c1: {  	s15 =	sand.u32 $0x70, s8;
	v11 =	vld [tilespmem:s6+$0xA030]  }
0x2c2: {  	v17 =	vld [tilespmem:s15+$0x12380]  }
0x2c3: {  	v18 =	vld [tilespmem:s15+$0x12300]  }
0x2c4: {  	v12 =	vld [tilespmem:s6+$0xE040]  }
0x2c5: {  	s13 =	sand.u32 $0xC, s8;
	v16 =	vld [tilespmem:s6+$0xA000]  }
0x2c6: {  	v24 =	vmov s13;
	v13 =	vld [tilespmem:s6+$0xA050]  }
0x2c7: {  	v14 =	vld [tilespmem:s6+$0xA020];
	v17 =	vperm.xlane v17, v24  }
0x2c8: {  	v15 =	vld [tilespmem:s6+$0xA010];
	v18 =	vperm.xlane v18, v24  }
0x2c9: {  	v21 =	vld [tilespmem:s6+$0x6040];
	v12 =	vmul.f32 v12, v17  }
0x2ca: {  	v27 =	vld [tilespmem:s6+$0x6000];
	v4 =	vmul.f32 v4, v18;
	v16 =	vmul.f32 v16, v18  }
0x2cb: {  	v43 =	vld [tilespmem:s6+$0x6070];
	v10 =	vmul.f32 v10, v17;
	v3 =	vmul.f32 v3, v18  }
0x2cc: {  	v28 =	vld [tilespmem:s6+$0xE050];
	v9 =	vmul.f32 v9, v17;
	v4 =	vadd.f32 v12, v4;
	v12 =	vmul.f32 v2, v17  }
0x2cd: {  	v29 =	vld [tilespmem:s6+$0x6010];
	v15 =	vmul.f32 v15, v18;
	v8 =	vmul.f32 v8, v17;
	v10 =	vadd.f32 v10, v16  }
0x2ce: {  	v25 =	vld [tilespmem:s6+$0x6030];
	v11 =	vmul.f32 v11, v18;
	v7 =	vmul.f32 v7, v17;
	v12 =	vadd.f32 v12, v3  }
0x2cf: {  	v26 =	vld [tilespmem:s6+$0x6060];
	v5 =	vmul.f32 v5, v17;
	v9 =	vadd.f32 v9, v15;
	v10 =	vadd.f32 v10, v27  }
0x2d0: {  	v23 =	vld [tilespmem:s6+$0x6020];
	v6 =	vmul.f32 v6, v18;
	v8 =	vadd.f32 v8, v11;
	v12 =	vadd.f32 v12, v43  }
0x2d1: {  	v22 =	vld [tilespmem:s6+$0x6050];
	v11 =	vmul.f32 v13, v18;
	v4 =	vadd.f32 v4, v21;
	[tilespmem:s6+$0x6000] =	vst v10;
	v10 =	vmul.f32 v14, v18  }
0x2d2: {  	v19 =	vld [tilespmem:s6+$0xE0F0];
	v5 =	vadd.f32 v5, v6;
	v9 =	vadd.f32 v9, v29;
	[tilespmem:s6+$0x6070] =	vst v12;
	v12 =	vmul.f32 v28, v17  }
0x2d3: {  	v20 =	vld [tilespmem:s6+$0x6080];
	v8 =	vadd.f32 v8, v25;
	[tilespmem:s6+$0x6040] =	vst v4;
	v7 =	vadd.f32 v7, v10  }
0x2d4: {  	v30 =	vld [tilespmem:s6+$0x60F0];
	v5 =	vadd.f32 v5, v26;
	[tilespmem:s6+$0x6010] =	vst v9;
	v11 =	vadd.f32 v12, v11  }
0x2d5: {  	v44 =	vld [tilespmem:s6+$0xE080];
	[tilespmem:s6+$0x6030] =	vst v8;
	v7 =	vadd.f32 v7, v23  }
0x2d6: {  	v45 =	vld [tilespmem:s6+$0xA0B0];
	[tilespmem:s6+$0x6060] =	vst v5;
	v6 =	vadd.f32 v11, v22  }
0x2d7: {  	v46 =	vld [tilespmem:s6+$0xE0E0];
	[tilespmem:s6+$0x6020] =	vst v7  }
0x2d8: {  	v48 =	vld [tilespmem:s6+$0x6090];
	[tilespmem:s6+$0x6050] =	vst v6  }
0x2d9: {  	v11 =	vld [tilespmem:s15+$0x12300]  }
0x2da: {  	s13 =	simm.s32 $0x0;
	v12 =	vld [tilespmem:s15+$0x12380]  }
0x2db: {  	s16 =	sand.u32 $0xFFFFFFF0, s13;
	v50 =	vld [tilespmem:s6+$0x60C0]  }
0x2dc: {  	s16 =	ssub.s32 $0xFFFFFFFC, s16;
	v6 =	vld [tilespmem:s6+$0xA0F0]  }
0x2dd: {  	s17 =	sadd.s32 $0x5, s16;
	v13 =	vld [tilespmem:s6+$0xA090]  }
0x2de: {  	v15 =	vld [tilespmem:s6+$0xA0A0];
	v17 =	vmov s17  }
0x2df: {  	v16 =	vld [tilespmem:s6+$0xA080];
	v11 =	vperm.xlane v11, v17;
	v12 =	vperm.xlane v12, v17  }
0x2e0: {  	v9 =	vld [tilespmem:s6+$0xE0B0]  }
0x2e1: {  	v7 =	vld [tilespmem:s6+$0xE090];
	v6 =	vmul.f32 v6, v11;
	v19 =	vmul.f32 v19, v12  }
0x2e2: {  	v17 =	vld [tilespmem:s6+$0xE0A0]  }
0x2e3: {  	v5 =	vld [tilespmem:s6+$0xA0C0];
	v6 =	vadd.f32 v19, v6  }
0x2e4: {  	v18 =	vld [tilespmem:s6+$0xE0C0]  }
0x2e5: {  	v10 =	vld [tilespmem:s6+$0xA0D0];
	v16 =	vmul.f32 v16, v11;
	v6 =	vadd.f32 v6, v30  }
0x2e6: {  	v7 =	vmul.f32 v7, v12;
	v13 =	vmul.f32 v13, v11;
	v19 =	vld [tilespmem:s6+$0x60A0]  }
0x2e7: {  	v8 =	vld [tilespmem:s6+$0xE0D0];
	[tilespmem:s6+$0x60F0] =	vst v6;
	v6 =	vmul.f32 v15, v11;
	v15 =	vmul.f32 v17, v12  }
0x2e8: {  	v14 =	vld [tilespmem:s6+$0xA0E0];
	v21 =	vmul.f32 v44, v12;
	v9 =	vmul.f32 v9, v12;
	v7 =	vadd.f32 v7, v13  }
0x2e9: {  	v47 =	vld [tilespmem:s6+$0x60B0];
	v5 =	vmul.f32 v5, v11;
	v18 =	vmul.f32 v18, v12;
	v6 =	vadd.f32 v15, v6  }
0x2ea: {  	v49 =	vld [tilespmem:s6+$0x60D0];
	v16 =	vadd.f32 v21, v16;
	v13 =	vmul.f32 v45, v11;
	v7 =	vadd.f32 v7, v48  }
0x2eb: {  	v51 =	vld [tilespmem:s6+$0xA170];
	v10 =	vmul.f32 v10, v11;
	v5 =	vadd.f32 v18, v5;
	v6 =	vadd.f32 v6, v19  }
0x2ec: {  	v9 =	vadd.f32 v9, v13;
	[tilespmem:s6+$0x6090] =	vst v7;
	v7 =	vmul.f32 v8, v12;
	v15 =	vadd.f32 v16, v20;
	v16 =	vld [tilespmem:s6+$0x60E0]  }
0x2ed: {  	v52 =	vld [tilespmem:s6+$0x6100];
	v14 =	vmul.f32 v14, v11;
	v5 =	vadd.f32 v5, v50;
	[tilespmem:s6+$0x60A0] =	vst v6;
	v6 =	vmul.f32 v46, v12  }
0x2ee: {  	v53 =	vld [tilespmem:s6+$0xE120];
	v9 =	vadd.f32 v9, v47;
	v7 =	vadd.f32 v7, v10  }
0x2ef: {  	v54 =	vld [tilespmem:s6+$0xE150];
	[tilespmem:s6+$0x60C0] =	vst v5;
	v6 =	vadd.f32 v6, v14  }
0x2f0: {  	v55 =	vld [tilespmem:s6+$0x6140];
	[tilespmem:s6+$0x60B0] =	vst v9;
	v7 =	vadd.f32 v7, v49  }
0x2f1: {  	v56 =	vld [tilespmem:s6+$0x6110];
	[tilespmem:s6+$0x6080] =	vst v15;
	v6 =	vadd.f32 v6, v16  }
0x2f2: {  	v57 =	vld [tilespmem:s6+$0x6120];
	[tilespmem:s6+$0x60D0] =	vst v7  }
0x2f3: {  	v59 =	vld [tilespmem:s6+$0x61A0];
	[tilespmem:s6+$0x60E0] =	vst v6  }
0x2f4: {  	v10 =	vld [tilespmem:s15+$0x12300]  }
0x2f5: {  	v11 =	vld [tilespmem:s15+$0x12380]  }
0x2f6: {  	v12 =	vld [tilespmem:s6+$0xA100]  }
0x2f7: {  	v14 =	vld [tilespmem:s6+$0xE100]  }
0x2f8: {  	s18 =	sadd.s32 $0x6, s16;
	v13 =	vld [tilespmem:s6+$0xA110]  }
0x2f9: {  	v18 =	vmov s18;
	v5 =	vld [tilespmem:s6+$0xA140]  }
0x2fa: {  	v9 =	vld [tilespmem:s6+$0xE130];
	v10 =	vperm.xlane v10, v18;
	v11 =	vperm.xlane v11, v18  }
0x2fb: {  	v7 =	vld [tilespmem:s6+$0xA130]  }
0x2fc: {  	v15 =	vld [tilespmem:s6+$0xE140];
	v12 =	vmul.f32 v12, v10;
	v14 =	vmul.f32 v14, v11  }
0x2fd: {  	v16 =	vld [tilespmem:s6+$0xE110]  }
0x2fe: {  	v19 =	vld [tilespmem:s6+$0xA120];
	v12 =	vadd.f32 v14, v12  }
0x2ff: {  	v14 =	vld [tilespmem:s6+$0x6130]  }
0x300: {  	v6 =	vld [tilespmem:s6+$0xA160];
	v7 =	vmul.f32 v7, v10;
	v9 =	vmul.f32 v9, v11;
	v12 =	vadd.f32 v12, v52  }
0x301: {  	v18 =	vld [tilespmem:s6+$0xE160];
	v5 =	vmul.f32 v5, v10;
	v15 =	vmul.f32 v15, v11  }
0x302: {  	v8 =	vld [tilespmem:s6+$0xE170];
	v7 =	vadd.f32 v9, v7;
	v9 =	vmul.f32 v16, v11;
	[tilespmem:s6+$0x6100] =	vst v12;
	v12 =	vmul.f32 v13, v10  }
0x303: {  	v17 =	vld [tilespmem:s6+$0xA150];
	v5 =	vadd.f32 v15, v5  }
0x304: {  	v61 =	vld [tilespmem:s6+$0xA1D0];
	v7 =	vadd.f32 v7, v14;
	v9 =	vadd.f32 v9, v12  }
0x305: {  	v4 =	vld [tilespmem:s6+$0x6160];
	v5 =	vadd.f32 v5, v55;
	v14 =	vmul.f32 v19, v10;
	v19 =	vmul.f32 v53, v11  }
0x306: {  	v6 =	vmul.f32 v6, v10;
	v13 =	vld [tilespmem:s6+$0x6170];
	[tilespmem:s6+$0x6130] =	vst v7;
	v7 =	vmul.f32 v18, v11;
	v9 =	vadd.f32 v9, v56  }
0x307: {  	v15 =	vld [tilespmem:s6+$0x6150];
	[tilespmem:s6+$0x6140] =	vst v5;
	v5 =	vmul.f32 v8, v11;
	v14 =	vadd.f32 v19, v14;
	v18 =	vmul.f32 v51, v10  }
0x308: {  	v16 =	vld [tilespmem:s6+$0xE1C0];
	v10 =	vmul.f32 v17, v10;
	v6 =	vadd.f32 v7, v6;
	[tilespmem:s6+$0x6110] =	vst v9;
	v9 =	vmul.f32 v54, v11  }
0x309: {  	v8 =	vld [tilespmem:s6+$0xE190];
	v7 =	vadd.f32 v14, v57;
	v5 =	vadd.f32 v5, v18  }
0x30a: {  	v17 =	vld [tilespmem:s6+$0xA1A0];
	v4 =	vadd.f32 v6, v4;
	v6 =	vadd.f32 v9, v10  }
0x30b: {  	v19 =	vld [tilespmem:s6+$0x6180];
	[tilespmem:s6+$0x6120] =	vst v7;
	v5 =	vadd.f32 v5, v13  }
0x30c: {  	v14 =	vld [tilespmem:s6+$0xE180];
	[tilespmem:s6+$0x6160] =	vst v4;
	v6 =	vadd.f32 v6, v15  }
0x30d: {  	v11 =	vld [tilespmem:s6+$0xE1F0];
	[tilespmem:s6+$0x6170] =	vst v5  }
0x30e: {  	v7 =	vld [tilespmem:s6+$0xE1E0];
	[tilespmem:s6+$0x6150] =	vst v6  }
0x30f: {  	v9 =	vld [tilespmem:s15+$0x12300]  }
0x310: {  	v10 =	vld [tilespmem:s15+$0x12380]  }
0x311: {  	v13 =	vld [tilespmem:s6+$0xA180]  }
0x312: {  	s19 =	sadd.s32 $0x7, s16;
	v6 =	vld [tilespmem:s6+$0xA1F0]  }
0x313: {  	v4 =	vld [tilespmem:s6+$0xE1A0];
	v15 =	vmov s19  }
0x314: {  	v5 =	vld [tilespmem:s6+$0xA190];
	v18 =	vperm.xlane v9, v15  }
0x315: {  	v9 =	vld [tilespmem:s6+$0xA1B0];
	v15 =	vperm.xlane v10, v15  }
0x316: {  	v10 =	vld [tilespmem:s6+$0xE1B0];
	v13 =	vmul.f32 v13, v18  }
0x317: {  	v12 =	vld [tilespmem:s6+$0xA1C0];
	v58 =	vmul.f32 v6, v18;
	v14 =	vmul.f32 v14, v15  }
0x318: {  	v3 =	vld [tilespmem:s6+$0xA1E0];
	v17 =	vmul.f32 v17, v18;
	v60 =	vmul.f32 v4, v15  }
0x319: {  	v2 =	vld [tilespmem:s6+$0xE1D0];
	v6 =	vmul.f32 v5, v18;
	v7 =	vmul.f32 v7, v15;
	v13 =	vadd.f32 v14, v13  }
0x31a: {  	v5 =	vld [tilespmem:s6+$0x61F0];
	v63 =	vmul.f32 v11, v15;
	v16 =	vmul.f32 v16, v15;
	v14 =	vadd.f32 v60, v17  }
0x31b: {  	v4 =	vld [tilespmem:s6+$0x6190];
	v62 =	vmul.f32 v9, v18;
	v17 =	vmul.f32 v10, v15;
	v11 =	vadd.f32 v13, v19  }
0x31c: {  	v9 =	vld [tilespmem:s6+$0x61C0];
	v13 =	vmul.f32 v8, v15;
	v19 =	vmul.f32 v12, v18;
	v12 =	vadd.f32 v14, v59  }
0x31d: {  	v10 =	vld [tilespmem:s6+$0x61E0];
	v14 =	vmul.f32 v3, v18;
	v8 =	vmul.f32 v61, v18;
	v3 =	vadd.f32 v17, v62  }
0x31e: {  	s15 =	simm.s32 $0x800;
	[tilespmem:s6+$0x6180] =	vst v11;
	v11 =	vmul.f32 v2, v15;
	v15 =	vadd.f32 v16, v19;
	v2 =	vld [tilespmem:s6+$0x61D0];
	v16 =	vadd.f32 v63, v58  }
.LBB2_8:
0x31f: {  	s18 =	sshra.s32 s15, $0x2  }
0x320: {  	v6 =	vadd.f32 v13, v6;
	v13 =	vld [tilespmem:s6+$0x61B0];
	v7 =	vadd.f32 v7, v14;
	s13 =	sadd.s32 $0x4, s13;
	s17 =	smov.u32 s8;
	s8 =	sadd.s32 $0x4, s8  }
0x321: {  	s16 =	sand.u32 $0x70, s8;
	s19 =	sand.u32 $0xC, s8;
	v14 =	vld [tilespmem:s18+$0xE060];
	p1 =	slt.u32 s8, $0x7C;
	[tilespmem:s6+$0x61A0] =	vst v12;
	v9 =	vadd.f32 v15, v9;
	v5 =	vadd.f32 v16, v5  }
0x322: {  	v12 =	vld [tilespmem:s18+$0xA060];
	v4 =	vadd.f32 v6, v4;
	v6 =	vadd.f32 v7, v10  }
0x323: {  	v7 =	vld [tilespmem:s18+$0xE070];
	[tilespmem:s6+$0x61C0] =	vst v9  }
0x324: {  	v8 =	vadd.f32 v11, v8;
	v9 =	vld [tilespmem:s18+$0xA070];
	[tilespmem:s6+$0x61F0] =	vst v5  }
0x325: {  	v10 =	vld [tilespmem:s18+$0xA040];
	[tilespmem:s6+$0x61E0] =	vst v6  }
0x326: {  	v2 =	vadd.f32 v8, v2;
	v3 =	vadd.f32 v3, v13;
	v6 =	vld [tilespmem:s18+$0xE020];
	[tilespmem:s6+$0x6190] =	vst v4  }
0x327: {  	v4 =	vmov s19;
	v8 =	vld [tilespmem:s18+$0xE030]  }
0x328: {  	v11 =	vld [tilespmem:s18+$0xE010];
	[tilespmem:s6+$0x61B0] =	vst v3  }
0x329: {  	v3 =	vld [tilespmem:s18+$0xE000];
	[tilespmem:s6+$0x61D0] =	vst v2;
	s6 =	smov.u32 s18  }
0x32a: {  	v2 =	vld [tilespmem:s6+$0xA030]  }
0x32b: {  	v13 =	vld [tilespmem:s6+$0xE040]  }
0x32c: {  	v15 =	vld [tilespmem:s6+$0xA050]  }
0x32d: {  	v16 =	vld [tilespmem:s6+$0xA020]  }
0x32e: {  	v17 =	vld [tilespmem:s6+$0xA010]  }
0x32f: {  	v18 =	vld [tilespmem:s6+$0xA000]  }
0x330: {  	v19 =	vld [tilespmem:s16+$0x12380]  }
0x331: {  	v20 =	vld [tilespmem:s16+$0x12300]  }
0x332: {  	v21 =	vld [tilespmem:s6+$0xE0F0]  }
0x333: {  	v5 =	vld [tilespmem:s6+$0x6080]  }
0x334: {  	v22 =	vld [tilespmem:s6+$0x6040]  }
0x335: {  	v19 =	vperm.xlane v19, v4;
	v23 =	vld [tilespmem:s6+$0x6050]  }
0x336: {  	v4 =	vperm.xlane v20, v4;
	v20 =	vld [tilespmem:s6+$0x6020]  }
0x337: {  	v11 =	vmul.f32 v11, v19;
	v24 =	vld [tilespmem:s6+$0x6030];
	v13 =	vmul.f32 v13, v19  }
0x338: {  	v14 =	vmul.f32 v14, v19;
	v18 =	vmul.f32 v18, v4;
	v25 =	vld [tilespmem:s6+$0x6070]  }
0x339: {  	v6 =	vmul.f32 v6, v19;
	v16 =	vmul.f32 v16, v4;
	v26 =	vld [tilespmem:s6+$0x6060]  }
0x33a: {  	v10 =	vmul.f32 v10, v4;
	v12 =	vmul.f32 v12, v4;
	v27 =	vld [tilespmem:s6+$0x6000]  }
0x33b: {  	v3 =	vmul.f32 v3, v19;
	v8 =	vmul.f32 v8, v19;
	v6 =	vadd.f32 v6, v16;
	v16 =	vld [tilespmem:s6+$0xE050]  }
0x33c: {  	v7 =	vmul.f32 v7, v19;
	v9 =	vmul.f32 v9, v4;
	v10 =	vadd.f32 v13, v10;
	v28 =	vld [tilespmem:s6+$0x6010]  }
0x33d: {  	v3 =	vadd.f32 v3, v18;
	v13 =	vmul.f32 v17, v4;
	v12 =	vadd.f32 v14, v12;
	v14 =	vld [tilespmem:s6+$0x60F0]  }
0x33e: {  	v17 =	vmul.f32 v2, v4;
	v7 =	vadd.f32 v7, v9;
	v10 =	vadd.f32 v10, v22;
	v2 =	vld [tilespmem:s6+$0xE1D0]  }
0x33f: {  	v11 =	vadd.f32 v11, v13;
	v13 =	vmul.f32 v15, v4;
	v9 =	vadd.f32 v3, v27;
	v3 =	vld [tilespmem:s6+$0xA1E0]  }
0x340: {  	v8 =	vadd.f32 v8, v17;
	v7 =	vadd.f32 v7, v25;
	[tilespmem:s6+$0x6040] =	vst v10;
	v10 =	vmul.f32 v16, v19;
	v4 =	vld [tilespmem:s6+$0x6160]  }
0x341: {  	v6 =	vadd.f32 v6, v20;
	[tilespmem:s6+$0x6000] =	vst v9;
	v9 =	vadd.f32 v11, v28;
	v11 =	vld [tilespmem:s6+$0xA0E0]  }
0x342: {  	v8 =	vadd.f32 v8, v24;
	v10 =	vadd.f32 v10, v13;
	[tilespmem:s6+$0x6070] =	vst v7;
	v7 =	vld [tilespmem:s6+$0xA0D0]  }
0x343: {  	[tilespmem:s6+$0x6010] =	vst v9;
	v9 =	vadd.f32 v12, v26;
	v12 =	vld [tilespmem:s6+$0xE0B0]  }
0x344: {  	[tilespmem:s6+$0x6030] =	vst v8;
	v8 =	vadd.f32 v10, v23;
	v10 =	vld [tilespmem:s6+$0xE0D0]  }
0x345: {  	[tilespmem:s6+$0x6020] =	vst v6;
	v6 =	vld [tilespmem:s6+$0xE090]  }
0x346: {  	[tilespmem:s6+$0x6050] =	vst v8;
	v8 =	vld [tilespmem:s6+$0xA0F0]  }
0x347: {  	[tilespmem:s6+$0x6060] =	vst v9;
	v9 =	vld [tilespmem:s6+$0xA0C0]  }
0x348: {  	v13 =	vld [tilespmem:s16+$0x12300]  }
0x349: {  	s18 =	sand.u32 $0xFFFFFFF0, s13;
	v15 =	vld [tilespmem:s16+$0x12380]  }
0x34a: {  	s18 =	ssub.s32 s17, s18;
	v16 =	vld [tilespmem:s6+$0xA090]  }
0x34b: {  	s19 =	sadd.s32 $0x5, s18;
	s17 =	sadd.s32 $0x7, s18;
	v17 =	vld [tilespmem:s6+$0xA0A0]  }
0x34c: {  	v18 =	vmov s19;
	v19 =	vld [tilespmem:s6+$0xA080]  }
0x34d: {  	v13 =	vperm.xlane v13, v18;
	v20 =	vld [tilespmem:s6+$0xE0C0]  }
0x34e: {  	v15 =	vperm.xlane v15, v18;
	v18 =	vld [tilespmem:s6+$0xE0A0]  }
0x34f: {  	v22 =	vld [tilespmem:s6+$0xE080];
	v9 =	vmul.f32 v9, v13;
	v8 =	vmul.f32 v8, v13  }
0x350: {  	v17 =	vmul.f32 v17, v13;
	v23 =	vld [tilespmem:s6+$0xA0B0];
	v21 =	vmul.f32 v21, v15  }
0x351: {  	v6 =	vmul.f32 v6, v15;
	v19 =	vmul.f32 v19, v13;
	v24 =	vld [tilespmem:s6+$0xE0E0]  }
0x352: {  	v10 =	vmul.f32 v10, v15;
	v25 =	vld [tilespmem:s6+$0x60B0];
	v20 =	vmul.f32 v20, v15;
	v8 =	vadd.f32 v21, v8  }
0x353: {  	v16 =	vmul.f32 v16, v13;
	v18 =	vmul.f32 v18, v15;
	v21 =	vld [tilespmem:s6+$0x60A0]  }
0x354: {  	v12 =	vmul.f32 v12, v15;
	v22 =	vmul.f32 v22, v15;
	v26 =	vld [tilespmem:s6+$0x6090];
	v8 =	vadd.f32 v8, v14  }
0x355: {  	v7 =	vmul.f32 v7, v13;
	v6 =	vadd.f32 v6, v16;
	v14 =	vmul.f32 v23, v13;
	v16 =	vld [tilespmem:s6+$0x60D0]  }
0x356: {  	v17 =	vadd.f32 v18, v17;
	v19 =	vadd.f32 v22, v19;
	v15 =	vmul.f32 v24, v15;
	[tilespmem:s6+$0x60F0] =	vst v8;
	v8 =	vld [tilespmem:s6+$0xA150]  }
0x357: {  	v7 =	vadd.f32 v10, v7;
	v12 =	vadd.f32 v12, v14;
	v14 =	vld [tilespmem:s6+$0x60C0]  }
0x358: {  	v5 =	vadd.f32 v19, v5;
	v10 =	vadd.f32 v17, v21;
	v17 =	vld [tilespmem:s6+$0x60E0]  }
0x359: {  	v11 =	vmul.f32 v11, v13;
	v6 =	vadd.f32 v6, v26;
	v12 =	vadd.f32 v12, v25;
	v13 =	vld [tilespmem:s6+$0xA170]  }
0x35a: {  	[tilespmem:s6+$0x6080] =	vst v5;
	v5 =	vadd.f32 v20, v9;
	v7 =	vadd.f32 v7, v16;
	v9 =	vld [tilespmem:s6+$0xE140]  }
0x35b: {  	[tilespmem:s6+$0x60A0] =	vst v10;
	v10 =	vadd.f32 v15, v11;
	v11 =	vld [tilespmem:s6+$0xA110]  }
0x35c: {  	[tilespmem:s6+$0x6090] =	vst v6;
	v5 =	vadd.f32 v5, v14;
	v6 =	vld [tilespmem:s6+$0xE170]  }
0x35d: {  	[tilespmem:s6+$0x60B0] =	vst v12;
	v10 =	vadd.f32 v10, v17;
	v12 =	vld [tilespmem:s6+$0xE130]  }
0x35e: {  	[tilespmem:s6+$0x60C0] =	vst v5;
	v5 =	vld [tilespmem:s6+$0xA140]  }
0x35f: {  	[tilespmem:s6+$0x60E0] =	vst v10;
	v10 =	vld [tilespmem:s6+$0xA160]  }
0x360: {  	[tilespmem:s6+$0x60D0] =	vst v7;
	v7 =	vld [tilespmem:s6+$0xA130]  }
0x361: {  	v14 =	vld [tilespmem:s16+$0x12300]  }
0x362: {  	v15 =	vld [tilespmem:s16+$0x12380]  }
0x363: {  	v16 =	vld [tilespmem:s6+$0xA100]  }
0x364: {  	s18 =	sadd.s32 $0x6, s18;
	v17 =	vld [tilespmem:s6+$0xE100]  }
0x365: {  	v18 =	vmov s18;
	v19 =	vld [tilespmem:s6+$0xE110]  }
0x366: {  	v14 =	vperm.xlane v14, v18;
	v20 =	vld [tilespmem:s6+$0xA120]  }
0x367: {  	v15 =	vperm.xlane v15, v18;
	v18 =	vld [tilespmem:s6+$0xE160]  }
0x368: {  	v16 =	vmul.f32 v16, v14;
	v21 =	vld [tilespmem:s6+$0x6100];
	v7 =	vmul.f32 v7, v14  }
0x369: {  	v10 =	vmul.f32 v10, v14;
	v17 =	vmul.f32 v17, v15;
	v22 =	vld [tilespmem:s6+$0xE120]  }
0x36a: {  	v5 =	vmul.f32 v5, v14;
	v19 =	vmul.f32 v19, v15;
	v23 =	vld [tilespmem:s6+$0xE150]  }
0x36b: {  	v12 =	vmul.f32 v12, v15;
	v16 =	vadd.f32 v17, v16;
	v17 =	vmul.f32 v20, v14;
	v20 =	vld [tilespmem:s6+$0x6130]  }
0x36c: {  	v6 =	vmul.f32 v6, v15;
	v24 =	vld [tilespmem:s6+$0x6140];
	v18 =	vmul.f32 v18, v15  }
0x36d: {  	v11 =	vmul.f32 v11, v14;
	v9 =	vmul.f32 v9, v15;
	v16 =	vadd.f32 v16, v21;
	v21 =	vld [tilespmem:s6+$0x6110]  }
0x36e: {  	v7 =	vadd.f32 v12, v7;
	v12 =	vmul.f32 v13, v14;
	v22 =	vmul.f32 v22, v15;
	v25 =	vld [tilespmem:s6+$0x6120]  }
0x36f: {  	v5 =	vadd.f32 v9, v5;
	v10 =	vadd.f32 v18, v10;
	[tilespmem:s6+$0x6100] =	vst v16;
	v9 =	vmul.f32 v23, v15;
	v15 =	vld [tilespmem:s6+$0xE1C0]  }
0x370: {  	v11 =	vadd.f32 v19, v11;
	v7 =	vadd.f32 v7, v20;
	v13 =	vld [tilespmem:s6+$0x6170]  }
0x371: {  	v8 =	vmul.f32 v8, v14;
	v16 =	vadd.f32 v22, v17;
	v5 =	vadd.f32 v5, v24;
	v14 =	vld [tilespmem:s6+$0x6150]  }
0x372: {  	v4 =	vadd.f32 v10, v4;
	v11 =	vadd.f32 v11, v21;
	[tilespmem:s6+$0x6130] =	vst v7;
	v10 =	vld [tilespmem:s6+$0xA1C0]  }
0x373: {  	v7 =	vadd.f32 v16, v25;
	[tilespmem:s6+$0x6140] =	vst v5;
	v5 =	vadd.f32 v6, v12;
	v12 =	vld [tilespmem:s6+$0xE190]  }
0x374: {  	v6 =	vadd.f32 v9, v8;
	[tilespmem:s6+$0x6110] =	vst v11;
	v8 =	vld [tilespmem:s6+$0xE1F0]  }
0x375: {  	[tilespmem:s6+$0x6120] =	vst v7;
	v5 =	vadd.f32 v5, v13;
	v7 =	vld [tilespmem:s6+$0xE1E0]  }
0x376: {  	v6 =	vadd.f32 v6, v14;
	[tilespmem:s6+$0x6160] =	vst v4;
	v4 =	vld [tilespmem:s6+$0xE1A0]  }
0x377: {  	[tilespmem:s6+$0x6170] =	vst v5;
	v5 =	vld [tilespmem:s6+$0xA190]  }
0x378: {  	[tilespmem:s6+$0x6150] =	vst v6;
	v6 =	vld [tilespmem:s6+$0xA1F0]  }
0x379: {  	v9 =	vld [tilespmem:s16+$0x12300]  }
0x37a: {  	v11 =	vld [tilespmem:s16+$0x12380]  }
0x37b: {  	v13 =	vld [tilespmem:s6+$0xA180]  }
0x37c: {  	v14 =	vld [tilespmem:s6+$0xE180]  }
0x37d: {  	v16 =	vmov s17;
	v17 =	vld [tilespmem:s6+$0xA1A0]  }
0x37e: {  	v18 =	vperm.xlane v9, v16;
	v9 =	vld [tilespmem:s6+$0xA1B0]  }
0x37f: {  	v11 =	vperm.xlane v11, v16;
	v16 =	vld [tilespmem:s6+$0xE1B0]  }
0x380: {  	v13 =	vmul.f32 v13, v18;
	v19 =	vld [tilespmem:s6+$0x6180];
	v20 =	vmul.f32 v6, v18  }
0x381: {  	v6 =	vmul.f32 v5, v18;
	v14 =	vmul.f32 v14, v11;
	v21 =	vld [tilespmem:s6+$0x61A0]  }
0x382: {  	v22 =	vmul.f32 v4, v11;
	v17 =	vmul.f32 v17, v18;
	v23 =	vld [tilespmem:s6+$0xA1D0]  }
0x383: {  	v7 =	vmul.f32 v7, v11;
	v13 =	vadd.f32 v14, v13;
	v24 =	vmul.f32 v9, v18;
	v5 =	vld [tilespmem:s6+$0x61F0]  }
.Ltmp11:
0x384: {  	v4 =	vld [tilespmem:s6+$0x6190];
	v14 =	vadd.f32 v22, v17;
	v16 =	vmul.f32 v16, v11;
	v17 =	vmul.f32 v8, v11;
	(pc) =	sbr.rel @p1 .LBB2_8-.Ltmp11, $4  }
0x385: {  	v22 =	vmul.f32 v10, v18;
	v19 =	vadd.f32 v13, v19;
	v13 =	vmul.f32 v12, v11;
	v9 =	vld [tilespmem:s6+$0x61C0]  }
0x386: {  	v15 =	vmul.f32 v15, v11;
	v12 =	vadd.f32 v14, v21;
	v14 =	vmul.f32 v3, v18;
	v10 =	vld [tilespmem:s6+$0x61E0]  }
0x387: {  	v11 =	vmul.f32 v2, v11;
	v3 =	vadd.f32 v16, v24;
	v8 =	vmul.f32 v23, v18  }
0x388: {  	s15 =	sadd.s32 $0x800, s15;
	v15 =	vadd.f32 v15, v22;
	v16 =	vadd.f32 v17, v20;
	[tilespmem:s6+$0x6180] =	vst v19;
	v2 =	vld [tilespmem:s6+$0x61D0]  }
0x389: {  	_ = 	snop  }
0x38a: {  	v17 =	vld [tilespmem:s6+$0x61B0];
	v7 =	vadd.f32 v7, v14;
	v9 =	vadd.f32 v15, v9  }
0x38b: {  	v6 =	vadd.f32 v13, v6;
	[tilespmem:s6+$0x61A0] =	vst v12;
	v5 =	vadd.f32 v16, v5  }
0x38c: {  	v61 =	vadd.f32 v11, v8;
	v7 =	vadd.f32 v7, v10;
	[tilespmem:s6+$0x61C0] =	vst v9  }
0x38d: {  	v4 =	vadd.f32 v6, v4;
	[tilespmem:s6+$0x61F0] =	vst v5  }
0x38e: {  	[tilespmem:s6+$0x61E0] =	vst v7;
	v2 =	vadd.f32 v61, v2  }
0x38f: {  	[tilespmem:s6+$0x6190] =	vst v4;
	v3 =	vadd.f32 v3, v17  }
0x390: {  	[tilespmem:s6+$0x61D0] =	vst v2  }
0x391: {  	[tilespmem:s6+$0x61B0] =	vst v3  }
0x392: {  	v2 =	vld [tilespmem:$0x12000]  }
0x393: {  	v3 =	vld [tilespmem:$0x12010]  }
0x394: {  	v4 =	vld [tilespmem:$0x12020]  }
0x395: {  	v5 =	vld [tilespmem:$0x12030]  }
0x396: {  	v62 =	vld [tilespmem:$0x12040]  }
0x397: {  	v63 =	vld [tilespmem:$0x12070];
	[tilespmem:$0x12800] =	vst v2  }
0x398: {  	v2 =	vld [tilespmem:$0x12050];
	[tilespmem:$0x12810] =	vst v3  }
0x399: {  	v3 =	vld [tilespmem:$0x12060];
	[tilespmem:$0x12820] =	vst v4  }
0x39a: {  	[tilespmem:$0x12830] =	vst v5  }
0x39b: {  	[tilespmem:$0x12840] =	vst v62  }
0x39c: {  	[tilespmem:$0x12870] =	vst v63  }
0x39d: {  	[tilespmem:$0x12850] =	vst v2  }
0x39e: {  	s17 =	rddreg [dreg:$0x3];
	s8 =	simm.s32 $0x12800;
	[tilespmem:$0x12860] =	vst v3  }
0x39f: {  	[spmem:s17] =	stream.indirect.scatter.add.f32 [tilespmem:s26], [sflag:$0x2], $0x80, s8, s0, $0xb8;
	[tilespmem:$0x18700] =	vst v63  }
0x3a0: {  	_ =	swait.ge [sflag:s28], $0x4000  }
0x3a1: {  	[sflag:s28] =	ssyncset.done $0x0  }
0x3a2: {  	[sflag:s28] =	ssyncadd.s32 $0xFFFFC000  }
0x3a3: {  	s18 =	sor.u32 $0x1C02, s5;
	[bflag:$0x0] =	sbarrier.arrive $0xFFFF  }
.Ltmp12:
0x3a4: {  	s19 =	sshrl.u32 s11, $0x3;
	s13 =	rddreg [dreg:$0xd];
	(pc) =	sbr.rel .LBB2_18-.Ltmp12, $4  }
0x3a5: {  	[hbm:s13], [sflag:s18] =	dma.local [spmem:s19], $0x400  }
0x3a6: {  	_ =	swait.ge [sflag:s28], $0x400  }
0x3a7: {  	[sflag:s28] =	ssyncset.done $0x0  }
0x3a8: {  	[sflag:s28] =	ssyncadd.s32 $0xFFFFFC00  }
.LBB2_19:
0x3a9: {  	_ =	sfence.sel $0x180000  }
0x3aa: {  	[bflag:$0x0] =	sbarrier.arrive $0xFFFF  }
0x3ab: {  	_ =	strace $0x9000004A  }
0x3ac: {  	s0 =	stileid.u32;
	[bflag:$0x2] =	sbarrier.arrive $0xFFFF  }
0x3ad: {  	p0 =	sne.s32 s0, $0x0;
	s0 =	rddreg [dreg:$0x5]  }
0x3ae: {  	s0 =	sadd.s32 @!p0 $0x100000, s0  }
0x3af: {  	[sflag:s0] =	ssyncadd.tile.s32 @!p0 $0x1;
	_ =	shalt  }
.Lfunc_end2:
_tile_overlayer_lowered:
.L_overlay_start_2:
0x3b0: {  	(tag) =	ssettag $0x2  }
0x3b1: {  	s0 =	rddreg [dreg:$0x0];
	s2 =	stileid.u32  }
0x3b2: {  	s1 =	rddreg [dreg:$0x1];
	p0 =	sne.s32 s2, $0x0  }
0x3b3: {  	s3 =	rddreg [dreg:$0x2];
	[bflag:$0x3] =	sbarrier.arrive $0xFFFF;
	s2 =	simm.s32 @!p0 $0x1C02  }
0x3b4: {  	[timem:s3], [sflag:s2] =	dma.local @!p0 [hbm:s0], s1  }
0x3b5: {  	s0 =	simm.s32 @!p0 $0x2  }
0x3b6: {  	_ =	swait.ge @!p0 [sflag:s0], s1  }
0x3b7: {  	s1 =	ssub.s32 @!p0 $0x0, s1;
	[sflag:s0] =	ssyncset.done @!p0 $0x0  }
0x3b8: {  	[sflag:s0] =	ssyncadd.s32 @!p0 s1  }
0x3b9: {  	[bflag:$0x3] =	sbarrier.arrive $0xFFFF  }
0x3ba: {  	_ =	shalt  }

</sc_bundles>
